<compile_context>
chip_gen: v7x
topology: tpu7x:2x2x1
jax: 0.10.2.dev20260603
libtpu: 0.0.44.dev20260713+nightly
codegen_flags: <defaults>
</compile_context>

<pallas_src>
import functools

import jax
import jax.numpy as jnp
from jax import lax
from jax.experimental import pallas as pl
from jax.experimental.pallas import tpu as pltpu
from jax.experimental.pallas import tpu_sc as plsc

NC, NS, LANES = 2, 16, 16
NW = NC * NS

EMB = 64
SEQ = 200
HIDDEN = 256
NUM_LABELS = 10


def _gather_copies(eh, idxs_v, e, rows_buf, sem):
    return (
        pltpu.make_async_copy(eh.at[idxs_v.at[e, pl.ds(0, 128)]],
                              rows_buf.at[pl.ds(0, 128)], sem),
        pltpu.make_async_copy(eh.at[idxs_v.at[e, pl.ds(128, SEQ - 128)]],
                              rows_buf.at[pl.ds(128, SEQ - 128)], sem),
    )


def _reduce_rows(rows_buf, out_v, e):
    nacc = EMB // LANES
    unroll = 8

    def red(t, accs):
        for u in range(unroll):
            s = t * unroll + u
            accs = tuple(a + rows_buf[s, pl.ds(LANES * j, LANES)]
                         for j, a in enumerate(accs))
        return accs

    accs = lax.fori_loop(
        0, SEQ // unroll, red,
        tuple(jnp.zeros((LANES,), jnp.float32) for _ in range(nacc)))
    for j in range(nacc):
        out_v[e, pl.ds(LANES * j, LANES)] = accs[j]


NBUF = 4


def _pool_body(xh, eh, oh, idxs_v, rows_0, rows_1, rows_2, rows_3, out_v,
               sem_i, sem_0, sem_1, sem_2, sem_3):
    batch = xh.shape[0]
    bpw = batch // NW
    wid = lax.axis_index("s") * NC + lax.axis_index("c")
    base = wid * bpw
    bufs = (rows_0, rows_1, rows_2, rows_3)
    sems = (sem_0, sem_1, sem_2, sem_3)
    pltpu.async_copy(xh.at[pl.ds(base, bpw)], idxs_v, sem_i).wait()
    for e0 in range(NBUF - 1):
        for c in _gather_copies(eh, idxs_v, e0, bufs[e0], sems[e0]):
            c.start()

    @pl.loop(0, bpw // NBUF)
    def _(i):
        for p in range(NBUF):
            e = NBUF * i + p
            nxt = e + NBUF - 1

            @pl.when(nxt < bpw)
            def _():
                q = (p + NBUF - 1) % NBUF
                for c in _gather_copies(eh, idxs_v, nxt, bufs[q], sems[q]):
                    c.start()

            for c in _gather_copies(eh, idxs_v, e, bufs[p], sems[p]):
                c.wait()
            _reduce_rows(bufs[p], out_v, e)

    pltpu.sync_copy(out_v, oh.at[pl.ds(base, bpw)])


def _sc_pool_one(x, emb):
    batch = x.shape[0]
    bpw = batch // NW
    mesh = plsc.VectorSubcoreMesh(core_axis_name="c", subcore_axis_name="s")
    return pl.kernel(
        _pool_body,
        out_type=jax.ShapeDtypeStruct((batch, EMB), jnp.float32),
        mesh=mesh,
        compiler_params=pltpu.CompilerParams(use_tc_tiling_on_sc=False),
        scratch_types=(
            [pltpu.VMEM((bpw, SEQ), jnp.int32)]
            + [pltpu.VMEM((SEQ, EMB), jnp.float32) for _ in range(NBUF)]
            + [pltpu.VMEM((bpw, EMB), jnp.float32)]
            + [pltpu.SemaphoreType.DMA for _ in range(NBUF + 1)]
        ),
    )(x, emb)


def _mlp_body(p0_ref, p1_ref, p2_ref, w1_ref, b1_ref, w2_ref, b2_ref, o_ref):
    x = jnp.concatenate([p0_ref[...], p1_ref[...], p2_ref[...]], axis=1)
    h = jnp.dot(x, w1_ref[...], preferred_element_type=jnp.float32)
    h = h * (1.0 / SEQ) + b1_ref[...]
    h = jnp.maximum(h, 0.0)
    o_ref[...] = (jnp.dot(h, w2_ref[...], preferred_element_type=jnp.float32)
                  + b2_ref[...])


def _tc_mlp(p0, p1, p2, W1, b1, W2, b2):
    batch = p0.shape[0]
    bt = 512
    grid = (batch // bt,)
    return pl.pallas_call(
        _mlp_body,
        grid=grid,
        in_specs=[
            pl.BlockSpec((bt, EMB), lambda i: (i, 0)),
            pl.BlockSpec((bt, EMB), lambda i: (i, 0)),
            pl.BlockSpec((bt, EMB), lambda i: (i, 0)),
            pl.BlockSpec((3 * EMB, HIDDEN), lambda i: (0, 0)),
            pl.BlockSpec((1, HIDDEN), lambda i: (0, 0)),
            pl.BlockSpec((HIDDEN, NUM_LABELS), lambda i: (0, 0)),
            pl.BlockSpec((1, NUM_LABELS), lambda i: (0, 0)),
        ],
        out_specs=pl.BlockSpec((bt, NUM_LABELS), lambda i: (i, 0)),
        out_shape=jax.ShapeDtypeStruct((batch, NUM_LABELS), jnp.float32),
    )(p0, p1, p2, W1, b1, W2, b2)


def kernel(x0, x1, x2, x3, emb_word, emb_bi, emb_tri, W1, b1, W2, b2):
    del x1
    p0 = _sc_pool_one(x0.astype(jnp.int32), emb_word)
    p1 = _sc_pool_one(x2, emb_bi)
    p2 = _sc_pool_one(x3, emb_tri)
    return _tc_mlp(p0, p1, p2, W1, b1.reshape(1, HIDDEN),
                   W2, b2.reshape(1, NUM_LABELS))

# --- scband reference (transcript-rebuilt; emitter-appended) ---
"""Pipeline reference for scband-fasttext-model-22531398435024 (READ-ONLY COPY).

The authoritative reference and input builder live on the scoring server;
editing this copy changes nothing except your own understanding.
"""

import jax, jax.numpy as jnp
import numpy as np

VOCAB = 100000
NGRAM_VOCAB = 1000000
EMB = 64
HIDDEN = 256
NUM_LABELS = 10
BATCH = 4096
SEQ = 200


def setup_inputs(seed: int = 0) -> dict:
    key = jax.random.key(seed)
    ks = jax.random.split(key, 12)
    x0 = jax.random.randint(ks[0], (BATCH, SEQ), 0, VOCAB - 1, dtype=jnp.int64 if jax.config.jax_enable_x64 else jnp.int32)
    x1 = jax.random.randint(ks[1], (BATCH,), 0, SEQ, dtype=jnp.int32)
    x2 = jax.random.randint(ks[2], (BATCH, SEQ), 0, NGRAM_VOCAB, dtype=jnp.int32)
    x3 = jax.random.randint(ks[3], (BATCH, SEQ), 0, NGRAM_VOCAB, dtype=jnp.int32)
    emb_word = jax.random.normal(ks[4], (VOCAB, EMB), dtype=jnp.float32) * 0.02
    # padding_idx = VOCAB - 1 -> zero row, matching nn.Embedding(padding_idx=...)
    emb_word = emb_word.at[VOCAB - 1].set(0.0)
    emb_bi = jax.random.normal(ks[5], (NGRAM_VOCAB, EMB), dtype=jnp.float32) * 0.02
    emb_tri = jax.random.normal(ks[6], (NGRAM_VOCAB, EMB), dtype=jnp.float32) * 0.02
    W1 = jax.random.normal(ks[7], (EMB * 3, HIDDEN), dtype=jnp.float32) * (1.0 / np.sqrt(EMB * 3))
    b1 = jnp.zeros((HIDDEN,), dtype=jnp.float32)
    W2 = jax.random.normal(ks[8], (HIDDEN, NUM_LABELS), dtype=jnp.float32) * (1.0 / np.sqrt(HIDDEN))
    b2 = jnp.zeros((NUM_LABELS,), dtype=jnp.float32)
    return {"x0": x0, "x1": x1, "x2": x2, "x3": x3,
            "emb_word": emb_word, "emb_bi": emb_bi, "emb_tri": emb_tri,
            "W1": W1, "b1": b1, "W2": W2, "b2": b2}


def reference(x0, x1, x2, x3, emb_word, emb_bi, emb_tri, W1, b1, W2, b2):
    # x1 is unused by the torch forward (tuple element x[1])
    out_word = jnp.take(emb_word, x0, axis=0)      # [B, S, E]
    out_bigram = jnp.take(emb_bi, x2, axis=0)      # [B, S, E]
    out_trigram = jnp.take(emb_tri, x3, axis=0)    # [B, S, E]
    out = jnp.concatenate((out_word, out_bigram, out_trigram), axis=-1)  # [B, S, 3E]
    out = out.mean(axis=1)                          # [B, 3E]
    # dropout is identity in eval mode
    out = out @ W1 + b1
    out = jax.nn.relu(out)
    out = out @ W2 + b2
    return out

if __name__ == "__main__":
    import jax
    _d = setup_inputs()
    print(jax.jit(kernel)(*tuple(_d.values())))

</pallas_src>

<mosaic_0001>
#map = affine_map<(d0, d1) -> (0, 0)>
module attributes {stable_mosaic.version = 14 : i64} {
  func.func @_pool_body(%arg0: i32, %arg1: i32, %arg2: memref<4096x200xi32, #tpu.memory_space<hbm>>, %arg3: memref<1000000x64xf32, #tpu.memory_space<hbm>>, %arg4: memref<4096x64xf32, #tpu.memory_space<hbm>>, %arg5: memref<128x200xi32, #tpu.memory_space<vmem>>, %arg6: memref<200x64xf32, #tpu.memory_space<vmem>>, %arg7: memref<200x64xf32, #tpu.memory_space<vmem>>, %arg8: memref<200x64xf32, #tpu.memory_space<vmem>>, %arg9: memref<200x64xf32, #tpu.memory_space<vmem>>, %arg10: memref<128x64xf32, #tpu.memory_space<vmem>>, %arg11: memref<!tpu.dma_semaphore, #tpu.memory_space<semaphore_mem>>, %arg12: memref<!tpu.dma_semaphore, #tpu.memory_space<semaphore_mem>>, %arg13: memref<!tpu.dma_semaphore, #tpu.memory_space<semaphore_mem>>, %arg14: memref<!tpu.dma_semaphore, #tpu.memory_space<semaphore_mem>>, %arg15: memref<!tpu.dma_semaphore, #tpu.memory_space<semaphore_mem>>) attributes {dimension_semantics = [#tpu.dimension_semantics<core_parallel>, #tpu.dimension_semantics<subcore_parallel>], iteration_bounds = array<i64: 2, 16>, scalar_prefetch = 0 : i64, scratch_operands = 11 : i64, tpu.core_type = #tpu.core_type<sc_vector_subcore>, window_params = [{transform_indices = #map}, {transform_indices = #map}, {transform_indices = #map}]} {
    %mul3A = arith.constant 2 : i32
    %mul3A_0 = arith.muli %arg1, %mul3A : i32
    %add3A = arith.addi %mul3A_0, %arg0 : i32
    %mul3A_1 = arith.constant 128 : i32
    %mul3A_2 = arith.muli %add3A, %mul3A_1 : i32
    %dma_start3A = arith.constant 0 : i32
    %dma_start3A_3 = tpu.memref_slice %arg2[%mul3A_2, %dma_start3A] : memref<4096x200xi32, #tpu.memory_space<hbm>> -> memref<128x200xi32, #tpu.memory_space<hbm>>
    %dma_start3A_4 = arith.constant 0 : i32
    %dma_start3A_5 = tpu.memref_slice %arg2[%mul3A_2, %dma_start3A_4] : memref<4096x200xi32, #tpu.memory_space<hbm>> -> memref<128x200xi32, #tpu.memory_space<hbm>>
    tpu.enqueue_dma source(%dma_start3A_5 : memref<128x200xi32, #tpu.memory_space<hbm>>) target(%arg5 : memref<128x200xi32, #tpu.memory_space<vmem>>) target_semaphore(%arg11 : memref<!tpu.dma_semaphore, #tpu.memory_space<semaphore_mem>>)
    %dma_wait3A = arith.constant 0 : i32
    %dma_wait3A_6 = tpu.memref_slice %arg2[%mul3A_2, %dma_wait3A] : memref<4096x200xi32, #tpu.memory_space<hbm>> -> memref<128x200xi32, #tpu.memory_space<hbm>>
    %dma_wait3A_7 = arith.constant 0 : i32
    %dma_wait3A_8 = tpu.memref_slice %arg2[%mul3A_2, %dma_wait3A_7] : memref<4096x200xi32, #tpu.memory_space<hbm>> -> memref<128x200xi32, #tpu.memory_space<hbm>>
    tpu.wait_dma2 semaphore(%arg11 : memref<!tpu.dma_semaphore, #tpu.memory_space<semaphore_mem>>) src(%dma_wait3A_8 : memref<128x200xi32, #tpu.memory_space<hbm>>) dst(%arg5 : memref<128x200xi32, #tpu.memory_space<vmem>>)
    %dma_start3A_9 = arith.constant 0 : i32
    %dma_start3A_10 = arith.constant 0 : i32
    %dma_start3A_11 = arith.constant 0 : i32
    %dma_start3A_12 = tpu.memref_slice %arg6[%dma_start3A_10, %dma_start3A_11] : memref<200x64xf32, #tpu.memory_space<vmem>> -> memref<128x64xf32, #tpu.memory_space<vmem>>
    %dma_start3A_13 = arith.constant 0 : i32
    %dma_start3A_14 = tpu.memref_slice %arg5[%dma_start3A_9, %dma_start3A_13] : memref<128x200xi32, #tpu.memory_space<vmem>> -> memref<1x128xi32, #tpu.memory_space<vmem>>
    %dma_start3A_15 = tpu.memref_squeeze %dma_start3A_14 : memref<1x128xi32, #tpu.memory_space<vmem>> -> memref<128xi32, #tpu.memory_space<vmem>>
    %dma_start3A_16 = arith.constant 0 : i32
    %dma_start3A_17 = arith.constant 0 : i32
    %dma_start3A_18 = tpu.memref_slice %arg3[%dma_start3A_16, %dma_start3A_17] : memref<1000000x64xf32, #tpu.memory_space<hbm>> -> memref<1000000x64xf32, #tpu.memory_space<hbm>>
    tpu.enqueue_indirect_dma source(%dma_start3A_18 : memref<1000000x64xf32, #tpu.memory_space<hbm>>) target(%dma_start3A_12 : memref<128x64xf32, #tpu.memory_space<vmem>>) offsets(%dma_start3A_15 : memref<128xi32, #tpu.memory_space<vmem>>) semaphore(%arg12 : memref<!tpu.dma_semaphore, #tpu.memory_space<semaphore_mem>>)
    %dma_start3A_19 = arith.constant 0 : i32
    %dma_start3A_20 = arith.constant 128 : i32
    %dma_start3A_21 = arith.constant 0 : i32
    %dma_start3A_22 = tpu.memref_slice %arg6[%dma_start3A_20, %dma_start3A_21] : memref<200x64xf32, #tpu.memory_space<vmem>> -> memref<72x64xf32, #tpu.memory_space<vmem>>
    %dma_start3A_23 = arith.constant 128 : i32
    %dma_start3A_24 = tpu.memref_slice %arg5[%dma_start3A_19, %dma_start3A_23] : memref<128x200xi32, #tpu.memory_space<vmem>> -> memref<1x72xi32, #tpu.memory_space<vmem>>
    %dma_start3A_25 = tpu.memref_squeeze %dma_start3A_24 : memref<1x72xi32, #tpu.memory_space<vmem>> -> memref<72xi32, #tpu.memory_space<vmem>>
    %dma_start3A_26 = arith.constant 0 : i32
    %dma_start3A_27 = arith.constant 0 : i32
    %dma_start3A_28 = tpu.memref_slice %arg3[%dma_start3A_26, %dma_start3A_27] : memref<1000000x64xf32, #tpu.memory_space<hbm>> -> memref<1000000x64xf32, #tpu.memory_space<hbm>>
    tpu.enqueue_indirect_dma source(%dma_start3A_28 : memref<1000000x64xf32, #tpu.memory_space<hbm>>) target(%dma_start3A_22 : memref<72x64xf32, #tpu.memory_space<vmem>>) offsets(%dma_start3A_25 : memref<72xi32, #tpu.memory_space<vmem>>) semaphore(%arg12 : memref<!tpu.dma_semaphore, #tpu.memory_space<semaphore_mem>>)
    %dma_start3A_29 = arith.constant 1 : i32
    %dma_start3A_30 = arith.constant 0 : i32
    %dma_start3A_31 = arith.constant 0 : i32
    %dma_start3A_32 = tpu.memref_slice %arg7[%dma_start3A_30, %dma_start3A_31] : memref<200x64xf32, #tpu.memory_space<vmem>> -> memref<128x64xf32, #tpu.memory_space<vmem>>
    %dma_start3A_33 = arith.constant 0 : i32
    %dma_start3A_34 = tpu.memref_slice %arg5[%dma_start3A_29, %dma_start3A_33] : memref<128x200xi32, #tpu.memory_space<vmem>> -> memref<1x128xi32, #tpu.memory_space<vmem>>
    %dma_start3A_35 = tpu.memref_squeeze %dma_start3A_34 : memref<1x128xi32, #tpu.memory_space<vmem>> -> memref<128xi32, #tpu.memory_space<vmem>>
    %dma_start3A_36 = arith.constant 0 : i32
    %dma_start3A_37 = arith.constant 0 : i32
    %dma_start3A_38 = tpu.memref_slice %arg3[%dma_start3A_36, %dma_start3A_37] : memref<1000000x64xf32, #tpu.memory_space<hbm>> -> memref<1000000x64xf32, #tpu.memory_space<hbm>>
    tpu.enqueue_indirect_dma source(%dma_start3A_38 : memref<1000000x64xf32, #tpu.memory_space<hbm>>) target(%dma_start3A_32 : memref<128x64xf32, #tpu.memory_space<vmem>>) offsets(%dma_start3A_35 : memref<128xi32, #tpu.memory_space<vmem>>) semaphore(%arg13 : memref<!tpu.dma_semaphore, #tpu.memory_space<semaphore_mem>>)
    %dma_start3A_39 = arith.constant 1 : i32
    %dma_start3A_40 = arith.constant 128 : i32
    %dma_start3A_41 = arith.constant 0 : i32
    %dma_start3A_42 = tpu.memref_slice %arg7[%dma_start3A_40, %dma_start3A_41] : memref<200x64xf32, #tpu.memory_space<vmem>> -> memref<72x64xf32, #tpu.memory_space<vmem>>
    %dma_start3A_43 = arith.constant 128 : i32
    %dma_start3A_44 = tpu.memref_slice %arg5[%dma_start3A_39, %dma_start3A_43] : memref<128x200xi32, #tpu.memory_space<vmem>> -> memref<1x72xi32, #tpu.memory_space<vmem>>
    %dma_start3A_45 = tpu.memref_squeeze %dma_start3A_44 : memref<1x72xi32, #tpu.memory_space<vmem>> -> memref<72xi32, #tpu.memory_space<vmem>>
    %dma_start3A_46 = arith.constant 0 : i32
    %dma_start3A_47 = arith.constant 0 : i32
    %dma_start3A_48 = tpu.memref_slice %arg3[%dma_start3A_46, %dma_start3A_47] : memref<1000000x64xf32, #tpu.memory_space<hbm>> -> memref<1000000x64xf32, #tpu.memory_space<hbm>>
    tpu.enqueue_indirect_dma source(%dma_start3A_48 : memref<1000000x64xf32, #tpu.memory_space<hbm>>) target(%dma_start3A_42 : memref<72x64xf32, #tpu.memory_space<vmem>>) offsets(%dma_start3A_45 : memref<72xi32, #tpu.memory_space<vmem>>) semaphore(%arg13 : memref<!tpu.dma_semaphore, #tpu.memory_space<semaphore_mem>>)
    %dma_start3A_49 = arith.constant 2 : i32
    %dma_start3A_50 = arith.constant 0 : i32
    %dma_start3A_51 = arith.constant 0 : i32
    %dma_start3A_52 = tpu.memref_slice %arg8[%dma_start3A_50, %dma_start3A_51] : memref<200x64xf32, #tpu.memory_space<vmem>> -> memref<128x64xf32, #tpu.memory_space<vmem>>
    %dma_start3A_53 = arith.constant 0 : i32
    %dma_start3A_54 = tpu.memref_slice %arg5[%dma_start3A_49, %dma_start3A_53] : memref<128x200xi32, #tpu.memory_space<vmem>> -> memref<1x128xi32, #tpu.memory_space<vmem>>
    %dma_start3A_55 = tpu.memref_squeeze %dma_start3A_54 : memref<1x128xi32, #tpu.memory_space<vmem>> -> memref<128xi32, #tpu.memory_space<vmem>>
    %dma_start3A_56 = arith.constant 0 : i32
    %dma_start3A_57 = arith.constant 0 : i32
    %dma_start3A_58 = tpu.memref_slice %arg3[%dma_start3A_56, %dma_start3A_57] : memref<1000000x64xf32, #tpu.memory_space<hbm>> -> memref<1000000x64xf32, #tpu.memory_space<hbm>>
    tpu.enqueue_indirect_dma source(%dma_start3A_58 : memref<1000000x64xf32, #tpu.memory_space<hbm>>) target(%dma_start3A_52 : memref<128x64xf32, #tpu.memory_space<vmem>>) offsets(%dma_start3A_55 : memref<128xi32, #tpu.memory_space<vmem>>) semaphore(%arg14 : memref<!tpu.dma_semaphore, #tpu.memory_space<semaphore_mem>>)
    %dma_start3A_59 = arith.constant 2 : i32
    %dma_start3A_60 = arith.constant 128 : i32
    %dma_start3A_61 = arith.constant 0 : i32
    %dma_start3A_62 = tpu.memref_slice %arg8[%dma_start3A_60, %dma_start3A_61] : memref<200x64xf32, #tpu.memory_space<vmem>> -> memref<72x64xf32, #tpu.memory_space<vmem>>
    %dma_start3A_63 = arith.constant 128 : i32
    %dma_start3A_64 = tpu.memref_slice %arg5[%dma_start3A_59, %dma_start3A_63] : memref<128x200xi32, #tpu.memory_space<vmem>> -> memref<1x72xi32, #tpu.memory_space<vmem>>
    %dma_start3A_65 = tpu.memref_squeeze %dma_start3A_64 : memref<1x72xi32, #tpu.memory_space<vmem>> -> memref<72xi32, #tpu.memory_space<vmem>>
    %dma_start3A_66 = arith.constant 0 : i32
    %dma_start3A_67 = arith.constant 0 : i32
    %dma_start3A_68 = tpu.memref_slice %arg3[%dma_start3A_66, %dma_start3A_67] : memref<1000000x64xf32, #tpu.memory_space<hbm>> -> memref<1000000x64xf32, #tpu.memory_space<hbm>>
    tpu.enqueue_indirect_dma source(%dma_start3A_68 : memref<1000000x64xf32, #tpu.memory_space<hbm>>) target(%dma_start3A_62 : memref<72x64xf32, #tpu.memory_space<vmem>>) offsets(%dma_start3A_65 : memref<72xi32, #tpu.memory_space<vmem>>) semaphore(%arg14 : memref<!tpu.dma_semaphore, #tpu.memory_space<semaphore_mem>>)
    %scan3A = arith.constant 0 : i32
    %scan3A_69 = arith.constant 32 : i32
    %scan3A_70 = arith.addi %scan3A, %scan3A_69 : i32
    %scan3A_71 = arith.constant 1 : i32
    scf.for %scan3A_73 = %scan3A to %scan3A_70 step %scan3A_71  : i32 {
      %mul3A_74 = arith.constant 1 : i32
      %mul3A_75 = arith.muli %scan3A_73, %mul3A_74 : i32
      %add3A_76 = arith.constant 0 : i32
      %add3A_77 = arith.addi %add3A_76, %mul3A_75 : i32
      %mul3A_78 = arith.constant 4 : i32
      %mul3A_79 = arith.muli %mul3A_78, %add3A_77 : i32
      %add3A_80 = arith.constant 0 : i32
      %add3A_81 = arith.addi %mul3A_79, %add3A_80 : i32
      %add3A_82 = arith.constant 4 : i32
      %add3A_83 = arith.addi %add3A_81, %add3A_82 : i32
      %sub3A = arith.constant 1 : i32
      %sub3A_84 = arith.subi %add3A_83, %sub3A : i32
      %lt3A = arith.constant 128 : i32
      %lt3A_85 = arith.cmpi slt, %sub3A_84, %lt3A : i32
      %convert_element_type3A = arith.extui %lt3A_85 : i1 to i32
      %cond3A = arith.constant 0 : i32
      %cond3A_86 = arith.cmpi ne, %convert_element_type3A, %cond3A : i32
      scf.if %cond3A_86 {
        %dma_start3A_332 = arith.constant 0 : i32
        %dma_start3A_333 = arith.constant 0 : i32
        %dma_start3A_334 = tpu.memref_slice %arg9[%dma_start3A_332, %dma_start3A_333] : memref<200x64xf32, #tpu.memory_space<vmem>> -> memref<128x64xf32, #tpu.memory_space<vmem>>
        %dma_start3A_335 = arith.constant 0 : i32
        %dma_start3A_336 = tpu.memref_slice %arg5[%sub3A_84, %dma_start3A_335] : memref<128x200xi32, #tpu.memory_space<vmem>> -> memref<1x128xi32, #tpu.memory_space<vmem>>
        %dma_start3A_337 = tpu.memref_squeeze %dma_start3A_336 : memref<1x128xi32, #tpu.memory_space<vmem>> -> memref<128xi32, #tpu.memory_space<vmem>>
        %dma_start3A_338 = arith.constant 0 : i32
        %dma_start3A_339 = arith.constant 0 : i32
        %dma_start3A_340 = tpu.memref_slice %arg3[%dma_start3A_338, %dma_start3A_339] : memref<1000000x64xf32, #tpu.memory_space<hbm>> -> memref<1000000x64xf32, #tpu.memory_space<hbm>>
        tpu.enqueue_indirect_dma source(%dma_start3A_340 : memref<1000000x64xf32, #tpu.memory_space<hbm>>) target(%dma_start3A_334 : memref<128x64xf32, #tpu.memory_space<vmem>>) offsets(%dma_start3A_337 : memref<128xi32, #tpu.memory_space<vmem>>) semaphore(%arg15 : memref<!tpu.dma_semaphore, #tpu.memory_space<semaphore_mem>>)
        %dma_start3A_341 = arith.constant 128 : i32
        %dma_start3A_342 = arith.constant 0 : i32
        %dma_start3A_343 = tpu.memref_slice %arg9[%dma_start3A_341, %dma_start3A_342] : memref<200x64xf32, #tpu.memory_space<vmem>> -> memref<72x64xf32, #tpu.memory_space<vmem>>
        %dma_start3A_344 = arith.constant 128 : i32
        %dma_start3A_345 = tpu.memref_slice %arg5[%sub3A_84, %dma_start3A_344] : memref<128x200xi32, #tpu.memory_space<vmem>> -> memref<1x72xi32, #tpu.memory_space<vmem>>
        %dma_start3A_346 = tpu.memref_squeeze %dma_start3A_345 : memref<1x72xi32, #tpu.memory_space<vmem>> -> memref<72xi32, #tpu.memory_space<vmem>>
        %dma_start3A_347 = arith.constant 0 : i32
        %dma_start3A_348 = arith.constant 0 : i32
        %dma_start3A_349 = tpu.memref_slice %arg3[%dma_start3A_347, %dma_start3A_348] : memref<1000000x64xf32, #tpu.memory_space<hbm>> -> memref<1000000x64xf32, #tpu.memory_space<hbm>>
        tpu.enqueue_indirect_dma source(%dma_start3A_349 : memref<1000000x64xf32, #tpu.memory_space<hbm>>) target(%dma_start3A_343 : memref<72x64xf32, #tpu.memory_space<vmem>>) offsets(%dma_start3A_346 : memref<72xi32, #tpu.memory_space<vmem>>) semaphore(%arg15 : memref<!tpu.dma_semaphore, #tpu.memory_space<semaphore_mem>>)
      } else {
      }
      %dma_wait3A_87 = arith.constant 0 : i32
      %dma_wait3A_88 = arith.constant 0 : i32
      %dma_wait3A_89 = tpu.memref_slice %arg6[%dma_wait3A_87, %dma_wait3A_88] : memref<200x64xf32, #tpu.memory_space<vmem>> -> memref<128x64xf32, #tpu.memory_space<vmem>>
      %dma_wait3A_90 = arith.constant 0 : i32
      %dma_wait3A_91 = tpu.memref_slice %arg5[%add3A_81, %dma_wait3A_90] : memref<128x200xi32, #tpu.memory_space<vmem>> -> memref<1x128xi32, #tpu.memory_space<vmem>>
      %dma_wait3A_92 = tpu.memref_squeeze %dma_wait3A_91 : memref<1x128xi32, #tpu.memory_space<vmem>> -> memref<128xi32, #tpu.memory_space<vmem>>
      %dma_wait3A_93 = arith.constant 0 : i32
      %dma_wait3A_94 = arith.constant 0 : i32
      %dma_wait3A_95 = tpu.memref_slice %arg3[%dma_wait3A_93, %dma_wait3A_94] : memref<1000000x64xf32, #tpu.memory_space<hbm>> -> memref<1000000x64xf32, #tpu.memory_space<hbm>>
      tpu.wait_indirect_dma semaphore(%arg12 : memref<!tpu.dma_semaphore, #tpu.memory_space<semaphore_mem>>) src(%dma_wait3A_95 : memref<1000000x64xf32, #tpu.memory_space<hbm>>) dst(%dma_wait3A_89 : memref<128x64xf32, #tpu.memory_space<vmem>>)
      %dma_wait3A_96 = arith.constant 128 : i32
      %dma_wait3A_97 = arith.constant 0 : i32
      %dma_wait3A_98 = tpu.memref_slice %arg6[%dma_wait3A_96, %dma_wait3A_97] : memref<200x64xf32, #tpu.memory_space<vmem>> -> memref<72x64xf32, #tpu.memory_space<vmem>>
      %dma_wait3A_99 = arith.constant 128 : i32
      %dma_wait3A_100 = tpu.memref_slice %arg5[%add3A_81, %dma_wait3A_99] : memref<128x200xi32, #tpu.memory_space<vmem>> -> memref<1x72xi32, #tpu.memory_space<vmem>>
      %dma_wait3A_101 = tpu.memref_squeeze %dma_wait3A_100 : memref<1x72xi32, #tpu.memory_space<vmem>> -> memref<72xi32, #tpu.memory_space<vmem>>
      %dma_wait3A_102 = arith.constant 0 : i32
      %dma_wait3A_103 = arith.constant 0 : i32
      %dma_wait3A_104 = tpu.memref_slice %arg3[%dma_wait3A_102, %dma_wait3A_103] : memref<1000000x64xf32, #tpu.memory_space<hbm>> -> memref<1000000x64xf32, #tpu.memory_space<hbm>>
      tpu.wait_indirect_dma semaphore(%arg12 : memref<!tpu.dma_semaphore, #tpu.memory_space<semaphore_mem>>) src(%dma_wait3A_104 : memref<1000000x64xf32, #tpu.memory_space<hbm>>) dst(%dma_wait3A_98 : memref<72x64xf32, #tpu.memory_space<vmem>>)
      %broadcast_in_dim3A = arith.constant 0.000000e+00 : f32
      %broadcast_in_dim3A_105 = vector.broadcast %broadcast_in_dim3A : f32 to vector<16xf32>
      %broadcast_in_dim3A_106 = arith.constant 0.000000e+00 : f32
      %broadcast_in_dim3A_107 = vector.broadcast %broadcast_in_dim3A_106 : f32 to vector<16xf32>
      %broadcast_in_dim3A_108 = arith.constant 0.000000e+00 : f32
      %broadcast_in_dim3A_109 = vector.broadcast %broadcast_in_dim3A_108 : f32 to vector<16xf32>
      %broadcast_in_dim3A_110 = arith.constant 0.000000e+00 : f32
      %broadcast_in_dim3A_111 = vector.broadcast %broadcast_in_dim3A_110 : f32 to vector<16xf32>
      %scan3A_112 = arith.constant 0 : i32
      %scan3A_113 = arith.constant 25 : i32
      %scan3A_114 = arith.addi %scan3A_112, %scan3A_113 : i32
      %scan3A_115 = arith.constant 1 : i32
      %scan3A_116:4 = scf.for %scan3A_332 = %scan3A_112 to %scan3A_114 step %scan3A_115 iter_args(%scan3A_333 = %broadcast_in_dim3A_105, %scan3A_334 = %broadcast_in_dim3A_107, %scan3A_335 = %broadcast_in_dim3A_109, %scan3A_336 = %broadcast_in_dim3A_111) -> (vector<16xf32>, vector<16xf32>, vector<16xf32>, vector<16xf32>)  : i32 {
        %mul3A_337 = arith.constant 8 : i32
        %mul3A_338 = arith.muli %scan3A_332, %mul3A_337 : i32
        %add3A_339 = arith.constant 0 : i32
        %add3A_340 = arith.addi %mul3A_338, %add3A_339 : i32
        %get3A = arith.index_cast %add3A_340 : i32 to index
        %get3A_341 = arith.constant 0 : index
        %get3A_342 = tpu.vector_load %arg6[%get3A, %get3A_341] {strides = array<i32>} : memref<200x64xf32, #tpu.memory_space<vmem>>, vector<1x16xf32>,
        %get3A_343 = vector.shape_cast %get3A_342 : vector<1x16xf32> to vector<16xf32>
        %add3A_344 = arith.addf %scan3A_333, %get3A_343 : vector<16xf32>
        %get3A_345 = arith.index_cast %add3A_340 : i32 to index
        %get3A_346 = arith.constant 16 : index
        %get3A_347 = tpu.vector_load %arg6[%get3A_345, %get3A_346] {strides = array<i32>} : memref<200x64xf32, #tpu.memory_space<vmem>>, vector<1x16xf32>,
        %get3A_348 = vector.shape_cast %get3A_347 : vector<1x16xf32> to vector<16xf32>
        %add3A_349 = arith.addf %scan3A_334, %get3A_348 : vector<16xf32>
        %get3A_350 = arith.index_cast %add3A_340 : i32 to index
        %get3A_351 = arith.constant 32 : index
        %get3A_352 = tpu.vector_load %arg6[%get3A_350, %get3A_351] {strides = array<i32>} : memref<200x64xf32, #tpu.memory_space<vmem>>, vector<1x16xf32>,
        %get3A_353 = vector.shape_cast %get3A_352 : vector<1x16xf32> to vector<16xf32>
        %add3A_354 = arith.addf %scan3A_335, %get3A_353 : vector<16xf32>
        %get3A_355 = arith.index_cast %add3A_340 : i32 to index
        %get3A_356 = arith.constant 48 : index
        %get3A_357 = tpu.vector_load %arg6[%get3A_355, %get3A_356] {strides = array<i32>} : memref<200x64xf32, #tpu.memory_space<vmem>>, vector<1x16xf32>,
        %get3A_358 = vector.shape_cast %get3A_357 : vector<1x16xf32> to vector<16xf32>
        %add3A_359 = arith.addf %scan3A_336, %get3A_358 : vector<16xf32>
        %mul3A_360 = arith.constant 8 : i32
        %mul3A_361 = arith.muli %scan3A_332, %mul3A_360 : i32
        %add3A_362 = arith.constant 1 : i32
        %add3A_363 = arith.addi %mul3A_361, %add3A_362 : i32
        %get3A_364 = arith.index_cast %add3A_363 : i32 to index
        %get3A_365 = arith.constant 0 : index
        %get3A_366 = tpu.vector_load %arg6[%get3A_364, %get3A_365] {strides = array<i32>} : memref<200x64xf32, #tpu.memory_space<vmem>>, vector<1x16xf32>,
        %get3A_367 = vector.shape_cast %get3A_366 : vector<1x16xf32> to vector<16xf32>
        %add3A_368 = arith.addf %add3A_344, %get3A_367 : vector<16xf32>
        %get3A_369 = arith.index_cast %add3A_363 : i32 to index
        %get3A_370 = arith.constant 16 : index
        %get3A_371 = tpu.vector_load %arg6[%get3A_369, %get3A_370] {strides = array<i32>} : memref<200x64xf32, #tpu.memory_space<vmem>>, vector<1x16xf32>,
        %get3A_372 = vector.shape_cast %get3A_371 : vector<1x16xf32> to vector<16xf32>
        %add3A_373 = arith.addf %add3A_349, %get3A_372 : vector<16xf32>
        %get3A_374 = arith.index_cast %add3A_363 : i32 to index
        %get3A_375 = arith.constant 32 : index
        %get3A_376 = tpu.vector_load %arg6[%get3A_374, %get3A_375] {strides = array<i32>} : memref<200x64xf32, #tpu.memory_space<vmem>>, vector<1x16xf32>,
        %get3A_377 = vector.shape_cast %get3A_376 : vector<1x16xf32> to vector<16xf32>
        %add3A_378 = arith.addf %add3A_354, %get3A_377 : vector<16xf32>
        %get3A_379 = arith.index_cast %add3A_363 : i32 to index
        %get3A_380 = arith.constant 48 : index
        %get3A_381 = tpu.vector_load %arg6[%get3A_379, %get3A_380] {strides = array<i32>} : memref<200x64xf32, #tpu.memory_space<vmem>>, vector<1x16xf32>,
        %get3A_382 = vector.shape_cast %get3A_381 : vector<1x16xf32> to vector<16xf32>
        %add3A_383 = arith.addf %add3A_359, %get3A_382 : vector<16xf32>
        %mul3A_384 = arith.constant 8 : i32
        %mul3A_385 = arith.muli %scan3A_332, %mul3A_384 : i32
        %add3A_386 = arith.constant 2 : i32
        %add3A_387 = arith.addi %mul3A_385, %add3A_386 : i32
        %get3A_388 = arith.index_cast %add3A_387 : i32 to index
        %get3A_389 = arith.constant 0 : index
        %get3A_390 = tpu.vector_load %arg6[%get3A_388, %get3A_389] {strides = array<i32>} : memref<200x64xf32, #tpu.memory_space<vmem>>, vector<1x16xf32>,
        %get3A_391 = vector.shape_cast %get3A_390 : vector<1x16xf32> to vector<16xf32>
        %add3A_392 = arith.addf %add3A_368, %get3A_391 : vector<16xf32>
        %get3A_393 = arith.index_cast %add3A_387 : i32 to index
        %get3A_394 = arith.constant 16 : index
        %get3A_395 = tpu.vector_load %arg6[%get3A_393, %get3A_394] {strides = array<i32>} : memref<200x64xf32, #tpu.memory_space<vmem>>, vector<1x16xf32>,
        %get3A_396 = vector.shape_cast %get3A_395 : vector<1x16xf32> to vector<16xf32>
        %add3A_397 = arith.addf %add3A_373, %get3A_396 : vector<16xf32>
        %get3A_398 = arith.index_cast %add3A_387 : i32 to index
        %get3A_399 = arith.constant 32 : index
        %get3A_400 = tpu.vector_load %arg6[%get3A_398, %get3A_399] {strides = array<i32>} : memref<200x64xf32, #tpu.memory_space<vmem>>, vector<1x16xf32>,
        %get3A_401 = vector.shape_cast %get3A_400 : vector<1x16xf32> to vector<16xf32>
        %add3A_402 = arith.addf %add3A_378, %get3A_401 : vector<16xf32>
        %get3A_403 = arith.index_cast %add3A_387 : i32 to index
        %get3A_404 = arith.constant 48 : index
        %get3A_405 = tpu.vector_load %arg6[%get3A_403, %get3A_404] {strides = array<i32>} : memref<200x64xf32, #tpu.memory_space<vmem>>, vector<1x16xf32>,
        %get3A_406 = vector.shape_cast %get3A_405 : vector<1x16xf32> to vector<16xf32>
        %add3A_407 = arith.addf %add3A_383, %get3A_406 : vector<16xf32>
        %mul3A_408 = arith.constant 8 : i32
        %mul3A_409 = arith.muli %scan3A_332, %mul3A_408 : i32
        %add3A_410 = arith.constant 3 : i32
        %add3A_411 = arith.addi %mul3A_409, %add3A_410 : i32
        %get3A_412 = arith.index_cast %add3A_411 : i32 to index
        %get3A_413 = arith.constant 0 : index
        %get3A_414 = tpu.vector_load %arg6[%get3A_412, %get3A_413] {strides = array<i32>} : memref<200x64xf32, #tpu.memory_space<vmem>>, vector<1x16xf32>,
        %get3A_415 = vector.shape_cast %get3A_414 : vector<1x16xf32> to vector<16xf32>
        %add3A_416 = arith.addf %add3A_392, %get3A_415 : vector<16xf32>
        %get3A_417 = arith.index_cast %add3A_411 : i32 to index
        %get3A_418 = arith.constant 16 : index
        %get3A_419 = tpu.vector_load %arg6[%get3A_417, %get3A_418] {strides = array<i32>} : memref<200x64xf32, #tpu.memory_space<vmem>>, vector<1x16xf32>,
        %get3A_420 = vector.shape_cast %get3A_419 : vector<1x16xf32> to vector<16xf32>
        %add3A_421 = arith.addf %add3A_397, %get3A_420 : vector<16xf32>
        %get3A_422 = arith.index_cast %add3A_411 : i32 to index
        %get3A_423 = arith.constant 32 : index
        %get3A_424 = tpu.vector_load %arg6[%get3A_422, %get3A_423] {strides = array<i32>} : memref<200x64xf32, #tpu.memory_space<vmem>>, vector<1x16xf32>,
        %get3A_425 = vector.shape_cast %get3A_424 : vector<1x16xf32> to vector<16xf32>
        %add3A_426 = arith.addf %add3A_402, %get3A_425 : vector<16xf32>
        %get3A_427 = arith.index_cast %add3A_411 : i32 to index
        %get3A_428 = arith.constant 48 : index
        %get3A_429 = tpu.vector_load %arg6[%get3A_427, %get3A_428] {strides = array<i32>} : memref<200x64xf32, #tpu.memory_space<vmem>>, vector<1x16xf32>,
        %get3A_430 = vector.shape_cast %get3A_429 : vector<1x16xf32> to vector<16xf32>
        %add3A_431 = arith.addf %add3A_407, %get3A_430 : vector<16xf32>
        %mul3A_432 = arith.constant 8 : i32
        %mul3A_433 = arith.muli %scan3A_332, %mul3A_432 : i32
        %add3A_434 = arith.constant 4 : i32
        %add3A_435 = arith.addi %mul3A_433, %add3A_434 : i32
        %get3A_436 = arith.index_cast %add3A_435 : i32 to index
        %get3A_437 = arith.constant 0 : index
        %get3A_438 = tpu.vector_load %arg6[%get3A_436, %get3A_437] {strides = array<i32>} : memref<200x64xf32, #tpu.memory_space<vmem>>, vector<1x16xf32>,
        %get3A_439 = vector.shape_cast %get3A_438 : vector<1x16xf32> to vector<16xf32>
        %add3A_440 = arith.addf %add3A_416, %get3A_439 : vector<16xf32>
        %get3A_441 = arith.index_cast %add3A_435 : i32 to index
        %get3A_442 = arith.constant 16 : index
        %get3A_443 = tpu.vector_load %arg6[%get3A_441, %get3A_442] {strides = array<i32>} : memref<200x64xf32, #tpu.memory_space<vmem>>, vector<1x16xf32>,
        %get3A_444 = vector.shape_cast %get3A_443 : vector<1x16xf32> to vector<16xf32>
        %add3A_445 = arith.addf %add3A_421, %get3A_444 : vector<16xf32>
        %get3A_446 = arith.index_cast %add3A_435 : i32 to index
        %get3A_447 = arith.constant 32 : index
        %get3A_448 = tpu.vector_load %arg6[%get3A_446, %get3A_447] {strides = array<i32>} : memref<200x64xf32, #tpu.memory_space<vmem>>, vector<1x16xf32>,
        %get3A_449 = vector.shape_cast %get3A_448 : vector<1x16xf32> to vector<16xf32>
        %add3A_450 = arith.addf %add3A_426, %get3A_449 : vector<16xf32>
        %get3A_451 = arith.index_cast %add3A_435 : i32 to index
        %get3A_452 = arith.constant 48 : index
        %get3A_453 = tpu.vector_load %arg6[%get3A_451, %get3A_452] {strides = array<i32>} : memref<200x64xf32, #tpu.memory_space<vmem>>, vector<1x16xf32>,
        %get3A_454 = vector.shape_cast %get3A_453 : vector<1x16xf32> to vector<16xf32>
        %add3A_455 = arith.addf %add3A_431, %get3A_454 : vector<16xf32>
        %mul3A_456 = arith.constant 8 : i32
        %mul3A_457 = arith.muli %scan3A_332, %mul3A_456 : i32
        %add3A_458 = arith.constant 5 : i32
        %add3A_459 = arith.addi %mul3A_457, %add3A_458 : i32
        %get3A_460 = arith.index_cast %add3A_459 : i32 to index
        %get3A_461 = arith.constant 0 : index
        %get3A_462 = tpu.vector_load %arg6[%get3A_460, %get3A_461] {strides = array<i32>} : memref<200x64xf32, #tpu.memory_space<vmem>>, vector<1x16xf32>,
        %get3A_463 = vector.shape_cast %get3A_462 : vector<1x16xf32> to vector<16xf32>
        %add3A_464 = arith.addf %add3A_440, %get3A_463 : vector<16xf32>
        %get3A_465 = arith.index_cast %add3A_459 : i32 to index
        %get3A_466 = arith.constant 16 : index
        %get3A_467 = tpu.vector_load %arg6[%get3A_465, %get3A_466] {strides = array<i32>} : memref<200x64xf32, #tpu.memory_space<vmem>>, vector<1x16xf32>,
        %get3A_468 = vector.shape_cast %get3A_467 : vector<1x16xf32> to vector<16xf32>
        %add3A_469 = arith.addf %add3A_445, %get3A_468 : vector<16xf32>
        %get3A_470 = arith.index_cast %add3A_459 : i32 to index
        %get3A_471 = arith.constant 32 : index
        %get3A_472 = tpu.vector_load %arg6[%get3A_470, %get3A_471] {strides = array<i32>} : memref<200x64xf32, #tpu.memory_space<vmem>>, vector<1x16xf32>,
        %get3A_473 = vector.shape_cast %get3A_472 : vector<1x16xf32> to vector<16xf32>
        %add3A_474 = arith.addf %add3A_450, %get3A_473 : vector<16xf32>
        %get3A_475 = arith.index_cast %add3A_459 : i32 to index
        %get3A_476 = arith.constant 48 : index
        %get3A_477 = tpu.vector_load %arg6[%get3A_475, %get3A_476] {strides = array<i32>} : memref<200x64xf32, #tpu.memory_space<vmem>>, vector<1x16xf32>,
        %get3A_478 = vector.shape_cast %get3A_477 : vector<1x16xf32> to vector<16xf32>
        %add3A_479 = arith.addf %add3A_455, %get3A_478 : vector<16xf32>
        %mul3A_480 = arith.constant 8 : i32
        %mul3A_481 = arith.muli %scan3A_332, %mul3A_480 : i32
        %add3A_482 = arith.constant 6 : i32
        %add3A_483 = arith.addi %mul3A_481, %add3A_482 : i32
        %get3A_484 = arith.index_cast %add3A_483 : i32 to index
        %get3A_485 = arith.constant 0 : index
        %get3A_486 = tpu.vector_load %arg6[%get3A_484, %get3A_485] {strides = array<i32>} : memref<200x64xf32, #tpu.memory_space<vmem>>, vector<1x16xf32>,
        %get3A_487 = vector.shape_cast %get3A_486 : vector<1x16xf32> to vector<16xf32>
        %add3A_488 = arith.addf %add3A_464, %get3A_487 : vector<16xf32>
        %get3A_489 = arith.index_cast %add3A_483 : i32 to index
        %get3A_490 = arith.constant 16 : index
        %get3A_491 = tpu.vector_load %arg6[%get3A_489, %get3A_490] {strides = array<i32>} : memref<200x64xf32, #tpu.memory_space<vmem>>, vector<1x16xf32>,
        %get3A_492 = vector.shape_cast %get3A_491 : vector<1x16xf32> to vector<16xf32>
        %add3A_493 = arith.addf %add3A_469, %get3A_492 : vector<16xf32>
        %get3A_494 = arith.index_cast %add3A_483 : i32 to index
        %get3A_495 = arith.constant 32 : index
        %get3A_496 = tpu.vector_load %arg6[%get3A_494, %get3A_495] {strides = array<i32>} : memref<200x64xf32, #tpu.memory_space<vmem>>, vector<1x16xf32>,
        %get3A_497 = vector.shape_cast %get3A_496 : vector<1x16xf32> to vector<16xf32>
        %add3A_498 = arith.addf %add3A_474, %get3A_497 : vector<16xf32>
        %get3A_499 = arith.index_cast %add3A_483 : i32 to index
        %get3A_500 = arith.constant 48 : index
        %get3A_501 = tpu.vector_load %arg6[%get3A_499, %get3A_500] {strides = array<i32>} : memref<200x64xf32, #tpu.memory_space<vmem>>, vector<1x16xf32>,
        %get3A_502 = vector.shape_cast %get3A_501 : vector<1x16xf32> to vector<16xf32>
        %add3A_503 = arith.addf %add3A_479, %get3A_502 : vector<16xf32>
        %mul3A_504 = arith.constant 8 : i32
        %mul3A_505 = arith.muli %scan3A_332, %mul3A_504 : i32
        %add3A_506 = arith.constant 7 : i32
        %add3A_507 = arith.addi %mul3A_505, %add3A_506 : i32
        %get3A_508 = arith.index_cast %add3A_507 : i32 to index
        %get3A_509 = arith.constant 0 : index
        %get3A_510 = tpu.vector_load %arg6[%get3A_508, %get3A_509] {strides = array<i32>} : memref<200x64xf32, #tpu.memory_space<vmem>>, vector<1x16xf32>,
        %get3A_511 = vector.shape_cast %get3A_510 : vector<1x16xf32> to vector<16xf32>
        %add3A_512 = arith.addf %add3A_488, %get3A_511 : vector<16xf32>
        %get3A_513 = arith.index_cast %add3A_507 : i32 to index
        %get3A_514 = arith.constant 16 : index
        %get3A_515 = tpu.vector_load %arg6[%get3A_513, %get3A_514] {strides = array<i32>} : memref<200x64xf32, #tpu.memory_space<vmem>>, vector<1x16xf32>,
        %get3A_516 = vector.shape_cast %get3A_515 : vector<1x16xf32> to vector<16xf32>
        %add3A_517 = arith.addf %add3A_493, %get3A_516 : vector<16xf32>
        %get3A_518 = arith.index_cast %add3A_507 : i32 to index
        %get3A_519 = arith.constant 32 : index
        %get3A_520 = tpu.vector_load %arg6[%get3A_518, %get3A_519] {strides = array<i32>} : memref<200x64xf32, #tpu.memory_space<vmem>>, vector<1x16xf32>,
        %get3A_521 = vector.shape_cast %get3A_520 : vector<1x16xf32> to vector<16xf32>
        %add3A_522 = arith.addf %add3A_498, %get3A_521 : vector<16xf32>
        %get3A_523 = arith.index_cast %add3A_507 : i32 to index
        %get3A_524 = arith.constant 48 : index
        %get3A_525 = tpu.vector_load %arg6[%get3A_523, %get3A_524] {strides = array<i32>} : memref<200x64xf32, #tpu.memory_space<vmem>>, vector<1x16xf32>,
        %get3A_526 = vector.shape_cast %get3A_525 : vector<1x16xf32> to vector<16xf32>
        %add3A_527 = arith.addf %add3A_503, %get3A_526 : vector<16xf32>
        scf.yield %add3A_512, %add3A_517, %add3A_522, %add3A_527 : vector<16xf32>, vector<16xf32>, vector<16xf32>, vector<16xf32>
      }
      %scan3A_117 = arith.constant 25 : i32
      %swap3A = arith.index_cast %add3A_81 : i32 to index
      %swap3A_118 = arith.constant 0 : index
      %swap3A_119 = tpu.vector_load %arg10[%swap3A, %swap3A_118] {strides = array<i32>} : memref<128x64xf32, #tpu.memory_space<vmem>>, vector<1x16xf32>,
      %swap3A_120 = vector.shape_cast %swap3A_119 : vector<1x16xf32> to vector<16xf32>
      %swap3A_121 = vector.shape_cast %scan3A_116#0 : vector<16xf32> to vector<1x16xf32>
      tpu.vector_store %arg10[%swap3A, %swap3A_118], %swap3A_121 {strides = array<i32>} : memref<128x64xf32, #tpu.memory_space<vmem>>, vector<1x16xf32>,
      %swap3A_122 = arith.index_cast %add3A_81 : i32 to index
      %swap3A_123 = arith.constant 16 : index
      %swap3A_124 = tpu.vector_load %arg10[%swap3A_122, %swap3A_123] {strides = array<i32>} : memref<128x64xf32, #tpu.memory_space<vmem>>, vector<1x16xf32>,
      %swap3A_125 = vector.shape_cast %swap3A_124 : vector<1x16xf32> to vector<16xf32>
      %swap3A_126 = vector.shape_cast %scan3A_116#1 : vector<16xf32> to vector<1x16xf32>
      tpu.vector_store %arg10[%swap3A_122, %swap3A_123], %swap3A_126 {strides = array<i32>} : memref<128x64xf32, #tpu.memory_space<vmem>>, vector<1x16xf32>,
      %swap3A_127 = arith.index_cast %add3A_81 : i32 to index
      %swap3A_128 = arith.constant 32 : index
      %swap3A_129 = tpu.vector_load %arg10[%swap3A_127, %swap3A_128] {strides = array<i32>} : memref<128x64xf32, #tpu.memory_space<vmem>>, vector<1x16xf32>,
      %swap3A_130 = vector.shape_cast %swap3A_129 : vector<1x16xf32> to vector<16xf32>
      %swap3A_131 = vector.shape_cast %scan3A_116#2 : vector<16xf32> to vector<1x16xf32>
      tpu.vector_store %arg10[%swap3A_127, %swap3A_128], %swap3A_131 {strides = array<i32>} : memref<128x64xf32, #tpu.memory_space<vmem>>, vector<1x16xf32>,
      %swap3A_132 = arith.index_cast %add3A_81 : i32 to index
      %swap3A_133 = arith.constant 48 : index
      %swap3A_134 = tpu.vector_load %arg10[%swap3A_132, %swap3A_133] {strides = array<i32>} : memref<128x64xf32, #tpu.memory_space<vmem>>, vector<1x16xf32>,
      %swap3A_135 = vector.shape_cast %swap3A_134 : vector<1x16xf32> to vector<16xf32>
      %swap3A_136 = vector.shape_cast %scan3A_116#3 : vector<16xf32> to vector<1x16xf32>
      tpu.vector_store %arg10[%swap3A_132, %swap3A_133], %swap3A_136 {strides = array<i32>} : memref<128x64xf32, #tpu.memory_space<vmem>>, vector<1x16xf32>,
      %mul3A_137 = arith.constant 4 : i32
      %mul3A_138 = arith.muli %mul3A_137, %add3A_77 : i32
      %add3A_139 = arith.constant 1 : i32
      %add3A_140 = arith.addi %mul3A_138, %add3A_139 : i32
      %add3A_141 = arith.constant 4 : i32
      %add3A_142 = arith.addi %add3A_140, %add3A_141 : i32
      %sub3A_143 = arith.constant 1 : i32
      %sub3A_144 = arith.subi %add3A_142, %sub3A_143 : i32
      %lt3A_145 = arith.constant 128 : i32
      %lt3A_146 = arith.cmpi slt, %sub3A_144, %lt3A_145 : i32
      %convert_element_type3A_147 = arith.extui %lt3A_146 : i1 to i32
      %cond3A_148 = arith.constant 0 : i32
      %cond3A_149 = arith.cmpi ne, %convert_element_type3A_147, %cond3A_148 : i32
      scf.if %cond3A_149 {
        %dma_start3A_332 = arith.constant 0 : i32
        %dma_start3A_333 = arith.constant 0 : i32
        %dma_start3A_334 = tpu.memref_slice %arg6[%dma_start3A_332, %dma_start3A_333] : memref<200x64xf32, #tpu.memory_space<vmem>> -> memref<128x64xf32, #tpu.memory_space<vmem>>
        %dma_start3A_335 = arith.constant 0 : i32
        %dma_start3A_336 = tpu.memref_slice %arg5[%sub3A_144, %dma_start3A_335] : memref<128x200xi32, #tpu.memory_space<vmem>> -> memref<1x128xi32, #tpu.memory_space<vmem>>
        %dma_start3A_337 = tpu.memref_squeeze %dma_start3A_336 : memref<1x128xi32, #tpu.memory_space<vmem>> -> memref<128xi32, #tpu.memory_space<vmem>>
        %dma_start3A_338 = arith.constant 0 : i32
        %dma_start3A_339 = arith.constant 0 : i32
        %dma_start3A_340 = tpu.memref_slice %arg3[%dma_start3A_338, %dma_start3A_339] : memref<1000000x64xf32, #tpu.memory_space<hbm>> -> memref<1000000x64xf32, #tpu.memory_space<hbm>>
        tpu.enqueue_indirect_dma source(%dma_start3A_340 : memref<1000000x64xf32, #tpu.memory_space<hbm>>) target(%dma_start3A_334 : memref<128x64xf32, #tpu.memory_space<vmem>>) offsets(%dma_start3A_337 : memref<128xi32, #tpu.memory_space<vmem>>) semaphore(%arg12 : memref<!tpu.dma_semaphore, #tpu.memory_space<semaphore_mem>>)
        %dma_start3A_341 = arith.constant 128 : i32
        %dma_start3A_342 = arith.constant 0 : i32
        %dma_start3A_343 = tpu.memref_slice %arg6[%dma_start3A_341, %dma_start3A_342] : memref<200x64xf32, #tpu.memory_space<vmem>> -> memref<72x64xf32, #tpu.memory_space<vmem>>
        %dma_start3A_344 = arith.constant 128 : i32
        %dma_start3A_345 = tpu.memref_slice %arg5[%sub3A_144, %dma_start3A_344] : memref<128x200xi32, #tpu.memory_space<vmem>> -> memref<1x72xi32, #tpu.memory_space<vmem>>
        %dma_start3A_346 = tpu.memref_squeeze %dma_start3A_345 : memref<1x72xi32, #tpu.memory_space<vmem>> -> memref<72xi32, #tpu.memory_space<vmem>>
        %dma_start3A_347 = arith.constant 0 : i32
        %dma_start3A_348 = arith.constant 0 : i32
        %dma_start3A_349 = tpu.memref_slice %arg3[%dma_start3A_347, %dma_start3A_348] : memref<1000000x64xf32, #tpu.memory_space<hbm>> -> memref<1000000x64xf32, #tpu.memory_space<hbm>>
        tpu.enqueue_indirect_dma source(%dma_start3A_349 : memref<1000000x64xf32, #tpu.memory_space<hbm>>) target(%dma_start3A_343 : memref<72x64xf32, #tpu.memory_space<vmem>>) offsets(%dma_start3A_346 : memref<72xi32, #tpu.memory_space<vmem>>) semaphore(%arg12 : memref<!tpu.dma_semaphore, #tpu.memory_space<semaphore_mem>>)
      } else {
      }
      %dma_wait3A_150 = arith.constant 0 : i32
      %dma_wait3A_151 = arith.constant 0 : i32
      %dma_wait3A_152 = tpu.memref_slice %arg7[%dma_wait3A_150, %dma_wait3A_151] : memref<200x64xf32, #tpu.memory_space<vmem>> -> memref<128x64xf32, #tpu.memory_space<vmem>>
      %dma_wait3A_153 = arith.constant 0 : i32
      %dma_wait3A_154 = tpu.memref_slice %arg5[%add3A_140, %dma_wait3A_153] : memref<128x200xi32, #tpu.memory_space<vmem>> -> memref<1x128xi32, #tpu.memory_space<vmem>>
      %dma_wait3A_155 = tpu.memref_squeeze %dma_wait3A_154 : memref<1x128xi32, #tpu.memory_space<vmem>> -> memref<128xi32, #tpu.memory_space<vmem>>
      %dma_wait3A_156 = arith.constant 0 : i32
      %dma_wait3A_157 = arith.constant 0 : i32
      %dma_wait3A_158 = tpu.memref_slice %arg3[%dma_wait3A_156, %dma_wait3A_157] : memref<1000000x64xf32, #tpu.memory_space<hbm>> -> memref<1000000x64xf32, #tpu.memory_space<hbm>>
      tpu.wait_indirect_dma semaphore(%arg13 : memref<!tpu.dma_semaphore, #tpu.memory_space<semaphore_mem>>) src(%dma_wait3A_158 : memref<1000000x64xf32, #tpu.memory_space<hbm>>) dst(%dma_wait3A_152 : memref<128x64xf32, #tpu.memory_space<vmem>>)
      %dma_wait3A_159 = arith.constant 128 : i32
      %dma_wait3A_160 = arith.constant 0 : i32
      %dma_wait3A_161 = tpu.memref_slice %arg7[%dma_wait3A_159, %dma_wait3A_160] : memref<200x64xf32, #tpu.memory_space<vmem>> -> memref<72x64xf32, #tpu.memory_space<vmem>>
      %dma_wait3A_162 = arith.constant 128 : i32
      %dma_wait3A_163 = tpu.memref_slice %arg5[%add3A_140, %dma_wait3A_162] : memref<128x200xi32, #tpu.memory_space<vmem>> -> memref<1x72xi32, #tpu.memory_space<vmem>>
      %dma_wait3A_164 = tpu.memref_squeeze %dma_wait3A_163 : memref<1x72xi32, #tpu.memory_space<vmem>> -> memref<72xi32, #tpu.memory_space<vmem>>
      %dma_wait3A_165 = arith.constant 0 : i32
      %dma_wait3A_166 = arith.constant 0 : i32
      %dma_wait3A_167 = tpu.memref_slice %arg3[%dma_wait3A_165, %dma_wait3A_166] : memref<1000000x64xf32, #tpu.memory_space<hbm>> -> memref<1000000x64xf32, #tpu.memory_space<hbm>>
      tpu.wait_indirect_dma semaphore(%arg13 : memref<!tpu.dma_semaphore, #tpu.memory_space<semaphore_mem>>) src(%dma_wait3A_167 : memref<1000000x64xf32, #tpu.memory_space<hbm>>) dst(%dma_wait3A_161 : memref<72x64xf32, #tpu.memory_space<vmem>>)
      %broadcast_in_dim3A_168 = arith.constant 0.000000e+00 : f32
      %broadcast_in_dim3A_169 = vector.broadcast %broadcast_in_dim3A_168 : f32 to vector<16xf32>
      %broadcast_in_dim3A_170 = arith.constant 0.000000e+00 : f32
      %broadcast_in_dim3A_171 = vector.broadcast %broadcast_in_dim3A_170 : f32 to vector<16xf32>
      %broadcast_in_dim3A_172 = arith.constant 0.000000e+00 : f32
      %broadcast_in_dim3A_173 = vector.broadcast %broadcast_in_dim3A_172 : f32 to vector<16xf32>
      %broadcast_in_dim3A_174 = arith.constant 0.000000e+00 : f32
      %broadcast_in_dim3A_175 = vector.broadcast %broadcast_in_dim3A_174 : f32 to vector<16xf32>
      %scan3A_176 = arith.constant 0 : i32
      %scan3A_177 = arith.constant 25 : i32
      %scan3A_178 = arith.addi %scan3A_176, %scan3A_177 : i32
      %scan3A_179 = arith.constant 1 : i32
      %scan3A_180:4 = scf.for %scan3A_332 = %scan3A_176 to %scan3A_178 step %scan3A_179 iter_args(%scan3A_333 = %broadcast_in_dim3A_169, %scan3A_334 = %broadcast_in_dim3A_171, %scan3A_335 = %broadcast_in_dim3A_173, %scan3A_336 = %broadcast_in_dim3A_175) -> (vector<16xf32>, vector<16xf32>, vector<16xf32>, vector<16xf32>)  : i32 {
        %mul3A_337 = arith.constant 8 : i32
        %mul3A_338 = arith.muli %scan3A_332, %mul3A_337 : i32
        %add3A_339 = arith.constant 0 : i32
        %add3A_340 = arith.addi %mul3A_338, %add3A_339 : i32
        %get3A = arith.index_cast %add3A_340 : i32 to index
        %get3A_341 = arith.constant 0 : index
        %get3A_342 = tpu.vector_load %arg7[%get3A, %get3A_341] {strides = array<i32>} : memref<200x64xf32, #tpu.memory_space<vmem>>, vector<1x16xf32>,
        %get3A_343 = vector.shape_cast %get3A_342 : vector<1x16xf32> to vector<16xf32>
        %add3A_344 = arith.addf %scan3A_333, %get3A_343 : vector<16xf32>
        %get3A_345 = arith.index_cast %add3A_340 : i32 to index
        %get3A_346 = arith.constant 16 : index
        %get3A_347 = tpu.vector_load %arg7[%get3A_345, %get3A_346] {strides = array<i32>} : memref<200x64xf32, #tpu.memory_space<vmem>>, vector<1x16xf32>,
        %get3A_348 = vector.shape_cast %get3A_347 : vector<1x16xf32> to vector<16xf32>
        %add3A_349 = arith.addf %scan3A_334, %get3A_348 : vector<16xf32>
        %get3A_350 = arith.index_cast %add3A_340 : i32 to index
        %get3A_351 = arith.constant 32 : index
        %get3A_352 = tpu.vector_load %arg7[%get3A_350, %get3A_351] {strides = array<i32>} : memref<200x64xf32, #tpu.memory_space<vmem>>, vector<1x16xf32>,
        %get3A_353 = vector.shape_cast %get3A_352 : vector<1x16xf32> to vector<16xf32>
        %add3A_354 = arith.addf %scan3A_335, %get3A_353 : vector<16xf32>
        %get3A_355 = arith.index_cast %add3A_340 : i32 to index
        %get3A_356 = arith.constant 48 : index
        %get3A_357 = tpu.vector_load %arg7[%get3A_355, %get3A_356] {strides = array<i32>} : memref<200x64xf32, #tpu.memory_space<vmem>>, vector<1x16xf32>,
        %get3A_358 = vector.shape_cast %get3A_357 : vector<1x16xf32> to vector<16xf32>
        %add3A_359 = arith.addf %scan3A_336, %get3A_358 : vector<16xf32>
        %mul3A_360 = arith.constant 8 : i32
        %mul3A_361 = arith.muli %scan3A_332, %mul3A_360 : i32
        %add3A_362 = arith.constant 1 : i32
        %add3A_363 = arith.addi %mul3A_361, %add3A_362 : i32
        %get3A_364 = arith.index_cast %add3A_363 : i32 to index
        %get3A_365 = arith.constant 0 : index
        %get3A_366 = tpu.vector_load %arg7[%get3A_364, %get3A_365] {strides = array<i32>} : memref<200x64xf32, #tpu.memory_space<vmem>>, vector<1x16xf32>,
        %get3A_367 = vector.shape_cast %get3A_366 : vector<1x16xf32> to vector<16xf32>
        %add3A_368 = arith.addf %add3A_344, %get3A_367 : vector<16xf32>
        %get3A_369 = arith.index_cast %add3A_363 : i32 to index
        %get3A_370 = arith.constant 16 : index
        %get3A_371 = tpu.vector_load %arg7[%get3A_369, %get3A_370] {strides = array<i32>} : memref<200x64xf32, #tpu.memory_space<vmem>>, vector<1x16xf32>,
        %get3A_372 = vector.shape_cast %get3A_371 : vector<1x16xf32> to vector<16xf32>
        %add3A_373 = arith.addf %add3A_349, %get3A_372 : vector<16xf32>
        %get3A_374 = arith.index_cast %add3A_363 : i32 to index
        %get3A_375 = arith.constant 32 : index
        %get3A_376 = tpu.vector_load %arg7[%get3A_374, %get3A_375] {strides = array<i32>} : memref<200x64xf32, #tpu.memory_space<vmem>>, vector<1x16xf32>,
        %get3A_377 = vector.shape_cast %get3A_376 : vector<1x16xf32> to vector<16xf32>
        %add3A_378 = arith.addf %add3A_354, %get3A_377 : vector<16xf32>
        %get3A_379 = arith.index_cast %add3A_363 : i32 to index
        %get3A_380 = arith.constant 48 : index
        %get3A_381 = tpu.vector_load %arg7[%get3A_379, %get3A_380] {strides = array<i32>} : memref<200x64xf32, #tpu.memory_space<vmem>>, vector<1x16xf32>,
        %get3A_382 = vector.shape_cast %get3A_381 : vector<1x16xf32> to vector<16xf32>
        %add3A_383 = arith.addf %add3A_359, %get3A_382 : vector<16xf32>
        %mul3A_384 = arith.constant 8 : i32
        %mul3A_385 = arith.muli %scan3A_332, %mul3A_384 : i32
        %add3A_386 = arith.constant 2 : i32
        %add3A_387 = arith.addi %mul3A_385, %add3A_386 : i32
        %get3A_388 = arith.index_cast %add3A_387 : i32 to index
        %get3A_389 = arith.constant 0 : index
        %get3A_390 = tpu.vector_load %arg7[%get3A_388, %get3A_389] {strides = array<i32>} : memref<200x64xf32, #tpu.memory_space<vmem>>, vector<1x16xf32>,
        %get3A_391 = vector.shape_cast %get3A_390 : vector<1x16xf32> to vector<16xf32>
        %add3A_392 = arith.addf %add3A_368, %get3A_391 : vector<16xf32>
        %get3A_393 = arith.index_cast %add3A_387 : i32 to index
        %get3A_394 = arith.constant 16 : index
        %get3A_395 = tpu.vector_load %arg7[%get3A_393, %get3A_394] {strides = array<i32>} : memref<200x64xf32, #tpu.memory_space<vmem>>, vector<1x16xf32>,
        %get3A_396 = vector.shape_cast %get3A_395 : vector<1x16xf32> to vector<16xf32>
        %add3A_397 = arith.addf %add3A_373, %get3A_396 : vector<16xf32>
        %get3A_398 = arith.index_cast %add3A_387 : i32 to index
        %get3A_399 = arith.constant 32 : index
        %get3A_400 = tpu.vector_load %arg7[%get3A_398, %get3A_399] {strides = array<i32>} : memref<200x64xf32, #tpu.memory_space<vmem>>, vector<1x16xf32>,
        %get3A_401 = vector.shape_cast %get3A_400 : vector<1x16xf32> to vector<16xf32>
        %add3A_402 = arith.addf %add3A_378, %get3A_401 : vector<16xf32>
        %get3A_403 = arith.index_cast %add3A_387 : i32 to index
        %get3A_404 = arith.constant 48 : index
        %get3A_405 = tpu.vector_load %arg7[%get3A_403, %get3A_404] {strides = array<i32>} : memref<200x64xf32, #tpu.memory_space<vmem>>, vector<1x16xf32>,
        %get3A_406 = vector.shape_cast %get3A_405 : vector<1x16xf32> to vector<16xf32>
        %add3A_407 = arith.addf %add3A_383, %get3A_406 : vector<16xf32>
        %mul3A_408 = arith.constant 8 : i32
        %mul3A_409 = arith.muli %scan3A_332, %mul3A_408 : i32
        %add3A_410 = arith.constant 3 : i32
        %add3A_411 = arith.addi %mul3A_409, %add3A_410 : i32
        %get3A_412 = arith.index_cast %add3A_411 : i32 to index
        %get3A_413 = arith.constant 0 : index
        %get3A_414 = tpu.vector_load %arg7[%get3A_412, %get3A_413] {strides = array<i32>} : memref<200x64xf32, #tpu.memory_space<vmem>>, vector<1x16xf32>,
        %get3A_415 = vector.shape_cast %get3A_414 : vector<1x16xf32> to vector<16xf32>
        %add3A_416 = arith.addf %add3A_392, %get3A_415 : vector<16xf32>
        %get3A_417 = arith.index_cast %add3A_411 : i32 to index
        %get3A_418 = arith.constant 16 : index
        %get3A_419 = tpu.vector_load %arg7[%get3A_417, %get3A_418] {strides = array<i32>} : memref<200x64xf32, #tpu.memory_space<vmem>>, vector<1x16xf32>,
        %get3A_420 = vector.shape_cast %get3A_419 : vector<1x16xf32> to vector<16xf32>
        %add3A_421 = arith.addf %add3A_397, %get3A_420 : vector<16xf32>
        %get3A_422 = arith.index_cast %add3A_411 : i32 to index
        %get3A_423 = arith.constant 32 : index
        %get3A_424 = tpu.vector_load %arg7[%get3A_422, %get3A_423] {strides = array<i32>} : memref<200x64xf32, #tpu.memory_space<vmem>>, vector<1x16xf32>,
        %get3A_425 = vector.shape_cast %get3A_424 : vector<1x16xf32> to vector<16xf32>
        %add3A_426 = arith.addf %add3A_402, %get3A_425 : vector<16xf32>
        %get3A_427 = arith.index_cast %add3A_411 : i32 to index
        %get3A_428 = arith.constant 48 : index
        %get3A_429 = tpu.vector_load %arg7[%get3A_427, %get3A_428] {strides = array<i32>} : memref<200x64xf32, #tpu.memory_space<vmem>>, vector<1x16xf32>,
        %get3A_430 = vector.shape_cast %get3A_429 : vector<1x16xf32> to vector<16xf32>
        %add3A_431 = arith.addf %add3A_407, %get3A_430 : vector<16xf32>
        %mul3A_432 = arith.constant 8 : i32
        %mul3A_433 = arith.muli %scan3A_332, %mul3A_432 : i32
        %add3A_434 = arith.constant 4 : i32
        %add3A_435 = arith.addi %mul3A_433, %add3A_434 : i32
        %get3A_436 = arith.index_cast %add3A_435 : i32 to index
        %get3A_437 = arith.constant 0 : index
        %get3A_438 = tpu.vector_load %arg7[%get3A_436, %get3A_437] {strides = array<i32>} : memref<200x64xf32, #tpu.memory_space<vmem>>, vector<1x16xf32>,
        %get3A_439 = vector.shape_cast %get3A_438 : vector<1x16xf32> to vector<16xf32>
        %add3A_440 = arith.addf %add3A_416, %get3A_439 : vector<16xf32>
        %get3A_441 = arith.index_cast %add3A_435 : i32 to index
        %get3A_442 = arith.constant 16 : index
        %get3A_443 = tpu.vector_load %arg7[%get3A_441, %get3A_442] {strides = array<i32>} : memref<200x64xf32, #tpu.memory_space<vmem>>, vector<1x16xf32>,
        %get3A_444 = vector.shape_cast %get3A_443 : vector<1x16xf32> to vector<16xf32>
        %add3A_445 = arith.addf %add3A_421, %get3A_444 : vector<16xf32>
        %get3A_446 = arith.index_cast %add3A_435 : i32 to index
        %get3A_447 = arith.constant 32 : index
        %get3A_448 = tpu.vector_load %arg7[%get3A_446, %get3A_447] {strides = array<i32>} : memref<200x64xf32, #tpu.memory_space<vmem>>, vector<1x16xf32>,
        %get3A_449 = vector.shape_cast %get3A_448 : vector<1x16xf32> to vector<16xf32>
        %add3A_450 = arith.addf %add3A_426, %get3A_449 : vector<16xf32>
        %get3A_451 = arith.index_cast %add3A_435 : i32 to index
        %get3A_452 = arith.constant 48 : index
        %get3A_453 = tpu.vector_load %arg7[%get3A_451, %get3A_452] {strides = array<i32>} : memref<200x64xf32, #tpu.memory_space<vmem>>, vector<1x16xf32>,
        %get3A_454 = vector.shape_cast %get3A_453 : vector<1x16xf32> to vector<16xf32>
        %add3A_455 = arith.addf %add3A_431, %get3A_454 : vector<16xf32>
        %mul3A_456 = arith.constant 8 : i32
        %mul3A_457 = arith.muli %scan3A_332, %mul3A_456 : i32
        %add3A_458 = arith.constant 5 : i32
        %add3A_459 = arith.addi %mul3A_457, %add3A_458 : i32
        %get3A_460 = arith.index_cast %add3A_459 : i32 to index
        %get3A_461 = arith.constant 0 : index
        %get3A_462 = tpu.vector_load %arg7[%get3A_460, %get3A_461] {strides = array<i32>} : memref<200x64xf32, #tpu.memory_space<vmem>>, vector<1x16xf32>,
        %get3A_463 = vector.shape_cast %get3A_462 : vector<1x16xf32> to vector<16xf32>
        %add3A_464 = arith.addf %add3A_440, %get3A_463 : vector<16xf32>
        %get3A_465 = arith.index_cast %add3A_459 : i32 to index
        %get3A_466 = arith.constant 16 : index
        %get3A_467 = tpu.vector_load %arg7[%get3A_465, %get3A_466] {strides = array<i32>} : memref<200x64xf32, #tpu.memory_space<vmem>>, vector<1x16xf32>,
        %get3A_468 = vector.shape_cast %get3A_467 : vector<1x16xf32> to vector<16xf32>
        %add3A_469 = arith.addf %add3A_445, %get3A_468 : vector<16xf32>
        %get3A_470 = arith.index_cast %add3A_459 : i32 to index
        %get3A_471 = arith.constant 32 : index
        %get3A_472 = tpu.vector_load %arg7[%get3A_470, %get3A_471] {strides = array<i32>} : memref<200x64xf32, #tpu.memory_space<vmem>>, vector<1x16xf32>,
        %get3A_473 = vector.shape_cast %get3A_472 : vector<1x16xf32> to vector<16xf32>
        %add3A_474 = arith.addf %add3A_450, %get3A_473 : vector<16xf32>
        %get3A_475 = arith.index_cast %add3A_459 : i32 to index
        %get3A_476 = arith.constant 48 : index
        %get3A_477 = tpu.vector_load %arg7[%get3A_475, %get3A_476] {strides = array<i32>} : memref<200x64xf32, #tpu.memory_space<vmem>>, vector<1x16xf32>,
        %get3A_478 = vector.shape_cast %get3A_477 : vector<1x16xf32> to vector<16xf32>
        %add3A_479 = arith.addf %add3A_455, %get3A_478 : vector<16xf32>
        %mul3A_480 = arith.constant 8 : i32
        %mul3A_481 = arith.muli %scan3A_332, %mul3A_480 : i32
        %add3A_482 = arith.constant 6 : i32
        %add3A_483 = arith.addi %mul3A_481, %add3A_482 : i32
        %get3A_484 = arith.index_cast %add3A_483 : i32 to index
        %get3A_485 = arith.constant 0 : index
        %get3A_486 = tpu.vector_load %arg7[%get3A_484, %get3A_485] {strides = array<i32>} : memref<200x64xf32, #tpu.memory_space<vmem>>, vector<1x16xf32>,
        %get3A_487 = vector.shape_cast %get3A_486 : vector<1x16xf32> to vector<16xf32>
        %add3A_488 = arith.addf %add3A_464, %get3A_487 : vector<16xf32>
        %get3A_489 = arith.index_cast %add3A_483 : i32 to index
        %get3A_490 = arith.constant 16 : index
        %get3A_491 = tpu.vector_load %arg7[%get3A_489, %get3A_490] {strides = array<i32>} : memref<200x64xf32, #tpu.memory_space<vmem>>, vector<1x16xf32>,
        %get3A_492 = vector.shape_cast %get3A_491 : vector<1x16xf32> to vector<16xf32>
        %add3A_493 = arith.addf %add3A_469, %get3A_492 : vector<16xf32>
        %get3A_494 = arith.index_cast %add3A_483 : i32 to index
        %get3A_495 = arith.constant 32 : index
        %get3A_496 = tpu.vector_load %arg7[%get3A_494, %get3A_495] {strides = array<i32>} : memref<200x64xf32, #tpu.memory_space<vmem>>, vector<1x16xf32>,
        %get3A_497 = vector.shape_cast %get3A_496 : vector<1x16xf32> to vector<16xf32>
        %add3A_498 = arith.addf %add3A_474, %get3A_497 : vector<16xf32>
        %get3A_499 = arith.index_cast %add3A_483 : i32 to index
        %get3A_500 = arith.constant 48 : index
        %get3A_501 = tpu.vector_load %arg7[%get3A_499, %get3A_500] {strides = array<i32>} : memref<200x64xf32, #tpu.memory_space<vmem>>, vector<1x16xf32>,
        %get3A_502 = vector.shape_cast %get3A_501 : vector<1x16xf32> to vector<16xf32>
        %add3A_503 = arith.addf %add3A_479, %get3A_502 : vector<16xf32>
        %mul3A_504 = arith.constant 8 : i32
        %mul3A_505 = arith.muli %scan3A_332, %mul3A_504 : i32
        %add3A_506 = arith.constant 7 : i32
        %add3A_507 = arith.addi %mul3A_505, %add3A_506 : i32
        %get3A_508 = arith.index_cast %add3A_507 : i32 to index
        %get3A_509 = arith.constant 0 : index
        %get3A_510 = tpu.vector_load %arg7[%get3A_508, %get3A_509] {strides = array<i32>} : memref<200x64xf32, #tpu.memory_space<vmem>>, vector<1x16xf32>,
        %get3A_511 = vector.shape_cast %get3A_510 : vector<1x16xf32> to vector<16xf32>
        %add3A_512 = arith.addf %add3A_488, %get3A_511 : vector<16xf32>
        %get3A_513 = arith.index_cast %add3A_507 : i32 to index
        %get3A_514 = arith.constant 16 : index
        %get3A_515 = tpu.vector_load %arg7[%get3A_513, %get3A_514] {strides = array<i32>} : memref<200x64xf32, #tpu.memory_space<vmem>>, vector<1x16xf32>,
        %get3A_516 = vector.shape_cast %get3A_515 : vector<1x16xf32> to vector<16xf32>
        %add3A_517 = arith.addf %add3A_493, %get3A_516 : vector<16xf32>
        %get3A_518 = arith.index_cast %add3A_507 : i32 to index
        %get3A_519 = arith.constant 32 : index
        %get3A_520 = tpu.vector_load %arg7[%get3A_518, %get3A_519] {strides = array<i32>} : memref<200x64xf32, #tpu.memory_space<vmem>>, vector<1x16xf32>,
        %get3A_521 = vector.shape_cast %get3A_520 : vector<1x16xf32> to vector<16xf32>
        %add3A_522 = arith.addf %add3A_498, %get3A_521 : vector<16xf32>
        %get3A_523 = arith.index_cast %add3A_507 : i32 to index
        %get3A_524 = arith.constant 48 : index
        %get3A_525 = tpu.vector_load %arg7[%get3A_523, %get3A_524] {strides = array<i32>} : memref<200x64xf32, #tpu.memory_space<vmem>>, vector<1x16xf32>,
        %get3A_526 = vector.shape_cast %get3A_525 : vector<1x16xf32> to vector<16xf32>
        %add3A_527 = arith.addf %add3A_503, %get3A_526 : vector<16xf32>
        scf.yield %add3A_512, %add3A_517, %add3A_522, %add3A_527 : vector<16xf32>, vector<16xf32>, vector<16xf32>, vector<16xf32>
      }
      %scan3A_181 = arith.constant 25 : i32
      %swap3A_182 = arith.index_cast %add3A_140 : i32 to index
      %swap3A_183 = arith.constant 0 : index
      %swap3A_184 = tpu.vector_load %arg10[%swap3A_182, %swap3A_183] {strides = array<i32>} : memref<128x64xf32, #tpu.memory_space<vmem>>, vector<1x16xf32>,
      %swap3A_185 = vector.shape_cast %swap3A_184 : vector<1x16xf32> to vector<16xf32>
      %swap3A_186 = vector.shape_cast %scan3A_180#0 : vector<16xf32> to vector<1x16xf32>
      tpu.vector_store %arg10[%swap3A_182, %swap3A_183], %swap3A_186 {strides = array<i32>} : memref<128x64xf32, #tpu.memory_space<vmem>>, vector<1x16xf32>,
      %swap3A_187 = arith.index_cast %add3A_140 : i32 to index
      %swap3A_188 = arith.constant 16 : index
      %swap3A_189 = tpu.vector_load %arg10[%swap3A_187, %swap3A_188] {strides = array<i32>} : memref<128x64xf32, #tpu.memory_space<vmem>>, vector<1x16xf32>,
      %swap3A_190 = vector.shape_cast %swap3A_189 : vector<1x16xf32> to vector<16xf32>
      %swap3A_191 = vector.shape_cast %scan3A_180#1 : vector<16xf32> to vector<1x16xf32>
      tpu.vector_store %arg10[%swap3A_187, %swap3A_188], %swap3A_191 {strides = array<i32>} : memref<128x64xf32, #tpu.memory_space<vmem>>, vector<1x16xf32>,
      %swap3A_192 = arith.index_cast %add3A_140 : i32 to index
      %swap3A_193 = arith.constant 32 : index
      %swap3A_194 = tpu.vector_load %arg10[%swap3A_192, %swap3A_193] {strides = array<i32>} : memref<128x64xf32, #tpu.memory_space<vmem>>, vector<1x16xf32>,
      %swap3A_195 = vector.shape_cast %swap3A_194 : vector<1x16xf32> to vector<16xf32>
      %swap3A_196 = vector.shape_cast %scan3A_180#2 : vector<16xf32> to vector<1x16xf32>
      tpu.vector_store %arg10[%swap3A_192, %swap3A_193], %swap3A_196 {strides = array<i32>} : memref<128x64xf32, #tpu.memory_space<vmem>>, vector<1x16xf32>,
      %swap3A_197 = arith.index_cast %add3A_140 : i32 to index
      %swap3A_198 = arith.constant 48 : index
      %swap3A_199 = tpu.vector_load %arg10[%swap3A_197, %swap3A_198] {strides = array<i32>} : memref<128x64xf32, #tpu.memory_space<vmem>>, vector<1x16xf32>,
      %swap3A_200 = vector.shape_cast %swap3A_199 : vector<1x16xf32> to vector<16xf32>
      %swap3A_201 = vector.shape_cast %scan3A_180#3 : vector<16xf32> to vector<1x16xf32>
      tpu.vector_store %arg10[%swap3A_197, %swap3A_198], %swap3A_201 {strides = array<i32>} : memref<128x64xf32, #tpu.memory_space<vmem>>, vector<1x16xf32>,
      %mul3A_202 = arith.constant 4 : i32
      %mul3A_203 = arith.muli %mul3A_202, %add3A_77 : i32
      %add3A_204 = arith.constant 2 : i32
      %add3A_205 = arith.addi %mul3A_203, %add3A_204 : i32
      %add3A_206 = arith.constant 4 : i32
      %add3A_207 = arith.addi %add3A_205, %add3A_206 : i32
      %sub3A_208 = arith.constant 1 : i32
      %sub3A_209 = arith.subi %add3A_207, %sub3A_208 : i32
      %lt3A_210 = arith.constant 128 : i32
      %lt3A_211 = arith.cmpi slt, %sub3A_209, %lt3A_210 : i32
      %convert_element_type3A_212 = arith.extui %lt3A_211 : i1 to i32
      %cond3A_213 = arith.constant 0 : i32
      %cond3A_214 = arith.cmpi ne, %convert_element_type3A_212, %cond3A_213 : i32
      scf.if %cond3A_214 {
        %dma_start3A_332 = arith.constant 0 : i32
        %dma_start3A_333 = arith.constant 0 : i32
        %dma_start3A_334 = tpu.memref_slice %arg7[%dma_start3A_332, %dma_start3A_333] : memref<200x64xf32, #tpu.memory_space<vmem>> -> memref<128x64xf32, #tpu.memory_space<vmem>>
        %dma_start3A_335 = arith.constant 0 : i32
        %dma_start3A_336 = tpu.memref_slice %arg5[%sub3A_209, %dma_start3A_335] : memref<128x200xi32, #tpu.memory_space<vmem>> -> memref<1x128xi32, #tpu.memory_space<vmem>>
        %dma_start3A_337 = tpu.memref_squeeze %dma_start3A_336 : memref<1x128xi32, #tpu.memory_space<vmem>> -> memref<128xi32, #tpu.memory_space<vmem>>
        %dma_start3A_338 = arith.constant 0 : i32
        %dma_start3A_339 = arith.constant 0 : i32
        %dma_start3A_340 = tpu.memref_slice %arg3[%dma_start3A_338, %dma_start3A_339] : memref<1000000x64xf32, #tpu.memory_space<hbm>> -> memref<1000000x64xf32, #tpu.memory_space<hbm>>
        tpu.enqueue_indirect_dma source(%dma_start3A_340 : memref<1000000x64xf32, #tpu.memory_space<hbm>>) target(%dma_start3A_334 : memref<128x64xf32, #tpu.memory_space<vmem>>) offsets(%dma_start3A_337 : memref<128xi32, #tpu.memory_space<vmem>>) semaphore(%arg13 : memref<!tpu.dma_semaphore, #tpu.memory_space<semaphore_mem>>)
        %dma_start3A_341 = arith.constant 128 : i32
        %dma_start3A_342 = arith.constant 0 : i32
        %dma_start3A_343 = tpu.memref_slice %arg7[%dma_start3A_341, %dma_start3A_342] : memref<200x64xf32, #tpu.memory_space<vmem>> -> memref<72x64xf32, #tpu.memory_space<vmem>>
        %dma_start3A_344 = arith.constant 128 : i32
        %dma_start3A_345 = tpu.memref_slice %arg5[%sub3A_209, %dma_start3A_344] : memref<128x200xi32, #tpu.memory_space<vmem>> -> memref<1x72xi32, #tpu.memory_space<vmem>>
        %dma_start3A_346 = tpu.memref_squeeze %dma_start3A_345 : memref<1x72xi32, #tpu.memory_space<vmem>> -> memref<72xi32, #tpu.memory_space<vmem>>
        %dma_start3A_347 = arith.constant 0 : i32
        %dma_start3A_348 = arith.constant 0 : i32
        %dma_start3A_349 = tpu.memref_slice %arg3[%dma_start3A_347, %dma_start3A_348] : memref<1000000x64xf32, #tpu.memory_space<hbm>> -> memref<1000000x64xf32, #tpu.memory_space<hbm>>
        tpu.enqueue_indirect_dma source(%dma_start3A_349 : memref<1000000x64xf32, #tpu.memory_space<hbm>>) target(%dma_start3A_343 : memref<72x64xf32, #tpu.memory_space<vmem>>) offsets(%dma_start3A_346 : memref<72xi32, #tpu.memory_space<vmem>>) semaphore(%arg13 : memref<!tpu.dma_semaphore, #tpu.memory_space<semaphore_mem>>)
      } else {
      }
      %dma_wait3A_215 = arith.constant 0 : i32
      %dma_wait3A_216 = arith.constant 0 : i32
      %dma_wait3A_217 = tpu.memref_slice %arg8[%dma_wait3A_215, %dma_wait3A_216] : memref<200x64xf32, #tpu.memory_space<vmem>> -> memref<128x64xf32, #tpu.memory_space<vmem>>
      %dma_wait3A_218 = arith.constant 0 : i32
      %dma_wait3A_219 = tpu.memref_slice %arg5[%add3A_205, %dma_wait3A_218] : memref<128x200xi32, #tpu.memory_space<vmem>> -> memref<1x128xi32, #tpu.memory_space<vmem>>
      %dma_wait3A_220 = tpu.memref_squeeze %dma_wait3A_219 : memref<1x128xi32, #tpu.memory_space<vmem>> -> memref<128xi32, #tpu.memory_space<vmem>>
      %dma_wait3A_221 = arith.constant 0 : i32
      %dma_wait3A_222 = arith.constant 0 : i32
      %dma_wait3A_223 = tpu.memref_slice %arg3[%dma_wait3A_221, %dma_wait3A_222] : memref<1000000x64xf32, #tpu.memory_space<hbm>> -> memref<1000000x64xf32, #tpu.memory_space<hbm>>
      tpu.wait_indirect_dma semaphore(%arg14 : memref<!tpu.dma_semaphore, #tpu.memory_space<semaphore_mem>>) src(%dma_wait3A_223 : memref<1000000x64xf32, #tpu.memory_space<hbm>>) dst(%dma_wait3A_217 : memref<128x64xf32, #tpu.memory_space<vmem>>)
      %dma_wait3A_224 = arith.constant 128 : i32
      %dma_wait3A_225 = arith.constant 0 : i32
      %dma_wait3A_226 = tpu.memref_slice %arg8[%dma_wait3A_224, %dma_wait3A_225] : memref<200x64xf32, #tpu.memory_space<vmem>> -> memref<72x64xf32, #tpu.memory_space<vmem>>
      %dma_wait3A_227 = arith.constant 128 : i32
      %dma_wait3A_228 = tpu.memref_slice %arg5[%add3A_205, %dma_wait3A_227] : memref<128x200xi32, #tpu.memory_space<vmem>> -> memref<1x72xi32, #tpu.memory_space<vmem>>
      %dma_wait3A_229 = tpu.memref_squeeze %dma_wait3A_228 : memref<1x72xi32, #tpu.memory_space<vmem>> -> memref<72xi32, #tpu.memory_space<vmem>>
      %dma_wait3A_230 = arith.constant 0 : i32
      %dma_wait3A_231 = arith.constant 0 : i32
      %dma_wait3A_232 = tpu.memref_slice %arg3[%dma_wait3A_230, %dma_wait3A_231] : memref<1000000x64xf32, #tpu.memory_space<hbm>> -> memref<1000000x64xf32, #tpu.memory_space<hbm>>
      tpu.wait_indirect_dma semaphore(%arg14 : memref<!tpu.dma_semaphore, #tpu.memory_space<semaphore_mem>>) src(%dma_wait3A_232 : memref<1000000x64xf32, #tpu.memory_space<hbm>>) dst(%dma_wait3A_226 : memref<72x64xf32, #tpu.memory_space<vmem>>)
      %broadcast_in_dim3A_233 = arith.constant 0.000000e+00 : f32
      %broadcast_in_dim3A_234 = vector.broadcast %broadcast_in_dim3A_233 : f32 to vector<16xf32>
      %broadcast_in_dim3A_235 = arith.constant 0.000000e+00 : f32
      %broadcast_in_dim3A_236 = vector.broadcast %broadcast_in_dim3A_235 : f32 to vector<16xf32>
      %broadcast_in_dim3A_237 = arith.constant 0.000000e+00 : f32
      %broadcast_in_dim3A_238 = vector.broadcast %broadcast_in_dim3A_237 : f32 to vector<16xf32>
      %broadcast_in_dim3A_239 = arith.constant 0.000000e+00 : f32
      %broadcast_in_dim3A_240 = vector.broadcast %broadcast_in_dim3A_239 : f32 to vector<16xf32>
      %scan3A_241 = arith.constant 0 : i32
      %scan3A_242 = arith.constant 25 : i32
      %scan3A_243 = arith.addi %scan3A_241, %scan3A_242 : i32
      %scan3A_244 = arith.constant 1 : i32
      %scan3A_245:4 = scf.for %scan3A_332 = %scan3A_241 to %scan3A_243 step %scan3A_244 iter_args(%scan3A_333 = %broadcast_in_dim3A_234, %scan3A_334 = %broadcast_in_dim3A_236, %scan3A_335 = %broadcast_in_dim3A_238, %scan3A_336 = %broadcast_in_dim3A_240) -> (vector<16xf32>, vector<16xf32>, vector<16xf32>, vector<16xf32>)  : i32 {
        %mul3A_337 = arith.constant 8 : i32
        %mul3A_338 = arith.muli %scan3A_332, %mul3A_337 : i32
        %add3A_339 = arith.constant 0 : i32
        %add3A_340 = arith.addi %mul3A_338, %add3A_339 : i32
        %get3A = arith.index_cast %add3A_340 : i32 to index
        %get3A_341 = arith.constant 0 : index
        %get3A_342 = tpu.vector_load %arg8[%get3A, %get3A_341] {strides = array<i32>} : memref<200x64xf32, #tpu.memory_space<vmem>>, vector<1x16xf32>,
        %get3A_343 = vector.shape_cast %get3A_342 : vector<1x16xf32> to vector<16xf32>
        %add3A_344 = arith.addf %scan3A_333, %get3A_343 : vector<16xf32>
        %get3A_345 = arith.index_cast %add3A_340 : i32 to index
        %get3A_346 = arith.constant 16 : index
        %get3A_347 = tpu.vector_load %arg8[%get3A_345, %get3A_346] {strides = array<i32>} : memref<200x64xf32, #tpu.memory_space<vmem>>, vector<1x16xf32>,
        %get3A_348 = vector.shape_cast %get3A_347 : vector<1x16xf32> to vector<16xf32>
        %add3A_349 = arith.addf %scan3A_334, %get3A_348 : vector<16xf32>
        %get3A_350 = arith.index_cast %add3A_340 : i32 to index
        %get3A_351 = arith.constant 32 : index
        %get3A_352 = tpu.vector_load %arg8[%get3A_350, %get3A_351] {strides = array<i32>} : memref<200x64xf32, #tpu.memory_space<vmem>>, vector<1x16xf32>,
        %get3A_353 = vector.shape_cast %get3A_352 : vector<1x16xf32> to vector<16xf32>
        %add3A_354 = arith.addf %scan3A_335, %get3A_353 : vector<16xf32>
        %get3A_355 = arith.index_cast %add3A_340 : i32 to index
        %get3A_356 = arith.constant 48 : index
        %get3A_357 = tpu.vector_load %arg8[%get3A_355, %get3A_356] {strides = array<i32>} : memref<200x64xf32, #tpu.memory_space<vmem>>, vector<1x16xf32>,
        %get3A_358 = vector.shape_cast %get3A_357 : vector<1x16xf32> to vector<16xf32>
        %add3A_359 = arith.addf %scan3A_336, %get3A_358 : vector<16xf32>
        %mul3A_360 = arith.constant 8 : i32
        %mul3A_361 = arith.muli %scan3A_332, %mul3A_360 : i32
        %add3A_362 = arith.constant 1 : i32
        %add3A_363 = arith.addi %mul3A_361, %add3A_362 : i32
        %get3A_364 = arith.index_cast %add3A_363 : i32 to index
        %get3A_365 = arith.constant 0 : index
        %get3A_366 = tpu.vector_load %arg8[%get3A_364, %get3A_365] {strides = array<i32>} : memref<200x64xf32, #tpu.memory_space<vmem>>, vector<1x16xf32>,
        %get3A_367 = vector.shape_cast %get3A_366 : vector<1x16xf32> to vector<16xf32>
        %add3A_368 = arith.addf %add3A_344, %get3A_367 : vector<16xf32>
        %get3A_369 = arith.index_cast %add3A_363 : i32 to index
        %get3A_370 = arith.constant 16 : index
        %get3A_371 = tpu.vector_load %arg8[%get3A_369, %get3A_370] {strides = array<i32>} : memref<200x64xf32, #tpu.memory_space<vmem>>, vector<1x16xf32>,
        %get3A_372 = vector.shape_cast %get3A_371 : vector<1x16xf32> to vector<16xf32>
        %add3A_373 = arith.addf %add3A_349, %get3A_372 : vector<16xf32>
        %get3A_374 = arith.index_cast %add3A_363 : i32 to index
        %get3A_375 = arith.constant 32 : index
        %get3A_376 = tpu.vector_load %arg8[%get3A_374, %get3A_375] {strides = array<i32>} : memref<200x64xf32, #tpu.memory_space<vmem>>, vector<1x16xf32>,
        %get3A_377 = vector.shape_cast %get3A_376 : vector<1x16xf32> to vector<16xf32>
        %add3A_378 = arith.addf %add3A_354, %get3A_377 : vector<16xf32>
        %get3A_379 = arith.index_cast %add3A_363 : i32 to index
        %get3A_380 = arith.constant 48 : index
        %get3A_381 = tpu.vector_load %arg8[%get3A_379, %get3A_380] {strides = array<i32>} : memref<200x64xf32, #tpu.memory_space<vmem>>, vector<1x16xf32>,
        %get3A_382 = vector.shape_cast %get3A_381 : vector<1x16xf32> to vector<16xf32>
        %add3A_383 = arith.addf %add3A_359, %get3A_382 : vector<16xf32>
        %mul3A_384 = arith.constant 8 : i32
        %mul3A_385 = arith.muli %scan3A_332, %mul3A_384 : i32
        %add3A_386 = arith.constant 2 : i32
        %add3A_387 = arith.addi %mul3A_385, %add3A_386 : i32
        %get3A_388 = arith.index_cast %add3A_387 : i32 to index
        %get3A_389 = arith.constant 0 : index
        %get3A_390 = tpu.vector_load %arg8[%get3A_388, %get3A_389] {strides = array<i32>} : memref<200x64xf32, #tpu.memory_space<vmem>>, vector<1x16xf32>,
        %get3A_391 = vector.shape_cast %get3A_390 : vector<1x16xf32> to vector<16xf32>
        %add3A_392 = arith.addf %add3A_368, %get3A_391 : vector<16xf32>
        %get3A_393 = arith.index_cast %add3A_387 : i32 to index
        %get3A_394 = arith.constant 16 : index
        %get3A_395 = tpu.vector_load %arg8[%get3A_393, %get3A_394] {strides = array<i32>} : memref<200x64xf32, #tpu.memory_space<vmem>>, vector<1x16xf32>,
        %get3A_396 = vector.shape_cast %get3A_395 : vector<1x16xf32> to vector<16xf32>
        %add3A_397 = arith.addf %add3A_373, %get3A_396 : vector<16xf32>
        %get3A_398 = arith.index_cast %add3A_387 : i32 to index
        %get3A_399 = arith.constant 32 : index
        %get3A_400 = tpu.vector_load %arg8[%get3A_398, %get3A_399] {strides = array<i32>} : memref<200x64xf32, #tpu.memory_space<vmem>>, vector<1x16xf32>,
        %get3A_401 = vector.shape_cast %get3A_400 : vector<1x16xf32> to vector<16xf32>
        %add3A_402 = arith.addf %add3A_378, %get3A_401 : vector<16xf32>
        %get3A_403 = arith.index_cast %add3A_387 : i32 to index
        %get3A_404 = arith.constant 48 : index
        %get3A_405 = tpu.vector_load %arg8[%get3A_403, %get3A_404] {strides = array<i32>} : memref<200x64xf32, #tpu.memory_space<vmem>>, vector<1x16xf32>,
        %get3A_406 = vector.shape_cast %get3A_405 : vector<1x16xf32> to vector<16xf32>
        %add3A_407 = arith.addf %add3A_383, %get3A_406 : vector<16xf32>
        %mul3A_408 = arith.constant 8 : i32
        %mul3A_409 = arith.muli %scan3A_332, %mul3A_408 : i32
        %add3A_410 = arith.constant 3 : i32
        %add3A_411 = arith.addi %mul3A_409, %add3A_410 : i32
        %get3A_412 = arith.index_cast %add3A_411 : i32 to index
        %get3A_413 = arith.constant 0 : index
        %get3A_414 = tpu.vector_load %arg8[%get3A_412, %get3A_413] {strides = array<i32>} : memref<200x64xf32, #tpu.memory_space<vmem>>, vector<1x16xf32>,
        %get3A_415 = vector.shape_cast %get3A_414 : vector<1x16xf32> to vector<16xf32>
        %add3A_416 = arith.addf %add3A_392, %get3A_415 : vector<16xf32>
        %get3A_417 = arith.index_cast %add3A_411 : i32 to index
        %get3A_418 = arith.constant 16 : index
        %get3A_419 = tpu.vector_load %arg8[%get3A_417, %get3A_418] {strides = array<i32>} : memref<200x64xf32, #tpu.memory_space<vmem>>, vector<1x16xf32>,
        %get3A_420 = vector.shape_cast %get3A_419 : vector<1x16xf32> to vector<16xf32>
        %add3A_421 = arith.addf %add3A_397, %get3A_420 : vector<16xf32>
        %get3A_422 = arith.index_cast %add3A_411 : i32 to index
        %get3A_423 = arith.constant 32 : index
        %get3A_424 = tpu.vector_load %arg8[%get3A_422, %get3A_423] {strides = array<i32>} : memref<200x64xf32, #tpu.memory_space<vmem>>, vector<1x16xf32>,
        %get3A_425 = vector.shape_cast %get3A_424 : vector<1x16xf32> to vector<16xf32>
        %add3A_426 = arith.addf %add3A_402, %get3A_425 : vector<16xf32>
        %get3A_427 = arith.index_cast %add3A_411 : i32 to index
        %get3A_428 = arith.constant 48 : index
        %get3A_429 = tpu.vector_load %arg8[%get3A_427, %get3A_428] {strides = array<i32>} : memref<200x64xf32, #tpu.memory_space<vmem>>, vector<1x16xf32>,
        %get3A_430 = vector.shape_cast %get3A_429 : vector<1x16xf32> to vector<16xf32>
        %add3A_431 = arith.addf %add3A_407, %get3A_430 : vector<16xf32>
        %mul3A_432 = arith.constant 8 : i32
        %mul3A_433 = arith.muli %scan3A_332, %mul3A_432 : i32
        %add3A_434 = arith.constant 4 : i32
        %add3A_435 = arith.addi %mul3A_433, %add3A_434 : i32
        %get3A_436 = arith.index_cast %add3A_435 : i32 to index
        %get3A_437 = arith.constant 0 : index
        %get3A_438 = tpu.vector_load %arg8[%get3A_436, %get3A_437] {strides = array<i32>} : memref<200x64xf32, #tpu.memory_space<vmem>>, vector<1x16xf32>,
        %get3A_439 = vector.shape_cast %get3A_438 : vector<1x16xf32> to vector<16xf32>
        %add3A_440 = arith.addf %add3A_416, %get3A_439 : vector<16xf32>
        %get3A_441 = arith.index_cast %add3A_435 : i32 to index
        %get3A_442 = arith.constant 16 : index
        %get3A_443 = tpu.vector_load %arg8[%get3A_441, %get3A_442] {strides = array<i32>} : memref<200x64xf32, #tpu.memory_space<vmem>>, vector<1x16xf32>,
        %get3A_444 = vector.shape_cast %get3A_443 : vector<1x16xf32> to vector<16xf32>
        %add3A_445 = arith.addf %add3A_421, %get3A_444 : vector<16xf32>
        %get3A_446 = arith.index_cast %add3A_435 : i32 to index
        %get3A_447 = arith.constant 32 : index
        %get3A_448 = tpu.vector_load %arg8[%get3A_446, %get3A_447] {strides = array<i32>} : memref<200x64xf32, #tpu.memory_space<vmem>>, vector<1x16xf32>,
        %get3A_449 = vector.shape_cast %get3A_448 : vector<1x16xf32> to vector<16xf32>
        %add3A_450 = arith.addf %add3A_426, %get3A_449 : vector<16xf32>
        %get3A_451 = arith.index_cast %add3A_435 : i32 to index
        %get3A_452 = arith.constant 48 : index
        %get3A_453 = tpu.vector_load %arg8[%get3A_451, %get3A_452] {strides = array<i32>} : memref<200x64xf32, #tpu.memory_space<vmem>>, vector<1x16xf32>,
        %get3A_454 = vector.shape_cast %get3A_453 : vector<1x16xf32> to vector<16xf32>
        %add3A_455 = arith.addf %add3A_431, %get3A_454 : vector<16xf32>
        %mul3A_456 = arith.constant 8 : i32
        %mul3A_457 = arith.muli %scan3A_332, %mul3A_456 : i32
        %add3A_458 = arith.constant 5 : i32
        %add3A_459 = arith.addi %mul3A_457, %add3A_458 : i32
        %get3A_460 = arith.index_cast %add3A_459 : i32 to index
        %get3A_461 = arith.constant 0 : index
        %get3A_462 = tpu.vector_load %arg8[%get3A_460, %get3A_461] {strides = array<i32>} : memref<200x64xf32, #tpu.memory_space<vmem>>, vector<1x16xf32>,
        %get3A_463 = vector.shape_cast %get3A_462 : vector<1x16xf32> to vector<16xf32>
        %add3A_464 = arith.addf %add3A_440, %get3A_463 : vector<16xf32>
        %get3A_465 = arith.index_cast %add3A_459 : i32 to index
        %get3A_466 = arith.constant 16 : index
        %get3A_467 = tpu.vector_load %arg8[%get3A_465, %get3A_466] {strides = array<i32>} : memref<200x64xf32, #tpu.memory_space<vmem>>, vector<1x16xf32>,
        %get3A_468 = vector.shape_cast %get3A_467 : vector<1x16xf32> to vector<16xf32>
        %add3A_469 = arith.addf %add3A_445, %get3A_468 : vector<16xf32>
        %get3A_470 = arith.index_cast %add3A_459 : i32 to index
        %get3A_471 = arith.constant 32 : index
        %get3A_472 = tpu.vector_load %arg8[%get3A_470, %get3A_471] {strides = array<i32>} : memref<200x64xf32, #tpu.memory_space<vmem>>, vector<1x16xf32>,
        %get3A_473 = vector.shape_cast %get3A_472 : vector<1x16xf32> to vector<16xf32>
        %add3A_474 = arith.addf %add3A_450, %get3A_473 : vector<16xf32>
        %get3A_475 = arith.index_cast %add3A_459 : i32 to index
        %get3A_476 = arith.constant 48 : index
        %get3A_477 = tpu.vector_load %arg8[%get3A_475, %get3A_476] {strides = array<i32>} : memref<200x64xf32, #tpu.memory_space<vmem>>, vector<1x16xf32>,
        %get3A_478 = vector.shape_cast %get3A_477 : vector<1x16xf32> to vector<16xf32>
        %add3A_479 = arith.addf %add3A_455, %get3A_478 : vector<16xf32>
        %mul3A_480 = arith.constant 8 : i32
        %mul3A_481 = arith.muli %scan3A_332, %mul3A_480 : i32
        %add3A_482 = arith.constant 6 : i32
        %add3A_483 = arith.addi %mul3A_481, %add3A_482 : i32
        %get3A_484 = arith.index_cast %add3A_483 : i32 to index
        %get3A_485 = arith.constant 0 : index
        %get3A_486 = tpu.vector_load %arg8[%get3A_484, %get3A_485] {strides = array<i32>} : memref<200x64xf32, #tpu.memory_space<vmem>>, vector<1x16xf32>,
        %get3A_487 = vector.shape_cast %get3A_486 : vector<1x16xf32> to vector<16xf32>
        %add3A_488 = arith.addf %add3A_464, %get3A_487 : vector<16xf32>
        %get3A_489 = arith.index_cast %add3A_483 : i32 to index
        %get3A_490 = arith.constant 16 : index
        %get3A_491 = tpu.vector_load %arg8[%get3A_489, %get3A_490] {strides = array<i32>} : memref<200x64xf32, #tpu.memory_space<vmem>>, vector<1x16xf32>,
        %get3A_492 = vector.shape_cast %get3A_491 : vector<1x16xf32> to vector<16xf32>
        %add3A_493 = arith.addf %add3A_469, %get3A_492 : vector<16xf32>
        %get3A_494 = arith.index_cast %add3A_483 : i32 to index
        %get3A_495 = arith.constant 32 : index
        %get3A_496 = tpu.vector_load %arg8[%get3A_494, %get3A_495] {strides = array<i32>} : memref<200x64xf32, #tpu.memory_space<vmem>>, vector<1x16xf32>,
        %get3A_497 = vector.shape_cast %get3A_496 : vector<1x16xf32> to vector<16xf32>
        %add3A_498 = arith.addf %add3A_474, %get3A_497 : vector<16xf32>
        %get3A_499 = arith.index_cast %add3A_483 : i32 to index
        %get3A_500 = arith.constant 48 : index
        %get3A_501 = tpu.vector_load %arg8[%get3A_499, %get3A_500] {strides = array<i32>} : memref<200x64xf32, #tpu.memory_space<vmem>>, vector<1x16xf32>,
        %get3A_502 = vector.shape_cast %get3A_501 : vector<1x16xf32> to vector<16xf32>
        %add3A_503 = arith.addf %add3A_479, %get3A_502 : vector<16xf32>
        %mul3A_504 = arith.constant 8 : i32
        %mul3A_505 = arith.muli %scan3A_332, %mul3A_504 : i32
        %add3A_506 = arith.constant 7 : i32
        %add3A_507 = arith.addi %mul3A_505, %add3A_506 : i32
        %get3A_508 = arith.index_cast %add3A_507 : i32 to index
        %get3A_509 = arith.constant 0 : index
        %get3A_510 = tpu.vector_load %arg8[%get3A_508, %get3A_509] {strides = array<i32>} : memref<200x64xf32, #tpu.memory_space<vmem>>, vector<1x16xf32>,
        %get3A_511 = vector.shape_cast %get3A_510 : vector<1x16xf32> to vector<16xf32>
        %add3A_512 = arith.addf %add3A_488, %get3A_511 : vector<16xf32>
        %get3A_513 = arith.index_cast %add3A_507 : i32 to index
        %get3A_514 = arith.constant 16 : index
        %get3A_515 = tpu.vector_load %arg8[%get3A_513, %get3A_514] {strides = array<i32>} : memref<200x64xf32, #tpu.memory_space<vmem>>, vector<1x16xf32>,
        %get3A_516 = vector.shape_cast %get3A_515 : vector<1x16xf32> to vector<16xf32>
        %add3A_517 = arith.addf %add3A_493, %get3A_516 : vector<16xf32>
        %get3A_518 = arith.index_cast %add3A_507 : i32 to index
        %get3A_519 = arith.constant 32 : index
        %get3A_520 = tpu.vector_load %arg8[%get3A_518, %get3A_519] {strides = array<i32>} : memref<200x64xf32, #tpu.memory_space<vmem>>, vector<1x16xf32>,
        %get3A_521 = vector.shape_cast %get3A_520 : vector<1x16xf32> to vector<16xf32>
        %add3A_522 = arith.addf %add3A_498, %get3A_521 : vector<16xf32>
        %get3A_523 = arith.index_cast %add3A_507 : i32 to index
        %get3A_524 = arith.constant 48 : index
        %get3A_525 = tpu.vector_load %arg8[%get3A_523, %get3A_524] {strides = array<i32>} : memref<200x64xf32, #tpu.memory_space<vmem>>, vector<1x16xf32>,
        %get3A_526 = vector.shape_cast %get3A_525 : vector<1x16xf32> to vector<16xf32>
        %add3A_527 = arith.addf %add3A_503, %get3A_526 : vector<16xf32>
        scf.yield %add3A_512, %add3A_517, %add3A_522, %add3A_527 : vector<16xf32>, vector<16xf32>, vector<16xf32>, vector<16xf32>
      }
      %scan3A_246 = arith.constant 25 : i32
      %swap3A_247 = arith.index_cast %add3A_205 : i32 to index
      %swap3A_248 = arith.constant 0 : index
      %swap3A_249 = tpu.vector_load %arg10[%swap3A_247, %swap3A_248] {strides = array<i32>} : memref<128x64xf32, #tpu.memory_space<vmem>>, vector<1x16xf32>,
      %swap3A_250 = vector.shape_cast %swap3A_249 : vector<1x16xf32> to vector<16xf32>
      %swap3A_251 = vector.shape_cast %scan3A_245#0 : vector<16xf32> to vector<1x16xf32>
      tpu.vector_store %arg10[%swap3A_247, %swap3A_248], %swap3A_251 {strides = array<i32>} : memref<128x64xf32, #tpu.memory_space<vmem>>, vector<1x16xf32>,
      %swap3A_252 = arith.index_cast %add3A_205 : i32 to index
      %swap3A_253 = arith.constant 16 : index
      %swap3A_254 = tpu.vector_load %arg10[%swap3A_252, %swap3A_253] {strides = array<i32>} : memref<128x64xf32, #tpu.memory_space<vmem>>, vector<1x16xf32>,
      %swap3A_255 = vector.shape_cast %swap3A_254 : vector<1x16xf32> to vector<16xf32>
      %swap3A_256 = vector.shape_cast %scan3A_245#1 : vector<16xf32> to vector<1x16xf32>
      tpu.vector_store %arg10[%swap3A_252, %swap3A_253], %swap3A_256 {strides = array<i32>} : memref<128x64xf32, #tpu.memory_space<vmem>>, vector<1x16xf32>,
      %swap3A_257 = arith.index_cast %add3A_205 : i32 to index
      %swap3A_258 = arith.constant 32 : index
      %swap3A_259 = tpu.vector_load %arg10[%swap3A_257, %swap3A_258] {strides = array<i32>} : memref<128x64xf32, #tpu.memory_space<vmem>>, vector<1x16xf32>,
      %swap3A_260 = vector.shape_cast %swap3A_259 : vector<1x16xf32> to vector<16xf32>
      %swap3A_261 = vector.shape_cast %scan3A_245#2 : vector<16xf32> to vector<1x16xf32>
      tpu.vector_store %arg10[%swap3A_257, %swap3A_258], %swap3A_261 {strides = array<i32>} : memref<128x64xf32, #tpu.memory_space<vmem>>, vector<1x16xf32>,
      %swap3A_262 = arith.index_cast %add3A_205 : i32 to index
      %swap3A_263 = arith.constant 48 : index
      %swap3A_264 = tpu.vector_load %arg10[%swap3A_262, %swap3A_263] {strides = array<i32>} : memref<128x64xf32, #tpu.memory_space<vmem>>, vector<1x16xf32>,
      %swap3A_265 = vector.shape_cast %swap3A_264 : vector<1x16xf32> to vector<16xf32>
      %swap3A_266 = vector.shape_cast %scan3A_245#3 : vector<16xf32> to vector<1x16xf32>
      tpu.vector_store %arg10[%swap3A_262, %swap3A_263], %swap3A_266 {strides = array<i32>} : memref<128x64xf32, #tpu.memory_space<vmem>>, vector<1x16xf32>,
      %mul3A_267 = arith.constant 4 : i32
      %mul3A_268 = arith.muli %mul3A_267, %add3A_77 : i32
      %add3A_269 = arith.constant 3 : i32
      %add3A_270 = arith.addi %mul3A_268, %add3A_269 : i32
      %add3A_271 = arith.constant 4 : i32
      %add3A_272 = arith.addi %add3A_270, %add3A_271 : i32
      %sub3A_273 = arith.constant 1 : i32
      %sub3A_274 = arith.subi %add3A_272, %sub3A_273 : i32
      %lt3A_275 = arith.constant 128 : i32
      %lt3A_276 = arith.cmpi slt, %sub3A_274, %lt3A_275 : i32
      %convert_element_type3A_277 = arith.extui %lt3A_276 : i1 to i32
      %cond3A_278 = arith.constant 0 : i32
      %cond3A_279 = arith.cmpi ne, %convert_element_type3A_277, %cond3A_278 : i32
      scf.if %cond3A_279 {
        %dma_start3A_332 = arith.constant 0 : i32
        %dma_start3A_333 = arith.constant 0 : i32
        %dma_start3A_334 = tpu.memref_slice %arg8[%dma_start3A_332, %dma_start3A_333] : memref<200x64xf32, #tpu.memory_space<vmem>> -> memref<128x64xf32, #tpu.memory_space<vmem>>
        %dma_start3A_335 = arith.constant 0 : i32
        %dma_start3A_336 = tpu.memref_slice %arg5[%sub3A_274, %dma_start3A_335] : memref<128x200xi32, #tpu.memory_space<vmem>> -> memref<1x128xi32, #tpu.memory_space<vmem>>
        %dma_start3A_337 = tpu.memref_squeeze %dma_start3A_336 : memref<1x128xi32, #tpu.memory_space<vmem>> -> memref<128xi32, #tpu.memory_space<vmem>>
        %dma_start3A_338 = arith.constant 0 : i32
        %dma_start3A_339 = arith.constant 0 : i32
        %dma_start3A_340 = tpu.memref_slice %arg3[%dma_start3A_338, %dma_start3A_339] : memref<1000000x64xf32, #tpu.memory_space<hbm>> -> memref<1000000x64xf32, #tpu.memory_space<hbm>>
        tpu.enqueue_indirect_dma source(%dma_start3A_340 : memref<1000000x64xf32, #tpu.memory_space<hbm>>) target(%dma_start3A_334 : memref<128x64xf32, #tpu.memory_space<vmem>>) offsets(%dma_start3A_337 : memref<128xi32, #tpu.memory_space<vmem>>) semaphore(%arg14 : memref<!tpu.dma_semaphore, #tpu.memory_space<semaphore_mem>>)
        %dma_start3A_341 = arith.constant 128 : i32
        %dma_start3A_342 = arith.constant 0 : i32
        %dma_start3A_343 = tpu.memref_slice %arg8[%dma_start3A_341, %dma_start3A_342] : memref<200x64xf32, #tpu.memory_space<vmem>> -> memref<72x64xf32, #tpu.memory_space<vmem>>
        %dma_start3A_344 = arith.constant 128 : i32
        %dma_start3A_345 = tpu.memref_slice %arg5[%sub3A_274, %dma_start3A_344] : memref<128x200xi32, #tpu.memory_space<vmem>> -> memref<1x72xi32, #tpu.memory_space<vmem>>
        %dma_start3A_346 = tpu.memref_squeeze %dma_start3A_345 : memref<1x72xi32, #tpu.memory_space<vmem>> -> memref<72xi32, #tpu.memory_space<vmem>>
        %dma_start3A_347 = arith.constant 0 : i32
        %dma_start3A_348 = arith.constant 0 : i32
        %dma_start3A_349 = tpu.memref_slice %arg3[%dma_start3A_347, %dma_start3A_348] : memref<1000000x64xf32, #tpu.memory_space<hbm>> -> memref<1000000x64xf32, #tpu.memory_space<hbm>>
        tpu.enqueue_indirect_dma source(%dma_start3A_349 : memref<1000000x64xf32, #tpu.memory_space<hbm>>) target(%dma_start3A_343 : memref<72x64xf32, #tpu.memory_space<vmem>>) offsets(%dma_start3A_346 : memref<72xi32, #tpu.memory_space<vmem>>) semaphore(%arg14 : memref<!tpu.dma_semaphore, #tpu.memory_space<semaphore_mem>>)
      } else {
      }
      %dma_wait3A_280 = arith.constant 0 : i32
      %dma_wait3A_281 = arith.constant 0 : i32
      %dma_wait3A_282 = tpu.memref_slice %arg9[%dma_wait3A_280, %dma_wait3A_281] : memref<200x64xf32, #tpu.memory_space<vmem>> -> memref<128x64xf32, #tpu.memory_space<vmem>>
      %dma_wait3A_283 = arith.constant 0 : i32
      %dma_wait3A_284 = tpu.memref_slice %arg5[%add3A_270, %dma_wait3A_283] : memref<128x200xi32, #tpu.memory_space<vmem>> -> memref<1x128xi32, #tpu.memory_space<vmem>>
      %dma_wait3A_285 = tpu.memref_squeeze %dma_wait3A_284 : memref<1x128xi32, #tpu.memory_space<vmem>> -> memref<128xi32, #tpu.memory_space<vmem>>
      %dma_wait3A_286 = arith.constant 0 : i32
      %dma_wait3A_287 = arith.constant 0 : i32
      %dma_wait3A_288 = tpu.memref_slice %arg3[%dma_wait3A_286, %dma_wait3A_287] : memref<1000000x64xf32, #tpu.memory_space<hbm>> -> memref<1000000x64xf32, #tpu.memory_space<hbm>>
      tpu.wait_indirect_dma semaphore(%arg15 : memref<!tpu.dma_semaphore, #tpu.memory_space<semaphore_mem>>) src(%dma_wait3A_288 : memref<1000000x64xf32, #tpu.memory_space<hbm>>) dst(%dma_wait3A_282 : memref<128x64xf32, #tpu.memory_space<vmem>>)
      %dma_wait3A_289 = arith.constant 128 : i32
      %dma_wait3A_290 = arith.constant 0 : i32
      %dma_wait3A_291 = tpu.memref_slice %arg9[%dma_wait3A_289, %dma_wait3A_290] : memref<200x64xf32, #tpu.memory_space<vmem>> -> memref<72x64xf32, #tpu.memory_space<vmem>>
      %dma_wait3A_292 = arith.constant 128 : i32
      %dma_wait3A_293 = tpu.memref_slice %arg5[%add3A_270, %dma_wait3A_292] : memref<128x200xi32, #tpu.memory_space<vmem>> -> memref<1x72xi32, #tpu.memory_space<vmem>>
      %dma_wait3A_294 = tpu.memref_squeeze %dma_wait3A_293 : memref<1x72xi32, #tpu.memory_space<vmem>> -> memref<72xi32, #tpu.memory_space<vmem>>
      %dma_wait3A_295 = arith.constant 0 : i32
      %dma_wait3A_296 = arith.constant 0 : i32
      %dma_wait3A_297 = tpu.memref_slice %arg3[%dma_wait3A_295, %dma_wait3A_296] : memref<1000000x64xf32, #tpu.memory_space<hbm>> -> memref<1000000x64xf32, #tpu.memory_space<hbm>>
      tpu.wait_indirect_dma semaphore(%arg15 : memref<!tpu.dma_semaphore, #tpu.memory_space<semaphore_mem>>) src(%dma_wait3A_297 : memref<1000000x64xf32, #tpu.memory_space<hbm>>) dst(%dma_wait3A_291 : memref<72x64xf32, #tpu.memory_space<vmem>>)
      %broadcast_in_dim3A_298 = arith.constant 0.000000e+00 : f32
      %broadcast_in_dim3A_299 = vector.broadcast %broadcast_in_dim3A_298 : f32 to vector<16xf32>
      %broadcast_in_dim3A_300 = arith.constant 0.000000e+00 : f32
      %broadcast_in_dim3A_301 = vector.broadcast %broadcast_in_dim3A_300 : f32 to vector<16xf32>
      %broadcast_in_dim3A_302 = arith.constant 0.000000e+00 : f32
      %broadcast_in_dim3A_303 = vector.broadcast %broadcast_in_dim3A_302 : f32 to vector<16xf32>
      %broadcast_in_dim3A_304 = arith.constant 0.000000e+00 : f32
      %broadcast_in_dim3A_305 = vector.broadcast %broadcast_in_dim3A_304 : f32 to vector<16xf32>
      %scan3A_306 = arith.constant 0 : i32
      %scan3A_307 = arith.constant 25 : i32
      %scan3A_308 = arith.addi %scan3A_306, %scan3A_307 : i32
      %scan3A_309 = arith.constant 1 : i32
      %scan3A_310:4 = scf.for %scan3A_332 = %scan3A_306 to %scan3A_308 step %scan3A_309 iter_args(%scan3A_333 = %broadcast_in_dim3A_299, %scan3A_334 = %broadcast_in_dim3A_301, %scan3A_335 = %broadcast_in_dim3A_303, %scan3A_336 = %broadcast_in_dim3A_305) -> (vector<16xf32>, vector<16xf32>, vector<16xf32>, vector<16xf32>)  : i32 {
        %mul3A_337 = arith.constant 8 : i32
        %mul3A_338 = arith.muli %scan3A_332, %mul3A_337 : i32
        %add3A_339 = arith.constant 0 : i32
        %add3A_340 = arith.addi %mul3A_338, %add3A_339 : i32
        %get3A = arith.index_cast %add3A_340 : i32 to index
        %get3A_341 = arith.constant 0 : index
        %get3A_342 = tpu.vector_load %arg9[%get3A, %get3A_341] {strides = array<i32>} : memref<200x64xf32, #tpu.memory_space<vmem>>, vector<1x16xf32>,
        %get3A_343 = vector.shape_cast %get3A_342 : vector<1x16xf32> to vector<16xf32>
        %add3A_344 = arith.addf %scan3A_333, %get3A_343 : vector<16xf32>
        %get3A_345 = arith.index_cast %add3A_340 : i32 to index
        %get3A_346 = arith.constant 16 : index
        %get3A_347 = tpu.vector_load %arg9[%get3A_345, %get3A_346] {strides = array<i32>} : memref<200x64xf32, #tpu.memory_space<vmem>>, vector<1x16xf32>,
        %get3A_348 = vector.shape_cast %get3A_347 : vector<1x16xf32> to vector<16xf32>
        %add3A_349 = arith.addf %scan3A_334, %get3A_348 : vector<16xf32>
        %get3A_350 = arith.index_cast %add3A_340 : i32 to index
        %get3A_351 = arith.constant 32 : index
        %get3A_352 = tpu.vector_load %arg9[%get3A_350, %get3A_351] {strides = array<i32>} : memref<200x64xf32, #tpu.memory_space<vmem>>, vector<1x16xf32>,
        %get3A_353 = vector.shape_cast %get3A_352 : vector<1x16xf32> to vector<16xf32>
        %add3A_354 = arith.addf %scan3A_335, %get3A_353 : vector<16xf32>
        %get3A_355 = arith.index_cast %add3A_340 : i32 to index
        %get3A_356 = arith.constant 48 : index
        %get3A_357 = tpu.vector_load %arg9[%get3A_355, %get3A_356] {strides = array<i32>} : memref<200x64xf32, #tpu.memory_space<vmem>>, vector<1x16xf32>,
        %get3A_358 = vector.shape_cast %get3A_357 : vector<1x16xf32> to vector<16xf32>
        %add3A_359 = arith.addf %scan3A_336, %get3A_358 : vector<16xf32>
        %mul3A_360 = arith.constant 8 : i32
        %mul3A_361 = arith.muli %scan3A_332, %mul3A_360 : i32
        %add3A_362 = arith.constant 1 : i32
        %add3A_363 = arith.addi %mul3A_361, %add3A_362 : i32
        %get3A_364 = arith.index_cast %add3A_363 : i32 to index
        %get3A_365 = arith.constant 0 : index
        %get3A_366 = tpu.vector_load %arg9[%get3A_364, %get3A_365] {strides = array<i32>} : memref<200x64xf32, #tpu.memory_space<vmem>>, vector<1x16xf32>,
        %get3A_367 = vector.shape_cast %get3A_366 : vector<1x16xf32> to vector<16xf32>
        %add3A_368 = arith.addf %add3A_344, %get3A_367 : vector<16xf32>
        %get3A_369 = arith.index_cast %add3A_363 : i32 to index
        %get3A_370 = arith.constant 16 : index
        %get3A_371 = tpu.vector_load %arg9[%get3A_369, %get3A_370] {strides = array<i32>} : memref<200x64xf32, #tpu.memory_space<vmem>>, vector<1x16xf32>,
        %get3A_372 = vector.shape_cast %get3A_371 : vector<1x16xf32> to vector<16xf32>
        %add3A_373 = arith.addf %add3A_349, %get3A_372 : vector<16xf32>
        %get3A_374 = arith.index_cast %add3A_363 : i32 to index
        %get3A_375 = arith.constant 32 : index
        %get3A_376 = tpu.vector_load %arg9[%get3A_374, %get3A_375] {strides = array<i32>} : memref<200x64xf32, #tpu.memory_space<vmem>>, vector<1x16xf32>,
        %get3A_377 = vector.shape_cast %get3A_376 : vector<1x16xf32> to vector<16xf32>
        %add3A_378 = arith.addf %add3A_354, %get3A_377 : vector<16xf32>
        %get3A_379 = arith.index_cast %add3A_363 : i32 to index
        %get3A_380 = arith.constant 48 : index
        %get3A_381 = tpu.vector_load %arg9[%get3A_379, %get3A_380] {strides = array<i32>} : memref<200x64xf32, #tpu.memory_space<vmem>>, vector<1x16xf32>,
        %get3A_382 = vector.shape_cast %get3A_381 : vector<1x16xf32> to vector<16xf32>
        %add3A_383 = arith.addf %add3A_359, %get3A_382 : vector<16xf32>
        %mul3A_384 = arith.constant 8 : i32
        %mul3A_385 = arith.muli %scan3A_332, %mul3A_384 : i32
        %add3A_386 = arith.constant 2 : i32
        %add3A_387 = arith.addi %mul3A_385, %add3A_386 : i32
        %get3A_388 = arith.index_cast %add3A_387 : i32 to index
        %get3A_389 = arith.constant 0 : index
        %get3A_390 = tpu.vector_load %arg9[%get3A_388, %get3A_389] {strides = array<i32>} : memref<200x64xf32, #tpu.memory_space<vmem>>, vector<1x16xf32>,
        %get3A_391 = vector.shape_cast %get3A_390 : vector<1x16xf32> to vector<16xf32>
        %add3A_392 = arith.addf %add3A_368, %get3A_391 : vector<16xf32>
        %get3A_393 = arith.index_cast %add3A_387 : i32 to index
        %get3A_394 = arith.constant 16 : index
        %get3A_395 = tpu.vector_load %arg9[%get3A_393, %get3A_394] {strides = array<i32>} : memref<200x64xf32, #tpu.memory_space<vmem>>, vector<1x16xf32>,
        %get3A_396 = vector.shape_cast %get3A_395 : vector<1x16xf32> to vector<16xf32>
        %add3A_397 = arith.addf %add3A_373, %get3A_396 : vector<16xf32>
        %get3A_398 = arith.index_cast %add3A_387 : i32 to index
        %get3A_399 = arith.constant 32 : index
        %get3A_400 = tpu.vector_load %arg9[%get3A_398, %get3A_399] {strides = array<i32>} : memref<200x64xf32, #tpu.memory_space<vmem>>, vector<1x16xf32>,
        %get3A_401 = vector.shape_cast %get3A_400 : vector<1x16xf32> to vector<16xf32>
        %add3A_402 = arith.addf %add3A_378, %get3A_401 : vector<16xf32>
        %get3A_403 = arith.index_cast %add3A_387 : i32 to index
        %get3A_404 = arith.constant 48 : index
        %get3A_405 = tpu.vector_load %arg9[%get3A_403, %get3A_404] {strides = array<i32>} : memref<200x64xf32, #tpu.memory_space<vmem>>, vector<1x16xf32>,
        %get3A_406 = vector.shape_cast %get3A_405 : vector<1x16xf32> to vector<16xf32>
        %add3A_407 = arith.addf %add3A_383, %get3A_406 : vector<16xf32>
        %mul3A_408 = arith.constant 8 : i32
        %mul3A_409 = arith.muli %scan3A_332, %mul3A_408 : i32
        %add3A_410 = arith.constant 3 : i32
        %add3A_411 = arith.addi %mul3A_409, %add3A_410 : i32
        %get3A_412 = arith.index_cast %add3A_411 : i32 to index
        %get3A_413 = arith.constant 0 : index
        %get3A_414 = tpu.vector_load %arg9[%get3A_412, %get3A_413] {strides = array<i32>} : memref<200x64xf32, #tpu.memory_space<vmem>>, vector<1x16xf32>,
        %get3A_415 = vector.shape_cast %get3A_414 : vector<1x16xf32> to vector<16xf32>
        %add3A_416 = arith.addf %add3A_392, %get3A_415 : vector<16xf32>
        %get3A_417 = arith.index_cast %add3A_411 : i32 to index
        %get3A_418 = arith.constant 16 : index
        %get3A_419 = tpu.vector_load %arg9[%get3A_417, %get3A_418] {strides = array<i32>} : memref<200x64xf32, #tpu.memory_space<vmem>>, vector<1x16xf32>,
        %get3A_420 = vector.shape_cast %get3A_419 : vector<1x16xf32> to vector<16xf32>
        %add3A_421 = arith.addf %add3A_397, %get3A_420 : vector<16xf32>
        %get3A_422 = arith.index_cast %add3A_411 : i32 to index
        %get3A_423 = arith.constant 32 : index
        %get3A_424 = tpu.vector_load %arg9[%get3A_422, %get3A_423] {strides = array<i32>} : memref<200x64xf32, #tpu.memory_space<vmem>>, vector<1x16xf32>,
        %get3A_425 = vector.shape_cast %get3A_424 : vector<1x16xf32> to vector<16xf32>
        %add3A_426 = arith.addf %add3A_402, %get3A_425 : vector<16xf32>
        %get3A_427 = arith.index_cast %add3A_411 : i32 to index
        %get3A_428 = arith.constant 48 : index
        %get3A_429 = tpu.vector_load %arg9[%get3A_427, %get3A_428] {strides = array<i32>} : memref<200x64xf32, #tpu.memory_space<vmem>>, vector<1x16xf32>,
        %get3A_430 = vector.shape_cast %get3A_429 : vector<1x16xf32> to vector<16xf32>
        %add3A_431 = arith.addf %add3A_407, %get3A_430 : vector<16xf32>
        %mul3A_432 = arith.constant 8 : i32
        %mul3A_433 = arith.muli %scan3A_332, %mul3A_432 : i32
        %add3A_434 = arith.constant 4 : i32
        %add3A_435 = arith.addi %mul3A_433, %add3A_434 : i32
        %get3A_436 = arith.index_cast %add3A_435 : i32 to index
        %get3A_437 = arith.constant 0 : index
        %get3A_438 = tpu.vector_load %arg9[%get3A_436, %get3A_437] {strides = array<i32>} : memref<200x64xf32, #tpu.memory_space<vmem>>, vector<1x16xf32>,
        %get3A_439 = vector.shape_cast %get3A_438 : vector<1x16xf32> to vector<16xf32>
        %add3A_440 = arith.addf %add3A_416, %get3A_439 : vector<16xf32>
        %get3A_441 = arith.index_cast %add3A_435 : i32 to index
        %get3A_442 = arith.constant 16 : index
        %get3A_443 = tpu.vector_load %arg9[%get3A_441, %get3A_442] {strides = array<i32>} : memref<200x64xf32, #tpu.memory_space<vmem>>, vector<1x16xf32>,
        %get3A_444 = vector.shape_cast %get3A_443 : vector<1x16xf32> to vector<16xf32>
        %add3A_445 = arith.addf %add3A_421, %get3A_444 : vector<16xf32>
        %get3A_446 = arith.index_cast %add3A_435 : i32 to index
        %get3A_447 = arith.constant 32 : index
        %get3A_448 = tpu.vector_load %arg9[%get3A_446, %get3A_447] {strides = array<i32>} : memref<200x64xf32, #tpu.memory_space<vmem>>, vector<1x16xf32>,
        %get3A_449 = vector.shape_cast %get3A_448 : vector<1x16xf32> to vector<16xf32>
        %add3A_450 = arith.addf %add3A_426, %get3A_449 : vector<16xf32>
        %get3A_451 = arith.index_cast %add3A_435 : i32 to index
        %get3A_452 = arith.constant 48 : index
        %get3A_453 = tpu.vector_load %arg9[%get3A_451, %get3A_452] {strides = array<i32>} : memref<200x64xf32, #tpu.memory_space<vmem>>, vector<1x16xf32>,
        %get3A_454 = vector.shape_cast %get3A_453 : vector<1x16xf32> to vector<16xf32>
        %add3A_455 = arith.addf %add3A_431, %get3A_454 : vector<16xf32>
        %mul3A_456 = arith.constant 8 : i32
        %mul3A_457 = arith.muli %scan3A_332, %mul3A_456 : i32
        %add3A_458 = arith.constant 5 : i32
        %add3A_459 = arith.addi %mul3A_457, %add3A_458 : i32
        %get3A_460 = arith.index_cast %add3A_459 : i32 to index
        %get3A_461 = arith.constant 0 : index
        %get3A_462 = tpu.vector_load %arg9[%get3A_460, %get3A_461] {strides = array<i32>} : memref<200x64xf32, #tpu.memory_space<vmem>>, vector<1x16xf32>,
        %get3A_463 = vector.shape_cast %get3A_462 : vector<1x16xf32> to vector<16xf32>
        %add3A_464 = arith.addf %add3A_440, %get3A_463 : vector<16xf32>
        %get3A_465 = arith.index_cast %add3A_459 : i32 to index
        %get3A_466 = arith.constant 16 : index
        %get3A_467 = tpu.vector_load %arg9[%get3A_465, %get3A_466] {strides = array<i32>} : memref<200x64xf32, #tpu.memory_space<vmem>>, vector<1x16xf32>,
        %get3A_468 = vector.shape_cast %get3A_467 : vector<1x16xf32> to vector<16xf32>
        %add3A_469 = arith.addf %add3A_445, %get3A_468 : vector<16xf32>
        %get3A_470 = arith.index_cast %add3A_459 : i32 to index
        %get3A_471 = arith.constant 32 : index
        %get3A_472 = tpu.vector_load %arg9[%get3A_470, %get3A_471] {strides = array<i32>} : memref<200x64xf32, #tpu.memory_space<vmem>>, vector<1x16xf32>,
        %get3A_473 = vector.shape_cast %get3A_472 : vector<1x16xf32> to vector<16xf32>
        %add3A_474 = arith.addf %add3A_450, %get3A_473 : vector<16xf32>
        %get3A_475 = arith.index_cast %add3A_459 : i32 to index
        %get3A_476 = arith.constant 48 : index
        %get3A_477 = tpu.vector_load %arg9[%get3A_475, %get3A_476] {strides = array<i32>} : memref<200x64xf32, #tpu.memory_space<vmem>>, vector<1x16xf32>,
        %get3A_478 = vector.shape_cast %get3A_477 : vector<1x16xf32> to vector<16xf32>
        %add3A_479 = arith.addf %add3A_455, %get3A_478 : vector<16xf32>
        %mul3A_480 = arith.constant 8 : i32
        %mul3A_481 = arith.muli %scan3A_332, %mul3A_480 : i32
        %add3A_482 = arith.constant 6 : i32
        %add3A_483 = arith.addi %mul3A_481, %add3A_482 : i32
        %get3A_484 = arith.index_cast %add3A_483 : i32 to index
        %get3A_485 = arith.constant 0 : index
        %get3A_486 = tpu.vector_load %arg9[%get3A_484, %get3A_485] {strides = array<i32>} : memref<200x64xf32, #tpu.memory_space<vmem>>, vector<1x16xf32>,
        %get3A_487 = vector.shape_cast %get3A_486 : vector<1x16xf32> to vector<16xf32>
        %add3A_488 = arith.addf %add3A_464, %get3A_487 : vector<16xf32>
        %get3A_489 = arith.index_cast %add3A_483 : i32 to index
        %get3A_490 = arith.constant 16 : index
        %get3A_491 = tpu.vector_load %arg9[%get3A_489, %get3A_490] {strides = array<i32>} : memref<200x64xf32, #tpu.memory_space<vmem>>, vector<1x16xf32>,
        %get3A_492 = vector.shape_cast %get3A_491 : vector<1x16xf32> to vector<16xf32>
        %add3A_493 = arith.addf %add3A_469, %get3A_492 : vector<16xf32>
        %get3A_494 = arith.index_cast %add3A_483 : i32 to index
        %get3A_495 = arith.constant 32 : index
        %get3A_496 = tpu.vector_load %arg9[%get3A_494, %get3A_495] {strides = array<i32>} : memref<200x64xf32, #tpu.memory_space<vmem>>, vector<1x16xf32>,
        %get3A_497 = vector.shape_cast %get3A_496 : vector<1x16xf32> to vector<16xf32>
        %add3A_498 = arith.addf %add3A_474, %get3A_497 : vector<16xf32>
        %get3A_499 = arith.index_cast %add3A_483 : i32 to index
        %get3A_500 = arith.constant 48 : index
        %get3A_501 = tpu.vector_load %arg9[%get3A_499, %get3A_500] {strides = array<i32>} : memref<200x64xf32, #tpu.memory_space<vmem>>, vector<1x16xf32>,
        %get3A_502 = vector.shape_cast %get3A_501 : vector<1x16xf32> to vector<16xf32>
        %add3A_503 = arith.addf %add3A_479, %get3A_502 : vector<16xf32>
        %mul3A_504 = arith.constant 8 : i32
        %mul3A_505 = arith.muli %scan3A_332, %mul3A_504 : i32
        %add3A_506 = arith.constant 7 : i32
        %add3A_507 = arith.addi %mul3A_505, %add3A_506 : i32
        %get3A_508 = arith.index_cast %add3A_507 : i32 to index
        %get3A_509 = arith.constant 0 : index
        %get3A_510 = tpu.vector_load %arg9[%get3A_508, %get3A_509] {strides = array<i32>} : memref<200x64xf32, #tpu.memory_space<vmem>>, vector<1x16xf32>,
        %get3A_511 = vector.shape_cast %get3A_510 : vector<1x16xf32> to vector<16xf32>
        %add3A_512 = arith.addf %add3A_488, %get3A_511 : vector<16xf32>
        %get3A_513 = arith.index_cast %add3A_507 : i32 to index
        %get3A_514 = arith.constant 16 : index
        %get3A_515 = tpu.vector_load %arg9[%get3A_513, %get3A_514] {strides = array<i32>} : memref<200x64xf32, #tpu.memory_space<vmem>>, vector<1x16xf32>,
        %get3A_516 = vector.shape_cast %get3A_515 : vector<1x16xf32> to vector<16xf32>
        %add3A_517 = arith.addf %add3A_493, %get3A_516 : vector<16xf32>
        %get3A_518 = arith.index_cast %add3A_507 : i32 to index
        %get3A_519 = arith.constant 32 : index
        %get3A_520 = tpu.vector_load %arg9[%get3A_518, %get3A_519] {strides = array<i32>} : memref<200x64xf32, #tpu.memory_space<vmem>>, vector<1x16xf32>,
        %get3A_521 = vector.shape_cast %get3A_520 : vector<1x16xf32> to vector<16xf32>
        %add3A_522 = arith.addf %add3A_498, %get3A_521 : vector<16xf32>
        %get3A_523 = arith.index_cast %add3A_507 : i32 to index
        %get3A_524 = arith.constant 48 : index
        %get3A_525 = tpu.vector_load %arg9[%get3A_523, %get3A_524] {strides = array<i32>} : memref<200x64xf32, #tpu.memory_space<vmem>>, vector<1x16xf32>,
        %get3A_526 = vector.shape_cast %get3A_525 : vector<1x16xf32> to vector<16xf32>
        %add3A_527 = arith.addf %add3A_503, %get3A_526 : vector<16xf32>
        scf.yield %add3A_512, %add3A_517, %add3A_522, %add3A_527 : vector<16xf32>, vector<16xf32>, vector<16xf32>, vector<16xf32>
      }
      %scan3A_311 = arith.constant 25 : i32
      %swap3A_312 = arith.index_cast %add3A_270 : i32 to index
      %swap3A_313 = arith.constant 0 : index
      %swap3A_314 = tpu.vector_load %arg10[%swap3A_312, %swap3A_313] {strides = array<i32>} : memref<128x64xf32, #tpu.memory_space<vmem>>, vector<1x16xf32>,
      %swap3A_315 = vector.shape_cast %swap3A_314 : vector<1x16xf32> to vector<16xf32>
      %swap3A_316 = vector.shape_cast %scan3A_310#0 : vector<16xf32> to vector<1x16xf32>
      tpu.vector_store %arg10[%swap3A_312, %swap3A_313], %swap3A_316 {strides = array<i32>} : memref<128x64xf32, #tpu.memory_space<vmem>>, vector<1x16xf32>,
      %swap3A_317 = arith.index_cast %add3A_270 : i32 to index
      %swap3A_318 = arith.constant 16 : index
      %swap3A_319 = tpu.vector_load %arg10[%swap3A_317, %swap3A_318] {strides = array<i32>} : memref<128x64xf32, #tpu.memory_space<vmem>>, vector<1x16xf32>,
      %swap3A_320 = vector.shape_cast %swap3A_319 : vector<1x16xf32> to vector<16xf32>
      %swap3A_321 = vector.shape_cast %scan3A_310#1 : vector<16xf32> to vector<1x16xf32>
      tpu.vector_store %arg10[%swap3A_317, %swap3A_318], %swap3A_321 {strides = array<i32>} : memref<128x64xf32, #tpu.memory_space<vmem>>, vector<1x16xf32>,
      %swap3A_322 = arith.index_cast %add3A_270 : i32 to index
      %swap3A_323 = arith.constant 32 : index
      %swap3A_324 = tpu.vector_load %arg10[%swap3A_322, %swap3A_323] {strides = array<i32>} : memref<128x64xf32, #tpu.memory_space<vmem>>, vector<1x16xf32>,
      %swap3A_325 = vector.shape_cast %swap3A_324 : vector<1x16xf32> to vector<16xf32>
      %swap3A_326 = vector.shape_cast %scan3A_310#2 : vector<16xf32> to vector<1x16xf32>
      tpu.vector_store %arg10[%swap3A_322, %swap3A_323], %swap3A_326 {strides = array<i32>} : memref<128x64xf32, #tpu.memory_space<vmem>>, vector<1x16xf32>,
      %swap3A_327 = arith.index_cast %add3A_270 : i32 to index
      %swap3A_328 = arith.constant 48 : index
      %swap3A_329 = tpu.vector_load %arg10[%swap3A_327, %swap3A_328] {strides = array<i32>} : memref<128x64xf32, #tpu.memory_space<vmem>>, vector<1x16xf32>,
      %swap3A_330 = vector.shape_cast %swap3A_329 : vector<1x16xf32> to vector<16xf32>
      %swap3A_331 = vector.shape_cast %scan3A_310#3 : vector<16xf32> to vector<1x16xf32>
      tpu.vector_store %arg10[%swap3A_327, %swap3A_328], %swap3A_331 {strides = array<i32>} : memref<128x64xf32, #tpu.memory_space<vmem>>, vector<1x16xf32>,
    }
    %scan3A_72 = arith.constant 32 : i32
    "tpu.region"() ({
      %run_scoped3A = tpu.sem_alloc : memref<!tpu.dma_semaphore, #tpu.memory_space<semaphore_mem>>
      %dma_start3A_73 = arith.constant 0 : i32
      %dma_start3A_74 = tpu.memref_slice %arg4[%mul3A_2, %dma_start3A_73] : memref<4096x64xf32, #tpu.memory_space<hbm>> -> memref<128x64xf32, #tpu.memory_space<hbm>>
      %dma_start3A_75 = arith.constant 0 : i32
      %dma_start3A_76 = tpu.memref_slice %arg4[%mul3A_2, %dma_start3A_75] : memref<4096x64xf32, #tpu.memory_space<hbm>> -> memref<128x64xf32, #tpu.memory_space<hbm>>
      tpu.enqueue_dma source(%arg10 : memref<128x64xf32, #tpu.memory_space<vmem>>) target(%dma_start3A_76 : memref<128x64xf32, #tpu.memory_space<hbm>>) target_semaphore(%run_scoped3A : memref<!tpu.dma_semaphore, #tpu.memory_space<semaphore_mem>>)
      %dma_wait3A_77 = arith.constant 0 : i32
      %dma_wait3A_78 = tpu.memref_slice %arg4[%mul3A_2, %dma_wait3A_77] : memref<4096x64xf32, #tpu.memory_space<hbm>> -> memref<128x64xf32, #tpu.memory_space<hbm>>
      %dma_wait3A_79 = arith.constant 0 : i32
      %dma_wait3A_80 = tpu.memref_slice %arg4[%mul3A_2, %dma_wait3A_79] : memref<4096x64xf32, #tpu.memory_space<hbm>> -> memref<128x64xf32, #tpu.memory_space<hbm>>
      tpu.wait_dma2 semaphore(%run_scoped3A : memref<!tpu.dma_semaphore, #tpu.memory_space<semaphore_mem>>) src(%arg10 : memref<128x64xf32, #tpu.memory_space<vmem>>) dst(%dma_wait3A_80 : memref<128x64xf32, #tpu.memory_space<hbm>>)
      tpu.yield
    }) : () -> ()
    return
  }
}

#map = affine_map<(d0, d1) -> (0, 0)>
module attributes {stable_mosaic.version = 14 : i64} {
  func.func @_pool_body(%arg0: i32, %arg1: i32, %arg2: memref<4096x200xi32, #tpu.memory_space<hbm>>, %arg3: memref<1000000x64xf32, #tpu.memory_space<hbm>>, %arg4: memref<4096x64xf32, #tpu.memory_space<hbm>>, %arg5: memref<128x200xi32, #tpu.memory_space<vmem>>, %arg6: memref<200x64xf32, #tpu.memory_space<vmem>>, %arg7: memref<200x64xf32, #tpu.memory_space<vmem>>, %arg8: memref<200x64xf32, #tpu.memory_space<vmem>>, %arg9: memref<200x64xf32, #tpu.memory_space<vmem>>, %arg10: memref<128x64xf32, #tpu.memory_space<vmem>>, %arg11: memref<!tpu.dma_semaphore, #tpu.memory_space<semaphore_mem>>, %arg12: memref<!tpu.dma_semaphore, #tpu.memory_space<semaphore_mem>>, %arg13: memref<!tpu.dma_semaphore, #tpu.memory_space<semaphore_mem>>, %arg14: memref<!tpu.dma_semaphore, #tpu.memory_space<semaphore_mem>>, %arg15: memref<!tpu.dma_semaphore, #tpu.memory_space<semaphore_mem>>) attributes {dimension_semantics = [#tpu.dimension_semantics<core_parallel>, #tpu.dimension_semantics<subcore_parallel>], iteration_bounds = array<i64: 2, 16>, scalar_prefetch = 0 : i64, scratch_operands = 11 : i64, tpu.core_type = #tpu.core_type<sc_vector_subcore>, window_params = [{transform_indices = #map}, {transform_indices = #map}, {transform_indices = #map}]} {
    %mul3A = arith.constant 2 : i32
    %mul3A_0 = arith.muli %arg1, %mul3A : i32
    %add3A = arith.addi %mul3A_0, %arg0 : i32
    %mul3A_1 = arith.constant 128 : i32
    %mul3A_2 = arith.muli %add3A, %mul3A_1 : i32
    %dma_start3A = arith.constant 0 : i32
    %dma_start3A_3 = tpu.memref_slice %arg2[%mul3A_2, %dma_start3A] : memref<4096x200xi32, #tpu.memory_space<hbm>> -> memref<128x200xi32, #tpu.memory_space<hbm>>
    %dma_start3A_4 = arith.constant 0 : i32
    %dma_start3A_5 = tpu.memref_slice %arg2[%mul3A_2, %dma_start3A_4] : memref<4096x200xi32, #tpu.memory_space<hbm>> -> memref<128x200xi32, #tpu.memory_space<hbm>>
    tpu.enqueue_dma source(%dma_start3A_5 : memref<128x200xi32, #tpu.memory_space<hbm>>) target(%arg5 : memref<128x200xi32, #tpu.memory_space<vmem>>) target_semaphore(%arg11 : memref<!tpu.dma_semaphore, #tpu.memory_space<semaphore_mem>>)
    %dma_wait3A = arith.constant 0 : i32
    %dma_wait3A_6 = tpu.memref_slice %arg2[%mul3A_2, %dma_wait3A] : memref<4096x200xi32, #tpu.memory_space<hbm>> -> memref<128x200xi32, #tpu.memory_space<hbm>>
    %dma_wait3A_7 = arith.constant 0 : i32
    %dma_wait3A_8 = tpu.memref_slice %arg2[%mul3A_2, %dma_wait3A_7] : memref<4096x200xi32, #tpu.memory_space<hbm>> -> memref<128x200xi32, #tpu.memory_space<hbm>>
    tpu.wait_dma2 semaphore(%arg11 : memref<!tpu.dma_semaphore, #tpu.memory_space<semaphore_mem>>) src(%dma_wait3A_8 : memref<128x200xi32, #tpu.memory_space<hbm>>) dst(%arg5 : memref<128x200xi32, #tpu.memory_space<vmem>>)
    %dma_start3A_9 = arith.constant 0 : i32
    %dma_start3A_10 = arith.constant 0 : i32
    %dma_start3A_11 = arith.constant 0 : i32
    %dma_start3A_12 = tpu.memref_slice %arg6[%dma_start3A_10, %dma_start3A_11] : memref<200x64xf32, #tpu.memory_space<vmem>> -> memref<128x64xf32, #tpu.memory_space<vmem>>
    %dma_start3A_13 = arith.constant 0 : i32
    %dma_start3A_14 = tpu.memref_slice %arg5[%dma_start3A_9, %dma_start3A_13] : memref<128x200xi32, #tpu.memory_space<vmem>> -> memref<1x128xi32, #tpu.memory_space<vmem>>
    %dma_start3A_15 = tpu.memref_squeeze %dma_start3A_14 : memref<1x128xi32, #tpu.memory_space<vmem>> -> memref<128xi32, #tpu.memory_space<vmem>>
    %dma_start3A_16 = arith.constant 0 : i32
    %dma_start3A_17 = arith.constant 0 : i32
    %dma_start3A_18 = tpu.memref_slice %arg3[%dma_start3A_16, %dma_start3A_17] : memref<1000000x64xf32, #tpu.memory_space<hbm>> -> memref<1000000x64xf32, #tpu.memory_space<hbm>>
    tpu.enqueue_indirect_dma source(%dma_start3A_18 : memref<1000000x64xf32, #tpu.memory_space<hbm>>) target(%dma_start3A_12 : memref<128x64xf32, #tpu.memory_space<vmem>>) offsets(%dma_start3A_15 : memref<128xi32, #tpu.memory_space<vmem>>) semaphore(%arg12 : memref<!tpu.dma_semaphore, #tpu.memory_space<semaphore_mem>>)
    %dma_start3A_19 = arith.constant 0 : i32
    %dma_start3A_20 = arith.constant 128 : i32
    %dma_start3A_21 = arith.constant 0 : i32
    %dma_start3A_22 = tpu.memref_slice %arg6[%dma_start3A_20, %dma_start3A_21] : memref<200x64xf32, #tpu.memory_space<vmem>> -> memref<72x64xf32, #tpu.memory_space<vmem>>
    %dma_start3A_23 = arith.constant 128 : i32
    %dma_start3A_24 = tpu.memref_slice %arg5[%dma_start3A_19, %dma_start3A_23] : memref<128x200xi32, #tpu.memory_space<vmem>> -> memref<1x72xi32, #tpu.memory_space<vmem>>
    %dma_start3A_25 = tpu.memref_squeeze %dma_start3A_24 : memref<1x72xi32, #tpu.memory_space<vmem>> -> memref<72xi32, #tpu.memory_space<vmem>>
    %dma_start3A_26 = arith.constant 0 : i32
    %dma_start3A_27 = arith.constant 0 : i32
    %dma_start3A_28 = tpu.memref_slice %arg3[%dma_start3A_26, %dma_start3A_27] : memref<1000000x64xf32, #tpu.memory_space<hbm>> -> memref<1000000x64xf32, #tpu.memory_space<hbm>>
    tpu.enqueue_indirect_dma source(%dma_start3A_28 : memref<1000000x64xf32, #tpu.memory_space<hbm>>) target(%dma_start3A_22 : memref<72x64xf32, #tpu.memory_space<vmem>>) offsets(%dma_start3A_25 : memref<72xi32, #tpu.memory_space<vmem>>) semaphore(%arg12 : memref<!tpu.dma_semaphore, #tpu.memory_space<semaphore_mem>>)
    %dma_start3A_29 = arith.constant 1 : i32
    %dma_start3A_30 = arith.constant 0 : i32
    %dma_start3A_31 = arith.constant 0 : i32
    %dma_start3A_32 = tpu.memref_slice %arg7[%dma_start3A_30, %dma_start3A_31] : memref<200x64xf32, #tpu.memory_space<vmem>> -> memref<128x64xf32, #tpu.memory_space<vmem>>
    %dma_start3A_33 = arith.constant 0 : i32
    %dma_start3A_34 = tpu.memref_slice %arg5[%dma_start3A_29, %dma_start3A_33] : memref<128x200xi32, #tpu.memory_space<vmem>> -> memref<1x128xi32, #tpu.memory_space<vmem>>
    %dma_start3A_35 = tpu.memref_squeeze %dma_start3A_34 : memref<1x128xi32, #tpu.memory_space<vmem>> -> memref<128xi32, #tpu.memory_space<vmem>>
    %dma_start3A_36 = arith.constant 0 : i32
    %dma_start3A_37 = arith.constant 0 : i32
    %dma_start3A_38 = tpu.memref_slice %arg3[%dma_start3A_36, %dma_start3A_37] : memref<1000000x64xf32, #tpu.memory_space<hbm>> -> memref<1000000x64xf32, #tpu.memory_space<hbm>>
    tpu.enqueue_indirect_dma source(%dma_start3A_38 : memref<1000000x64xf32, #tpu.memory_space<hbm>>) target(%dma_start3A_32 : memref<128x64xf32, #tpu.memory_space<vmem>>) offsets(%dma_start3A_35 : memref<128xi32, #tpu.memory_space<vmem>>) semaphore(%arg13 : memref<!tpu.dma_semaphore, #tpu.memory_space<semaphore_mem>>)
    %dma_start3A_39 = arith.constant 1 : i32
    %dma_start3A_40 = arith.constant 128 : i32
    %dma_start3A_41 = arith.constant 0 : i32
    %dma_start3A_42 = tpu.memref_slice %arg7[%dma_start3A_40, %dma_start3A_41] : memref<200x64xf32, #tpu.memory_space<vmem>> -> memref<72x64xf32, #tpu.memory_space<vmem>>
    %dma_start3A_43 = arith.constant 128 : i32
    %dma_start3A_44 = tpu.memref_slice %arg5[%dma_start3A_39, %dma_start3A_43] : memref<128x200xi32, #tpu.memory_space<vmem>> -> memref<1x72xi32, #tpu.memory_space<vmem>>
    %dma_start3A_45 = tpu.memref_squeeze %dma_start3A_44 : memref<1x72xi32, #tpu.memory_space<vmem>> -> memref<72xi32, #tpu.memory_space<vmem>>
    %dma_start3A_46 = arith.constant 0 : i32
    %dma_start3A_47 = arith.constant 0 : i32
    %dma_start3A_48 = tpu.memref_slice %arg3[%dma_start3A_46, %dma_start3A_47] : memref<1000000x64xf32, #tpu.memory_space<hbm>> -> memref<1000000x64xf32, #tpu.memory_space<hbm>>
    tpu.enqueue_indirect_dma source(%dma_start3A_48 : memref<1000000x64xf32, #tpu.memory_space<hbm>>) target(%dma_start3A_42 : memref<72x64xf32, #tpu.memory_space<vmem>>) offsets(%dma_start3A_45 : memref<72xi32, #tpu.memory_space<vmem>>) semaphore(%arg13 : memref<!tpu.dma_semaphore, #tpu.memory_space<semaphore_mem>>)
    %dma_start3A_49 = arith.constant 2 : i32
    %dma_start3A_50 = arith.constant 0 : i32
    %dma_start3A_51 = arith.constant 0 : i32
    %dma_start3A_52 = tpu.memref_slice %arg8[%dma_start3A_50, %dma_start3A_51] : memref<200x64xf32, #tpu.memory_space<vmem>> -> memref<128x64xf32, #tpu.memory_space<vmem>>
    %dma_start3A_53 = arith.constant 0 : i32
    %dma_start3A_54 = tpu.memref_slice %arg5[%dma_start3A_49, %dma_start3A_53] : memref<128x200xi32, #tpu.memory_space<vmem>> -> memref<1x128xi32, #tpu.memory_space<vmem>>
    %dma_start3A_55 = tpu.memref_squeeze %dma_start3A_54 : memref<1x128xi32, #tpu.memory_space<vmem>> -> memref<128xi32, #tpu.memory_space<vmem>>
    %dma_start3A_56 = arith.constant 0 : i32
    %dma_start3A_57 = arith.constant 0 : i32
    %dma_start3A_58 = tpu.memref_slice %arg3[%dma_start3A_56, %dma_start3A_57] : memref<1000000x64xf32, #tpu.memory_space<hbm>> -> memref<1000000x64xf32, #tpu.memory_space<hbm>>
    tpu.enqueue_indirect_dma source(%dma_start3A_58 : memref<1000000x64xf32, #tpu.memory_space<hbm>>) target(%dma_start3A_52 : memref<128x64xf32, #tpu.memory_space<vmem>>) offsets(%dma_start3A_55 : memref<128xi32, #tpu.memory_space<vmem>>) semaphore(%arg14 : memref<!tpu.dma_semaphore, #tpu.memory_space<semaphore_mem>>)
    %dma_start3A_59 = arith.constant 2 : i32
    %dma_start3A_60 = arith.constant 128 : i32
    %dma_start3A_61 = arith.constant 0 : i32
    %dma_start3A_62 = tpu.memref_slice %arg8[%dma_start3A_60, %dma_start3A_61] : memref<200x64xf32, #tpu.memory_space<vmem>> -> memref<72x64xf32, #tpu.memory_space<vmem>>
    %dma_start3A_63 = arith.constant 128 : i32
    %dma_start3A_64 = tpu.memref_slice %arg5[%dma_start3A_59, %dma_start3A_63] : memref<128x200xi32, #tpu.memory_space<vmem>> -> memref<1x72xi32, #tpu.memory_space<vmem>>
    %dma_start3A_65 = tpu.memref_squeeze %dma_start3A_64 : memref<1x72xi32, #tpu.memory_space<vmem>> -> memref<72xi32, #tpu.memory_space<vmem>>
    %dma_start3A_66 = arith.constant 0 : i32
    %dma_start3A_67 = arith.constant 0 : i32
    %dma_start3A_68 = tpu.memref_slice %arg3[%dma_start3A_66, %dma_start3A_67] : memref<1000000x64xf32, #tpu.memory_space<hbm>> -> memref<1000000x64xf32, #tpu.memory_space<hbm>>
    tpu.enqueue_indirect_dma source(%dma_start3A_68 : memref<1000000x64xf32, #tpu.memory_space<hbm>>) target(%dma_start3A_62 : memref<72x64xf32, #tpu.memory_space<vmem>>) offsets(%dma_start3A_65 : memref<72xi32, #tpu.memory_space<vmem>>) semaphore(%arg14 : memref<!tpu.dma_semaphore, #tpu.memory_space<semaphore_mem>>)
    %scan3A = arith.constant 0 : i32
    %scan3A_69 = arith.constant 32 : i32
    %scan3A_70 = arith.addi %scan3A, %scan3A_69 : i32
    %scan3A_71 = arith.constant 1 : i32
    scf.for %scan3A_73 = %scan3A to %scan3A_70 step %scan3A_71  : i32 {
      %mul3A_74 = arith.constant 1 : i32
      %mul3A_75 = arith.muli %scan3A_73, %mul3A_74 : i32
      %add3A_76 = arith.constant 0 : i32
      %add3A_77 = arith.addi %add3A_76, %mul3A_75 : i32
      %mul3A_78 = arith.constant 4 : i32
      %mul3A_79 = arith.muli %mul3A_78, %add3A_77 : i32
      %add3A_80 = arith.constant 0 : i32
      %add3A_81 = arith.addi %mul3A_79, %add3A_80 : i32
      %add3A_82 = arith.constant 4 : i32
      %add3A_83 = arith.addi %add3A_81, %add3A_82 : i32
      %sub3A = arith.constant 1 : i32
      %sub3A_84 = arith.subi %add3A_83, %sub3A : i32
      %lt3A = arith.constant 128 : i32
      %lt3A_85 = arith.cmpi slt, %sub3A_84, %lt3A : i32
      %convert_element_type3A = arith.extui %lt3A_85 : i1 to i32
      %cond3A = arith.constant 0 : i32
      %cond3A_86 = arith.cmpi ne, %convert_element_type3A, %cond3A : i32
      scf.if %cond3A_86 {
        %dma_start3A_332 = arith.constant 0 : i32
        %dma_start3A_333 = arith.constant 0 : i32
        %dma_start3A_334 = tpu.memref_slice %arg9[%dma_start3A_332, %dma_start3A_333] : memref<200x64xf32, #tpu.memory_space<vmem>> -> memref<128x64xf32, #tpu.memory_space<vmem>>
        %dma_start3A_335 = arith.constant 0 : i32
        %dma_start3A_336 = tpu.memref_slice %arg5[%sub3A_84, %dma_start3A_335] : memref<128x200xi32, #tpu.memory_space<vmem>> -> memref<1x128xi32, #tpu.memory_space<vmem>>
        %dma_start3A_337 = tpu.memref_squeeze %dma_start3A_336 : memref<1x128xi32, #tpu.memory_space<vmem>> -> memref<128xi32, #tpu.memory_space<vmem>>
        %dma_start3A_338 = arith.constant 0 : i32
        %dma_start3A_339 = arith.constant 0 : i32
        %dma_start3A_340 = tpu.memref_slice %arg3[%dma_start3A_338, %dma_start3A_339] : memref<1000000x64xf32, #tpu.memory_space<hbm>> -> memref<1000000x64xf32, #tpu.memory_space<hbm>>
        tpu.enqueue_indirect_dma source(%dma_start3A_340 : memref<1000000x64xf32, #tpu.memory_space<hbm>>) target(%dma_start3A_334 : memref<128x64xf32, #tpu.memory_space<vmem>>) offsets(%dma_start3A_337 : memref<128xi32, #tpu.memory_space<vmem>>) semaphore(%arg15 : memref<!tpu.dma_semaphore, #tpu.memory_space<semaphore_mem>>)
        %dma_start3A_341 = arith.constant 128 : i32
        %dma_start3A_342 = arith.constant 0 : i32
        %dma_start3A_343 = tpu.memref_slice %arg9[%dma_start3A_341, %dma_start3A_342] : memref<200x64xf32, #tpu.memory_space<vmem>> -> memref<72x64xf32, #tpu.memory_space<vmem>>
        %dma_start3A_344 = arith.constant 128 : i32
        %dma_start3A_345 = tpu.memref_slice %arg5[%sub3A_84, %dma_start3A_344] : memref<128x200xi32, #tpu.memory_space<vmem>> -> memref<1x72xi32, #tpu.memory_space<vmem>>
        %dma_start3A_346 = tpu.memref_squeeze %dma_start3A_345 : memref<1x72xi32, #tpu.memory_space<vmem>> -> memref<72xi32, #tpu.memory_space<vmem>>
        %dma_start3A_347 = arith.constant 0 : i32
        %dma_start3A_348 = arith.constant 0 : i32
        %dma_start3A_349 = tpu.memref_slice %arg3[%dma_start3A_347, %dma_start3A_348] : memref<1000000x64xf32, #tpu.memory_space<hbm>> -> memref<1000000x64xf32, #tpu.memory_space<hbm>>
        tpu.enqueue_indirect_dma source(%dma_start3A_349 : memref<1000000x64xf32, #tpu.memory_space<hbm>>) target(%dma_start3A_343 : memref<72x64xf32, #tpu.memory_space<vmem>>) offsets(%dma_start3A_346 : memref<72xi32, #tpu.memory_space<vmem>>) semaphore(%arg15 : memref<!tpu.dma_semaphore, #tpu.memory_space<semaphore_mem>>)
      } else {
      }
      %dma_wait3A_87 = arith.constant 0 : i32
      %dma_wait3A_88 = arith.constant 0 : i32
      %dma_wait3A_89 = tpu.memref_slice %arg6[%dma_wait3A_87, %dma_wait3A_88] : memref<200x64xf32, #tpu.memory_space<vmem>> -> memref<128x64xf32, #tpu.memory_space<vmem>>
      %dma_wait3A_90 = arith.constant 0 : i32
      %dma_wait3A_91 = tpu.memref_slice %arg5[%add3A_81, %dma_wait3A_90] : memref<128x200xi32, #tpu.memory_space<vmem>> -> memref<1x128xi32, #tpu.memory_space<vmem>>
      %dma_wait3A_92 = tpu.memref_squeeze %dma_wait3A_91 : memref<1x128xi32, #tpu.memory_space<vmem>> -> memref<128xi32, #tpu.memory_space<vmem>>
      %dma_wait3A_93 = arith.constant 0 : i32
      %dma_wait3A_94 = arith.constant 0 : i32
      %dma_wait3A_95 = tpu.memref_slice %arg3[%dma_wait3A_93, %dma_wait3A_94] : memref<1000000x64xf32, #tpu.memory_space<hbm>> -> memref<1000000x64xf32, #tpu.memory_space<hbm>>
      tpu.wait_indirect_dma semaphore(%arg12 : memref<!tpu.dma_semaphore, #tpu.memory_space<semaphore_mem>>) src(%dma_wait3A_95 : memref<1000000x64xf32, #tpu.memory_space<hbm>>) dst(%dma_wait3A_89 : memref<128x64xf32, #tpu.memory_space<vmem>>)
      %dma_wait3A_96 = arith.constant 128 : i32
      %dma_wait3A_97 = arith.constant 0 : i32
      %dma_wait3A_98 = tpu.memref_slice %arg6[%dma_wait3A_96, %dma_wait3A_97] : memref<200x64xf32, #tpu.memory_space<vmem>> -> memref<72x64xf32, #tpu.memory_space<vmem>>
      %dma_wait3A_99 = arith.constant 128 : i32
      %dma_wait3A_100 = tpu.memref_slice %arg5[%add3A_81, %dma_wait3A_99] : memref<128x200xi32, #tpu.memory_space<vmem>> -> memref<1x72xi32, #tpu.memory_space<vmem>>
      %dma_wait3A_101 = tpu.memref_squeeze %dma_wait3A_100 : memref<1x72xi32, #tpu.memory_space<vmem>> -> memref<72xi32, #tpu.memory_space<vmem>>
      %dma_wait3A_102 = arith.constant 0 : i32
      %dma_wait3A_103 = arith.constant 0 : i32
      %dma_wait3A_104 = tpu.memref_slice %arg3[%dma_wait3A_102, %dma_wait3A_103] : memref<1000000x64xf32, #tpu.memory_space<hbm>> -> memref<1000000x64xf32, #tpu.memory_space<hbm>>
      tpu.wait_indirect_dma semaphore(%arg12 : memref<!tpu.dma_semaphore, #tpu.memory_space<semaphore_mem>>) src(%dma_wait3A_104 : memref<1000000x64xf32, #tpu.memory_space<hbm>>) dst(%dma_wait3A_98 : memref<72x64xf32, #tpu.memory_space<vmem>>)
      %broadcast_in_dim3A = arith.constant 0.000000e+00 : f32
      %broadcast_in_dim3A_105 = vector.broadcast %broadcast_in_dim3A : f32 to vector<16xf32>
      %broadcast_in_dim3A_106 = arith.constant 0.000000e+00 : f32
      %broadcast_in_dim3A_107 = vector.broadcast %broadcast_in_dim3A_106 : f32 to vector<16xf32>
      %broadcast_in_dim3A_108 = arith.constant 0.000000e+00 : f32
      %broadcast_in_dim3A_109 = vector.broadcast %broadcast_in_dim3A_108 : f32 to vector<16xf32>
      %broadcast_in_dim3A_110 = arith.constant 0.000000e+00 : f32
      %broadcast_in_dim3A_111 = vector.broadcast %broadcast_in_dim3A_110 : f32 to vector<16xf32>
      %scan3A_112 = arith.constant 0 : i32
      %scan3A_113 = arith.constant 25 : i32
      %scan3A_114 = arith.addi %scan3A_112, %scan3A_113 : i32
      %scan3A_115 = arith.constant 1 : i32
      %scan3A_116:4 = scf.for %scan3A_332 = %scan3A_112 to %scan3A_114 step %scan3A_115 iter_args(%scan3A_333 = %broadcast_in_dim3A_105, %scan3A_334 = %broadcast_in_dim3A_107, %scan3A_335 = %broadcast_in_dim3A_109, %scan3A_336 = %broadcast_in_dim3A_111) -> (vector<16xf32>, vector<16xf32>, vector<16xf32>, vector<16xf32>)  : i32 {
        %mul3A_337 = arith.constant 8 : i32
        %mul3A_338 = arith.muli %scan3A_332, %mul3A_337 : i32
        %add3A_339 = arith.constant 0 : i32
        %add3A_340 = arith.addi %mul3A_338, %add3A_339 : i32
        %get3A = arith.index_cast %add3A_340 : i32 to index
        %get3A_341 = arith.constant 0 : index
        %get3A_342 = tpu.vector_load %arg6[%get3A, %get3A_341] {strides = array<i32>} : memref<200x64xf32, #tpu.memory_space<vmem>>, vector<1x16xf32>,
        %get3A_343 = vector.shape_cast %get3A_342 : vector<1x16xf32> to vector<16xf32>
        %add3A_344 = arith.addf %scan3A_333, %get3A_343 : vector<16xf32>
        %get3A_345 = arith.index_cast %add3A_340 : i32 to index
        %get3A_346 = arith.constant 16 : index
        %get3A_347 = tpu.vector_load %arg6[%get3A_345, %get3A_346] {strides = array<i32>} : memref<200x64xf32, #tpu.memory_space<vmem>>, vector<1x16xf32>,
        %get3A_348 = vector.shape_cast %get3A_347 : vector<1x16xf32> to vector<16xf32>
        %add3A_349 = arith.addf %scan3A_334, %get3A_348 : vector<16xf32>
        %get3A_350 = arith.index_cast %add3A_340 : i32 to index
        %get3A_351 = arith.constant 32 : index
        %get3A_352 = tpu.vector_load %arg6[%get3A_350, %get3A_351] {strides = array<i32>} : memref<200x64xf32, #tpu.memory_space<vmem>>, vector<1x16xf32>,
        %get3A_353 = vector.shape_cast %get3A_352 : vector<1x16xf32> to vector<16xf32>
        %add3A_354 = arith.addf %scan3A_335, %get3A_353 : vector<16xf32>
        %get3A_355 = arith.index_cast %add3A_340 : i32 to index
        %get3A_356 = arith.constant 48 : index
        %get3A_357 = tpu.vector_load %arg6[%get3A_355, %get3A_356] {strides = array<i32>} : memref<200x64xf32, #tpu.memory_space<vmem>>, vector<1x16xf32>,
        %get3A_358 = vector.shape_cast %get3A_357 : vector<1x16xf32> to vector<16xf32>
        %add3A_359 = arith.addf %scan3A_336, %get3A_358 : vector<16xf32>
        %mul3A_360 = arith.constant 8 : i32
        %mul3A_361 = arith.muli %scan3A_332, %mul3A_360 : i32
        %add3A_362 = arith.constant 1 : i32
        %add3A_363 = arith.addi %mul3A_361, %add3A_362 : i32
        %get3A_364 = arith.index_cast %add3A_363 : i32 to index
        %get3A_365 = arith.constant 0 : index
        %get3A_366 = tpu.vector_load %arg6[%get3A_364, %get3A_365] {strides = array<i32>} : memref<200x64xf32, #tpu.memory_space<vmem>>, vector<1x16xf32>,
        %get3A_367 = vector.shape_cast %get3A_366 : vector<1x16xf32> to vector<16xf32>
        %add3A_368 = arith.addf %add3A_344, %get3A_367 : vector<16xf32>
        %get3A_369 = arith.index_cast %add3A_363 : i32 to index
        %get3A_370 = arith.constant 16 : index
        %get3A_371 = tpu.vector_load %arg6[%get3A_369, %get3A_370] {strides = array<i32>} : memref<200x64xf32, #tpu.memory_space<vmem>>, vector<1x16xf32>,
        %get3A_372 = vector.shape_cast %get3A_371 : vector<1x16xf32> to vector<16xf32>
        %add3A_373 = arith.addf %add3A_349, %get3A_372 : vector<16xf32>
        %get3A_374 = arith.index_cast %add3A_363 : i32 to index
        %get3A_375 = arith.constant 32 : index
        %get3A_376 = tpu.vector_load %arg6[%get3A_374, %get3A_375] {strides = array<i32>} : memref<200x64xf32, #tpu.memory_space<vmem>>, vector<1x16xf32>,
        %get3A_377 = vector.shape_cast %get3A_376 : vector<1x16xf32> to vector<16xf32>
        %add3A_378 = arith.addf %add3A_354, %get3A_377 : vector<16xf32>
        %get3A_379 = arith.index_cast %add3A_363 : i32 to index
        %get3A_380 = arith.constant 48 : index
        %get3A_381 = tpu.vector_load %arg6[%get3A_379, %get3A_380] {strides = array<i32>} : memref<200x64xf32, #tpu.memory_space<vmem>>, vector<1x16xf32>,
        %get3A_382 = vector.shape_cast %get3A_381 : vector<1x16xf32> to vector<16xf32>
        %add3A_383 = arith.addf %add3A_359, %get3A_382 : vector<16xf32>
        %mul3A_384 = arith.constant 8 : i32
        %mul3A_385 = arith.muli %scan3A_332, %mul3A_384 : i32
        %add3A_386 = arith.constant 2 : i32
        %add3A_387 = arith.addi %mul3A_385, %add3A_386 : i32
        %get3A_388 = arith.index_cast %add3A_387 : i32 to index
        %get3A_389 = arith.constant 0 : index
        %get3A_390 = tpu.vector_load %arg6[%get3A_388, %get3A_389] {strides = array<i32>} : memref<200x64xf32, #tpu.memory_space<vmem>>, vector<1x16xf32>,
        %get3A_391 = vector.shape_cast %get3A_390 : vector<1x16xf32> to vector<16xf32>
        %add3A_392 = arith.addf %add3A_368, %get3A_391 : vector<16xf32>
        %get3A_393 = arith.index_cast %add3A_387 : i32 to index
        %get3A_394 = arith.constant 16 : index
        %get3A_395 = tpu.vector_load %arg6[%get3A_393, %get3A_394] {strides = array<i32>} : memref<200x64xf32, #tpu.memory_space<vmem>>, vector<1x16xf32>,
        %get3A_396 = vector.shape_cast %get3A_395 : vector<1x16xf32> to vector<16xf32>
        %add3A_397 = arith.addf %add3A_373, %get3A_396 : vector<16xf32>
        %get3A_398 = arith.index_cast %add3A_387 : i32 to index
        %get3A_399 = arith.constant 32 : index
        %get3A_400 = tpu.vector_load %arg6[%get3A_398, %get3A_399] {strides = array<i32>} : memref<200x64xf32, #tpu.memory_space<vmem>>, vector<1x16xf32>,
        %get3A_401 = vector.shape_cast %get3A_400 : vector<1x16xf32> to vector<16xf32>
        %add3A_402 = arith.addf %add3A_378, %get3A_401 : vector<16xf32>
        %get3A_403 = arith.index_cast %add3A_387 : i32 to index
        %get3A_404 = arith.constant 48 : index
        %get3A_405 = tpu.vector_load %arg6[%get3A_403, %get3A_404] {strides = array<i32>} : memref<200x64xf32, #tpu.memory_space<vmem>>, vector<1x16xf32>,
        %get3A_406 = vector.shape_cast %get3A_405 : vector<1x16xf32> to vector<16xf32>
        %add3A_407 = arith.addf %add3A_383, %get3A_406 : vector<16xf32>
        %mul3A_408 = arith.constant 8 : i32
        %mul3A_409 = arith.muli %scan3A_332, %mul3A_408 : i32
        %add3A_410 = arith.constant 3 : i32
        %add3A_411 = arith.addi %mul3A_409, %add3A_410 : i32
        %get3A_412 = arith.index_cast %add3A_411 : i32 to index
        %get3A_413 = arith.constant 0 : index
        %get3A_414 = tpu.vector_load %arg6[%get3A_412, %get3A_413] {strides = array<i32>} : memref<200x64xf32, #tpu.memory_space<vmem>>, vector<1x16xf32>,
        %get3A_415 = vector.shape_cast %get3A_414 : vector<1x16xf32> to vector<16xf32>
        %add3A_416 = arith.addf %add3A_392, %get3A_415 : vector<16xf32>
        %get3A_417 = arith.index_cast %add3A_411 : i32 to index
        %get3A_418 = arith.constant 16 : index
        %get3A_419 = tpu.vector_load %arg6[%get3A_417, %get3A_418] {strides = array<i32>} : memref<200x64xf32, #tpu.memory_space<vmem>>, vector<1x16xf32>,
        %get3A_420 = vector.shape_cast %get3A_419 : vector<1x16xf32> to vector<16xf32>
        %add3A_421 = arith.addf %add3A_397, %get3A_420 : vector<16xf32>
        %get3A_422 = arith.index_cast %add3A_411 : i32 to index
        %get3A_423 = arith.constant 32 : index
        %get3A_424 = tpu.vector_load %arg6[%get3A_422, %get3A_423] {strides = array<i32>} : memref<200x64xf32, #tpu.memory_space<vmem>>, vector<1x16xf32>,
        %get3A_425 = vector.shape_cast %get3A_424 : vector<1x16xf32> to vector<16xf32>
        %add3A_426 = arith.addf %add3A_402, %get3A_425 : vector<16xf32>
        %get3A_427 = arith.index_cast %add3A_411 : i32 to index
        %get3A_428 = arith.constant 48 : index
        %get3A_429 = tpu.vector_load %arg6[%get3A_427, %get3A_428] {strides = array<i32>} : memref<200x64xf32, #tpu.memory_space<vmem>>, vector<1x16xf32>,
        %get3A_430 = vector.shape_cast %get3A_429 : vector<1x16xf32> to vector<16xf32>
        %add3A_431 = arith.addf %add3A_407, %get3A_430 : vector<16xf32>
        %mul3A_432 = arith.constant 8 : i32
        %mul3A_433 = arith.muli %scan3A_332, %mul3A_432 : i32
        %add3A_434 = arith.constant 4 : i32
        %add3A_435 = arith.addi %mul3A_433, %add3A_434 : i32
        %get3A_436 = arith.index_cast %add3A_435 : i32 to index
        %get3A_437 = arith.constant 0 : index
        %get3A_438 = tpu.vector_load %arg6[%get3A_436, %get3A_437] {strides = array<i32>} : memref<200x64xf32, #tpu.memory_space<vmem>>, vector<1x16xf32>,
        %get3A_439 = vector.shape_cast %get3A_438 : vector<1x16xf32> to vector<16xf32>
        %add3A_440 = arith.addf %add3A_416, %get3A_439 : vector<16xf32>
        %get3A_441 = arith.index_cast %add3A_435 : i32 to index
        %get3A_442 = arith.constant 16 : index
        %get3A_443 = tpu.vector_load %arg6[%get3A_441, %get3A_442] {strides = array<i32>} : memref<200x64xf32, #tpu.memory_space<vmem>>, vector<1x16xf32>,
        %get3A_444 = vector.shape_cast %get3A_443 : vector<1x16xf32> to vector<16xf32>
        %add3A_445 = arith.addf %add3A_421, %get3A_444 : vector<16xf32>
        %get3A_446 = arith.index_cast %add3A_435 : i32 to index
        %get3A_447 = arith.constant 32 : index
        %get3A_448 = tpu.vector_load %arg6[%get3A_446, %get3A_447] {strides = array<i32>} : memref<200x64xf32, #tpu.memory_space<vmem>>, vector<1x16xf32>,
        %get3A_449 = vector.shape_cast %get3A_448 : vector<1x16xf32> to vector<16xf32>
        %add3A_450 = arith.addf %add3A_426, %get3A_449 : vector<16xf32>
        %get3A_451 = arith.index_cast %add3A_435 : i32 to index
        %get3A_452 = arith.constant 48 : index
        %get3A_453 = tpu.vector_load %arg6[%get3A_451, %get3A_452] {strides = array<i32>} : memref<200x64xf32, #tpu.memory_space<vmem>>, vector<1x16xf32>,
        %get3A_454 = vector.shape_cast %get3A_453 : vector<1x16xf32> to vector<16xf32>
        %add3A_455 = arith.addf %add3A_431, %get3A_454 : vector<16xf32>
        %mul3A_456 = arith.constant 8 : i32
        %mul3A_457 = arith.muli %scan3A_332, %mul3A_456 : i32
        %add3A_458 = arith.constant 5 : i32
        %add3A_459 = arith.addi %mul3A_457, %add3A_458 : i32
        %get3A_460 = arith.index_cast %add3A_459 : i32 to index
        %get3A_461 = arith.constant 0 : index
        %get3A_462 = tpu.vector_load %arg6[%get3A_460, %get3A_461] {strides = array<i32>} : memref<200x64xf32, #tpu.memory_space<vmem>>, vector<1x16xf32>,
        %get3A_463 = vector.shape_cast %get3A_462 : vector<1x16xf32> to vector<16xf32>
        %add3A_464 = arith.addf %add3A_440, %get3A_463 : vector<16xf32>
        %get3A_465 = arith.index_cast %add3A_459 : i32 to index
        %get3A_466 = arith.constant 16 : index
        %get3A_467 = tpu.vector_load %arg6[%get3A_465, %get3A_466] {strides = array<i32>} : memref<200x64xf32, #tpu.memory_space<vmem>>, vector<1x16xf32>,
        %get3A_468 = vector.shape_cast %get3A_467 : vector<1x16xf32> to vector<16xf32>
        %add3A_469 = arith.addf %add3A_445, %get3A_468 : vector<16xf32>
        %get3A_470 = arith.index_cast %add3A_459 : i32 to index
        %get3A_471 = arith.constant 32 : index
        %get3A_472 = tpu.vector_load %arg6[%get3A_470, %get3A_471] {strides = array<i32>} : memref<200x64xf32, #tpu.memory_space<vmem>>, vector<1x16xf32>,
        %get3A_473 = vector.shape_cast %get3A_472 : vector<1x16xf32> to vector<16xf32>
        %add3A_474 = arith.addf %add3A_450, %get3A_473 : vector<16xf32>
        %get3A_475 = arith.index_cast %add3A_459 : i32 to index
        %get3A_476 = arith.constant 48 : index
        %get3A_477 = tpu.vector_load %arg6[%get3A_475, %get3A_476] {strides = array<i32>} : memref<200x64xf32, #tpu.memory_space<vmem>>, vector<1x16xf32>,
        %get3A_478 = vector.shape_cast %get3A_477 : vector<1x16xf32> to vector<16xf32>
        %add3A_479 = arith.addf %add3A_455, %get3A_478 : vector<16xf32>
        %mul3A_480 = arith.constant 8 : i32
        %mul3A_481 = arith.muli %scan3A_332, %mul3A_480 : i32
        %add3A_482 = arith.constant 6 : i32
        %add3A_483 = arith.addi %mul3A_481, %add3A_482 : i32
        %get3A_484 = arith.index_cast %add3A_483 : i32 to index
        %get3A_485 = arith.constant 0 : index
        %get3A_486 = tpu.vector_load %arg6[%get3A_484, %get3A_485] {strides = array<i32>} : memref<200x64xf32, #tpu.memory_space<vmem>>, vector<1x16xf32>,
        %get3A_487 = vector.shape_cast %get3A_486 : vector<1x16xf32> to vector<16xf32>
        %add3A_488 = arith.addf %add3A_464, %get3A_487 : vector<16xf32>
        %get3A_489 = arith.index_cast %add3A_483 : i32 to index
        %get3A_490 = arith.constant 16 : index
        %get3A_491 = tpu.vector_load %arg6[%get3A_489, %get3A_490] {strides = array<i32>} : memref<200x64xf32, #tpu.memory_space<vmem>>, vector<1x16xf32>,
        %get3A_492 = vector.shape_cast %get3A_491 : vector<1x16xf32> to vector<16xf32>
        %add3A_493 = arith.addf %add3A_469, %get3A_492 : vector<16xf32>
        %get3A_494 = arith.index_cast %add3A_483 : i32 to index
        %get3A_495 = arith.constant 32 : index
        %get3A_496 = tpu.vector_load %arg6[%get3A_494, %get3A_495] {strides = array<i32>} : memref<200x64xf32, #tpu.memory_space<vmem>>, vector<1x16xf32>,
        %get3A_497 = vector.shape_cast %get3A_496 : vector<1x16xf32> to vector<16xf32>
        %add3A_498 = arith.addf %add3A_474, %get3A_497 : vector<16xf32>
        %get3A_499 = arith.index_cast %add3A_483 : i32 to index
        %get3A_500 = arith.constant 48 : index
        %get3A_501 = tpu.vector_load %arg6[%get3A_499, %get3A_500] {strides = array<i32>} : memref<200x64xf32, #tpu.memory_space<vmem>>, vector<1x16xf32>,
        %get3A_502 = vector.shape_cast %get3A_501 : vector<1x16xf32> to vector<16xf32>
        %add3A_503 = arith.addf %add3A_479, %get3A_502 : vector<16xf32>
        %mul3A_504 = arith.constant 8 : i32
        %mul3A_505 = arith.muli %scan3A_332, %mul3A_504 : i32
        %add3A_506 = arith.constant 7 : i32
        %add3A_507 = arith.addi %mul3A_505, %add3A_506 : i32
        %get3A_508 = arith.index_cast %add3A_507 : i32 to index
        %get3A_509 = arith.constant 0 : index
        %get3A_510 = tpu.vector_load %arg6[%get3A_508, %get3A_509] {strides = array<i32>} : memref<200x64xf32, #tpu.memory_space<vmem>>, vector<1x16xf32>,
        %get3A_511 = vector.shape_cast %get3A_510 : vector<1x16xf32> to vector<16xf32>
        %add3A_512 = arith.addf %add3A_488, %get3A_511 : vector<16xf32>
        %get3A_513 = arith.index_cast %add3A_507 : i32 to index
        %get3A_514 = arith.constant 16 : index
        %get3A_515 = tpu.vector_load %arg6[%get3A_513, %get3A_514] {strides = array<i32>} : memref<200x64xf32, #tpu.memory_space<vmem>>, vector<1x16xf32>,
        %get3A_516 = vector.shape_cast %get3A_515 : vector<1x16xf32> to vector<16xf32>
        %add3A_517 = arith.addf %add3A_493, %get3A_516 : vector<16xf32>
        %get3A_518 = arith.index_cast %add3A_507 : i32 to index
        %get3A_519 = arith.constant 32 : index
        %get3A_520 = tpu.vector_load %arg6[%get3A_518, %get3A_519] {strides = array<i32>} : memref<200x64xf32, #tpu.memory_space<vmem>>, vector<1x16xf32>,
        %get3A_521 = vector.shape_cast %get3A_520 : vector<1x16xf32> to vector<16xf32>
        %add3A_522 = arith.addf %add3A_498, %get3A_521 : vector<16xf32>
        %get3A_523 = arith.index_cast %add3A_507 : i32 to index
        %get3A_524 = arith.constant 48 : index
        %get3A_525 = tpu.vector_load %arg6[%get3A_523, %get3A_524] {strides = array<i32>} : memref<200x64xf32, #tpu.memory_space<vmem>>, vector<1x16xf32>,
        %get3A_526 = vector.shape_cast %get3A_525 : vector<1x16xf32> to vector<16xf32>
        %add3A_527 = arith.addf %add3A_503, %get3A_526 : vector<16xf32>
        scf.yield %add3A_512, %add3A_517, %add3A_522, %add3A_527 : vector<16xf32>, vector<16xf32>, vector<16xf32>, vector<16xf32>
      }
      %scan3A_117 = arith.constant 25 : i32
      %swap3A = arith.index_cast %add3A_81 : i32 to index
      %swap3A_118 = arith.constant 0 : index
      %swap3A_119 = tpu.vector_load %arg10[%swap3A, %swap3A_118] {strides = array<i32>} : memref<128x64xf32, #tpu.memory_space<vmem>>, vector<1x16xf32>,
      %swap3A_120 = vector.shape_cast %swap3A_119 : vector<1x16xf32> to vector<16xf32>
      %swap3A_121 = vector.shape_cast %scan3A_116#0 : vector<16xf32> to vector<1x16xf32>
      tpu.vector_store %arg10[%swap3A, %swap3A_118], %swap3A_121 {strides = array<i32>} : memref<128x64xf32, #tpu.memory_space<vmem>>, vector<1x16xf32>,
      %swap3A_122 = arith.index_cast %add3A_81 : i32 to index
      %swap3A_123 = arith.constant 16 : index
      %swap3A_124 = tpu.vector_load %arg10[%swap3A_122, %swap3A_123] {strides = array<i32>} : memref<128x64xf32, #tpu.memory_space<vmem>>, vector<1x16xf32>,
      %swap3A_125 = vector.shape_cast %swap3A_124 : vector<1x16xf32> to vector<16xf32>
      %swap3A_126 = vector.shape_cast %scan3A_116#1 : vector<16xf32> to vector<1x16xf32>
      tpu.vector_store %arg10[%swap3A_122, %swap3A_123], %swap3A_126 {strides = array<i32>} : memref<128x64xf32, #tpu.memory_space<vmem>>, vector<1x16xf32>,
      %swap3A_127 = arith.index_cast %add3A_81 : i32 to index
      %swap3A_128 = arith.constant 32 : index
      %swap3A_129 = tpu.vector_load %arg10[%swap3A_127, %swap3A_128] {strides = array<i32>} : memref<128x64xf32, #tpu.memory_space<vmem>>, vector<1x16xf32>,
      %swap3A_130 = vector.shape_cast %swap3A_129 : vector<1x16xf32> to vector<16xf32>
      %swap3A_131 = vector.shape_cast %scan3A_116#2 : vector<16xf32> to vector<1x16xf32>
      tpu.vector_store %arg10[%swap3A_127, %swap3A_128], %swap3A_131 {strides = array<i32>} : memref<128x64xf32, #tpu.memory_space<vmem>>, vector<1x16xf32>,
      %swap3A_132 = arith.index_cast %add3A_81 : i32 to index
      %swap3A_133 = arith.constant 48 : index
      %swap3A_134 = tpu.vector_load %arg10[%swap3A_132, %swap3A_133] {strides = array<i32>} : memref<128x64xf32, #tpu.memory_space<vmem>>, vector<1x16xf32>,
      %swap3A_135 = vector.shape_cast %swap3A_134 : vector<1x16xf32> to vector<16xf32>
      %swap3A_136 = vector.shape_cast %scan3A_116#3 : vector<16xf32> to vector<1x16xf32>
      tpu.vector_store %arg10[%swap3A_132, %swap3A_133], %swap3A_136 {strides = array<i32>} : memref<128x64xf32, #tpu.memory_space<vmem>>, vector<1x16xf32>,
      %mul3A_137 = arith.constant 4 : i32
      %mul3A_138 = arith.muli %mul3A_137, %add3A_77 : i32
      %add3A_139 = arith.constant 1 : i32
      %add3A_140 = arith.addi %mul3A_138, %add3A_139 : i32
      %add3A_141 = arith.constant 4 : i32
      %add3A_142 = arith.addi %add3A_140, %add3A_141 : i32
      %sub3A_143 = arith.constant 1 : i32
      %sub3A_144 = arith.subi %add3A_142, %sub3A_143 : i32
      %lt3A_145 = arith.constant 128 : i32
      %lt3A_146 = arith.cmpi slt, %sub3A_144, %lt3A_145 : i32
      %convert_element_type3A_147 = arith.extui %lt3A_146 : i1 to i32
      %cond3A_148 = arith.constant 0 : i32
      %cond3A_149 = arith.cmpi ne, %convert_element_type3A_147, %cond3A_148 : i32
      scf.if %cond3A_149 {
        %dma_start3A_332 = arith.constant 0 : i32
        %dma_start3A_333 = arith.constant 0 : i32
        %dma_start3A_334 = tpu.memref_slice %arg6[%dma_start3A_332, %dma_start3A_333] : memref<200x64xf32, #tpu.memory_space<vmem>> -> memref<128x64xf32, #tpu.memory_space<vmem>>
        %dma_start3A_335 = arith.constant 0 : i32
        %dma_start3A_336 = tpu.memref_slice %arg5[%sub3A_144, %dma_start3A_335] : memref<128x200xi32, #tpu.memory_space<vmem>> -> memref<1x128xi32, #tpu.memory_space<vmem>>
        %dma_start3A_337 = tpu.memref_squeeze %dma_start3A_336 : memref<1x128xi32, #tpu.memory_space<vmem>> -> memref<128xi32, #tpu.memory_space<vmem>>
        %dma_start3A_338 = arith.constant 0 : i32
        %dma_start3A_339 = arith.constant 0 : i32
        %dma_start3A_340 = tpu.memref_slice %arg3[%dma_start3A_338, %dma_start3A_339] : memref<1000000x64xf32, #tpu.memory_space<hbm>> -> memref<1000000x64xf32, #tpu.memory_space<hbm>>
        tpu.enqueue_indirect_dma source(%dma_start3A_340 : memref<1000000x64xf32, #tpu.memory_space<hbm>>) target(%dma_start3A_334 : memref<128x64xf32, #tpu.memory_space<vmem>>) offsets(%dma_start3A_337 : memref<128xi32, #tpu.memory_space<vmem>>) semaphore(%arg12 : memref<!tpu.dma_semaphore, #tpu.memory_space<semaphore_mem>>)
        %dma_start3A_341 = arith.constant 128 : i32
        %dma_start3A_342 = arith.constant 0 : i32
        %dma_start3A_343 = tpu.memref_slice %arg6[%dma_start3A_341, %dma_start3A_342] : memref<200x64xf32, #tpu.memory_space<vmem>> -> memref<72x64xf32, #tpu.memory_space<vmem>>
        %dma_start3A_344 = arith.constant 128 : i32
        %dma_start3A_345 = tpu.memref_slice %arg5[%sub3A_144, %dma_start3A_344] : memref<128x200xi32, #tpu.memory_space<vmem>> -> memref<1x72xi32, #tpu.memory_space<vmem>>
        %dma_start3A_346 = tpu.memref_squeeze %dma_start3A_345 : memref<1x72xi32, #tpu.memory_space<vmem>> -> memref<72xi32, #tpu.memory_space<vmem>>
        %dma_start3A_347 = arith.constant 0 : i32
        %dma_start3A_348 = arith.constant 0 : i32
        %dma_start3A_349 = tpu.memref_slice %arg3[%dma_start3A_347, %dma_start3A_348] : memref<1000000x64xf32, #tpu.memory_space<hbm>> -> memref<1000000x64xf32, #tpu.memory_space<hbm>>
        tpu.enqueue_indirect_dma source(%dma_start3A_349 : memref<1000000x64xf32, #tpu.memory_space<hbm>>) target(%dma_start3A_343 : memref<72x64xf32, #tpu.memory_space<vmem>>) offsets(%dma_start3A_346 : memref<72xi32, #tpu.memory_space<vmem>>) semaphore(%arg12 : memref<!tpu.dma_semaphore, #tpu.memory_space<semaphore_mem>>)
      } else {
      }
      %dma_wait3A_150 = arith.constant 0 : i32
      %dma_wait3A_151 = arith.constant 0 : i32
      %dma_wait3A_152 = tpu.memref_slice %arg7[%dma_wait3A_150, %dma_wait3A_151] : memref<200x64xf32, #tpu.memory_space<vmem>> -> memref<128x64xf32, #tpu.memory_space<vmem>>
      %dma_wait3A_153 = arith.constant 0 : i32
      %dma_wait3A_154 = tpu.memref_slice %arg5[%add3A_140, %dma_wait3A_153] : memref<128x200xi32, #tpu.memory_space<vmem>> -> memref<1x128xi32, #tpu.memory_space<vmem>>
      %dma_wait3A_155 = tpu.memref_squeeze %dma_wait3A_154 : memref<1x128xi32, #tpu.memory_space<vmem>> -> memref<128xi32, #tpu.memory_space<vmem>>
      %dma_wait3A_156 = arith.constant 0 : i32
      %dma_wait3A_157 = arith.constant 0 : i32
      %dma_wait3A_158 = tpu.memref_slice %arg3[%dma_wait3A_156, %dma_wait3A_157] : memref<1000000x64xf32, #tpu.memory_space<hbm>> -> memref<1000000x64xf32, #tpu.memory_space<hbm>>
      tpu.wait_indirect_dma semaphore(%arg13 : memref<!tpu.dma_semaphore, #tpu.memory_space<semaphore_mem>>) src(%dma_wait3A_158 : memref<1000000x64xf32, #tpu.memory_space<hbm>>) dst(%dma_wait3A_152 : memref<128x64xf32, #tpu.memory_space<vmem>>)
      %dma_wait3A_159 = arith.constant 128 : i32
      %dma_wait3A_160 = arith.constant 0 : i32
      %dma_wait3A_161 = tpu.memref_slice %arg7[%dma_wait3A_159, %dma_wait3A_160] : memref<200x64xf32, #tpu.memory_space<vmem>> -> memref<72x64xf32, #tpu.memory_space<vmem>>
      %dma_wait3A_162 = arith.constant 128 : i32
      %dma_wait3A_163 = tpu.memref_slice %arg5[%add3A_140, %dma_wait3A_162] : memref<128x200xi32, #tpu.memory_space<vmem>> -> memref<1x72xi32, #tpu.memory_space<vmem>>
      %dma_wait3A_164 = tpu.memref_squeeze %dma_wait3A_163 : memref<1x72xi32, #tpu.memory_space<vmem>> -> memref<72xi32, #tpu.memory_space<vmem>>
      %dma_wait3A_165 = arith.constant 0 : i32
      %dma_wait3A_166 = arith.constant 0 : i32
      %dma_wait3A_167 = tpu.memref_slice %arg3[%dma_wait3A_165, %dma_wait3A_166] : memref<1000000x64xf32, #tpu.memory_space<hbm>> -> memref<1000000x64xf32, #tpu.memory_space<hbm>>
      tpu.wait_indirect_dma semaphore(%arg13 : memref<!tpu.dma_semaphore, #tpu.memory_space<semaphore_mem>>) src(%dma_wait3A_167 : memref<1000000x64xf32, #tpu.memory_space<hbm>>) dst(%dma_wait3A_161 : memref<72x64xf32, #tpu.memory_space<vmem>>)
      %broadcast_in_dim3A_168 = arith.constant 0.000000e+00 : f32
      %broadcast_in_dim3A_169 = vector.broadcast %broadcast_in_dim3A_168 : f32 to vector<16xf32>
      %broadcast_in_dim3A_170 = arith.constant 0.000000e+00 : f32
      %broadcast_in_dim3A_171 = vector.broadcast %broadcast_in_dim3A_170 : f32 to vector<16xf32>
      %broadcast_in_dim3A_172 = arith.constant 0.000000e+00 : f32
      %broadcast_in_dim3A_173 = vector.broadcast %broadcast_in_dim3A_172 : f32 to vector<16xf32>
      %broadcast_in_dim3A_174 = arith.constant 0.000000e+00 : f32
      %broadcast_in_dim3A_175 = vector.broadcast %broadcast_in_dim3A_174 : f32 to vector<16xf32>
      %scan3A_176 = arith.constant 0 : i32
      %scan3A_177 = arith.constant 25 : i32
      %scan3A_178 = arith.addi %scan3A_176, %scan3A_177 : i32
      %scan3A_179 = arith.constant 1 : i32
      %scan3A_180:4 = scf.for %scan3A_332 = %scan3A_176 to %scan3A_178 step %scan3A_179 iter_args(%scan3A_333 = %broadcast_in_dim3A_169, %scan3A_334 = %broadcast_in_dim3A_171, %scan3A_335 = %broadcast_in_dim3A_173, %scan3A_336 = %broadcast_in_dim3A_175) -> (vector<16xf32>, vector<16xf32>, vector<16xf32>, vector<16xf32>)  : i32 {
        %mul3A_337 = arith.constant 8 : i32
        %mul3A_338 = arith.muli %scan3A_332, %mul3A_337 : i32
        %add3A_339 = arith.constant 0 : i32
        %add3A_340 = arith.addi %mul3A_338, %add3A_339 : i32
        %get3A = arith.index_cast %add3A_340 : i32 to index
        %get3A_341 = arith.constant 0 : index
        %get3A_342 = tpu.vector_load %arg7[%get3A, %get3A_341] {strides = array<i32>} : memref<200x64xf32, #tpu.memory_space<vmem>>, vector<1x16xf32>,
        %get3A_343 = vector.shape_cast %get3A_342 : vector<1x16xf32> to vector<16xf32>
        %add3A_344 = arith.addf %scan3A_333, %get3A_343 : vector<16xf32>
        %get3A_345 = arith.index_cast %add3A_340 : i32 to index
        %get3A_346 = arith.constant 16 : index
        %get3A_347 = tpu.vector_load %arg7[%get3A_345, %get3A_346] {strides = array<i32>} : memref<200x64xf32, #tpu.memory_space<vmem>>, vector<1x16xf32>,
        %get3A_348 = vector.shape_cast %get3A_347 : vector<1x16xf32> to vector<16xf32>
        %add3A_349 = arith.addf %scan3A_334, %get3A_348 : vector<16xf32>
        %get3A_350 = arith.index_cast %add3A_340 : i32 to index
        %get3A_351 = arith.constant 32 : index
        %get3A_352 = tpu.vector_load %arg7[%get3A_350, %get3A_351] {strides = array<i32>} : memref<200x64xf32, #tpu.memory_space<vmem>>, vector<1x16xf32>,
        %get3A_353 = vector.shape_cast %get3A_352 : vector<1x16xf32> to vector<16xf32>
        %add3A_354 = arith.addf %scan3A_335, %get3A_353 : vector<16xf32>
        %get3A_355 = arith.index_cast %add3A_340 : i32 to index
        %get3A_356 = arith.constant 48 : index
        %get3A_357 = tpu.vector_load %arg7[%get3A_355, %get3A_356] {strides = array<i32>} : memref<200x64xf32, #tpu.memory_space<vmem>>, vector<1x16xf32>,
        %get3A_358 = vector.shape_cast %get3A_357 : vector<1x16xf32> to vector<16xf32>
        %add3A_359 = arith.addf %scan3A_336, %get3A_358 : vector<16xf32>
        %mul3A_360 = arith.constant 8 : i32
        %mul3A_361 = arith.muli %scan3A_332, %mul3A_360 : i32
        %add3A_362 = arith.constant 1 : i32
        %add3A_363 = arith.addi %mul3A_361, %add3A_362 : i32
        %get3A_364 = arith.index_cast %add3A_363 : i32 to index
        %get3A_365 = arith.constant 0 : index
        %get3A_366 = tpu.vector_load %arg7[%get3A_364, %get3A_365] {strides = array<i32>} : memref<200x64xf32, #tpu.memory_space<vmem>>, vector<1x16xf32>,
        %get3A_367 = vector.shape_cast %get3A_366 : vector<1x16xf32> to vector<16xf32>
        %add3A_368 = arith.addf %add3A_344, %get3A_367 : vector<16xf32>
        %get3A_369 = arith.index_cast %add3A_363 : i32 to index
        %get3A_370 = arith.constant 16 : index
        %get3A_371 = tpu.vector_load %arg7[%get3A_369, %get3A_370] {strides = array<i32>} : memref<200x64xf32, #tpu.memory_space<vmem>>, vector<1x16xf32>,
        %get3A_372 = vector.shape_cast %get3A_371 : vector<1x16xf32> to vector<16xf32>
        %add3A_373 = arith.addf %add3A_349, %get3A_372 : vector<16xf32>
        %get3A_374 = arith.index_cast %add3A_363 : i32 to index
        %get3A_375 = arith.constant 32 : index
        %get3A_376 = tpu.vector_load %arg7[%get3A_374, %get3A_375] {strides = array<i32>} : memref<200x64xf32, #tpu.memory_space<vmem>>, vector<1x16xf32>,
        %get3A_377 = vector.shape_cast %get3A_376 : vector<1x16xf32> to vector<16xf32>
        %add3A_378 = arith.addf %add3A_354, %get3A_377 : vector<16xf32>
        %get3A_379 = arith.index_cast %add3A_363 : i32 to index
        %get3A_380 = arith.constant 48 : index
        %get3A_381 = tpu.vector_load %arg7[%get3A_379, %get3A_380] {strides = array<i32>} : memref<200x64xf32, #tpu.memory_space<vmem>>, vector<1x16xf32>,
        %get3A_382 = vector.shape_cast %get3A_381 : vector<1x16xf32> to vector<16xf32>
        %add3A_383 = arith.addf %add3A_359, %get3A_382 : vector<16xf32>
        %mul3A_384 = arith.constant 8 : i32
        %mul3A_385 = arith.muli %scan3A_332, %mul3A_384 : i32
        %add3A_386 = arith.constant 2 : i32
        %add3A_387 = arith.addi %mul3A_385, %add3A_386 : i32
        %get3A_388 = arith.index_cast %add3A_387 : i32 to index
        %get3A_389 = arith.constant 0 : index
        %get3A_390 = tpu.vector_load %arg7[%get3A_388, %get3A_389] {strides = array<i32>} : memref<200x64xf32, #tpu.memory_space<vmem>>, vector<1x16xf32>,
        %get3A_391 = vector.shape_cast %get3A_390 : vector<1x16xf32> to vector<16xf32>
        %add3A_392 = arith.addf %add3A_368, %get3A_391 : vector<16xf32>
        %get3A_393 = arith.index_cast %add3A_387 : i32 to index
        %get3A_394 = arith.constant 16 : index
        %get3A_395 = tpu.vector_load %arg7[%get3A_393, %get3A_394] {strides = array<i32>} : memref<200x64xf32, #tpu.memory_space<vmem>>, vector<1x16xf32>,
        %get3A_396 = vector.shape_cast %get3A_395 : vector<1x16xf32> to vector<16xf32>
        %add3A_397 = arith.addf %add3A_373, %get3A_396 : vector<16xf32>
        %get3A_398 = arith.index_cast %add3A_387 : i32 to index
        %get3A_399 = arith.constant 32 : index
        %get3A_400 = tpu.vector_load %arg7[%get3A_398, %get3A_399] {strides = array<i32>} : memref<200x64xf32, #tpu.memory_space<vmem>>, vector<1x16xf32>,
        %get3A_401 = vector.shape_cast %get3A_400 : vector<1x16xf32> to vector<16xf32>
        %add3A_402 = arith.addf %add3A_378, %get3A_401 : vector<16xf32>
        %get3A_403 = arith.index_cast %add3A_387 : i32 to index
        %get3A_404 = arith.constant 48 : index
        %get3A_405 = tpu.vector_load %arg7[%get3A_403, %get3A_404] {strides = array<i32>} : memref<200x64xf32, #tpu.memory_space<vmem>>, vector<1x16xf32>,
        %get3A_406 = vector.shape_cast %get3A_405 : vector<1x16xf32> to vector<16xf32>
        %add3A_407 = arith.addf %add3A_383, %get3A_406 : vector<16xf32>
        %mul3A_408 = arith.constant 8 : i32
        %mul3A_409 = arith.muli %scan3A_332, %mul3A_408 : i32
        %add3A_410 = arith.constant 3 : i32
        %add3A_411 = arith.addi %mul3A_409, %add3A_410 : i32
        %get3A_412 = arith.index_cast %add3A_411 : i32 to index
        %get3A_413 = arith.constant 0 : index
        %get3A_414 = tpu.vector_load %arg7[%get3A_412, %get3A_413] {strides = array<i32>} : memref<200x64xf32, #tpu.memory_space<vmem>>, vector<1x16xf32>,
        %get3A_415 = vector.shape_cast %get3A_414 : vector<1x16xf32> to vector<16xf32>
        %add3A_416 = arith.addf %add3A_392, %get3A_415 : vector<16xf32>
        %get3A_417 = arith.index_cast %add3A_411 : i32 to index
        %get3A_418 = arith.constant 16 : index
        %get3A_419 = tpu.vector_load %arg7[%get3A_417, %get3A_418] {strides = array<i32>} : memref<200x64xf32, #tpu.memory_space<vmem>>, vector<1x16xf32>,
        %get3A_420 = vector.shape_cast %get3A_419 : vector<1x16xf32> to vector<16xf32>
        %add3A_421 = arith.addf %add3A_397, %get3A_420 : vector<16xf32>
        %get3A_422 = arith.index_cast %add3A_411 : i32 to index
        %get3A_423 = arith.constant 32 : index
        %get3A_424 = tpu.vector_load %arg7[%get3A_422, %get3A_423] {strides = array<i32>} : memref<200x64xf32, #tpu.memory_space<vmem>>, vector<1x16xf32>,
        %get3A_425 = vector.shape_cast %get3A_424 : vector<1x16xf32> to vector<16xf32>
        %add3A_426 = arith.addf %add3A_402, %get3A_425 : vector<16xf32>
        %get3A_427 = arith.index_cast %add3A_411 : i32 to index
        %get3A_428 = arith.constant 48 : index
        %get3A_429 = tpu.vector_load %arg7[%get3A_427, %get3A_428] {strides = array<i32>} : memref<200x64xf32, #tpu.memory_space<vmem>>, vector<1x16xf32>,
        %get3A_430 = vector.shape_cast %get3A_429 : vector<1x16xf32> to vector<16xf32>
        %add3A_431 = arith.addf %add3A_407, %get3A_430 : vector<16xf32>
        %mul3A_432 = arith.constant 8 : i32
        %mul3A_433 = arith.muli %scan3A_332, %mul3A_432 : i32
        %add3A_434 = arith.constant 4 : i32
        %add3A_435 = arith.addi %mul3A_433, %add3A_434 : i32
        %get3A_436 = arith.index_cast %add3A_435 : i32 to index
        %get3A_437 = arith.constant 0 : index
        %get3A_438 = tpu.vector_load %arg7[%get3A_436, %get3A_437] {strides = array<i32>} : memref<200x64xf32, #tpu.memory_space<vmem>>, vector<1x16xf32>,
        %get3A_439 = vector.shape_cast %get3A_438 : vector<1x16xf32> to vector<16xf32>
        %add3A_440 = arith.addf %add3A_416, %get3A_439 : vector<16xf32>
        %get3A_441 = arith.index_cast %add3A_435 : i32 to index
        %get3A_442 = arith.constant 16 : index
        %get3A_443 = tpu.vector_load %arg7[%get3A_441, %get3A_442] {strides = array<i32>} : memref<200x64xf32, #tpu.memory_space<vmem>>, vector<1x16xf32>,
        %get3A_444 = vector.shape_cast %get3A_443 : vector<1x16xf32> to vector<16xf32>
        %add3A_445 = arith.addf %add3A_421, %get3A_444 : vector<16xf32>
        %get3A_446 = arith.index_cast %add3A_435 : i32 to index
        %get3A_447 = arith.constant 32 : index
        %get3A_448 = tpu.vector_load %arg7[%get3A_446, %get3A_447] {strides = array<i32>} : memref<200x64xf32, #tpu.memory_space<vmem>>, vector<1x16xf32>,
        %get3A_449 = vector.shape_cast %get3A_448 : vector<1x16xf32> to vector<16xf32>
        %add3A_450 = arith.addf %add3A_426, %get3A_449 : vector<16xf32>
        %get3A_451 = arith.index_cast %add3A_435 : i32 to index
        %get3A_452 = arith.constant 48 : index
        %get3A_453 = tpu.vector_load %arg7[%get3A_451, %get3A_452] {strides = array<i32>} : memref<200x64xf32, #tpu.memory_space<vmem>>, vector<1x16xf32>,
        %get3A_454 = vector.shape_cast %get3A_453 : vector<1x16xf32> to vector<16xf32>
        %add3A_455 = arith.addf %add3A_431, %get3A_454 : vector<16xf32>
        %mul3A_456 = arith.constant 8 : i32
        %mul3A_457 = arith.muli %scan3A_332, %mul3A_456 : i32
        %add3A_458 = arith.constant 5 : i32
        %add3A_459 = arith.addi %mul3A_457, %add3A_458 : i32
        %get3A_460 = arith.index_cast %add3A_459 : i32 to index
        %get3A_461 = arith.constant 0 : index
        %get3A_462 = tpu.vector_load %arg7[%get3A_460, %get3A_461] {strides = array<i32>} : memref<200x64xf32, #tpu.memory_space<vmem>>, vector<1x16xf32>,
        %get3A_463 = vector.shape_cast %get3A_462 : vector<1x16xf32> to vector<16xf32>
        %add3A_464 = arith.addf %add3A_440, %get3A_463 : vector<16xf32>
        %get3A_465 = arith.index_cast %add3A_459 : i32 to index
        %get3A_466 = arith.constant 16 : index
        %get3A_467 = tpu.vector_load %arg7[%get3A_465, %get3A_466] {strides = array<i32>} : memref<200x64xf32, #tpu.memory_space<vmem>>, vector<1x16xf32>,
        %get3A_468 = vector.shape_cast %get3A_467 : vector<1x16xf32> to vector<16xf32>
        %add3A_469 = arith.addf %add3A_445, %get3A_468 : vector<16xf32>
        %get3A_470 = arith.index_cast %add3A_459 : i32 to index
        %get3A_471 = arith.constant 32 : index
        %get3A_472 = tpu.vector_load %arg7[%get3A_470, %get3A_471] {strides = array<i32>} : memref<200x64xf32, #tpu.memory_space<vmem>>, vector<1x16xf32>,
        %get3A_473 = vector.shape_cast %get3A_472 : vector<1x16xf32> to vector<16xf32>
        %add3A_474 = arith.addf %add3A_450, %get3A_473 : vector<16xf32>
        %get3A_475 = arith.index_cast %add3A_459 : i32 to index
        %get3A_476 = arith.constant 48 : index
        %get3A_477 = tpu.vector_load %arg7[%get3A_475, %get3A_476] {strides = array<i32>} : memref<200x64xf32, #tpu.memory_space<vmem>>, vector<1x16xf32>,
        %get3A_478 = vector.shape_cast %get3A_477 : vector<1x16xf32> to vector<16xf32>
        %add3A_479 = arith.addf %add3A_455, %get3A_478 : vector<16xf32>
        %mul3A_480 = arith.constant 8 : i32
        %mul3A_481 = arith.muli %scan3A_332, %mul3A_480 : i32
        %add3A_482 = arith.constant 6 : i32
        %add3A_483 = arith.addi %mul3A_481, %add3A_482 : i32
        %get3A_484 = arith.index_cast %add3A_483 : i32 to index
        %get3A_485 = arith.constant 0 : index
        %get3A_486 = tpu.vector_load %arg7[%get3A_484, %get3A_485] {strides = array<i32>} : memref<200x64xf32, #tpu.memory_space<vmem>>, vector<1x16xf32>,
        %get3A_487 = vector.shape_cast %get3A_486 : vector<1x16xf32> to vector<16xf32>
        %add3A_488 = arith.addf %add3A_464, %get3A_487 : vector<16xf32>
        %get3A_489 = arith.index_cast %add3A_483 : i32 to index
        %get3A_490 = arith.constant 16 : index
        %get3A_491 = tpu.vector_load %arg7[%get3A_489, %get3A_490] {strides = array<i32>} : memref<200x64xf32, #tpu.memory_space<vmem>>, vector<1x16xf32>,
        %get3A_492 = vector.shape_cast %get3A_491 : vector<1x16xf32> to vector<16xf32>
        %add3A_493 = arith.addf %add3A_469, %get3A_492 : vector<16xf32>
        %get3A_494 = arith.index_cast %add3A_483 : i32 to index
        %get3A_495 = arith.constant 32 : index
        %get3A_496 = tpu.vector_load %arg7[%get3A_494, %get3A_495] {strides = array<i32>} : memref<200x64xf32, #tpu.memory_space<vmem>>, vector<1x16xf32>,
        %get3A_497 = vector.shape_cast %get3A_496 : vector<1x16xf32> to vector<16xf32>
        %add3A_498 = arith.addf %add3A_474, %get3A_497 : vector<16xf32>
        %get3A_499 = arith.index_cast %add3A_483 : i32 to index
        %get3A_500 = arith.constant 48 : index
        %get3A_501 = tpu.vector_load %arg7[%get3A_499, %get3A_500] {strides = array<i32>} : memref<200x64xf32, #tpu.memory_space<vmem>>, vector<1x16xf32>,
        %get3A_502 = vector.shape_cast %get3A_501 : vector<1x16xf32> to vector<16xf32>
        %add3A_503 = arith.addf %add3A_479, %get3A_502 : vector<16xf32>
        %mul3A_504 = arith.constant 8 : i32
        %mul3A_505 = arith.muli %scan3A_332, %mul3A_504 : i32
        %add3A_506 = arith.constant 7 : i32
        %add3A_507 = arith.addi %mul3A_505, %add3A_506 : i32
        %get3A_508 = arith.index_cast %add3A_507 : i32 to index
        %get3A_509 = arith.constant 0 : index
        %get3A_510 = tpu.vector_load %arg7[%get3A_508, %get3A_509] {strides = array<i32>} : memref<200x64xf32, #tpu.memory_space<vmem>>, vector<1x16xf32>,
        %get3A_511 = vector.shape_cast %get3A_510 : vector<1x16xf32> to vector<16xf32>
        %add3A_512 = arith.addf %add3A_488, %get3A_511 : vector<16xf32>
        %get3A_513 = arith.index_cast %add3A_507 : i32 to index
        %get3A_514 = arith.constant 16 : index
        %get3A_515 = tpu.vector_load %arg7[%get3A_513, %get3A_514] {strides = array<i32>} : memref<200x64xf32, #tpu.memory_space<vmem>>, vector<1x16xf32>,
        %get3A_516 = vector.shape_cast %get3A_515 : vector<1x16xf32> to vector<16xf32>
        %add3A_517 = arith.addf %add3A_493, %get3A_516 : vector<16xf32>
        %get3A_518 = arith.index_cast %add3A_507 : i32 to index
        %get3A_519 = arith.constant 32 : index
        %get3A_520 = tpu.vector_load %arg7[%get3A_518, %get3A_519] {strides = array<i32>} : memref<200x64xf32, #tpu.memory_space<vmem>>, vector<1x16xf32>,
        %get3A_521 = vector.shape_cast %get3A_520 : vector<1x16xf32> to vector<16xf32>
        %add3A_522 = arith.addf %add3A_498, %get3A_521 : vector<16xf32>
        %get3A_523 = arith.index_cast %add3A_507 : i32 to index
        %get3A_524 = arith.constant 48 : index
        %get3A_525 = tpu.vector_load %arg7[%get3A_523, %get3A_524] {strides = array<i32>} : memref<200x64xf32, #tpu.memory_space<vmem>>, vector<1x16xf32>,
        %get3A_526 = vector.shape_cast %get3A_525 : vector<1x16xf32> to vector<16xf32>
        %add3A_527 = arith.addf %add3A_503, %get3A_526 : vector<16xf32>
        scf.yield %add3A_512, %add3A_517, %add3A_522, %add3A_527 : vector<16xf32>, vector<16xf32>, vector<16xf32>, vector<16xf32>
      }
      %scan3A_181 = arith.constant 25 : i32
      %swap3A_182 = arith.index_cast %add3A_140 : i32 to index
      %swap3A_183 = arith.constant 0 : index
      %swap3A_184 = tpu.vector_load %arg10[%swap3A_182, %swap3A_183] {strides = array<i32>} : memref<128x64xf32, #tpu.memory_space<vmem>>, vector<1x16xf32>,
      %swap3A_185 = vector.shape_cast %swap3A_184 : vector<1x16xf32> to vector<16xf32>
      %swap3A_186 = vector.shape_cast %scan3A_180#0 : vector<16xf32> to vector<1x16xf32>
      tpu.vector_store %arg10[%swap3A_182, %swap3A_183], %swap3A_186 {strides = array<i32>} : memref<128x64xf32, #tpu.memory_space<vmem>>, vector<1x16xf32>,
      %swap3A_187 = arith.index_cast %add3A_140 : i32 to index
      %swap3A_188 = arith.constant 16 : index
      %swap3A_189 = tpu.vector_load %arg10[%swap3A_187, %swap3A_188] {strides = array<i32>} : memref<128x64xf32, #tpu.memory_space<vmem>>, vector<1x16xf32>,
      %swap3A_190 = vector.shape_cast %swap3A_189 : vector<1x16xf32> to vector<16xf32>
      %swap3A_191 = vector.shape_cast %scan3A_180#1 : vector<16xf32> to vector<1x16xf32>
      tpu.vector_store %arg10[%swap3A_187, %swap3A_188], %swap3A_191 {strides = array<i32>} : memref<128x64xf32, #tpu.memory_space<vmem>>, vector<1x16xf32>,
      %swap3A_192 = arith.index_cast %add3A_140 : i32 to index
      %swap3A_193 = arith.constant 32 : index
      %swap3A_194 = tpu.vector_load %arg10[%swap3A_192, %swap3A_193] {strides = array<i32>} : memref<128x64xf32, #tpu.memory_space<vmem>>, vector<1x16xf32>,
      %swap3A_195 = vector.shape_cast %swap3A_194 : vector<1x16xf32> to vector<16xf32>
      %swap3A_196 = vector.shape_cast %scan3A_180#2 : vector<16xf32> to vector<1x16xf32>
      tpu.vector_store %arg10[%swap3A_192, %swap3A_193], %swap3A_196 {strides = array<i32>} : memref<128x64xf32, #tpu.memory_space<vmem>>, vector<1x16xf32>,
      %swap3A_197 = arith.index_cast %add3A_140 : i32 to index
      %swap3A_198 = arith.constant 48 : index
      %swap3A_199 = tpu.vector_load %arg10[%swap3A_197, %swap3A_198] {strides = array<i32>} : memref<128x64xf32, #tpu.memory_space<vmem>>, vector<1x16xf32>,
      %swap3A_200 = vector.shape_cast %swap3A_199 : vector<1x16xf32> to vector<16xf32>
      %swap3A_201 = vector.shape_cast %scan3A_180#3 : vector<16xf32> to vector<1x16xf32>
      tpu.vector_store %arg10[%swap3A_197, %swap3A_198], %swap3A_201 {strides = array<i32>} : memref<128x64xf32, #tpu.memory_space<vmem>>, vector<1x16xf32>,
      %mul3A_202 = arith.constant 4 : i32
      %mul3A_203 = arith.muli %mul3A_202, %add3A_77 : i32
      %add3A_204 = arith.constant 2 : i32
      %add3A_205 = arith.addi %mul3A_203, %add3A_204 : i32
      %add3A_206 = arith.constant 4 : i32
      %add3A_207 = arith.addi %add3A_205, %add3A_206 : i32
      %sub3A_208 = arith.constant 1 : i32
      %sub3A_209 = arith.subi %add3A_207, %sub3A_208 : i32
      %lt3A_210 = arith.constant 128 : i32
      %lt3A_211 = arith.cmpi slt, %sub3A_209, %lt3A_210 : i32
      %convert_element_type3A_212 = arith.extui %lt3A_211 : i1 to i32
      %cond3A_213 = arith.constant 0 : i32
      %cond3A_214 = arith.cmpi ne, %convert_element_type3A_212, %cond3A_213 : i32
      scf.if %cond3A_214 {
        %dma_start3A_332 = arith.constant 0 : i32
        %dma_start3A_333 = arith.constant 0 : i32
        %dma_start3A_334 = tpu.memref_slice %arg7[%dma_start3A_332, %dma_start3A_333] : memref<200x64xf32, #tpu.memory_space<vmem>> -> memref<128x64xf32, #tpu.memory_space<vmem>>
        %dma_start3A_335 = arith.constant 0 : i32
        %dma_start3A_336 = tpu.memref_slice %arg5[%sub3A_209, %dma_start3A_335] : memref<128x200xi32, #tpu.memory_space<vmem>> -> memref<1x128xi32, #tpu.memory_space<vmem>>
        %dma_start3A_337 = tpu.memref_squeeze %dma_start3A_336 : memref<1x128xi32, #tpu.memory_space<vmem>> -> memref<128xi32, #tpu.memory_space<vmem>>
        %dma_start3A_338 = arith.constant 0 : i32
        %dma_start3A_339 = arith.constant 0 : i32
        %dma_start3A_340 = tpu.memref_slice %arg3[%dma_start3A_338, %dma_start3A_339] : memref<1000000x64xf32, #tpu.memory_space<hbm>> -> memref<1000000x64xf32, #tpu.memory_space<hbm>>
        tpu.enqueue_indirect_dma source(%dma_start3A_340 : memref<1000000x64xf32, #tpu.memory_space<hbm>>) target(%dma_start3A_334 : memref<128x64xf32, #tpu.memory_space<vmem>>) offsets(%dma_start3A_337 : memref<128xi32, #tpu.memory_space<vmem>>) semaphore(%arg13 : memref<!tpu.dma_semaphore, #tpu.memory_space<semaphore_mem>>)
        %dma_start3A_341 = arith.constant 128 : i32
        %dma_start3A_342 = arith.constant 0 : i32
        %dma_start3A_343 = tpu.memref_slice %arg7[%dma_start3A_341, %dma_start3A_342] : memref<200x64xf32, #tpu.memory_space<vmem>> -> memref<72x64xf32, #tpu.memory_space<vmem>>
        %dma_start3A_344 = arith.constant 128 : i32
        %dma_start3A_345 = tpu.memref_slice %arg5[%sub3A_209, %dma_start3A_344] : memref<128x200xi32, #tpu.memory_space<vmem>> -> memref<1x72xi32, #tpu.memory_space<vmem>>
        %dma_start3A_346 = tpu.memref_squeeze %dma_start3A_345 : memref<1x72xi32, #tpu.memory_space<vmem>> -> memref<72xi32, #tpu.memory_space<vmem>>
        %dma_start3A_347 = arith.constant 0 : i32
        %dma_start3A_348 = arith.constant 0 : i32
        %dma_start3A_349 = tpu.memref_slice %arg3[%dma_start3A_347, %dma_start3A_348] : memref<1000000x64xf32, #tpu.memory_space<hbm>> -> memref<1000000x64xf32, #tpu.memory_space<hbm>>
        tpu.enqueue_indirect_dma source(%dma_start3A_349 : memref<1000000x64xf32, #tpu.memory_space<hbm>>) target(%dma_start3A_343 : memref<72x64xf32, #tpu.memory_space<vmem>>) offsets(%dma_start3A_346 : memref<72xi32, #tpu.memory_space<vmem>>) semaphore(%arg13 : memref<!tpu.dma_semaphore, #tpu.memory_space<semaphore_mem>>)
      } else {
      }
      %dma_wait3A_215 = arith.constant 0 : i32
      %dma_wait3A_216 = arith.constant 0 : i32
      %dma_wait3A_217 = tpu.memref_slice %arg8[%dma_wait3A_215, %dma_wait3A_216] : memref<200x64xf32, #tpu.memory_space<vmem>> -> memref<128x64xf32, #tpu.memory_space<vmem>>
      %dma_wait3A_218 = arith.constant 0 : i32
      %dma_wait3A_219 = tpu.memref_slice %arg5[%add3A_205, %dma_wait3A_218] : memref<128x200xi32, #tpu.memory_space<vmem>> -> memref<1x128xi32, #tpu.memory_space<vmem>>
      %dma_wait3A_220 = tpu.memref_squeeze %dma_wait3A_219 : memref<1x128xi32, #tpu.memory_space<vmem>> -> memref<128xi32, #tpu.memory_space<vmem>>
      %dma_wait3A_221 = arith.constant 0 : i32
      %dma_wait3A_222 = arith.constant 0 : i32
      %dma_wait3A_223 = tpu.memref_slice %arg3[%dma_wait3A_221, %dma_wait3A_222] : memref<1000000x64xf32, #tpu.memory_space<hbm>> -> memref<1000000x64xf32, #tpu.memory_space<hbm>>
      tpu.wait_indirect_dma semaphore(%arg14 : memref<!tpu.dma_semaphore, #tpu.memory_space<semaphore_mem>>) src(%dma_wait3A_223 : memref<1000000x64xf32, #tpu.memory_space<hbm>>) dst(%dma_wait3A_217 : memref<128x64xf32, #tpu.memory_space<vmem>>)
      %dma_wait3A_224 = arith.constant 128 : i32
      %dma_wait3A_225 = arith.constant 0 : i32
      %dma_wait3A_226 = tpu.memref_slice %arg8[%dma_wait3A_224, %dma_wait3A_225] : memref<200x64xf32, #tpu.memory_space<vmem>> -> memref<72x64xf32, #tpu.memory_space<vmem>>
      %dma_wait3A_227 = arith.constant 128 : i32
      %dma_wait3A_228 = tpu.memref_slice %arg5[%add3A_205, %dma_wait3A_227] : memref<128x200xi32, #tpu.memory_space<vmem>> -> memref<1x72xi32, #tpu.memory_space<vmem>>
      %dma_wait3A_229 = tpu.memref_squeeze %dma_wait3A_228 : memref<1x72xi32, #tpu.memory_space<vmem>> -> memref<72xi32, #tpu.memory_space<vmem>>
      %dma_wait3A_230 = arith.constant 0 : i32
      %dma_wait3A_231 = arith.constant 0 : i32
      %dma_wait3A_232 = tpu.memref_slice %arg3[%dma_wait3A_230, %dma_wait3A_231] : memref<1000000x64xf32, #tpu.memory_space<hbm>> -> memref<1000000x64xf32, #tpu.memory_space<hbm>>
      tpu.wait_indirect_dma semaphore(%arg14 : memref<!tpu.dma_semaphore, #tpu.memory_space<semaphore_mem>>) src(%dma_wait3A_232 : memref<1000000x64xf32, #tpu.memory_space<hbm>>) dst(%dma_wait3A_226 : memref<72x64xf32, #tpu.memory_space<vmem>>)
      %broadcast_in_dim3A_233 = arith.constant 0.000000e+00 : f32
      %broadcast_in_dim3A_234 = vector.broadcast %broadcast_in_dim3A_233 : f32 to vector<16xf32>
      %broadcast_in_dim3A_235 = arith.constant 0.000000e+00 : f32
      %broadcast_in_dim3A_236 = vector.broadcast %broadcast_in_dim3A_235 : f32 to vector<16xf32>
      %broadcast_in_dim3A_237 = arith.constant 0.000000e+00 : f32
      %broadcast_in_dim3A_238 = vector.broadcast %broadcast_in_dim3A_237 : f32 to vector<16xf32>
      %broadcast_in_dim3A_239 = arith.constant 0.000000e+00 : f32
      %broadcast_in_dim3A_240 = vector.broadcast %broadcast_in_dim3A_239 : f32 to vector<16xf32>
      %scan3A_241 = arith.constant 0 : i32
      %scan3A_242 = arith.constant 25 : i32
      %scan3A_243 = arith.addi %scan3A_241, %scan3A_242 : i32
      %scan3A_244 = arith.constant 1 : i32
      %scan3A_245:4 = scf.for %scan3A_332 = %scan3A_241 to %scan3A_243 step %scan3A_244 iter_args(%scan3A_333 = %broadcast_in_dim3A_234, %scan3A_334 = %broadcast_in_dim3A_236, %scan3A_335 = %broadcast_in_dim3A_238, %scan3A_336 = %broadcast_in_dim3A_240) -> (vector<16xf32>, vector<16xf32>, vector<16xf32>, vector<16xf32>)  : i32 {
        %mul3A_337 = arith.constant 8 : i32
        %mul3A_338 = arith.muli %scan3A_332, %mul3A_337 : i32
        %add3A_339 = arith.constant 0 : i32
        %add3A_340 = arith.addi %mul3A_338, %add3A_339 : i32
        %get3A = arith.index_cast %add3A_340 : i32 to index
        %get3A_341 = arith.constant 0 : index
        %get3A_342 = tpu.vector_load %arg8[%get3A, %get3A_341] {strides = array<i32>} : memref<200x64xf32, #tpu.memory_space<vmem>>, vector<1x16xf32>,
        %get3A_343 = vector.shape_cast %get3A_342 : vector<1x16xf32> to vector<16xf32>
        %add3A_344 = arith.addf %scan3A_333, %get3A_343 : vector<16xf32>
        %get3A_345 = arith.index_cast %add3A_340 : i32 to index
        %get3A_346 = arith.constant 16 : index
        %get3A_347 = tpu.vector_load %arg8[%get3A_345, %get3A_346] {strides = array<i32>} : memref<200x64xf32, #tpu.memory_space<vmem>>, vector<1x16xf32>,
        %get3A_348 = vector.shape_cast %get3A_347 : vector<1x16xf32> to vector<16xf32>
        %add3A_349 = arith.addf %scan3A_334, %get3A_348 : vector<16xf32>
        %get3A_350 = arith.index_cast %add3A_340 : i32 to index
        %get3A_351 = arith.constant 32 : index
        %get3A_352 = tpu.vector_load %arg8[%get3A_350, %get3A_351] {strides = array<i32>} : memref<200x64xf32, #tpu.memory_space<vmem>>, vector<1x16xf32>,
        %get3A_353 = vector.shape_cast %get3A_352 : vector<1x16xf32> to vector<16xf32>
        %add3A_354 = arith.addf %scan3A_335, %get3A_353 : vector<16xf32>
        %get3A_355 = arith.index_cast %add3A_340 : i32 to index
        %get3A_356 = arith.constant 48 : index
        %get3A_357 = tpu.vector_load %arg8[%get3A_355, %get3A_356] {strides = array<i32>} : memref<200x64xf32, #tpu.memory_space<vmem>>, vector<1x16xf32>,
        %get3A_358 = vector.shape_cast %get3A_357 : vector<1x16xf32> to vector<16xf32>
        %add3A_359 = arith.addf %scan3A_336, %get3A_358 : vector<16xf32>
        %mul3A_360 = arith.constant 8 : i32
        %mul3A_361 = arith.muli %scan3A_332, %mul3A_360 : i32
        %add3A_362 = arith.constant 1 : i32
        %add3A_363 = arith.addi %mul3A_361, %add3A_362 : i32
        %get3A_364 = arith.index_cast %add3A_363 : i32 to index
        %get3A_365 = arith.constant 0 : index
        %get3A_366 = tpu.vector_load %arg8[%get3A_364, %get3A_365] {strides = array<i32>} : memref<200x64xf32, #tpu.memory_space<vmem>>, vector<1x16xf32>,
        %get3A_367 = vector.shape_cast %get3A_366 : vector<1x16xf32> to vector<16xf32>
        %add3A_368 = arith.addf %add3A_344, %get3A_367 : vector<16xf32>
        %get3A_369 = arith.index_cast %add3A_363 : i32 to index
        %get3A_370 = arith.constant 16 : index
        %get3A_371 = tpu.vector_load %arg8[%get3A_369, %get3A_370] {strides = array<i32>} : memref<200x64xf32, #tpu.memory_space<vmem>>, vector<1x16xf32>,
        %get3A_372 = vector.shape_cast %get3A_371 : vector<1x16xf32> to vector<16xf32>
        %add3A_373 = arith.addf %add3A_349, %get3A_372 : vector<16xf32>
        %get3A_374 = arith.index_cast %add3A_363 : i32 to index
        %get3A_375 = arith.constant 32 : index
        %get3A_376 = tpu.vector_load %arg8[%get3A_374, %get3A_375] {strides = array<i32>} : memref<200x64xf32, #tpu.memory_space<vmem>>, vector<1x16xf32>,
        %get3A_377 = vector.shape_cast %get3A_376 : vector<1x16xf32> to vector<16xf32>
        %add3A_378 = arith.addf %add3A_354, %get3A_377 : vector<16xf32>
        %get3A_379 = arith.index_cast %add3A_363 : i32 to index
        %get3A_380 = arith.constant 48 : index
        %get3A_381 = tpu.vector_load %arg8[%get3A_379, %get3A_380] {strides = array<i32>} : memref<200x64xf32, #tpu.memory_space<vmem>>, vector<1x16xf32>,
        %get3A_382 = vector.shape_cast %get3A_381 : vector<1x16xf32> to vector<16xf32>
        %add3A_383 = arith.addf %add3A_359, %get3A_382 : vector<16xf32>
        %mul3A_384 = arith.constant 8 : i32
        %mul3A_385 = arith.muli %scan3A_332, %mul3A_384 : i32
        %add3A_386 = arith.constant 2 : i32
        %add3A_387 = arith.addi %mul3A_385, %add3A_386 : i32
        %get3A_388 = arith.index_cast %add3A_387 : i32 to index
        %get3A_389 = arith.constant 0 : index
        %get3A_390 = tpu.vector_load %arg8[%get3A_388, %get3A_389] {strides = array<i32>} : memref<200x64xf32, #tpu.memory_space<vmem>>, vector<1x16xf32>,
        %get3A_391 = vector.shape_cast %get3A_390 : vector<1x16xf32> to vector<16xf32>
        %add3A_392 = arith.addf %add3A_368, %get3A_391 : vector<16xf32>
        %get3A_393 = arith.index_cast %add3A_387 : i32 to index
        %get3A_394 = arith.constant 16 : index
        %get3A_395 = tpu.vector_load %arg8[%get3A_393, %get3A_394] {strides = array<i32>} : memref<200x64xf32, #tpu.memory_space<vmem>>, vector<1x16xf32>,
        %get3A_396 = vector.shape_cast %get3A_395 : vector<1x16xf32> to vector<16xf32>
        %add3A_397 = arith.addf %add3A_373, %get3A_396 : vector<16xf32>
        %get3A_398 = arith.index_cast %add3A_387 : i32 to index
        %get3A_399 = arith.constant 32 : index
        %get3A_400 = tpu.vector_load %arg8[%get3A_398, %get3A_399] {strides = array<i32>} : memref<200x64xf32, #tpu.memory_space<vmem>>, vector<1x16xf32>,
        %get3A_401 = vector.shape_cast %get3A_400 : vector<1x16xf32> to vector<16xf32>
        %add3A_402 = arith.addf %add3A_378, %get3A_401 : vector<16xf32>
        %get3A_403 = arith.index_cast %add3A_387 : i32 to index
        %get3A_404 = arith.constant 48 : index
        %get3A_405 = tpu.vector_load %arg8[%get3A_403, %get3A_404] {strides = array<i32>} : memref<200x64xf32, #tpu.memory_space<vmem>>, vector<1x16xf32>,
        %get3A_406 = vector.shape_cast %get3A_405 : vector<1x16xf32> to vector<16xf32>
        %add3A_407 = arith.addf %add3A_383, %get3A_406 : vector<16xf32>
        %mul3A_408 = arith.constant 8 : i32
        %mul3A_409 = arith.muli %scan3A_332, %mul3A_408 : i32
        %add3A_410 = arith.constant 3 : i32
        %add3A_411 = arith.addi %mul3A_409, %add3A_410 : i32
        %get3A_412 = arith.index_cast %add3A_411 : i32 to index
        %get3A_413 = arith.constant 0 : index
        %get3A_414 = tpu.vector_load %arg8[%get3A_412, %get3A_413] {strides = array<i32>} : memref<200x64xf32, #tpu.memory_space<vmem>>, vector<1x16xf32>,
        %get3A_415 = vector.shape_cast %get3A_414 : vector<1x16xf32> to vector<16xf32>
        %add3A_416 = arith.addf %add3A_392, %get3A_415 : vector<16xf32>
        %get3A_417 = arith.index_cast %add3A_411 : i32 to index
        %get3A_418 = arith.constant 16 : index
        %get3A_419 = tpu.vector_load %arg8[%get3A_417, %get3A_418] {strides = array<i32>} : memref<200x64xf32, #tpu.memory_space<vmem>>, vector<1x16xf32>,
        %get3A_420 = vector.shape_cast %get3A_419 : vector<1x16xf32> to vector<16xf32>
        %add3A_421 = arith.addf %add3A_397, %get3A_420 : vector<16xf32>
        %get3A_422 = arith.index_cast %add3A_411 : i32 to index
        %get3A_423 = arith.constant 32 : index
        %get3A_424 = tpu.vector_load %arg8[%get3A_422, %get3A_423] {strides = array<i32>} : memref<200x64xf32, #tpu.memory_space<vmem>>, vector<1x16xf32>,
        %get3A_425 = vector.shape_cast %get3A_424 : vector<1x16xf32> to vector<16xf32>
        %add3A_426 = arith.addf %add3A_402, %get3A_425 : vector<16xf32>
        %get3A_427 = arith.index_cast %add3A_411 : i32 to index
        %get3A_428 = arith.constant 48 : index
        %get3A_429 = tpu.vector_load %arg8[%get3A_427, %get3A_428] {strides = array<i32>} : memref<200x64xf32, #tpu.memory_space<vmem>>, vector<1x16xf32>,
        %get3A_430 = vector.shape_cast %get3A_429 : vector<1x16xf32> to vector<16xf32>
        %add3A_431 = arith.addf %add3A_407, %get3A_430 : vector<16xf32>
        %mul3A_432 = arith.constant 8 : i32
        %mul3A_433 = arith.muli %scan3A_332, %mul3A_432 : i32
        %add3A_434 = arith.constant 4 : i32
        %add3A_435 = arith.addi %mul3A_433, %add3A_434 : i32
        %get3A_436 = arith.index_cast %add3A_435 : i32 to index
        %get3A_437 = arith.constant 0 : index
        %get3A_438 = tpu.vector_load %arg8[%get3A_436, %get3A_437] {strides = array<i32>} : memref<200x64xf32, #tpu.memory_space<vmem>>, vector<1x16xf32>,
        %get3A_439 = vector.shape_cast %get3A_438 : vector<1x16xf32> to vector<16xf32>
        %add3A_440 = arith.addf %add3A_416, %get3A_439 : vector<16xf32>
        %get3A_441 = arith.index_cast %add3A_435 : i32 to index
        %get3A_442 = arith.constant 16 : index
        %get3A_443 = tpu.vector_load %arg8[%get3A_441, %get3A_442] {strides = array<i32>} : memref<200x64xf32, #tpu.memory_space<vmem>>, vector<1x16xf32>,
        %get3A_444 = vector.shape_cast %get3A_443 : vector<1x16xf32> to vector<16xf32>
        %add3A_445 = arith.addf %add3A_421, %get3A_444 : vector<16xf32>
        %get3A_446 = arith.index_cast %add3A_435 : i32 to index
        %get3A_447 = arith.constant 32 : index
        %get3A_448 = tpu.vector_load %arg8[%get3A_446, %get3A_447] {strides = array<i32>} : memref<200x64xf32, #tpu.memory_space<vmem>>, vector<1x16xf32>,
        %get3A_449 = vector.shape_cast %get3A_448 : vector<1x16xf32> to vector<16xf32>
        %add3A_450 = arith.addf %add3A_426, %get3A_449 : vector<16xf32>
        %get3A_451 = arith.index_cast %add3A_435 : i32 to index
        %get3A_452 = arith.constant 48 : index
        %get3A_453 = tpu.vector_load %arg8[%get3A_451, %get3A_452] {strides = array<i32>} : memref<200x64xf32, #tpu.memory_space<vmem>>, vector<1x16xf32>,
        %get3A_454 = vector.shape_cast %get3A_453 : vector<1x16xf32> to vector<16xf32>
        %add3A_455 = arith.addf %add3A_431, %get3A_454 : vector<16xf32>
        %mul3A_456 = arith.constant 8 : i32
        %mul3A_457 = arith.muli %scan3A_332, %mul3A_456 : i32
        %add3A_458 = arith.constant 5 : i32
        %add3A_459 = arith.addi %mul3A_457, %add3A_458 : i32
        %get3A_460 = arith.index_cast %add3A_459 : i32 to index
        %get3A_461 = arith.constant 0 : index
        %get3A_462 = tpu.vector_load %arg8[%get3A_460, %get3A_461] {strides = array<i32>} : memref<200x64xf32, #tpu.memory_space<vmem>>, vector<1x16xf32>,
        %get3A_463 = vector.shape_cast %get3A_462 : vector<1x16xf32> to vector<16xf32>
        %add3A_464 = arith.addf %add3A_440, %get3A_463 : vector<16xf32>
        %get3A_465 = arith.index_cast %add3A_459 : i32 to index
        %get3A_466 = arith.constant 16 : index
        %get3A_467 = tpu.vector_load %arg8[%get3A_465, %get3A_466] {strides = array<i32>} : memref<200x64xf32, #tpu.memory_space<vmem>>, vector<1x16xf32>,
        %get3A_468 = vector.shape_cast %get3A_467 : vector<1x16xf32> to vector<16xf32>
        %add3A_469 = arith.addf %add3A_445, %get3A_468 : vector<16xf32>
        %get3A_470 = arith.index_cast %add3A_459 : i32 to index
        %get3A_471 = arith.constant 32 : index
        %get3A_472 = tpu.vector_load %arg8[%get3A_470, %get3A_471] {strides = array<i32>} : memref<200x64xf32, #tpu.memory_space<vmem>>, vector<1x16xf32>,
        %get3A_473 = vector.shape_cast %get3A_472 : vector<1x16xf32> to vector<16xf32>
        %add3A_474 = arith.addf %add3A_450, %get3A_473 : vector<16xf32>
        %get3A_475 = arith.index_cast %add3A_459 : i32 to index
        %get3A_476 = arith.constant 48 : index
        %get3A_477 = tpu.vector_load %arg8[%get3A_475, %get3A_476] {strides = array<i32>} : memref<200x64xf32, #tpu.memory_space<vmem>>, vector<1x16xf32>,
        %get3A_478 = vector.shape_cast %get3A_477 : vector<1x16xf32> to vector<16xf32>
        %add3A_479 = arith.addf %add3A_455, %get3A_478 : vector<16xf32>
        %mul3A_480 = arith.constant 8 : i32
        %mul3A_481 = arith.muli %scan3A_332, %mul3A_480 : i32
        %add3A_482 = arith.constant 6 : i32
        %add3A_483 = arith.addi %mul3A_481, %add3A_482 : i32
        %get3A_484 = arith.index_cast %add3A_483 : i32 to index
        %get3A_485 = arith.constant 0 : index
        %get3A_486 = tpu.vector_load %arg8[%get3A_484, %get3A_485] {strides = array<i32>} : memref<200x64xf32, #tpu.memory_space<vmem>>, vector<1x16xf32>,
        %get3A_487 = vector.shape_cast %get3A_486 : vector<1x16xf32> to vector<16xf32>
        %add3A_488 = arith.addf %add3A_464, %get3A_487 : vector<16xf32>
        %get3A_489 = arith.index_cast %add3A_483 : i32 to index
        %get3A_490 = arith.constant 16 : index
        %get3A_491 = tpu.vector_load %arg8[%get3A_489, %get3A_490] {strides = array<i32>} : memref<200x64xf32, #tpu.memory_space<vmem>>, vector<1x16xf32>,
        %get3A_492 = vector.shape_cast %get3A_491 : vector<1x16xf32> to vector<16xf32>
        %add3A_493 = arith.addf %add3A_469, %get3A_492 : vector<16xf32>
        %get3A_494 = arith.index_cast %add3A_483 : i32 to index
        %get3A_495 = arith.constant 32 : index
        %get3A_496 = tpu.vector_load %arg8[%get3A_494, %get3A_495] {strides = array<i32>} : memref<200x64xf32, #tpu.memory_space<vmem>>, vector<1x16xf32>,
        %get3A_497 = vector.shape_cast %get3A_496 : vector<1x16xf32> to vector<16xf32>
        %add3A_498 = arith.addf %add3A_474, %get3A_497 : vector<16xf32>
        %get3A_499 = arith.index_cast %add3A_483 : i32 to index
        %get3A_500 = arith.constant 48 : index
        %get3A_501 = tpu.vector_load %arg8[%get3A_499, %get3A_500] {strides = array<i32>} : memref<200x64xf32, #tpu.memory_space<vmem>>, vector<1x16xf32>,
        %get3A_502 = vector.shape_cast %get3A_501 : vector<1x16xf32> to vector<16xf32>
        %add3A_503 = arith.addf %add3A_479, %get3A_502 : vector<16xf32>
        %mul3A_504 = arith.constant 8 : i32
        %mul3A_505 = arith.muli %scan3A_332, %mul3A_504 : i32
        %add3A_506 = arith.constant 7 : i32
        %add3A_507 = arith.addi %mul3A_505, %add3A_506 : i32
        %get3A_508 = arith.index_cast %add3A_507 : i32 to index
        %get3A_509 = arith.constant 0 : index
        %get3A_510 = tpu.vector_load %arg8[%get3A_508, %get3A_509] {strides = array<i32>} : memref<200x64xf32, #tpu.memory_space<vmem>>, vector<1x16xf32>,
        %get3A_511 = vector.shape_cast %get3A_510 : vector<1x16xf32> to vector<16xf32>
        %add3A_512 = arith.addf %add3A_488, %get3A_511 : vector<16xf32>
        %get3A_513 = arith.index_cast %add3A_507 : i32 to index
        %get3A_514 = arith.constant 16 : index
        %get3A_515 = tpu.vector_load %arg8[%get3A_513, %get3A_514] {strides = array<i32>} : memref<200x64xf32, #tpu.memory_space<vmem>>, vector<1x16xf32>,
        %get3A_516 = vector.shape_cast %get3A_515 : vector<1x16xf32> to vector<16xf32>
        %add3A_517 = arith.addf %add3A_493, %get3A_516 : vector<16xf32>
        %get3A_518 = arith.index_cast %add3A_507 : i32 to index
        %get3A_519 = arith.constant 32 : index
        %get3A_520 = tpu.vector_load %arg8[%get3A_518, %get3A_519] {strides = array<i32>} : memref<200x64xf32, #tpu.memory_space<vmem>>, vector<1x16xf32>,
        %get3A_521 = vector.shape_cast %get3A_520 : vector<1x16xf32> to vector<16xf32>
        %add3A_522 = arith.addf %add3A_498, %get3A_521 : vector<16xf32>
        %get3A_523 = arith.index_cast %add3A_507 : i32 to index
        %get3A_524 = arith.constant 48 : index
        %get3A_525 = tpu.vector_load %arg8[%get3A_523, %get3A_524] {strides = array<i32>} : memref<200x64xf32, #tpu.memory_space<vmem>>, vector<1x16xf32>,
        %get3A_526 = vector.shape_cast %get3A_525 : vector<1x16xf32> to vector<16xf32>
        %add3A_527 = arith.addf %add3A_503, %get3A_526 : vector<16xf32>
        scf.yield %add3A_512, %add3A_517, %add3A_522, %add3A_527 : vector<16xf32>, vector<16xf32>, vector<16xf32>, vector<16xf32>
      }
      %scan3A_246 = arith.constant 25 : i32
      %swap3A_247 = arith.index_cast %add3A_205 : i32 to index
      %swap3A_248 = arith.constant 0 : index
      %swap3A_249 = tpu.vector_load %arg10[%swap3A_247, %swap3A_248] {strides = array<i32>} : memref<128x64xf32, #tpu.memory_space<vmem>>, vector<1x16xf32>,
      %swap3A_250 = vector.shape_cast %swap3A_249 : vector<1x16xf32> to vector<16xf32>
      %swap3A_251 = vector.shape_cast %scan3A_245#0 : vector<16xf32> to vector<1x16xf32>
      tpu.vector_store %arg10[%swap3A_247, %swap3A_248], %swap3A_251 {strides = array<i32>} : memref<128x64xf32, #tpu.memory_space<vmem>>, vector<1x16xf32>,
      %swap3A_252 = arith.index_cast %add3A_205 : i32 to index
      %swap3A_253 = arith.constant 16 : index
      %swap3A_254 = tpu.vector_load %arg10[%swap3A_252, %swap3A_253] {strides = array<i32>} : memref<128x64xf32, #tpu.memory_space<vmem>>, vector<1x16xf32>,
      %swap3A_255 = vector.shape_cast %swap3A_254 : vector<1x16xf32> to vector<16xf32>
      %swap3A_256 = vector.shape_cast %scan3A_245#1 : vector<16xf32> to vector<1x16xf32>
      tpu.vector_store %arg10[%swap3A_252, %swap3A_253], %swap3A_256 {strides = array<i32>} : memref<128x64xf32, #tpu.memory_space<vmem>>, vector<1x16xf32>,
      %swap3A_257 = arith.index_cast %add3A_205 : i32 to index
      %swap3A_258 = arith.constant 32 : index
      %swap3A_259 = tpu.vector_load %arg10[%swap3A_257, %swap3A_258] {strides = array<i32>} : memref<128x64xf32, #tpu.memory_space<vmem>>, vector<1x16xf32>,
      %swap3A_260 = vector.shape_cast %swap3A_259 : vector<1x16xf32> to vector<16xf32>
      %swap3A_261 = vector.shape_cast %scan3A_245#2 : vector<16xf32> to vector<1x16xf32>
      tpu.vector_store %arg10[%swap3A_257, %swap3A_258], %swap3A_261 {strides = array<i32>} : memref<128x64xf32, #tpu.memory_space<vmem>>, vector<1x16xf32>,
      %swap3A_262 = arith.index_cast %add3A_205 : i32 to index
      %swap3A_263 = arith.constant 48 : index
      %swap3A_264 = tpu.vector_load %arg10[%swap3A_262, %swap3A_263] {strides = array<i32>} : memref<128x64xf32, #tpu.memory_space<vmem>>, vector<1x16xf32>,
      %swap3A_265 = vector.shape_cast %swap3A_264 : vector<1x16xf32> to vector<16xf32>
      %swap3A_266 = vector.shape_cast %scan3A_245#3 : vector<16xf32> to vector<1x16xf32>
      tpu.vector_store %arg10[%swap3A_262, %swap3A_263], %swap3A_266 {strides = array<i32>} : memref<128x64xf32, #tpu.memory_space<vmem>>, vector<1x16xf32>,
      %mul3A_267 = arith.constant 4 : i32
      %mul3A_268 = arith.muli %mul3A_267, %add3A_77 : i32
      %add3A_269 = arith.constant 3 : i32
      %add3A_270 = arith.addi %mul3A_268, %add3A_269 : i32
      %add3A_271 = arith.constant 4 : i32
      %add3A_272 = arith.addi %add3A_270, %add3A_271 : i32
      %sub3A_273 = arith.constant 1 : i32
      %sub3A_274 = arith.subi %add3A_272, %sub3A_273 : i32
      %lt3A_275 = arith.constant 128 : i32
      %lt3A_276 = arith.cmpi slt, %sub3A_274, %lt3A_275 : i32
      %convert_element_type3A_277 = arith.extui %lt3A_276 : i1 to i32
      %cond3A_278 = arith.constant 0 : i32
      %cond3A_279 = arith.cmpi ne, %convert_element_type3A_277, %cond3A_278 : i32
      scf.if %cond3A_279 {
        %dma_start3A_332 = arith.constant 0 : i32
        %dma_start3A_333 = arith.constant 0 : i32
        %dma_start3A_334 = tpu.memref_slice %arg8[%dma_start3A_332, %dma_start3A_333] : memref<200x64xf32, #tpu.memory_space<vmem>> -> memref<128x64xf32, #tpu.memory_space<vmem>>
        %dma_start3A_335 = arith.constant 0 : i32
        %dma_start3A_336 = tpu.memref_slice %arg5[%sub3A_274, %dma_start3A_335] : memref<128x200xi32, #tpu.memory_space<vmem>> -> memref<1x128xi32, #tpu.memory_space<vmem>>
        %dma_start3A_337 = tpu.memref_squeeze %dma_start3A_336 : memref<1x128xi32, #tpu.memory_space<vmem>> -> memref<128xi32, #tpu.memory_space<vmem>>
        %dma_start3A_338 = arith.constant 0 : i32
        %dma_start3A_339 = arith.constant 0 : i32
        %dma_start3A_340 = tpu.memref_slice %arg3[%dma_start3A_338, %dma_start3A_339] : memref<1000000x64xf32, #tpu.memory_space<hbm>> -> memref<1000000x64xf32, #tpu.memory_space<hbm>>
        tpu.enqueue_indirect_dma source(%dma_start3A_340 : memref<1000000x64xf32, #tpu.memory_space<hbm>>) target(%dma_start3A_334 : memref<128x64xf32, #tpu.memory_space<vmem>>) offsets(%dma_start3A_337 : memref<128xi32, #tpu.memory_space<vmem>>) semaphore(%arg14 : memref<!tpu.dma_semaphore, #tpu.memory_space<semaphore_mem>>)
        %dma_start3A_341 = arith.constant 128 : i32
        %dma_start3A_342 = arith.constant 0 : i32
        %dma_start3A_343 = tpu.memref_slice %arg8[%dma_start3A_341, %dma_start3A_342] : memref<200x64xf32, #tpu.memory_space<vmem>> -> memref<72x64xf32, #tpu.memory_space<vmem>>
        %dma_start3A_344 = arith.constant 128 : i32
        %dma_start3A_345 = tpu.memref_slice %arg5[%sub3A_274, %dma_start3A_344] : memref<128x200xi32, #tpu.memory_space<vmem>> -> memref<1x72xi32, #tpu.memory_space<vmem>>
        %dma_start3A_346 = tpu.memref_squeeze %dma_start3A_345 : memref<1x72xi32, #tpu.memory_space<vmem>> -> memref<72xi32, #tpu.memory_space<vmem>>
        %dma_start3A_347 = arith.constant 0 : i32
        %dma_start3A_348 = arith.constant 0 : i32
        %dma_start3A_349 = tpu.memref_slice %arg3[%dma_start3A_347, %dma_start3A_348] : memref<1000000x64xf32, #tpu.memory_space<hbm>> -> memref<1000000x64xf32, #tpu.memory_space<hbm>>
        tpu.enqueue_indirect_dma source(%dma_start3A_349 : memref<1000000x64xf32, #tpu.memory_space<hbm>>) target(%dma_start3A_343 : memref<72x64xf32, #tpu.memory_space<vmem>>) offsets(%dma_start3A_346 : memref<72xi32, #tpu.memory_space<vmem>>) semaphore(%arg14 : memref<!tpu.dma_semaphore, #tpu.memory_space<semaphore_mem>>)
      } else {
      }
      %dma_wait3A_280 = arith.constant 0 : i32
      %dma_wait3A_281 = arith.constant 0 : i32
      %dma_wait3A_282 = tpu.memref_slice %arg9[%dma_wait3A_280, %dma_wait3A_281] : memref<200x64xf32, #tpu.memory_space<vmem>> -> memref<128x64xf32, #tpu.memory_space<vmem>>
      %dma_wait3A_283 = arith.constant 0 : i32
      %dma_wait3A_284 = tpu.memref_slice %arg5[%add3A_270, %dma_wait3A_283] : memref<128x200xi32, #tpu.memory_space<vmem>> -> memref<1x128xi32, #tpu.memory_space<vmem>>
      %dma_wait3A_285 = tpu.memref_squeeze %dma_wait3A_284 : memref<1x128xi32, #tpu.memory_space<vmem>> -> memref<128xi32, #tpu.memory_space<vmem>>
      %dma_wait3A_286 = arith.constant 0 : i32
      %dma_wait3A_287 = arith.constant 0 : i32
      %dma_wait3A_288 = tpu.memref_slice %arg3[%dma_wait3A_286, %dma_wait3A_287] : memref<1000000x64xf32, #tpu.memory_space<hbm>> -> memref<1000000x64xf32, #tpu.memory_space<hbm>>
      tpu.wait_indirect_dma semaphore(%arg15 : memref<!tpu.dma_semaphore, #tpu.memory_space<semaphore_mem>>) src(%dma_wait3A_288 : memref<1000000x64xf32, #tpu.memory_space<hbm>>) dst(%dma_wait3A_282 : memref<128x64xf32, #tpu.memory_space<vmem>>)
      %dma_wait3A_289 = arith.constant 128 : i32
      %dma_wait3A_290 = arith.constant 0 : i32
      %dma_wait3A_291 = tpu.memref_slice %arg9[%dma_wait3A_289, %dma_wait3A_290] : memref<200x64xf32, #tpu.memory_space<vmem>> -> memref<72x64xf32, #tpu.memory_space<vmem>>
      %dma_wait3A_292 = arith.constant 128 : i32
      %dma_wait3A_293 = tpu.memref_slice %arg5[%add3A_270, %dma_wait3A_292] : memref<128x200xi32, #tpu.memory_space<vmem>> -> memref<1x72xi32, #tpu.memory_space<vmem>>
      %dma_wait3A_294 = tpu.memref_squeeze %dma_wait3A_293 : memref<1x72xi32, #tpu.memory_space<vmem>> -> memref<72xi32, #tpu.memory_space<vmem>>
      %dma_wait3A_295 = arith.constant 0 : i32
      %dma_wait3A_296 = arith.constant 0 : i32
      %dma_wait3A_297 = tpu.memref_slice %arg3[%dma_wait3A_295, %dma_wait3A_296] : memref<1000000x64xf32, #tpu.memory_space<hbm>> -> memref<1000000x64xf32, #tpu.memory_space<hbm>>
      tpu.wait_indirect_dma semaphore(%arg15 : memref<!tpu.dma_semaphore, #tpu.memory_space<semaphore_mem>>) src(%dma_wait3A_297 : memref<1000000x64xf32, #tpu.memory_space<hbm>>) dst(%dma_wait3A_291 : memref<72x64xf32, #tpu.memory_space<vmem>>)
      %broadcast_in_dim3A_298 = arith.constant 0.000000e+00 : f32
      %broadcast_in_dim3A_299 = vector.broadcast %broadcast_in_dim3A_298 : f32 to vector<16xf32>
      %broadcast_in_dim3A_300 = arith.constant 0.000000e+00 : f32
      %broadcast_in_dim3A_301 = vector.broadcast %broadcast_in_dim3A_300 : f32 to vector<16xf32>
      %broadcast_in_dim3A_302 = arith.constant 0.000000e+00 : f32
      %broadcast_in_dim3A_303 = vector.broadcast %broadcast_in_dim3A_302 : f32 to vector<16xf32>
      %broadcast_in_dim3A_304 = arith.constant 0.000000e+00 : f32
      %broadcast_in_dim3A_305 = vector.broadcast %broadcast_in_dim3A_304 : f32 to vector<16xf32>
      %scan3A_306 = arith.constant 0 : i32
      %scan3A_307 = arith.constant 25 : i32
      %scan3A_308 = arith.addi %scan3A_306, %scan3A_307 : i32
      %scan3A_309 = arith.constant 1 : i32
      %scan3A_310:4 = scf.for %scan3A_332 = %scan3A_306 to %scan3A_308 step %scan3A_309 iter_args(%scan3A_333 = %broadcast_in_dim3A_299, %scan3A_334 = %broadcast_in_dim3A_301, %scan3A_335 = %broadcast_in_dim3A_303, %scan3A_336 = %broadcast_in_dim3A_305) -> (vector<16xf32>, vector<16xf32>, vector<16xf32>, vector<16xf32>)  : i32 {
        %mul3A_337 = arith.constant 8 : i32
        %mul3A_338 = arith.muli %scan3A_332, %mul3A_337 : i32
        %add3A_339 = arith.constant 0 : i32
        %add3A_340 = arith.addi %mul3A_338, %add3A_339 : i32
        %get3A = arith.index_cast %add3A_340 : i32 to index
        %get3A_341 = arith.constant 0 : index
        %get3A_342 = tpu.vector_load %arg9[%get3A, %get3A_341] {strides = array<i32>} : memref<200x64xf32, #tpu.memory_space<vmem>>, vector<1x16xf32>,
        %get3A_343 = vector.shape_cast %get3A_342 : vector<1x16xf32> to vector<16xf32>
        %add3A_344 = arith.addf %scan3A_333, %get3A_343 : vector<16xf32>
        %get3A_345 = arith.index_cast %add3A_340 : i32 to index
        %get3A_346 = arith.constant 16 : index
        %get3A_347 = tpu.vector_load %arg9[%get3A_345, %get3A_346] {strides = array<i32>} : memref<200x64xf32, #tpu.memory_space<vmem>>, vector<1x16xf32>,
        %get3A_348 = vector.shape_cast %get3A_347 : vector<1x16xf32> to vector<16xf32>
        %add3A_349 = arith.addf %scan3A_334, %get3A_348 : vector<16xf32>
        %get3A_350 = arith.index_cast %add3A_340 : i32 to index
        %get3A_351 = arith.constant 32 : index
        %get3A_352 = tpu.vector_load %arg9[%get3A_350, %get3A_351] {strides = array<i32>} : memref<200x64xf32, #tpu.memory_space<vmem>>, vector<1x16xf32>,
        %get3A_353 = vector.shape_cast %get3A_352 : vector<1x16xf32> to vector<16xf32>
        %add3A_354 = arith.addf %scan3A_335, %get3A_353 : vector<16xf32>
        %get3A_355 = arith.index_cast %add3A_340 : i32 to index
        %get3A_356 = arith.constant 48 : index
        %get3A_357 = tpu.vector_load %arg9[%get3A_355, %get3A_356] {strides = array<i32>} : memref<200x64xf32, #tpu.memory_space<vmem>>, vector<1x16xf32>,
        %get3A_358 = vector.shape_cast %get3A_357 : vector<1x16xf32> to vector<16xf32>
        %add3A_359 = arith.addf %scan3A_336, %get3A_358 : vector<16xf32>
        %mul3A_360 = arith.constant 8 : i32
        %mul3A_361 = arith.muli %scan3A_332, %mul3A_360 : i32
        %add3A_362 = arith.constant 1 : i32
        %add3A_363 = arith.addi %mul3A_361, %add3A_362 : i32
        %get3A_364 = arith.index_cast %add3A_363 : i32 to index
        %get3A_365 = arith.constant 0 : index
        %get3A_366 = tpu.vector_load %arg9[%get3A_364, %get3A_365] {strides = array<i32>} : memref<200x64xf32, #tpu.memory_space<vmem>>, vector<1x16xf32>,
        %get3A_367 = vector.shape_cast %get3A_366 : vector<1x16xf32> to vector<16xf32>
        %add3A_368 = arith.addf %add3A_344, %get3A_367 : vector<16xf32>
        %get3A_369 = arith.index_cast %add3A_363 : i32 to index
        %get3A_370 = arith.constant 16 : index
        %get3A_371 = tpu.vector_load %arg9[%get3A_369, %get3A_370] {strides = array<i32>} : memref<200x64xf32, #tpu.memory_space<vmem>>, vector<1x16xf32>,
        %get3A_372 = vector.shape_cast %get3A_371 : vector<1x16xf32> to vector<16xf32>
        %add3A_373 = arith.addf %add3A_349, %get3A_372 : vector<16xf32>
        %get3A_374 = arith.index_cast %add3A_363 : i32 to index
        %get3A_375 = arith.constant 32 : index
        %get3A_376 = tpu.vector_load %arg9[%get3A_374, %get3A_375] {strides = array<i32>} : memref<200x64xf32, #tpu.memory_space<vmem>>, vector<1x16xf32>,
        %get3A_377 = vector.shape_cast %get3A_376 : vector<1x16xf32> to vector<16xf32>
        %add3A_378 = arith.addf %add3A_354, %get3A_377 : vector<16xf32>
        %get3A_379 = arith.index_cast %add3A_363 : i32 to index
        %get3A_380 = arith.constant 48 : index
        %get3A_381 = tpu.vector_load %arg9[%get3A_379, %get3A_380] {strides = array<i32>} : memref<200x64xf32, #tpu.memory_space<vmem>>, vector<1x16xf32>,
        %get3A_382 = vector.shape_cast %get3A_381 : vector<1x16xf32> to vector<16xf32>
        %add3A_383 = arith.addf %add3A_359, %get3A_382 : vector<16xf32>
        %mul3A_384 = arith.constant 8 : i32
        %mul3A_385 = arith.muli %scan3A_332, %mul3A_384 : i32
        %add3A_386 = arith.constant 2 : i32
        %add3A_387 = arith.addi %mul3A_385, %add3A_386 : i32
        %get3A_388 = arith.index_cast %add3A_387 : i32 to index
        %get3A_389 = arith.constant 0 : index
        %get3A_390 = tpu.vector_load %arg9[%get3A_388, %get3A_389] {strides = array<i32>} : memref<200x64xf32, #tpu.memory_space<vmem>>, vector<1x16xf32>,
        %get3A_391 = vector.shape_cast %get3A_390 : vector<1x16xf32> to vector<16xf32>
        %add3A_392 = arith.addf %add3A_368, %get3A_391 : vector<16xf32>
        %get3A_393 = arith.index_cast %add3A_387 : i32 to index
        %get3A_394 = arith.constant 16 : index
        %get3A_395 = tpu.vector_load %arg9[%get3A_393, %get3A_394] {strides = array<i32>} : memref<200x64xf32, #tpu.memory_space<vmem>>, vector<1x16xf32>,
        %get3A_396 = vector.shape_cast %get3A_395 : vector<1x16xf32> to vector<16xf32>
        %add3A_397 = arith.addf %add3A_373, %get3A_396 : vector<16xf32>
        %get3A_398 = arith.index_cast %add3A_387 : i32 to index
        %get3A_399 = arith.constant 32 : index
        %get3A_400 = tpu.vector_load %arg9[%get3A_398, %get3A_399] {strides = array<i32>} : memref<200x64xf32, #tpu.memory_space<vmem>>, vector<1x16xf32>,
        %get3A_401 = vector.shape_cast %get3A_400 : vector<1x16xf32> to vector<16xf32>
        %add3A_402 = arith.addf %add3A_378, %get3A_401 : vector<16xf32>
        %get3A_403 = arith.index_cast %add3A_387 : i32 to index
        %get3A_404 = arith.constant 48 : index
        %get3A_405 = tpu.vector_load %arg9[%get3A_403, %get3A_404] {strides = array<i32>} : memref<200x64xf32, #tpu.memory_space<vmem>>, vector<1x16xf32>,
        %get3A_406 = vector.shape_cast %get3A_405 : vector<1x16xf32> to vector<16xf32>
        %add3A_407 = arith.addf %add3A_383, %get3A_406 : vector<16xf32>
        %mul3A_408 = arith.constant 8 : i32
        %mul3A_409 = arith.muli %scan3A_332, %mul3A_408 : i32
        %add3A_410 = arith.constant 3 : i32
        %add3A_411 = arith.addi %mul3A_409, %add3A_410 : i32
        %get3A_412 = arith.index_cast %add3A_411 : i32 to index
        %get3A_413 = arith.constant 0 : index
        %get3A_414 = tpu.vector_load %arg9[%get3A_412, %get3A_413] {strides = array<i32>} : memref<200x64xf32, #tpu.memory_space<vmem>>, vector<1x16xf32>,
        %get3A_415 = vector.shape_cast %get3A_414 : vector<1x16xf32> to vector<16xf32>
        %add3A_416 = arith.addf %add3A_392, %get3A_415 : vector<16xf32>
        %get3A_417 = arith.index_cast %add3A_411 : i32 to index
        %get3A_418 = arith.constant 16 : index
        %get3A_419 = tpu.vector_load %arg9[%get3A_417, %get3A_418] {strides = array<i32>} : memref<200x64xf32, #tpu.memory_space<vmem>>, vector<1x16xf32>,
        %get3A_420 = vector.shape_cast %get3A_419 : vector<1x16xf32> to vector<16xf32>
        %add3A_421 = arith.addf %add3A_397, %get3A_420 : vector<16xf32>
        %get3A_422 = arith.index_cast %add3A_411 : i32 to index
        %get3A_423 = arith.constant 32 : index
        %get3A_424 = tpu.vector_load %arg9[%get3A_422, %get3A_423] {strides = array<i32>} : memref<200x64xf32, #tpu.memory_space<vmem>>, vector<1x16xf32>,
        %get3A_425 = vector.shape_cast %get3A_424 : vector<1x16xf32> to vector<16xf32>
        %add3A_426 = arith.addf %add3A_402, %get3A_425 : vector<16xf32>
        %get3A_427 = arith.index_cast %add3A_411 : i32 to index
        %get3A_428 = arith.constant 48 : index
        %get3A_429 = tpu.vector_load %arg9[%get3A_427, %get3A_428] {strides = array<i32>} : memref<200x64xf32, #tpu.memory_space<vmem>>, vector<1x16xf32>,
        %get3A_430 = vector.shape_cast %get3A_429 : vector<1x16xf32> to vector<16xf32>
        %add3A_431 = arith.addf %add3A_407, %get3A_430 : vector<16xf32>
        %mul3A_432 = arith.constant 8 : i32
        %mul3A_433 = arith.muli %scan3A_332, %mul3A_432 : i32
        %add3A_434 = arith.constant 4 : i32
        %add3A_435 = arith.addi %mul3A_433, %add3A_434 : i32
        %get3A_436 = arith.index_cast %add3A_435 : i32 to index
        %get3A_437 = arith.constant 0 : index
        %get3A_438 = tpu.vector_load %arg9[%get3A_436, %get3A_437] {strides = array<i32>} : memref<200x64xf32, #tpu.memory_space<vmem>>, vector<1x16xf32>,
        %get3A_439 = vector.shape_cast %get3A_438 : vector<1x16xf32> to vector<16xf32>
        %add3A_440 = arith.addf %add3A_416, %get3A_439 : vector<16xf32>
        %get3A_441 = arith.index_cast %add3A_435 : i32 to index
        %get3A_442 = arith.constant 16 : index
        %get3A_443 = tpu.vector_load %arg9[%get3A_441, %get3A_442] {strides = array<i32>} : memref<200x64xf32, #tpu.memory_space<vmem>>, vector<1x16xf32>,
        %get3A_444 = vector.shape_cast %get3A_443 : vector<1x16xf32> to vector<16xf32>
        %add3A_445 = arith.addf %add3A_421, %get3A_444 : vector<16xf32>
        %get3A_446 = arith.index_cast %add3A_435 : i32 to index
        %get3A_447 = arith.constant 32 : index
        %get3A_448 = tpu.vector_load %arg9[%get3A_446, %get3A_447] {strides = array<i32>} : memref<200x64xf32, #tpu.memory_space<vmem>>, vector<1x16xf32>,
        %get3A_449 = vector.shape_cast %get3A_448 : vector<1x16xf32> to vector<16xf32>
        %add3A_450 = arith.addf %add3A_426, %get3A_449 : vector<16xf32>
        %get3A_451 = arith.index_cast %add3A_435 : i32 to index
        %get3A_452 = arith.constant 48 : index
        %get3A_453 = tpu.vector_load %arg9[%get3A_451, %get3A_452] {strides = array<i32>} : memref<200x64xf32, #tpu.memory_space<vmem>>, vector<1x16xf32>,
        %get3A_454 = vector.shape_cast %get3A_453 : vector<1x16xf32> to vector<16xf32>
        %add3A_455 = arith.addf %add3A_431, %get3A_454 : vector<16xf32>
        %mul3A_456 = arith.constant 8 : i32
        %mul3A_457 = arith.muli %scan3A_332, %mul3A_456 : i32
        %add3A_458 = arith.constant 5 : i32
        %add3A_459 = arith.addi %mul3A_457, %add3A_458 : i32
        %get3A_460 = arith.index_cast %add3A_459 : i32 to index
        %get3A_461 = arith.constant 0 : index
        %get3A_462 = tpu.vector_load %arg9[%get3A_460, %get3A_461] {strides = array<i32>} : memref<200x64xf32, #tpu.memory_space<vmem>>, vector<1x16xf32>,
        %get3A_463 = vector.shape_cast %get3A_462 : vector<1x16xf32> to vector<16xf32>
        %add3A_464 = arith.addf %add3A_440, %get3A_463 : vector<16xf32>
        %get3A_465 = arith.index_cast %add3A_459 : i32 to index
        %get3A_466 = arith.constant 16 : index
        %get3A_467 = tpu.vector_load %arg9[%get3A_465, %get3A_466] {strides = array<i32>} : memref<200x64xf32, #tpu.memory_space<vmem>>, vector<1x16xf32>,
        %get3A_468 = vector.shape_cast %get3A_467 : vector<1x16xf32> to vector<16xf32>
        %add3A_469 = arith.addf %add3A_445, %get3A_468 : vector<16xf32>
        %get3A_470 = arith.index_cast %add3A_459 : i32 to index
        %get3A_471 = arith.constant 32 : index
        %get3A_472 = tpu.vector_load %arg9[%get3A_470, %get3A_471] {strides = array<i32>} : memref<200x64xf32, #tpu.memory_space<vmem>>, vector<1x16xf32>,
        %get3A_473 = vector.shape_cast %get3A_472 : vector<1x16xf32> to vector<16xf32>
        %add3A_474 = arith.addf %add3A_450, %get3A_473 : vector<16xf32>
        %get3A_475 = arith.index_cast %add3A_459 : i32 to index
        %get3A_476 = arith.constant 48 : index
        %get3A_477 = tpu.vector_load %arg9[%get3A_475, %get3A_476] {strides = array<i32>} : memref<200x64xf32, #tpu.memory_space<vmem>>, vector<1x16xf32>,
        %get3A_478 = vector.shape_cast %get3A_477 : vector<1x16xf32> to vector<16xf32>
        %add3A_479 = arith.addf %add3A_455, %get3A_478 : vector<16xf32>
        %mul3A_480 = arith.constant 8 : i32
        %mul3A_481 = arith.muli %scan3A_332, %mul3A_480 : i32
        %add3A_482 = arith.constant 6 : i32
        %add3A_483 = arith.addi %mul3A_481, %add3A_482 : i32
        %get3A_484 = arith.index_cast %add3A_483 : i32 to index
        %get3A_485 = arith.constant 0 : index
        %get3A_486 = tpu.vector_load %arg9[%get3A_484, %get3A_485] {strides = array<i32>} : memref<200x64xf32, #tpu.memory_space<vmem>>, vector<1x16xf32>,
        %get3A_487 = vector.shape_cast %get3A_486 : vector<1x16xf32> to vector<16xf32>
        %add3A_488 = arith.addf %add3A_464, %get3A_487 : vector<16xf32>
        %get3A_489 = arith.index_cast %add3A_483 : i32 to index
        %get3A_490 = arith.constant 16 : index
        %get3A_491 = tpu.vector_load %arg9[%get3A_489, %get3A_490] {strides = array<i32>} : memref<200x64xf32, #tpu.memory_space<vmem>>, vector<1x16xf32>,
        %get3A_492 = vector.shape_cast %get3A_491 : vector<1x16xf32> to vector<16xf32>
        %add3A_493 = arith.addf %add3A_469, %get3A_492 : vector<16xf32>
        %get3A_494 = arith.index_cast %add3A_483 : i32 to index
        %get3A_495 = arith.constant 32 : index
        %get3A_496 = tpu.vector_load %arg9[%get3A_494, %get3A_495] {strides = array<i32>} : memref<200x64xf32, #tpu.memory_space<vmem>>, vector<1x16xf32>,
        %get3A_497 = vector.shape_cast %get3A_496 : vector<1x16xf32> to vector<16xf32>
        %add3A_498 = arith.addf %add3A_474, %get3A_497 : vector<16xf32>
        %get3A_499 = arith.index_cast %add3A_483 : i32 to index
        %get3A_500 = arith.constant 48 : index
        %get3A_501 = tpu.vector_load %arg9[%get3A_499, %get3A_500] {strides = array<i32>} : memref<200x64xf32, #tpu.memory_space<vmem>>, vector<1x16xf32>,
        %get3A_502 = vector.shape_cast %get3A_501 : vector<1x16xf32> to vector<16xf32>
        %add3A_503 = arith.addf %add3A_479, %get3A_502 : vector<16xf32>
        %mul3A_504 = arith.constant 8 : i32
        %mul3A_505 = arith.muli %scan3A_332, %mul3A_504 : i32
        %add3A_506 = arith.constant 7 : i32
        %add3A_507 = arith.addi %mul3A_505, %add3A_506 : i32
        %get3A_508 = arith.index_cast %add3A_507 : i32 to index
        %get3A_509 = arith.constant 0 : index
        %get3A_510 = tpu.vector_load %arg9[%get3A_508, %get3A_509] {strides = array<i32>} : memref<200x64xf32, #tpu.memory_space<vmem>>, vector<1x16xf32>,
        %get3A_511 = vector.shape_cast %get3A_510 : vector<1x16xf32> to vector<16xf32>
        %add3A_512 = arith.addf %add3A_488, %get3A_511 : vector<16xf32>
        %get3A_513 = arith.index_cast %add3A_507 : i32 to index
        %get3A_514 = arith.constant 16 : index
        %get3A_515 = tpu.vector_load %arg9[%get3A_513, %get3A_514] {strides = array<i32>} : memref<200x64xf32, #tpu.memory_space<vmem>>, vector<1x16xf32>,
        %get3A_516 = vector.shape_cast %get3A_515 : vector<1x16xf32> to vector<16xf32>
        %add3A_517 = arith.addf %add3A_493, %get3A_516 : vector<16xf32>
        %get3A_518 = arith.index_cast %add3A_507 : i32 to index
        %get3A_519 = arith.constant 32 : index
        %get3A_520 = tpu.vector_load %arg9[%get3A_518, %get3A_519] {strides = array<i32>} : memref<200x64xf32, #tpu.memory_space<vmem>>, vector<1x16xf32>,
        %get3A_521 = vector.shape_cast %get3A_520 : vector<1x16xf32> to vector<16xf32>
        %add3A_522 = arith.addf %add3A_498, %get3A_521 : vector<16xf32>
        %get3A_523 = arith.index_cast %add3A_507 : i32 to index
        %get3A_524 = arith.constant 48 : index
        %get3A_525 = tpu.vector_load %arg9[%get3A_523, %get3A_524] {strides = array<i32>} : memref<200x64xf32, #tpu.memory_space<vmem>>, vector<1x16xf32>,
        %get3A_526 = vector.shape_cast %get3A_525 : vector<1x16xf32> to vector<16xf32>
        %add3A_527 = arith.addf %add3A_503, %get3A_526 : vector<16xf32>
        scf.yield %add3A_512, %add3A_517, %add3A_522, %add3A_527 : vector<16xf32>, vector<16xf32>, vector<16xf32>, vector<16xf32>
      }
      %scan3A_311 = arith.constant 25 : i32
      %swap3A_312 = arith.index_cast %add3A_270 : i32 to index
      %swap3A_313 = arith.constant 0 : index
      %swap3A_314 = tpu.vector_load %arg10[%swap3A_312, %swap3A_313] {strides = array<i32>} : memref<128x64xf32, #tpu.memory_space<vmem>>, vector<1x16xf32>,
      %swap3A_315 = vector.shape_cast %swap3A_314 : vector<1x16xf32> to vector<16xf32>
      %swap3A_316 = vector.shape_cast %scan3A_310#0 : vector<16xf32> to vector<1x16xf32>
      tpu.vector_store %arg10[%swap3A_312, %swap3A_313], %swap3A_316 {strides = array<i32>} : memref<128x64xf32, #tpu.memory_space<vmem>>, vector<1x16xf32>,
      %swap3A_317 = arith.index_cast %add3A_270 : i32 to index
      %swap3A_318 = arith.constant 16 : index
      %swap3A_319 = tpu.vector_load %arg10[%swap3A_317, %swap3A_318] {strides = array<i32>} : memref<128x64xf32, #tpu.memory_space<vmem>>, vector<1x16xf32>,
      %swap3A_320 = vector.shape_cast %swap3A_319 : vector<1x16xf32> to vector<16xf32>
      %swap3A_321 = vector.shape_cast %scan3A_310#1 : vector<16xf32> to vector<1x16xf32>
      tpu.vector_store %arg10[%swap3A_317, %swap3A_318], %swap3A_321 {strides = array<i32>} : memref<128x64xf32, #tpu.memory_space<vmem>>, vector<1x16xf32>,
      %swap3A_322 = arith.index_cast %add3A_270 : i32 to index
      %swap3A_323 = arith.constant 32 : index
      %swap3A_324 = tpu.vector_load %arg10[%swap3A_322, %swap3A_323] {strides = array<i32>} : memref<128x64xf32, #tpu.memory_space<vmem>>, vector<1x16xf32>,
      %swap3A_325 = vector.shape_cast %swap3A_324 : vector<1x16xf32> to vector<16xf32>
      %swap3A_326 = vector.shape_cast %scan3A_310#2 : vector<16xf32> to vector<1x16xf32>
      tpu.vector_store %arg10[%swap3A_322, %swap3A_323], %swap3A_326 {strides = array<i32>} : memref<128x64xf32, #tpu.memory_space<vmem>>, vector<1x16xf32>,
      %swap3A_327 = arith.index_cast %add3A_270 : i32 to index
      %swap3A_328 = arith.constant 48 : index
      %swap3A_329 = tpu.vector_load %arg10[%swap3A_327, %swap3A_328] {strides = array<i32>} : memref<128x64xf32, #tpu.memory_space<vmem>>, vector<1x16xf32>,
      %swap3A_330 = vector.shape_cast %swap3A_329 : vector<1x16xf32> to vector<16xf32>
      %swap3A_331 = vector.shape_cast %scan3A_310#3 : vector<16xf32> to vector<1x16xf32>
      tpu.vector_store %arg10[%swap3A_327, %swap3A_328], %swap3A_331 {strides = array<i32>} : memref<128x64xf32, #tpu.memory_space<vmem>>, vector<1x16xf32>,
    }
    %scan3A_72 = arith.constant 32 : i32
    "tpu.region"() ({
      %run_scoped3A = tpu.sem_alloc : memref<!tpu.dma_semaphore, #tpu.memory_space<semaphore_mem>>
      %dma_start3A_73 = arith.constant 0 : i32
      %dma_start3A_74 = tpu.memref_slice %arg4[%mul3A_2, %dma_start3A_73] : memref<4096x64xf32, #tpu.memory_space<hbm>> -> memref<128x64xf32, #tpu.memory_space<hbm>>
      %dma_start3A_75 = arith.constant 0 : i32
      %dma_start3A_76 = tpu.memref_slice %arg4[%mul3A_2, %dma_start3A_75] : memref<4096x64xf32, #tpu.memory_space<hbm>> -> memref<128x64xf32, #tpu.memory_space<hbm>>
      tpu.enqueue_dma source(%arg10 : memref<128x64xf32, #tpu.memory_space<vmem>>) target(%dma_start3A_76 : memref<128x64xf32, #tpu.memory_space<hbm>>) target_semaphore(%run_scoped3A : memref<!tpu.dma_semaphore, #tpu.memory_space<semaphore_mem>>)
      %dma_wait3A_77 = arith.constant 0 : i32
      %dma_wait3A_78 = tpu.memref_slice %arg4[%mul3A_2, %dma_wait3A_77] : memref<4096x64xf32, #tpu.memory_space<hbm>> -> memref<128x64xf32, #tpu.memory_space<hbm>>
      %dma_wait3A_79 = arith.constant 0 : i32
      %dma_wait3A_80 = tpu.memref_slice %arg4[%mul3A_2, %dma_wait3A_79] : memref<4096x64xf32, #tpu.memory_space<hbm>> -> memref<128x64xf32, #tpu.memory_space<hbm>>
      tpu.wait_dma2 semaphore(%run_scoped3A : memref<!tpu.dma_semaphore, #tpu.memory_space<semaphore_mem>>) src(%arg10 : memref<128x64xf32, #tpu.memory_space<vmem>>) dst(%dma_wait3A_80 : memref<128x64xf32, #tpu.memory_space<hbm>>)
      tpu.yield
    }) : () -> ()
    return
  }
}

#map = affine_map<(d0, d1) -> (0, 0)>
module attributes {stable_mosaic.version = 14 : i64} {
  func.func @_pool_body(%arg0: i32, %arg1: i32, %arg2: memref<4096x200xi32, #tpu.memory_space<hbm>>, %arg3: memref<100000x64xf32, #tpu.memory_space<hbm>>, %arg4: memref<4096x64xf32, #tpu.memory_space<hbm>>, %arg5: memref<128x200xi32, #tpu.memory_space<vmem>>, %arg6: memref<200x64xf32, #tpu.memory_space<vmem>>, %arg7: memref<200x64xf32, #tpu.memory_space<vmem>>, %arg8: memref<200x64xf32, #tpu.memory_space<vmem>>, %arg9: memref<200x64xf32, #tpu.memory_space<vmem>>, %arg10: memref<128x64xf32, #tpu.memory_space<vmem>>, %arg11: memref<!tpu.dma_semaphore, #tpu.memory_space<semaphore_mem>>, %arg12: memref<!tpu.dma_semaphore, #tpu.memory_space<semaphore_mem>>, %arg13: memref<!tpu.dma_semaphore, #tpu.memory_space<semaphore_mem>>, %arg14: memref<!tpu.dma_semaphore, #tpu.memory_space<semaphore_mem>>, %arg15: memref<!tpu.dma_semaphore, #tpu.memory_space<semaphore_mem>>) attributes {dimension_semantics = [#tpu.dimension_semantics<core_parallel>, #tpu.dimension_semantics<subcore_parallel>], iteration_bounds = array<i64: 2, 16>, scalar_prefetch = 0 : i64, scratch_operands = 11 : i64, tpu.core_type = #tpu.core_type<sc_vector_subcore>, window_params = [{transform_indices = #map}, {transform_indices = #map}, {transform_indices = #map}]} {
    %mul3A = arith.constant 2 : i32
    %mul3A_0 = arith.muli %arg1, %mul3A : i32
    %add3A = arith.addi %mul3A_0, %arg0 : i32
    %mul3A_1 = arith.constant 128 : i32
    %mul3A_2 = arith.muli %add3A, %mul3A_1 : i32
    %dma_start3A = arith.constant 0 : i32
    %dma_start3A_3 = tpu.memref_slice %arg2[%mul3A_2, %dma_start3A] : memref<4096x200xi32, #tpu.memory_space<hbm>> -> memref<128x200xi32, #tpu.memory_space<hbm>>
    %dma_start3A_4 = arith.constant 0 : i32
    %dma_start3A_5 = tpu.memref_slice %arg2[%mul3A_2, %dma_start3A_4] : memref<4096x200xi32, #tpu.memory_space<hbm>> -> memref<128x200xi32, #tpu.memory_space<hbm>>
    tpu.enqueue_dma source(%dma_start3A_5 : memref<128x200xi32, #tpu.memory_space<hbm>>) target(%arg5 : memref<128x200xi32, #tpu.memory_space<vmem>>) target_semaphore(%arg11 : memref<!tpu.dma_semaphore, #tpu.memory_space<semaphore_mem>>)
    %dma_wait3A = arith.constant 0 : i32
    %dma_wait3A_6 = tpu.memref_slice %arg2[%mul3A_2, %dma_wait3A] : memref<4096x200xi32, #tpu.memory_space<hbm>> -> memref<128x200xi32, #tpu.memory_space<hbm>>
    %dma_wait3A_7 = arith.constant 0 : i32
    %dma_wait3A_8 = tpu.memref_slice %arg2[%mul3A_2, %dma_wait3A_7] : memref<4096x200xi32, #tpu.memory_space<hbm>> -> memref<128x200xi32, #tpu.memory_space<hbm>>
    tpu.wait_dma2 semaphore(%arg11 : memref<!tpu.dma_semaphore, #tpu.memory_space<semaphore_mem>>) src(%dma_wait3A_8 : memref<128x200xi32, #tpu.memory_space<hbm>>) dst(%arg5 : memref<128x200xi32, #tpu.memory_space<vmem>>)
    %dma_start3A_9 = arith.constant 0 : i32
    %dma_start3A_10 = arith.constant 0 : i32
    %dma_start3A_11 = arith.constant 0 : i32
    %dma_start3A_12 = tpu.memref_slice %arg6[%dma_start3A_10, %dma_start3A_11] : memref<200x64xf32, #tpu.memory_space<vmem>> -> memref<128x64xf32, #tpu.memory_space<vmem>>
    %dma_start3A_13 = arith.constant 0 : i32
    %dma_start3A_14 = tpu.memref_slice %arg5[%dma_start3A_9, %dma_start3A_13] : memref<128x200xi32, #tpu.memory_space<vmem>> -> memref<1x128xi32, #tpu.memory_space<vmem>>
    %dma_start3A_15 = tpu.memref_squeeze %dma_start3A_14 : memref<1x128xi32, #tpu.memory_space<vmem>> -> memref<128xi32, #tpu.memory_space<vmem>>
    %dma_start3A_16 = arith.constant 0 : i32
    %dma_start3A_17 = arith.constant 0 : i32
    %dma_start3A_18 = tpu.memref_slice %arg3[%dma_start3A_16, %dma_start3A_17] : memref<100000x64xf32, #tpu.memory_space<hbm>> -> memref<100000x64xf32, #tpu.memory_space<hbm>>
    tpu.enqueue_indirect_dma source(%dma_start3A_18 : memref<100000x64xf32, #tpu.memory_space<hbm>>) target(%dma_start3A_12 : memref<128x64xf32, #tpu.memory_space<vmem>>) offsets(%dma_start3A_15 : memref<128xi32, #tpu.memory_space<vmem>>) semaphore(%arg12 : memref<!tpu.dma_semaphore, #tpu.memory_space<semaphore_mem>>)
    %dma_start3A_19 = arith.constant 0 : i32
    %dma_start3A_20 = arith.constant 128 : i32
    %dma_start3A_21 = arith.constant 0 : i32
    %dma_start3A_22 = tpu.memref_slice %arg6[%dma_start3A_20, %dma_start3A_21] : memref<200x64xf32, #tpu.memory_space<vmem>> -> memref<72x64xf32, #tpu.memory_space<vmem>>
    %dma_start3A_23 = arith.constant 128 : i32
    %dma_start3A_24 = tpu.memref_slice %arg5[%dma_start3A_19, %dma_start3A_23] : memref<128x200xi32, #tpu.memory_space<vmem>> -> memref<1x72xi32, #tpu.memory_space<vmem>>
    %dma_start3A_25 = tpu.memref_squeeze %dma_start3A_24 : memref<1x72xi32, #tpu.memory_space<vmem>> -> memref<72xi32, #tpu.memory_space<vmem>>
    %dma_start3A_26 = arith.constant 0 : i32
    %dma_start3A_27 = arith.constant 0 : i32
    %dma_start3A_28 = tpu.memref_slice %arg3[%dma_start3A_26, %dma_start3A_27] : memref<100000x64xf32, #tpu.memory_space<hbm>> -> memref<100000x64xf32, #tpu.memory_space<hbm>>
    tpu.enqueue_indirect_dma source(%dma_start3A_28 : memref<100000x64xf32, #tpu.memory_space<hbm>>) target(%dma_start3A_22 : memref<72x64xf32, #tpu.memory_space<vmem>>) offsets(%dma_start3A_25 : memref<72xi32, #tpu.memory_space<vmem>>) semaphore(%arg12 : memref<!tpu.dma_semaphore, #tpu.memory_space<semaphore_mem>>)
    %dma_start3A_29 = arith.constant 1 : i32
    %dma_start3A_30 = arith.constant 0 : i32
    %dma_start3A_31 = arith.constant 0 : i32
    %dma_start3A_32 = tpu.memref_slice %arg7[%dma_start3A_30, %dma_start3A_31] : memref<200x64xf32, #tpu.memory_space<vmem>> -> memref<128x64xf32, #tpu.memory_space<vmem>>
    %dma_start3A_33 = arith.constant 0 : i32
    %dma_start3A_34 = tpu.memref_slice %arg5[%dma_start3A_29, %dma_start3A_33] : memref<128x200xi32, #tpu.memory_space<vmem>> -> memref<1x128xi32, #tpu.memory_space<vmem>>
    %dma_start3A_35 = tpu.memref_squeeze %dma_start3A_34 : memref<1x128xi32, #tpu.memory_space<vmem>> -> memref<128xi32, #tpu.memory_space<vmem>>
    %dma_start3A_36 = arith.constant 0 : i32
    %dma_start3A_37 = arith.constant 0 : i32
    %dma_start3A_38 = tpu.memref_slice %arg3[%dma_start3A_36, %dma_start3A_37] : memref<100000x64xf32, #tpu.memory_space<hbm>> -> memref<100000x64xf32, #tpu.memory_space<hbm>>
    tpu.enqueue_indirect_dma source(%dma_start3A_38 : memref<100000x64xf32, #tpu.memory_space<hbm>>) target(%dma_start3A_32 : memref<128x64xf32, #tpu.memory_space<vmem>>) offsets(%dma_start3A_35 : memref<128xi32, #tpu.memory_space<vmem>>) semaphore(%arg13 : memref<!tpu.dma_semaphore, #tpu.memory_space<semaphore_mem>>)
    %dma_start3A_39 = arith.constant 1 : i32
    %dma_start3A_40 = arith.constant 128 : i32
    %dma_start3A_41 = arith.constant 0 : i32
    %dma_start3A_42 = tpu.memref_slice %arg7[%dma_start3A_40, %dma_start3A_41] : memref<200x64xf32, #tpu.memory_space<vmem>> -> memref<72x64xf32, #tpu.memory_space<vmem>>
    %dma_start3A_43 = arith.constant 128 : i32
    %dma_start3A_44 = tpu.memref_slice %arg5[%dma_start3A_39, %dma_start3A_43] : memref<128x200xi32, #tpu.memory_space<vmem>> -> memref<1x72xi32, #tpu.memory_space<vmem>>
    %dma_start3A_45 = tpu.memref_squeeze %dma_start3A_44 : memref<1x72xi32, #tpu.memory_space<vmem>> -> memref<72xi32, #tpu.memory_space<vmem>>
    %dma_start3A_46 = arith.constant 0 : i32
    %dma_start3A_47 = arith.constant 0 : i32
    %dma_start3A_48 = tpu.memref_slice %arg3[%dma_start3A_46, %dma_start3A_47] : memref<100000x64xf32, #tpu.memory_space<hbm>> -> memref<100000x64xf32, #tpu.memory_space<hbm>>
    tpu.enqueue_indirect_dma source(%dma_start3A_48 : memref<100000x64xf32, #tpu.memory_space<hbm>>) target(%dma_start3A_42 : memref<72x64xf32, #tpu.memory_space<vmem>>) offsets(%dma_start3A_45 : memref<72xi32, #tpu.memory_space<vmem>>) semaphore(%arg13 : memref<!tpu.dma_semaphore, #tpu.memory_space<semaphore_mem>>)
    %dma_start3A_49 = arith.constant 2 : i32
    %dma_start3A_50 = arith.constant 0 : i32
    %dma_start3A_51 = arith.constant 0 : i32
    %dma_start3A_52 = tpu.memref_slice %arg8[%dma_start3A_50, %dma_start3A_51] : memref<200x64xf32, #tpu.memory_space<vmem>> -> memref<128x64xf32, #tpu.memory_space<vmem>>
    %dma_start3A_53 = arith.constant 0 : i32
    %dma_start3A_54 = tpu.memref_slice %arg5[%dma_start3A_49, %dma_start3A_53] : memref<128x200xi32, #tpu.memory_space<vmem>> -> memref<1x128xi32, #tpu.memory_space<vmem>>
    %dma_start3A_55 = tpu.memref_squeeze %dma_start3A_54 : memref<1x128xi32, #tpu.memory_space<vmem>> -> memref<128xi32, #tpu.memory_space<vmem>>
    %dma_start3A_56 = arith.constant 0 : i32
    %dma_start3A_57 = arith.constant 0 : i32
    %dma_start3A_58 = tpu.memref_slice %arg3[%dma_start3A_56, %dma_start3A_57] : memref<100000x64xf32, #tpu.memory_space<hbm>> -> memref<100000x64xf32, #tpu.memory_space<hbm>>
    tpu.enqueue_indirect_dma source(%dma_start3A_58 : memref<100000x64xf32, #tpu.memory_space<hbm>>) target(%dma_start3A_52 : memref<128x64xf32, #tpu.memory_space<vmem>>) offsets(%dma_start3A_55 : memref<128xi32, #tpu.memory_space<vmem>>) semaphore(%arg14 : memref<!tpu.dma_semaphore, #tpu.memory_space<semaphore_mem>>)
    %dma_start3A_59 = arith.constant 2 : i32
    %dma_start3A_60 = arith.constant 128 : i32
    %dma_start3A_61 = arith.constant 0 : i32
    %dma_start3A_62 = tpu.memref_slice %arg8[%dma_start3A_60, %dma_start3A_61] : memref<200x64xf32, #tpu.memory_space<vmem>> -> memref<72x64xf32, #tpu.memory_space<vmem>>
    %dma_start3A_63 = arith.constant 128 : i32
    %dma_start3A_64 = tpu.memref_slice %arg5[%dma_start3A_59, %dma_start3A_63] : memref<128x200xi32, #tpu.memory_space<vmem>> -> memref<1x72xi32, #tpu.memory_space<vmem>>
    %dma_start3A_65 = tpu.memref_squeeze %dma_start3A_64 : memref<1x72xi32, #tpu.memory_space<vmem>> -> memref<72xi32, #tpu.memory_space<vmem>>
    %dma_start3A_66 = arith.constant 0 : i32
    %dma_start3A_67 = arith.constant 0 : i32
    %dma_start3A_68 = tpu.memref_slice %arg3[%dma_start3A_66, %dma_start3A_67] : memref<100000x64xf32, #tpu.memory_space<hbm>> -> memref<100000x64xf32, #tpu.memory_space<hbm>>
    tpu.enqueue_indirect_dma source(%dma_start3A_68 : memref<100000x64xf32, #tpu.memory_space<hbm>>) target(%dma_start3A_62 : memref<72x64xf32, #tpu.memory_space<vmem>>) offsets(%dma_start3A_65 : memref<72xi32, #tpu.memory_space<vmem>>) semaphore(%arg14 : memref<!tpu.dma_semaphore, #tpu.memory_space<semaphore_mem>>)
    %scan3A = arith.constant 0 : i32
    %scan3A_69 = arith.constant 32 : i32
    %scan3A_70 = arith.addi %scan3A, %scan3A_69 : i32
    %scan3A_71 = arith.constant 1 : i32
    scf.for %scan3A_73 = %scan3A to %scan3A_70 step %scan3A_71  : i32 {
      %mul3A_74 = arith.constant 1 : i32
      %mul3A_75 = arith.muli %scan3A_73, %mul3A_74 : i32
      %add3A_76 = arith.constant 0 : i32
      %add3A_77 = arith.addi %add3A_76, %mul3A_75 : i32
      %mul3A_78 = arith.constant 4 : i32
      %mul3A_79 = arith.muli %mul3A_78, %add3A_77 : i32
      %add3A_80 = arith.constant 0 : i32
      %add3A_81 = arith.addi %mul3A_79, %add3A_80 : i32
      %add3A_82 = arith.constant 4 : i32
      %add3A_83 = arith.addi %add3A_81, %add3A_82 : i32
      %sub3A = arith.constant 1 : i32
      %sub3A_84 = arith.subi %add3A_83, %sub3A : i32
      %lt3A = arith.constant 128 : i32
      %lt3A_85 = arith.cmpi slt, %sub3A_84, %lt3A : i32
      %convert_element_type3A = arith.extui %lt3A_85 : i1 to i32
      %cond3A = arith.constant 0 : i32
      %cond3A_86 = arith.cmpi ne, %convert_element_type3A, %cond3A : i32
      scf.if %cond3A_86 {
        %dma_start3A_332 = arith.constant 0 : i32
        %dma_start3A_333 = arith.constant 0 : i32
        %dma_start3A_334 = tpu.memref_slice %arg9[%dma_start3A_332, %dma_start3A_333] : memref<200x64xf32, #tpu.memory_space<vmem>> -> memref<128x64xf32, #tpu.memory_space<vmem>>
        %dma_start3A_335 = arith.constant 0 : i32
        %dma_start3A_336 = tpu.memref_slice %arg5[%sub3A_84, %dma_start3A_335] : memref<128x200xi32, #tpu.memory_space<vmem>> -> memref<1x128xi32, #tpu.memory_space<vmem>>
        %dma_start3A_337 = tpu.memref_squeeze %dma_start3A_336 : memref<1x128xi32, #tpu.memory_space<vmem>> -> memref<128xi32, #tpu.memory_space<vmem>>
        %dma_start3A_338 = arith.constant 0 : i32
        %dma_start3A_339 = arith.constant 0 : i32
        %dma_start3A_340 = tpu.memref_slice %arg3[%dma_start3A_338, %dma_start3A_339] : memref<100000x64xf32, #tpu.memory_space<hbm>> -> memref<100000x64xf32, #tpu.memory_space<hbm>>
        tpu.enqueue_indirect_dma source(%dma_start3A_340 : memref<100000x64xf32, #tpu.memory_space<hbm>>) target(%dma_start3A_334 : memref<128x64xf32, #tpu.memory_space<vmem>>) offsets(%dma_start3A_337 : memref<128xi32, #tpu.memory_space<vmem>>) semaphore(%arg15 : memref<!tpu.dma_semaphore, #tpu.memory_space<semaphore_mem>>)
        %dma_start3A_341 = arith.constant 128 : i32
        %dma_start3A_342 = arith.constant 0 : i32
        %dma_start3A_343 = tpu.memref_slice %arg9[%dma_start3A_341, %dma_start3A_342] : memref<200x64xf32, #tpu.memory_space<vmem>> -> memref<72x64xf32, #tpu.memory_space<vmem>>
        %dma_start3A_344 = arith.constant 128 : i32
        %dma_start3A_345 = tpu.memref_slice %arg5[%sub3A_84, %dma_start3A_344] : memref<128x200xi32, #tpu.memory_space<vmem>> -> memref<1x72xi32, #tpu.memory_space<vmem>>
        %dma_start3A_346 = tpu.memref_squeeze %dma_start3A_345 : memref<1x72xi32, #tpu.memory_space<vmem>> -> memref<72xi32, #tpu.memory_space<vmem>>
        %dma_start3A_347 = arith.constant 0 : i32
        %dma_start3A_348 = arith.constant 0 : i32
        %dma_start3A_349 = tpu.memref_slice %arg3[%dma_start3A_347, %dma_start3A_348] : memref<100000x64xf32, #tpu.memory_space<hbm>> -> memref<100000x64xf32, #tpu.memory_space<hbm>>
        tpu.enqueue_indirect_dma source(%dma_start3A_349 : memref<100000x64xf32, #tpu.memory_space<hbm>>) target(%dma_start3A_343 : memref<72x64xf32, #tpu.memory_space<vmem>>) offsets(%dma_start3A_346 : memref<72xi32, #tpu.memory_space<vmem>>) semaphore(%arg15 : memref<!tpu.dma_semaphore, #tpu.memory_space<semaphore_mem>>)
      } else {
      }
      %dma_wait3A_87 = arith.constant 0 : i32
      %dma_wait3A_88 = arith.constant 0 : i32
      %dma_wait3A_89 = tpu.memref_slice %arg6[%dma_wait3A_87, %dma_wait3A_88] : memref<200x64xf32, #tpu.memory_space<vmem>> -> memref<128x64xf32, #tpu.memory_space<vmem>>
      %dma_wait3A_90 = arith.constant 0 : i32
      %dma_wait3A_91 = tpu.memref_slice %arg5[%add3A_81, %dma_wait3A_90] : memref<128x200xi32, #tpu.memory_space<vmem>> -> memref<1x128xi32, #tpu.memory_space<vmem>>
      %dma_wait3A_92 = tpu.memref_squeeze %dma_wait3A_91 : memref<1x128xi32, #tpu.memory_space<vmem>> -> memref<128xi32, #tpu.memory_space<vmem>>
      %dma_wait3A_93 = arith.constant 0 : i32
      %dma_wait3A_94 = arith.constant 0 : i32
      %dma_wait3A_95 = tpu.memref_slice %arg3[%dma_wait3A_93, %dma_wait3A_94] : memref<100000x64xf32, #tpu.memory_space<hbm>> -> memref<100000x64xf32, #tpu.memory_space<hbm>>
      tpu.wait_indirect_dma semaphore(%arg12 : memref<!tpu.dma_semaphore, #tpu.memory_space<semaphore_mem>>) src(%dma_wait3A_95 : memref<100000x64xf32, #tpu.memory_space<hbm>>) dst(%dma_wait3A_89 : memref<128x64xf32, #tpu.memory_space<vmem>>)
      %dma_wait3A_96 = arith.constant 128 : i32
      %dma_wait3A_97 = arith.constant 0 : i32
      %dma_wait3A_98 = tpu.memref_slice %arg6[%dma_wait3A_96, %dma_wait3A_97] : memref<200x64xf32, #tpu.memory_space<vmem>> -> memref<72x64xf32, #tpu.memory_space<vmem>>
      %dma_wait3A_99 = arith.constant 128 : i32
      %dma_wait3A_100 = tpu.memref_slice %arg5[%add3A_81, %dma_wait3A_99] : memref<128x200xi32, #tpu.memory_space<vmem>> -> memref<1x72xi32, #tpu.memory_space<vmem>>
      %dma_wait3A_101 = tpu.memref_squeeze %dma_wait3A_100 : memref<1x72xi32, #tpu.memory_space<vmem>> -> memref<72xi32, #tpu.memory_space<vmem>>
      %dma_wait3A_102 = arith.constant 0 : i32
      %dma_wait3A_103 = arith.constant 0 : i32
      %dma_wait3A_104 = tpu.memref_slice %arg3[%dma_wait3A_102, %dma_wait3A_103] : memref<100000x64xf32, #tpu.memory_space<hbm>> -> memref<100000x64xf32, #tpu.memory_space<hbm>>
      tpu.wait_indirect_dma semaphore(%arg12 : memref<!tpu.dma_semaphore, #tpu.memory_space<semaphore_mem>>) src(%dma_wait3A_104 : memref<100000x64xf32, #tpu.memory_space<hbm>>) dst(%dma_wait3A_98 : memref<72x64xf32, #tpu.memory_space<vmem>>)
      %broadcast_in_dim3A = arith.constant 0.000000e+00 : f32
      %broadcast_in_dim3A_105 = vector.broadcast %broadcast_in_dim3A : f32 to vector<16xf32>
      %broadcast_in_dim3A_106 = arith.constant 0.000000e+00 : f32
      %broadcast_in_dim3A_107 = vector.broadcast %broadcast_in_dim3A_106 : f32 to vector<16xf32>
      %broadcast_in_dim3A_108 = arith.constant 0.000000e+00 : f32
      %broadcast_in_dim3A_109 = vector.broadcast %broadcast_in_dim3A_108 : f32 to vector<16xf32>
      %broadcast_in_dim3A_110 = arith.constant 0.000000e+00 : f32
      %broadcast_in_dim3A_111 = vector.broadcast %broadcast_in_dim3A_110 : f32 to vector<16xf32>
      %scan3A_112 = arith.constant 0 : i32
      %scan3A_113 = arith.constant 25 : i32
      %scan3A_114 = arith.addi %scan3A_112, %scan3A_113 : i32
      %scan3A_115 = arith.constant 1 : i32
      %scan3A_116:4 = scf.for %scan3A_332 = %scan3A_112 to %scan3A_114 step %scan3A_115 iter_args(%scan3A_333 = %broadcast_in_dim3A_105, %scan3A_334 = %broadcast_in_dim3A_107, %scan3A_335 = %broadcast_in_dim3A_109, %scan3A_336 = %broadcast_in_dim3A_111) -> (vector<16xf32>, vector<16xf32>, vector<16xf32>, vector<16xf32>)  : i32 {
        %mul3A_337 = arith.constant 8 : i32
        %mul3A_338 = arith.muli %scan3A_332, %mul3A_337 : i32
        %add3A_339 = arith.constant 0 : i32
        %add3A_340 = arith.addi %mul3A_338, %add3A_339 : i32
        %get3A = arith.index_cast %add3A_340 : i32 to index
        %get3A_341 = arith.constant 0 : index
        %get3A_342 = tpu.vector_load %arg6[%get3A, %get3A_341] {strides = array<i32>} : memref<200x64xf32, #tpu.memory_space<vmem>>, vector<1x16xf32>,
        %get3A_343 = vector.shape_cast %get3A_342 : vector<1x16xf32> to vector<16xf32>
        %add3A_344 = arith.addf %scan3A_333, %get3A_343 : vector<16xf32>
        %get3A_345 = arith.index_cast %add3A_340 : i32 to index
        %get3A_346 = arith.constant 16 : index
        %get3A_347 = tpu.vector_load %arg6[%get3A_345, %get3A_346] {strides = array<i32>} : memref<200x64xf32, #tpu.memory_space<vmem>>, vector<1x16xf32>,
        %get3A_348 = vector.shape_cast %get3A_347 : vector<1x16xf32> to vector<16xf32>
        %add3A_349 = arith.addf %scan3A_334, %get3A_348 : vector<16xf32>
        %get3A_350 = arith.index_cast %add3A_340 : i32 to index
        %get3A_351 = arith.constant 32 : index
        %get3A_352 = tpu.vector_load %arg6[%get3A_350, %get3A_351] {strides = array<i32>} : memref<200x64xf32, #tpu.memory_space<vmem>>, vector<1x16xf32>,
        %get3A_353 = vector.shape_cast %get3A_352 : vector<1x16xf32> to vector<16xf32>
        %add3A_354 = arith.addf %scan3A_335, %get3A_353 : vector<16xf32>
        %get3A_355 = arith.index_cast %add3A_340 : i32 to index
        %get3A_356 = arith.constant 48 : index
        %get3A_357 = tpu.vector_load %arg6[%get3A_355, %get3A_356] {strides = array<i32>} : memref<200x64xf32, #tpu.memory_space<vmem>>, vector<1x16xf32>,
        %get3A_358 = vector.shape_cast %get3A_357 : vector<1x16xf32> to vector<16xf32>
        %add3A_359 = arith.addf %scan3A_336, %get3A_358 : vector<16xf32>
        %mul3A_360 = arith.constant 8 : i32
        %mul3A_361 = arith.muli %scan3A_332, %mul3A_360 : i32
        %add3A_362 = arith.constant 1 : i32
        %add3A_363 = arith.addi %mul3A_361, %add3A_362 : i32
        %get3A_364 = arith.index_cast %add3A_363 : i32 to index
        %get3A_365 = arith.constant 0 : index
        %get3A_366 = tpu.vector_load %arg6[%get3A_364, %get3A_365] {strides = array<i32>} : memref<200x64xf32, #tpu.memory_space<vmem>>, vector<1x16xf32>,
        %get3A_367 = vector.shape_cast %get3A_366 : vector<1x16xf32> to vector<16xf32>
        %add3A_368 = arith.addf %add3A_344, %get3A_367 : vector<16xf32>
        %get3A_369 = arith.index_cast %add3A_363 : i32 to index
        %get3A_370 = arith.constant 16 : index
        %get3A_371 = tpu.vector_load %arg6[%get3A_369, %get3A_370] {strides = array<i32>} : memref<200x64xf32, #tpu.memory_space<vmem>>, vector<1x16xf32>,
        %get3A_372 = vector.shape_cast %get3A_371 : vector<1x16xf32> to vector<16xf32>
        %add3A_373 = arith.addf %add3A_349, %get3A_372 : vector<16xf32>
        %get3A_374 = arith.index_cast %add3A_363 : i32 to index
        %get3A_375 = arith.constant 32 : index
        %get3A_376 = tpu.vector_load %arg6[%get3A_374, %get3A_375] {strides = array<i32>} : memref<200x64xf32, #tpu.memory_space<vmem>>, vector<1x16xf32>,
        %get3A_377 = vector.shape_cast %get3A_376 : vector<1x16xf32> to vector<16xf32>
        %add3A_378 = arith.addf %add3A_354, %get3A_377 : vector<16xf32>
        %get3A_379 = arith.index_cast %add3A_363 : i32 to index
        %get3A_380 = arith.constant 48 : index
        %get3A_381 = tpu.vector_load %arg6[%get3A_379, %get3A_380] {strides = array<i32>} : memref<200x64xf32, #tpu.memory_space<vmem>>, vector<1x16xf32>,
        %get3A_382 = vector.shape_cast %get3A_381 : vector<1x16xf32> to vector<16xf32>
        %add3A_383 = arith.addf %add3A_359, %get3A_382 : vector<16xf32>
        %mul3A_384 = arith.constant 8 : i32
        %mul3A_385 = arith.muli %scan3A_332, %mul3A_384 : i32
        %add3A_386 = arith.constant 2 : i32
        %add3A_387 = arith.addi %mul3A_385, %add3A_386 : i32
        %get3A_388 = arith.index_cast %add3A_387 : i32 to index
        %get3A_389 = arith.constant 0 : index
        %get3A_390 = tpu.vector_load %arg6[%get3A_388, %get3A_389] {strides = array<i32>} : memref<200x64xf32, #tpu.memory_space<vmem>>, vector<1x16xf32>,
        %get3A_391 = vector.shape_cast %get3A_390 : vector<1x16xf32> to vector<16xf32>
        %add3A_392 = arith.addf %add3A_368, %get3A_391 : vector<16xf32>
        %get3A_393 = arith.index_cast %add3A_387 : i32 to index
        %get3A_394 = arith.constant 16 : index
        %get3A_395 = tpu.vector_load %arg6[%get3A_393, %get3A_394] {strides = array<i32>} : memref<200x64xf32, #tpu.memory_space<vmem>>, vector<1x16xf32>,
        %get3A_396 = vector.shape_cast %get3A_395 : vector<1x16xf32> to vector<16xf32>
        %add3A_397 = arith.addf %add3A_373, %get3A_396 : vector<16xf32>
        %get3A_398 = arith.index_cast %add3A_387 : i32 to index
        %get3A_399 = arith.constant 32 : index
        %get3A_400 = tpu.vector_load %arg6[%get3A_398, %get3A_399] {strides = array<i32>} : memref<200x64xf32, #tpu.memory_space<vmem>>, vector<1x16xf32>,
        %get3A_401 = vector.shape_cast %get3A_400 : vector<1x16xf32> to vector<16xf32>
        %add3A_402 = arith.addf %add3A_378, %get3A_401 : vector<16xf32>
        %get3A_403 = arith.index_cast %add3A_387 : i32 to index
        %get3A_404 = arith.constant 48 : index
        %get3A_405 = tpu.vector_load %arg6[%get3A_403, %get3A_404] {strides = array<i32>} : memref<200x64xf32, #tpu.memory_space<vmem>>, vector<1x16xf32>,
        %get3A_406 = vector.shape_cast %get3A_405 : vector<1x16xf32> to vector<16xf32>
        %add3A_407 = arith.addf %add3A_383, %get3A_406 : vector<16xf32>
        %mul3A_408 = arith.constant 8 : i32
        %mul3A_409 = arith.muli %scan3A_332, %mul3A_408 : i32
        %add3A_410 = arith.constant 3 : i32
        %add3A_411 = arith.addi %mul3A_409, %add3A_410 : i32
        %get3A_412 = arith.index_cast %add3A_411 : i32 to index
        %get3A_413 = arith.constant 0 : index
        %get3A_414 = tpu.vector_load %arg6[%get3A_412, %get3A_413] {strides = array<i32>} : memref<200x64xf32, #tpu.memory_space<vmem>>, vector<1x16xf32>,
        %get3A_415 = vector.shape_cast %get3A_414 : vector<1x16xf32> to vector<16xf32>
        %add3A_416 = arith.addf %add3A_392, %get3A_415 : vector<16xf32>
        %get3A_417 = arith.index_cast %add3A_411 : i32 to index
        %get3A_418 = arith.constant 16 : index
        %get3A_419 = tpu.vector_load %arg6[%get3A_417, %get3A_418] {strides = array<i32>} : memref<200x64xf32, #tpu.memory_space<vmem>>, vector<1x16xf32>,
        %get3A_420 = vector.shape_cast %get3A_419 : vector<1x16xf32> to vector<16xf32>
        %add3A_421 = arith.addf %add3A_397, %get3A_420 : vector<16xf32>
        %get3A_422 = arith.index_cast %add3A_411 : i32 to index
        %get3A_423 = arith.constant 32 : index
        %get3A_424 = tpu.vector_load %arg6[%get3A_422, %get3A_423] {strides = array<i32>} : memref<200x64xf32, #tpu.memory_space<vmem>>, vector<1x16xf32>,
        %get3A_425 = vector.shape_cast %get3A_424 : vector<1x16xf32> to vector<16xf32>
        %add3A_426 = arith.addf %add3A_402, %get3A_425 : vector<16xf32>
        %get3A_427 = arith.index_cast %add3A_411 : i32 to index
        %get3A_428 = arith.constant 48 : index
        %get3A_429 = tpu.vector_load %arg6[%get3A_427, %get3A_428] {strides = array<i32>} : memref<200x64xf32, #tpu.memory_space<vmem>>, vector<1x16xf32>,
        %get3A_430 = vector.shape_cast %get3A_429 : vector<1x16xf32> to vector<16xf32>
        %add3A_431 = arith.addf %add3A_407, %get3A_430 : vector<16xf32>
        %mul3A_432 = arith.constant 8 : i32
        %mul3A_433 = arith.muli %scan3A_332, %mul3A_432 : i32
        %add3A_434 = arith.constant 4 : i32
        %add3A_435 = arith.addi %mul3A_433, %add3A_434 : i32
        %get3A_436 = arith.index_cast %add3A_435 : i32 to index
        %get3A_437 = arith.constant 0 : index
        %get3A_438 = tpu.vector_load %arg6[%get3A_436, %get3A_437] {strides = array<i32>} : memref<200x64xf32, #tpu.memory_space<vmem>>, vector<1x16xf32>,
        %get3A_439 = vector.shape_cast %get3A_438 : vector<1x16xf32> to vector<16xf32>
        %add3A_440 = arith.addf %add3A_416, %get3A_439 : vector<16xf32>
        %get3A_441 = arith.index_cast %add3A_435 : i32 to index
        %get3A_442 = arith.constant 16 : index
        %get3A_443 = tpu.vector_load %arg6[%get3A_441, %get3A_442] {strides = array<i32>} : memref<200x64xf32, #tpu.memory_space<vmem>>, vector<1x16xf32>,
        %get3A_444 = vector.shape_cast %get3A_443 : vector<1x16xf32> to vector<16xf32>
        %add3A_445 = arith.addf %add3A_421, %get3A_444 : vector<16xf32>
        %get3A_446 = arith.index_cast %add3A_435 : i32 to index
        %get3A_447 = arith.constant 32 : index
        %get3A_448 = tpu.vector_load %arg6[%get3A_446, %get3A_447] {strides = array<i32>} : memref<200x64xf32, #tpu.memory_space<vmem>>, vector<1x16xf32>,
        %get3A_449 = vector.shape_cast %get3A_448 : vector<1x16xf32> to vector<16xf32>
        %add3A_450 = arith.addf %add3A_426, %get3A_449 : vector<16xf32>
        %get3A_451 = arith.index_cast %add3A_435 : i32 to index
        %get3A_452 = arith.constant 48 : index
        %get3A_453 = tpu.vector_load %arg6[%get3A_451, %get3A_452] {strides = array<i32>} : memref<200x64xf32, #tpu.memory_space<vmem>>, vector<1x16xf32>,
        %get3A_454 = vector.shape_cast %get3A_453 : vector<1x16xf32> to vector<16xf32>
        %add3A_455 = arith.addf %add3A_431, %get3A_454 : vector<16xf32>
        %mul3A_456 = arith.constant 8 : i32
        %mul3A_457 = arith.muli %scan3A_332, %mul3A_456 : i32
        %add3A_458 = arith.constant 5 : i32
        %add3A_459 = arith.addi %mul3A_457, %add3A_458 : i32
        %get3A_460 = arith.index_cast %add3A_459 : i32 to index
        %get3A_461 = arith.constant 0 : index
        %get3A_462 = tpu.vector_load %arg6[%get3A_460, %get3A_461] {strides = array<i32>} : memref<200x64xf32, #tpu.memory_space<vmem>>, vector<1x16xf32>,
        %get3A_463 = vector.shape_cast %get3A_462 : vector<1x16xf32> to vector<16xf32>
        %add3A_464 = arith.addf %add3A_440, %get3A_463 : vector<16xf32>
        %get3A_465 = arith.index_cast %add3A_459 : i32 to index
        %get3A_466 = arith.constant 16 : index
        %get3A_467 = tpu.vector_load %arg6[%get3A_465, %get3A_466] {strides = array<i32>} : memref<200x64xf32, #tpu.memory_space<vmem>>, vector<1x16xf32>,
        %get3A_468 = vector.shape_cast %get3A_467 : vector<1x16xf32> to vector<16xf32>
        %add3A_469 = arith.addf %add3A_445, %get3A_468 : vector<16xf32>
        %get3A_470 = arith.index_cast %add3A_459 : i32 to index
        %get3A_471 = arith.constant 32 : index
        %get3A_472 = tpu.vector_load %arg6[%get3A_470, %get3A_471] {strides = array<i32>} : memref<200x64xf32, #tpu.memory_space<vmem>>, vector<1x16xf32>,
        %get3A_473 = vector.shape_cast %get3A_472 : vector<1x16xf32> to vector<16xf32>
        %add3A_474 = arith.addf %add3A_450, %get3A_473 : vector<16xf32>
        %get3A_475 = arith.index_cast %add3A_459 : i32 to index
        %get3A_476 = arith.constant 48 : index
        %get3A_477 = tpu.vector_load %arg6[%get3A_475, %get3A_476] {strides = array<i32>} : memref<200x64xf32, #tpu.memory_space<vmem>>, vector<1x16xf32>,
        %get3A_478 = vector.shape_cast %get3A_477 : vector<1x16xf32> to vector<16xf32>
        %add3A_479 = arith.addf %add3A_455, %get3A_478 : vector<16xf32>
        %mul3A_480 = arith.constant 8 : i32
        %mul3A_481 = arith.muli %scan3A_332, %mul3A_480 : i32
        %add3A_482 = arith.constant 6 : i32
        %add3A_483 = arith.addi %mul3A_481, %add3A_482 : i32
        %get3A_484 = arith.index_cast %add3A_483 : i32 to index
        %get3A_485 = arith.constant 0 : index
        %get3A_486 = tpu.vector_load %arg6[%get3A_484, %get3A_485] {strides = array<i32>} : memref<200x64xf32, #tpu.memory_space<vmem>>, vector<1x16xf32>,
        %get3A_487 = vector.shape_cast %get3A_486 : vector<1x16xf32> to vector<16xf32>
        %add3A_488 = arith.addf %add3A_464, %get3A_487 : vector<16xf32>
        %get3A_489 = arith.index_cast %add3A_483 : i32 to index
        %get3A_490 = arith.constant 16 : index
        %get3A_491 = tpu.vector_load %arg6[%get3A_489, %get3A_490] {strides = array<i32>} : memref<200x64xf32, #tpu.memory_space<vmem>>, vector<1x16xf32>,
        %get3A_492 = vector.shape_cast %get3A_491 : vector<1x16xf32> to vector<16xf32>
        %add3A_493 = arith.addf %add3A_469, %get3A_492 : vector<16xf32>
        %get3A_494 = arith.index_cast %add3A_483 : i32 to index
        %get3A_495 = arith.constant 32 : index
        %get3A_496 = tpu.vector_load %arg6[%get3A_494, %get3A_495] {strides = array<i32>} : memref<200x64xf32, #tpu.memory_space<vmem>>, vector<1x16xf32>,
        %get3A_497 = vector.shape_cast %get3A_496 : vector<1x16xf32> to vector<16xf32>
        %add3A_498 = arith.addf %add3A_474, %get3A_497 : vector<16xf32>
        %get3A_499 = arith.index_cast %add3A_483 : i32 to index
        %get3A_500 = arith.constant 48 : index
        %get3A_501 = tpu.vector_load %arg6[%get3A_499, %get3A_500] {strides = array<i32>} : memref<200x64xf32, #tpu.memory_space<vmem>>, vector<1x16xf32>,
        %get3A_502 = vector.shape_cast %get3A_501 : vector<1x16xf32> to vector<16xf32>
        %add3A_503 = arith.addf %add3A_479, %get3A_502 : vector<16xf32>
        %mul3A_504 = arith.constant 8 : i32
        %mul3A_505 = arith.muli %scan3A_332, %mul3A_504 : i32
        %add3A_506 = arith.constant 7 : i32
        %add3A_507 = arith.addi %mul3A_505, %add3A_506 : i32
        %get3A_508 = arith.index_cast %add3A_507 : i32 to index
        %get3A_509 = arith.constant 0 : index
        %get3A_510 = tpu.vector_load %arg6[%get3A_508, %get3A_509] {strides = array<i32>} : memref<200x64xf32, #tpu.memory_space<vmem>>, vector<1x16xf32>,
        %get3A_511 = vector.shape_cast %get3A_510 : vector<1x16xf32> to vector<16xf32>
        %add3A_512 = arith.addf %add3A_488, %get3A_511 : vector<16xf32>
        %get3A_513 = arith.index_cast %add3A_507 : i32 to index
        %get3A_514 = arith.constant 16 : index
        %get3A_515 = tpu.vector_load %arg6[%get3A_513, %get3A_514] {strides = array<i32>} : memref<200x64xf32, #tpu.memory_space<vmem>>, vector<1x16xf32>,
        %get3A_516 = vector.shape_cast %get3A_515 : vector<1x16xf32> to vector<16xf32>
        %add3A_517 = arith.addf %add3A_493, %get3A_516 : vector<16xf32>
        %get3A_518 = arith.index_cast %add3A_507 : i32 to index
        %get3A_519 = arith.constant 32 : index
        %get3A_520 = tpu.vector_load %arg6[%get3A_518, %get3A_519] {strides = array<i32>} : memref<200x64xf32, #tpu.memory_space<vmem>>, vector<1x16xf32>,
        %get3A_521 = vector.shape_cast %get3A_520 : vector<1x16xf32> to vector<16xf32>
        %add3A_522 = arith.addf %add3A_498, %get3A_521 : vector<16xf32>
        %get3A_523 = arith.index_cast %add3A_507 : i32 to index
        %get3A_524 = arith.constant 48 : index
        %get3A_525 = tpu.vector_load %arg6[%get3A_523, %get3A_524] {strides = array<i32>} : memref<200x64xf32, #tpu.memory_space<vmem>>, vector<1x16xf32>,
        %get3A_526 = vector.shape_cast %get3A_525 : vector<1x16xf32> to vector<16xf32>
        %add3A_527 = arith.addf %add3A_503, %get3A_526 : vector<16xf32>
        scf.yield %add3A_512, %add3A_517, %add3A_522, %add3A_527 : vector<16xf32>, vector<16xf32>, vector<16xf32>, vector<16xf32>
      }
      %scan3A_117 = arith.constant 25 : i32
      %swap3A = arith.index_cast %add3A_81 : i32 to index
      %swap3A_118 = arith.constant 0 : index
      %swap3A_119 = tpu.vector_load %arg10[%swap3A, %swap3A_118] {strides = array<i32>} : memref<128x64xf32, #tpu.memory_space<vmem>>, vector<1x16xf32>,
      %swap3A_120 = vector.shape_cast %swap3A_119 : vector<1x16xf32> to vector<16xf32>
      %swap3A_121 = vector.shape_cast %scan3A_116#0 : vector<16xf32> to vector<1x16xf32>
      tpu.vector_store %arg10[%swap3A, %swap3A_118], %swap3A_121 {strides = array<i32>} : memref<128x64xf32, #tpu.memory_space<vmem>>, vector<1x16xf32>,
      %swap3A_122 = arith.index_cast %add3A_81 : i32 to index
      %swap3A_123 = arith.constant 16 : index
      %swap3A_124 = tpu.vector_load %arg10[%swap3A_122, %swap3A_123] {strides = array<i32>} : memref<128x64xf32, #tpu.memory_space<vmem>>, vector<1x16xf32>,
      %swap3A_125 = vector.shape_cast %swap3A_124 : vector<1x16xf32> to vector<16xf32>
      %swap3A_126 = vector.shape_cast %scan3A_116#1 : vector<16xf32> to vector<1x16xf32>
      tpu.vector_store %arg10[%swap3A_122, %swap3A_123], %swap3A_126 {strides = array<i32>} : memref<128x64xf32, #tpu.memory_space<vmem>>, vector<1x16xf32>,
      %swap3A_127 = arith.index_cast %add3A_81 : i32 to index
      %swap3A_128 = arith.constant 32 : index
      %swap3A_129 = tpu.vector_load %arg10[%swap3A_127, %swap3A_128] {strides = array<i32>} : memref<128x64xf32, #tpu.memory_space<vmem>>, vector<1x16xf32>,
      %swap3A_130 = vector.shape_cast %swap3A_129 : vector<1x16xf32> to vector<16xf32>
      %swap3A_131 = vector.shape_cast %scan3A_116#2 : vector<16xf32> to vector<1x16xf32>
      tpu.vector_store %arg10[%swap3A_127, %swap3A_128], %swap3A_131 {strides = array<i32>} : memref<128x64xf32, #tpu.memory_space<vmem>>, vector<1x16xf32>,
      %swap3A_132 = arith.index_cast %add3A_81 : i32 to index
      %swap3A_133 = arith.constant 48 : index
      %swap3A_134 = tpu.vector_load %arg10[%swap3A_132, %swap3A_133] {strides = array<i32>} : memref<128x64xf32, #tpu.memory_space<vmem>>, vector<1x16xf32>,
      %swap3A_135 = vector.shape_cast %swap3A_134 : vector<1x16xf32> to vector<16xf32>
      %swap3A_136 = vector.shape_cast %scan3A_116#3 : vector<16xf32> to vector<1x16xf32>
      tpu.vector_store %arg10[%swap3A_132, %swap3A_133], %swap3A_136 {strides = array<i32>} : memref<128x64xf32, #tpu.memory_space<vmem>>, vector<1x16xf32>,
      %mul3A_137 = arith.constant 4 : i32
      %mul3A_138 = arith.muli %mul3A_137, %add3A_77 : i32
      %add3A_139 = arith.constant 1 : i32
      %add3A_140 = arith.addi %mul3A_138, %add3A_139 : i32
      %add3A_141 = arith.constant 4 : i32
      %add3A_142 = arith.addi %add3A_140, %add3A_141 : i32
      %sub3A_143 = arith.constant 1 : i32
      %sub3A_144 = arith.subi %add3A_142, %sub3A_143 : i32
      %lt3A_145 = arith.constant 128 : i32
      %lt3A_146 = arith.cmpi slt, %sub3A_144, %lt3A_145 : i32
      %convert_element_type3A_147 = arith.extui %lt3A_146 : i1 to i32
      %cond3A_148 = arith.constant 0 : i32
      %cond3A_149 = arith.cmpi ne, %convert_element_type3A_147, %cond3A_148 : i32
      scf.if %cond3A_149 {
        %dma_start3A_332 = arith.constant 0 : i32
        %dma_start3A_333 = arith.constant 0 : i32
        %dma_start3A_334 = tpu.memref_slice %arg6[%dma_start3A_332, %dma_start3A_333] : memref<200x64xf32, #tpu.memory_space<vmem>> -> memref<128x64xf32, #tpu.memory_space<vmem>>
        %dma_start3A_335 = arith.constant 0 : i32
        %dma_start3A_336 = tpu.memref_slice %arg5[%sub3A_144, %dma_start3A_335] : memref<128x200xi32, #tpu.memory_space<vmem>> -> memref<1x128xi32, #tpu.memory_space<vmem>>
        %dma_start3A_337 = tpu.memref_squeeze %dma_start3A_336 : memref<1x128xi32, #tpu.memory_space<vmem>> -> memref<128xi32, #tpu.memory_space<vmem>>
        %dma_start3A_338 = arith.constant 0 : i32
        %dma_start3A_339 = arith.constant 0 : i32
        %dma_start3A_340 = tpu.memref_slice %arg3[%dma_start3A_338, %dma_start3A_339] : memref<100000x64xf32, #tpu.memory_space<hbm>> -> memref<100000x64xf32, #tpu.memory_space<hbm>>
        tpu.enqueue_indirect_dma source(%dma_start3A_340 : memref<100000x64xf32, #tpu.memory_space<hbm>>) target(%dma_start3A_334 : memref<128x64xf32, #tpu.memory_space<vmem>>) offsets(%dma_start3A_337 : memref<128xi32, #tpu.memory_space<vmem>>) semaphore(%arg12 : memref<!tpu.dma_semaphore, #tpu.memory_space<semaphore_mem>>)
        %dma_start3A_341 = arith.constant 128 : i32
        %dma_start3A_342 = arith.constant 0 : i32
        %dma_start3A_343 = tpu.memref_slice %arg6[%dma_start3A_341, %dma_start3A_342] : memref<200x64xf32, #tpu.memory_space<vmem>> -> memref<72x64xf32, #tpu.memory_space<vmem>>
        %dma_start3A_344 = arith.constant 128 : i32
        %dma_start3A_345 = tpu.memref_slice %arg5[%sub3A_144, %dma_start3A_344] : memref<128x200xi32, #tpu.memory_space<vmem>> -> memref<1x72xi32, #tpu.memory_space<vmem>>
        %dma_start3A_346 = tpu.memref_squeeze %dma_start3A_345 : memref<1x72xi32, #tpu.memory_space<vmem>> -> memref<72xi32, #tpu.memory_space<vmem>>
        %dma_start3A_347 = arith.constant 0 : i32
        %dma_start3A_348 = arith.constant 0 : i32
        %dma_start3A_349 = tpu.memref_slice %arg3[%dma_start3A_347, %dma_start3A_348] : memref<100000x64xf32, #tpu.memory_space<hbm>> -> memref<100000x64xf32, #tpu.memory_space<hbm>>
        tpu.enqueue_indirect_dma source(%dma_start3A_349 : memref<100000x64xf32, #tpu.memory_space<hbm>>) target(%dma_start3A_343 : memref<72x64xf32, #tpu.memory_space<vmem>>) offsets(%dma_start3A_346 : memref<72xi32, #tpu.memory_space<vmem>>) semaphore(%arg12 : memref<!tpu.dma_semaphore, #tpu.memory_space<semaphore_mem>>)
      } else {
      }
      %dma_wait3A_150 = arith.constant 0 : i32
      %dma_wait3A_151 = arith.constant 0 : i32
      %dma_wait3A_152 = tpu.memref_slice %arg7[%dma_wait3A_150, %dma_wait3A_151] : memref<200x64xf32, #tpu.memory_space<vmem>> -> memref<128x64xf32, #tpu.memory_space<vmem>>
      %dma_wait3A_153 = arith.constant 0 : i32
      %dma_wait3A_154 = tpu.memref_slice %arg5[%add3A_140, %dma_wait3A_153] : memref<128x200xi32, #tpu.memory_space<vmem>> -> memref<1x128xi32, #tpu.memory_space<vmem>>
      %dma_wait3A_155 = tpu.memref_squeeze %dma_wait3A_154 : memref<1x128xi32, #tpu.memory_space<vmem>> -> memref<128xi32, #tpu.memory_space<vmem>>
      %dma_wait3A_156 = arith.constant 0 : i32
      %dma_wait3A_157 = arith.constant 0 : i32
      %dma_wait3A_158 = tpu.memref_slice %arg3[%dma_wait3A_156, %dma_wait3A_157] : memref<100000x64xf32, #tpu.memory_space<hbm>> -> memref<100000x64xf32, #tpu.memory_space<hbm>>
      tpu.wait_indirect_dma semaphore(%arg13 : memref<!tpu.dma_semaphore, #tpu.memory_space<semaphore_mem>>) src(%dma_wait3A_158 : memref<100000x64xf32, #tpu.memory_space<hbm>>) dst(%dma_wait3A_152 : memref<128x64xf32, #tpu.memory_space<vmem>>)
      %dma_wait3A_159 = arith.constant 128 : i32
      %dma_wait3A_160 = arith.constant 0 : i32
      %dma_wait3A_161 = tpu.memref_slice %arg7[%dma_wait3A_159, %dma_wait3A_160] : memref<200x64xf32, #tpu.memory_space<vmem>> -> memref<72x64xf32, #tpu.memory_space<vmem>>
      %dma_wait3A_162 = arith.constant 128 : i32
      %dma_wait3A_163 = tpu.memref_slice %arg5[%add3A_140, %dma_wait3A_162] : memref<128x200xi32, #tpu.memory_space<vmem>> -> memref<1x72xi32, #tpu.memory_space<vmem>>
      %dma_wait3A_164 = tpu.memref_squeeze %dma_wait3A_163 : memref<1x72xi32, #tpu.memory_space<vmem>> -> memref<72xi32, #tpu.memory_space<vmem>>
      %dma_wait3A_165 = arith.constant 0 : i32
      %dma_wait3A_166 = arith.constant 0 : i32
      %dma_wait3A_167 = tpu.memref_slice %arg3[%dma_wait3A_165, %dma_wait3A_166] : memref<100000x64xf32, #tpu.memory_space<hbm>> -> memref<100000x64xf32, #tpu.memory_space<hbm>>
      tpu.wait_indirect_dma semaphore(%arg13 : memref<!tpu.dma_semaphore, #tpu.memory_space<semaphore_mem>>) src(%dma_wait3A_167 : memref<100000x64xf32, #tpu.memory_space<hbm>>) dst(%dma_wait3A_161 : memref<72x64xf32, #tpu.memory_space<vmem>>)
      %broadcast_in_dim3A_168 = arith.constant 0.000000e+00 : f32
      %broadcast_in_dim3A_169 = vector.broadcast %broadcast_in_dim3A_168 : f32 to vector<16xf32>
      %broadcast_in_dim3A_170 = arith.constant 0.000000e+00 : f32
      %broadcast_in_dim3A_171 = vector.broadcast %broadcast_in_dim3A_170 : f32 to vector<16xf32>
      %broadcast_in_dim3A_172 = arith.constant 0.000000e+00 : f32
      %broadcast_in_dim3A_173 = vector.broadcast %broadcast_in_dim3A_172 : f32 to vector<16xf32>
      %broadcast_in_dim3A_174 = arith.constant 0.000000e+00 : f32
      %broadcast_in_dim3A_175 = vector.broadcast %broadcast_in_dim3A_174 : f32 to vector<16xf32>
      %scan3A_176 = arith.constant 0 : i32
      %scan3A_177 = arith.constant 25 : i32
      %scan3A_178 = arith.addi %scan3A_176, %scan3A_177 : i32
      %scan3A_179 = arith.constant 1 : i32
      %scan3A_180:4 = scf.for %scan3A_332 = %scan3A_176 to %scan3A_178 step %scan3A_179 iter_args(%scan3A_333 = %broadcast_in_dim3A_169, %scan3A_334 = %broadcast_in_dim3A_171, %scan3A_335 = %broadcast_in_dim3A_173, %scan3A_336 = %broadcast_in_dim3A_175) -> (vector<16xf32>, vector<16xf32>, vector<16xf32>, vector<16xf32>)  : i32 {
        %mul3A_337 = arith.constant 8 : i32
        %mul3A_338 = arith.muli %scan3A_332, %mul3A_337 : i32
        %add3A_339 = arith.constant 0 : i32
        %add3A_340 = arith.addi %mul3A_338, %add3A_339 : i32
        %get3A = arith.index_cast %add3A_340 : i32 to index
        %get3A_341 = arith.constant 0 : index
        %get3A_342 = tpu.vector_load %arg7[%get3A, %get3A_341] {strides = array<i32>} : memref<200x64xf32, #tpu.memory_space<vmem>>, vector<1x16xf32>,
        %get3A_343 = vector.shape_cast %get3A_342 : vector<1x16xf32> to vector<16xf32>
        %add3A_344 = arith.addf %scan3A_333, %get3A_343 : vector<16xf32>
        %get3A_345 = arith.index_cast %add3A_340 : i32 to index
        %get3A_346 = arith.constant 16 : index
        %get3A_347 = tpu.vector_load %arg7[%get3A_345, %get3A_346] {strides = array<i32>} : memref<200x64xf32, #tpu.memory_space<vmem>>, vector<1x16xf32>,
        %get3A_348 = vector.shape_cast %get3A_347 : vector<1x16xf32> to vector<16xf32>
        %add3A_349 = arith.addf %scan3A_334, %get3A_348 : vector<16xf32>
        %get3A_350 = arith.index_cast %add3A_340 : i32 to index
        %get3A_351 = arith.constant 32 : index
        %get3A_352 = tpu.vector_load %arg7[%get3A_350, %get3A_351] {strides = array<i32>} : memref<200x64xf32, #tpu.memory_space<vmem>>, vector<1x16xf32>,
        %get3A_353 = vector.shape_cast %get3A_352 : vector<1x16xf32> to vector<16xf32>
        %add3A_354 = arith.addf %scan3A_335, %get3A_353 : vector<16xf32>
        %get3A_355 = arith.index_cast %add3A_340 : i32 to index
        %get3A_356 = arith.constant 48 : index
        %get3A_357 = tpu.vector_load %arg7[%get3A_355, %get3A_356] {strides = array<i32>} : memref<200x64xf32, #tpu.memory_space<vmem>>, vector<1x16xf32>,
        %get3A_358 = vector.shape_cast %get3A_357 : vector<1x16xf32> to vector<16xf32>
        %add3A_359 = arith.addf %scan3A_336, %get3A_358 : vector<16xf32>
        %mul3A_360 = arith.constant 8 : i32
        %mul3A_361 = arith.muli %scan3A_332, %mul3A_360 : i32
        %add3A_362 = arith.constant 1 : i32
        %add3A_363 = arith.addi %mul3A_361, %add3A_362 : i32
        %get3A_364 = arith.index_cast %add3A_363 : i32 to index
        %get3A_365 = arith.constant 0 : index
        %get3A_366 = tpu.vector_load %arg7[%get3A_364, %get3A_365] {strides = array<i32>} : memref<200x64xf32, #tpu.memory_space<vmem>>, vector<1x16xf32>,
        %get3A_367 = vector.shape_cast %get3A_366 : vector<1x16xf32> to vector<16xf32>
        %add3A_368 = arith.addf %add3A_344, %get3A_367 : vector<16xf32>
        %get3A_369 = arith.index_cast %add3A_363 : i32 to index
        %get3A_370 = arith.constant 16 : index
        %get3A_371 = tpu.vector_load %arg7[%get3A_369, %get3A_370] {strides = array<i32>} : memref<200x64xf32, #tpu.memory_space<vmem>>, vector<1x16xf32>,
        %get3A_372 = vector.shape_cast %get3A_371 : vector<1x16xf32> to vector<16xf32>
        %add3A_373 = arith.addf %add3A_349, %get3A_372 : vector<16xf32>
        %get3A_374 = arith.index_cast %add3A_363 : i32 to index
        %get3A_375 = arith.constant 32 : index
        %get3A_376 = tpu.vector_load %arg7[%get3A_374, %get3A_375] {strides = array<i32>} : memref<200x64xf32, #tpu.memory_space<vmem>>, vector<1x16xf32>,
        %get3A_377 = vector.shape_cast %get3A_376 : vector<1x16xf32> to vector<16xf32>
        %add3A_378 = arith.addf %add3A_354, %get3A_377 : vector<16xf32>
        %get3A_379 = arith.index_cast %add3A_363 : i32 to index
        %get3A_380 = arith.constant 48 : index
        %get3A_381 = tpu.vector_load %arg7[%get3A_379, %get3A_380] {strides = array<i32>} : memref<200x64xf32, #tpu.memory_space<vmem>>, vector<1x16xf32>,
        %get3A_382 = vector.shape_cast %get3A_381 : vector<1x16xf32> to vector<16xf32>
        %add3A_383 = arith.addf %add3A_359, %get3A_382 : vector<16xf32>
        %mul3A_384 = arith.constant 8 : i32
        %mul3A_385 = arith.muli %scan3A_332, %mul3A_384 : i32
        %add3A_386 = arith.constant 2 : i32
        %add3A_387 = arith.addi %mul3A_385, %add3A_386 : i32
        %get3A_388 = arith.index_cast %add3A_387 : i32 to index
        %get3A_389 = arith.constant 0 : index
        %get3A_390 = tpu.vector_load %arg7[%get3A_388, %get3A_389] {strides = array<i32>} : memref<200x64xf32, #tpu.memory_space<vmem>>, vector<1x16xf32>,
        %get3A_391 = vector.shape_cast %get3A_390 : vector<1x16xf32> to vector<16xf32>
        %add3A_392 = arith.addf %add3A_368, %get3A_391 : vector<16xf32>
        %get3A_393 = arith.index_cast %add3A_387 : i32 to index
        %get3A_394 = arith.constant 16 : index
        %get3A_395 = tpu.vector_load %arg7[%get3A_393, %get3A_394] {strides = array<i32>} : memref<200x64xf32, #tpu.memory_space<vmem>>, vector<1x16xf32>,
        %get3A_396 = vector.shape_cast %get3A_395 : vector<1x16xf32> to vector<16xf32>
        %add3A_397 = arith.addf %add3A_373, %get3A_396 : vector<16xf32>
        %get3A_398 = arith.index_cast %add3A_387 : i32 to index
        %get3A_399 = arith.constant 32 : index
        %get3A_400 = tpu.vector_load %arg7[%get3A_398, %get3A_399] {strides = array<i32>} : memref<200x64xf32, #tpu.memory_space<vmem>>, vector<1x16xf32>,
        %get3A_401 = vector.shape_cast %get3A_400 : vector<1x16xf32> to vector<16xf32>
        %add3A_402 = arith.addf %add3A_378, %get3A_401 : vector<16xf32>
        %get3A_403 = arith.index_cast %add3A_387 : i32 to index
        %get3A_404 = arith.constant 48 : index
        %get3A_405 = tpu.vector_load %arg7[%get3A_403, %get3A_404] {strides = array<i32>} : memref<200x64xf32, #tpu.memory_space<vmem>>, vector<1x16xf32>,
        %get3A_406 = vector.shape_cast %get3A_405 : vector<1x16xf32> to vector<16xf32>
        %add3A_407 = arith.addf %add3A_383, %get3A_406 : vector<16xf32>
        %mul3A_408 = arith.constant 8 : i32
        %mul3A_409 = arith.muli %scan3A_332, %mul3A_408 : i32
        %add3A_410 = arith.constant 3 : i32
        %add3A_411 = arith.addi %mul3A_409, %add3A_410 : i32
        %get3A_412 = arith.index_cast %add3A_411 : i32 to index
        %get3A_413 = arith.constant 0 : index
        %get3A_414 = tpu.vector_load %arg7[%get3A_412, %get3A_413] {strides = array<i32>} : memref<200x64xf32, #tpu.memory_space<vmem>>, vector<1x16xf32>,
        %get3A_415 = vector.shape_cast %get3A_414 : vector<1x16xf32> to vector<16xf32>
        %add3A_416 = arith.addf %add3A_392, %get3A_415 : vector<16xf32>
        %get3A_417 = arith.index_cast %add3A_411 : i32 to index
        %get3A_418 = arith.constant 16 : index
        %get3A_419 = tpu.vector_load %arg7[%get3A_417, %get3A_418] {strides = array<i32>} : memref<200x64xf32, #tpu.memory_space<vmem>>, vector<1x16xf32>,
        %get3A_420 = vector.shape_cast %get3A_419 : vector<1x16xf32> to vector<16xf32>
        %add3A_421 = arith.addf %add3A_397, %get3A_420 : vector<16xf32>
        %get3A_422 = arith.index_cast %add3A_411 : i32 to index
        %get3A_423 = arith.constant 32 : index
        %get3A_424 = tpu.vector_load %arg7[%get3A_422, %get3A_423] {strides = array<i32>} : memref<200x64xf32, #tpu.memory_space<vmem>>, vector<1x16xf32>,
        %get3A_425 = vector.shape_cast %get3A_424 : vector<1x16xf32> to vector<16xf32>
        %add3A_426 = arith.addf %add3A_402, %get3A_425 : vector<16xf32>
        %get3A_427 = arith.index_cast %add3A_411 : i32 to index
        %get3A_428 = arith.constant 48 : index
        %get3A_429 = tpu.vector_load %arg7[%get3A_427, %get3A_428] {strides = array<i32>} : memref<200x64xf32, #tpu.memory_space<vmem>>, vector<1x16xf32>,
        %get3A_430 = vector.shape_cast %get3A_429 : vector<1x16xf32> to vector<16xf32>
        %add3A_431 = arith.addf %add3A_407, %get3A_430 : vector<16xf32>
        %mul3A_432 = arith.constant 8 : i32
        %mul3A_433 = arith.muli %scan3A_332, %mul3A_432 : i32
        %add3A_434 = arith.constant 4 : i32
        %add3A_435 = arith.addi %mul3A_433, %add3A_434 : i32
        %get3A_436 = arith.index_cast %add3A_435 : i32 to index
        %get3A_437 = arith.constant 0 : index
        %get3A_438 = tpu.vector_load %arg7[%get3A_436, %get3A_437] {strides = array<i32>} : memref<200x64xf32, #tpu.memory_space<vmem>>, vector<1x16xf32>,
        %get3A_439 = vector.shape_cast %get3A_438 : vector<1x16xf32> to vector<16xf32>
        %add3A_440 = arith.addf %add3A_416, %get3A_439 : vector<16xf32>
        %get3A_441 = arith.index_cast %add3A_435 : i32 to index
        %get3A_442 = arith.constant 16 : index
        %get3A_443 = tpu.vector_load %arg7[%get3A_441, %get3A_442] {strides = array<i32>} : memref<200x64xf32, #tpu.memory_space<vmem>>, vector<1x16xf32>,
        %get3A_444 = vector.shape_cast %get3A_443 : vector<1x16xf32> to vector<16xf32>
        %add3A_445 = arith.addf %add3A_421, %get3A_444 : vector<16xf32>
        %get3A_446 = arith.index_cast %add3A_435 : i32 to index
        %get3A_447 = arith.constant 32 : index
        %get3A_448 = tpu.vector_load %arg7[%get3A_446, %get3A_447] {strides = array<i32>} : memref<200x64xf32, #tpu.memory_space<vmem>>, vector<1x16xf32>,
        %get3A_449 = vector.shape_cast %get3A_448 : vector<1x16xf32> to vector<16xf32>
        %add3A_450 = arith.addf %add3A_426, %get3A_449 : vector<16xf32>
        %get3A_451 = arith.index_cast %add3A_435 : i32 to index
        %get3A_452 = arith.constant 48 : index
        %get3A_453 = tpu.vector_load %arg7[%get3A_451, %get3A_452] {strides = array<i32>} : memref<200x64xf32, #tpu.memory_space<vmem>>, vector<1x16xf32>,
        %get3A_454 = vector.shape_cast %get3A_453 : vector<1x16xf32> to vector<16xf32>
        %add3A_455 = arith.addf %add3A_431, %get3A_454 : vector<16xf32>
        %mul3A_456 = arith.constant 8 : i32
        %mul3A_457 = arith.muli %scan3A_332, %mul3A_456 : i32
        %add3A_458 = arith.constant 5 : i32
        %add3A_459 = arith.addi %mul3A_457, %add3A_458 : i32
        %get3A_460 = arith.index_cast %add3A_459 : i32 to index
        %get3A_461 = arith.constant 0 : index
        %get3A_462 = tpu.vector_load %arg7[%get3A_460, %get3A_461] {strides = array<i32>} : memref<200x64xf32, #tpu.memory_space<vmem>>, vector<1x16xf32>,
        %get3A_463 = vector.shape_cast %get3A_462 : vector<1x16xf32> to vector<16xf32>
        %add3A_464 = arith.addf %add3A_440, %get3A_463 : vector<16xf32>
        %get3A_465 = arith.index_cast %add3A_459 : i32 to index
        %get3A_466 = arith.constant 16 : index
        %get3A_467 = tpu.vector_load %arg7[%get3A_465, %get3A_466] {strides = array<i32>} : memref<200x64xf32, #tpu.memory_space<vmem>>, vector<1x16xf32>,
        %get3A_468 = vector.shape_cast %get3A_467 : vector<1x16xf32> to vector<16xf32>
        %add3A_469 = arith.addf %add3A_445, %get3A_468 : vector<16xf32>
        %get3A_470 = arith.index_cast %add3A_459 : i32 to index
        %get3A_471 = arith.constant 32 : index
        %get3A_472 = tpu.vector_load %arg7[%get3A_470, %get3A_471] {strides = array<i32>} : memref<200x64xf32, #tpu.memory_space<vmem>>, vector<1x16xf32>,
        %get3A_473 = vector.shape_cast %get3A_472 : vector<1x16xf32> to vector<16xf32>
        %add3A_474 = arith.addf %add3A_450, %get3A_473 : vector<16xf32>
        %get3A_475 = arith.index_cast %add3A_459 : i32 to index
        %get3A_476 = arith.constant 48 : index
        %get3A_477 = tpu.vector_load %arg7[%get3A_475, %get3A_476] {strides = array<i32>} : memref<200x64xf32, #tpu.memory_space<vmem>>, vector<1x16xf32>,
        %get3A_478 = vector.shape_cast %get3A_477 : vector<1x16xf32> to vector<16xf32>
        %add3A_479 = arith.addf %add3A_455, %get3A_478 : vector<16xf32>
        %mul3A_480 = arith.constant 8 : i32
        %mul3A_481 = arith.muli %scan3A_332, %mul3A_480 : i32
        %add3A_482 = arith.constant 6 : i32
        %add3A_483 = arith.addi %mul3A_481, %add3A_482 : i32
        %get3A_484 = arith.index_cast %add3A_483 : i32 to index
        %get3A_485 = arith.constant 0 : index
        %get3A_486 = tpu.vector_load %arg7[%get3A_484, %get3A_485] {strides = array<i32>} : memref<200x64xf32, #tpu.memory_space<vmem>>, vector<1x16xf32>,
        %get3A_487 = vector.shape_cast %get3A_486 : vector<1x16xf32> to vector<16xf32>
        %add3A_488 = arith.addf %add3A_464, %get3A_487 : vector<16xf32>
        %get3A_489 = arith.index_cast %add3A_483 : i32 to index
        %get3A_490 = arith.constant 16 : index
        %get3A_491 = tpu.vector_load %arg7[%get3A_489, %get3A_490] {strides = array<i32>} : memref<200x64xf32, #tpu.memory_space<vmem>>, vector<1x16xf32>,
        %get3A_492 = vector.shape_cast %get3A_491 : vector<1x16xf32> to vector<16xf32>
        %add3A_493 = arith.addf %add3A_469, %get3A_492 : vector<16xf32>
        %get3A_494 = arith.index_cast %add3A_483 : i32 to index
        %get3A_495 = arith.constant 32 : index
        %get3A_496 = tpu.vector_load %arg7[%get3A_494, %get3A_495] {strides = array<i32>} : memref<200x64xf32, #tpu.memory_space<vmem>>, vector<1x16xf32>,
        %get3A_497 = vector.shape_cast %get3A_496 : vector<1x16xf32> to vector<16xf32>
        %add3A_498 = arith.addf %add3A_474, %get3A_497 : vector<16xf32>
        %get3A_499 = arith.index_cast %add3A_483 : i32 to index
        %get3A_500 = arith.constant 48 : index
        %get3A_501 = tpu.vector_load %arg7[%get3A_499, %get3A_500] {strides = array<i32>} : memref<200x64xf32, #tpu.memory_space<vmem>>, vector<1x16xf32>,
        %get3A_502 = vector.shape_cast %get3A_501 : vector<1x16xf32> to vector<16xf32>
        %add3A_503 = arith.addf %add3A_479, %get3A_502 : vector<16xf32>
        %mul3A_504 = arith.constant 8 : i32
        %mul3A_505 = arith.muli %scan3A_332, %mul3A_504 : i32
        %add3A_506 = arith.constant 7 : i32
        %add3A_507 = arith.addi %mul3A_505, %add3A_506 : i32
        %get3A_508 = arith.index_cast %add3A_507 : i32 to index
        %get3A_509 = arith.constant 0 : index
        %get3A_510 = tpu.vector_load %arg7[%get3A_508, %get3A_509] {strides = array<i32>} : memref<200x64xf32, #tpu.memory_space<vmem>>, vector<1x16xf32>,
        %get3A_511 = vector.shape_cast %get3A_510 : vector<1x16xf32> to vector<16xf32>
        %add3A_512 = arith.addf %add3A_488, %get3A_511 : vector<16xf32>
        %get3A_513 = arith.index_cast %add3A_507 : i32 to index
        %get3A_514 = arith.constant 16 : index
        %get3A_515 = tpu.vector_load %arg7[%get3A_513, %get3A_514] {strides = array<i32>} : memref<200x64xf32, #tpu.memory_space<vmem>>, vector<1x16xf32>,
        %get3A_516 = vector.shape_cast %get3A_515 : vector<1x16xf32> to vector<16xf32>
        %add3A_517 = arith.addf %add3A_493, %get3A_516 : vector<16xf32>
        %get3A_518 = arith.index_cast %add3A_507 : i32 to index
        %get3A_519 = arith.constant 32 : index
        %get3A_520 = tpu.vector_load %arg7[%get3A_518, %get3A_519] {strides = array<i32>} : memref<200x64xf32, #tpu.memory_space<vmem>>, vector<1x16xf32>,
        %get3A_521 = vector.shape_cast %get3A_520 : vector<1x16xf32> to vector<16xf32>
        %add3A_522 = arith.addf %add3A_498, %get3A_521 : vector<16xf32>
        %get3A_523 = arith.index_cast %add3A_507 : i32 to index
        %get3A_524 = arith.constant 48 : index
        %get3A_525 = tpu.vector_load %arg7[%get3A_523, %get3A_524] {strides = array<i32>} : memref<200x64xf32, #tpu.memory_space<vmem>>, vector<1x16xf32>,
        %get3A_526 = vector.shape_cast %get3A_525 : vector<1x16xf32> to vector<16xf32>
        %add3A_527 = arith.addf %add3A_503, %get3A_526 : vector<16xf32>
        scf.yield %add3A_512, %add3A_517, %add3A_522, %add3A_527 : vector<16xf32>, vector<16xf32>, vector<16xf32>, vector<16xf32>
      }
      %scan3A_181 = arith.constant 25 : i32
      %swap3A_182 = arith.index_cast %add3A_140 : i32 to index
      %swap3A_183 = arith.constant 0 : index
      %swap3A_184 = tpu.vector_load %arg10[%swap3A_182, %swap3A_183] {strides = array<i32>} : memref<128x64xf32, #tpu.memory_space<vmem>>, vector<1x16xf32>,
      %swap3A_185 = vector.shape_cast %swap3A_184 : vector<1x16xf32> to vector<16xf32>
      %swap3A_186 = vector.shape_cast %scan3A_180#0 : vector<16xf32> to vector<1x16xf32>
      tpu.vector_store %arg10[%swap3A_182, %swap3A_183], %swap3A_186 {strides = array<i32>} : memref<128x64xf32, #tpu.memory_space<vmem>>, vector<1x16xf32>,
      %swap3A_187 = arith.index_cast %add3A_140 : i32 to index
      %swap3A_188 = arith.constant 16 : index
      %swap3A_189 = tpu.vector_load %arg10[%swap3A_187, %swap3A_188] {strides = array<i32>} : memref<128x64xf32, #tpu.memory_space<vmem>>, vector<1x16xf32>,
      %swap3A_190 = vector.shape_cast %swap3A_189 : vector<1x16xf32> to vector<16xf32>
      %swap3A_191 = vector.shape_cast %scan3A_180#1 : vector<16xf32> to vector<1x16xf32>
      tpu.vector_store %arg10[%swap3A_187, %swap3A_188], %swap3A_191 {strides = array<i32>} : memref<128x64xf32, #tpu.memory_space<vmem>>, vector<1x16xf32>,
      %swap3A_192 = arith.index_cast %add3A_140 : i32 to index
      %swap3A_193 = arith.constant 32 : index
      %swap3A_194 = tpu.vector_load %arg10[%swap3A_192, %swap3A_193] {strides = array<i32>} : memref<128x64xf32, #tpu.memory_space<vmem>>, vector<1x16xf32>,
      %swap3A_195 = vector.shape_cast %swap3A_194 : vector<1x16xf32> to vector<16xf32>
      %swap3A_196 = vector.shape_cast %scan3A_180#2 : vector<16xf32> to vector<1x16xf32>
      tpu.vector_store %arg10[%swap3A_192, %swap3A_193], %swap3A_196 {strides = array<i32>} : memref<128x64xf32, #tpu.memory_space<vmem>>, vector<1x16xf32>,
      %swap3A_197 = arith.index_cast %add3A_140 : i32 to index
      %swap3A_198 = arith.constant 48 : index
      %swap3A_199 = tpu.vector_load %arg10[%swap3A_197, %swap3A_198] {strides = array<i32>} : memref<128x64xf32, #tpu.memory_space<vmem>>, vector<1x16xf32>,
      %swap3A_200 = vector.shape_cast %swap3A_199 : vector<1x16xf32> to vector<16xf32>
      %swap3A_201 = vector.shape_cast %scan3A_180#3 : vector<16xf32> to vector<1x16xf32>
      tpu.vector_store %arg10[%swap3A_197, %swap3A_198], %swap3A_201 {strides = array<i32>} : memref<128x64xf32, #tpu.memory_space<vmem>>, vector<1x16xf32>,
      %mul3A_202 = arith.constant 4 : i32
      %mul3A_203 = arith.muli %mul3A_202, %add3A_77 : i32
      %add3A_204 = arith.constant 2 : i32
      %add3A_205 = arith.addi %mul3A_203, %add3A_204 : i32
      %add3A_206 = arith.constant 4 : i32
      %add3A_207 = arith.addi %add3A_205, %add3A_206 : i32
      %sub3A_208 = arith.constant 1 : i32
      %sub3A_209 = arith.subi %add3A_207, %sub3A_208 : i32
      %lt3A_210 = arith.constant 128 : i32
      %lt3A_211 = arith.cmpi slt, %sub3A_209, %lt3A_210 : i32
      %convert_element_type3A_212 = arith.extui %lt3A_211 : i1 to i32
      %cond3A_213 = arith.constant 0 : i32
      %cond3A_214 = arith.cmpi ne, %convert_element_type3A_212, %cond3A_213 : i32
      scf.if %cond3A_214 {
        %dma_start3A_332 = arith.constant 0 : i32
        %dma_start3A_333 = arith.constant 0 : i32
        %dma_start3A_334 = tpu.memref_slice %arg7[%dma_start3A_332, %dma_start3A_333] : memref<200x64xf32, #tpu.memory_space<vmem>> -> memref<128x64xf32, #tpu.memory_space<vmem>>
        %dma_start3A_335 = arith.constant 0 : i32
        %dma_start3A_336 = tpu.memref_slice %arg5[%sub3A_209, %dma_start3A_335] : memref<128x200xi32, #tpu.memory_space<vmem>> -> memref<1x128xi32, #tpu.memory_space<vmem>>
        %dma_start3A_337 = tpu.memref_squeeze %dma_start3A_336 : memref<1x128xi32, #tpu.memory_space<vmem>> -> memref<128xi32, #tpu.memory_space<vmem>>
        %dma_start3A_338 = arith.constant 0 : i32
        %dma_start3A_339 = arith.constant 0 : i32
        %dma_start3A_340 = tpu.memref_slice %arg3[%dma_start3A_338, %dma_start3A_339] : memref<100000x64xf32, #tpu.memory_space<hbm>> -> memref<100000x64xf32, #tpu.memory_space<hbm>>
        tpu.enqueue_indirect_dma source(%dma_start3A_340 : memref<100000x64xf32, #tpu.memory_space<hbm>>) target(%dma_start3A_334 : memref<128x64xf32, #tpu.memory_space<vmem>>) offsets(%dma_start3A_337 : memref<128xi32, #tpu.memory_space<vmem>>) semaphore(%arg13 : memref<!tpu.dma_semaphore, #tpu.memory_space<semaphore_mem>>)
        %dma_start3A_341 = arith.constant 128 : i32
        %dma_start3A_342 = arith.constant 0 : i32
        %dma_start3A_343 = tpu.memref_slice %arg7[%dma_start3A_341, %dma_start3A_342] : memref<200x64xf32, #tpu.memory_space<vmem>> -> memref<72x64xf32, #tpu.memory_space<vmem>>
        %dma_start3A_344 = arith.constant 128 : i32
        %dma_start3A_345 = tpu.memref_slice %arg5[%sub3A_209, %dma_start3A_344] : memref<128x200xi32, #tpu.memory_space<vmem>> -> memref<1x72xi32, #tpu.memory_space<vmem>>
        %dma_start3A_346 = tpu.memref_squeeze %dma_start3A_345 : memref<1x72xi32, #tpu.memory_space<vmem>> -> memref<72xi32, #tpu.memory_space<vmem>>
        %dma_start3A_347 = arith.constant 0 : i32
        %dma_start3A_348 = arith.constant 0 : i32
        %dma_start3A_349 = tpu.memref_slice %arg3[%dma_start3A_347, %dma_start3A_348] : memref<100000x64xf32, #tpu.memory_space<hbm>> -> memref<100000x64xf32, #tpu.memory_space<hbm>>
        tpu.enqueue_indirect_dma source(%dma_start3A_349 : memref<100000x64xf32, #tpu.memory_space<hbm>>) target(%dma_start3A_343 : memref<72x64xf32, #tpu.memory_space<vmem>>) offsets(%dma_start3A_346 : memref<72xi32, #tpu.memory_space<vmem>>) semaphore(%arg13 : memref<!tpu.dma_semaphore, #tpu.memory_space<semaphore_mem>>)
      } else {
      }
      %dma_wait3A_215 = arith.constant 0 : i32
      %dma_wait3A_216 = arith.constant 0 : i32
      %dma_wait3A_217 = tpu.memref_slice %arg8[%dma_wait3A_215, %dma_wait3A_216] : memref<200x64xf32, #tpu.memory_space<vmem>> -> memref<128x64xf32, #tpu.memory_space<vmem>>
      %dma_wait3A_218 = arith.constant 0 : i32
      %dma_wait3A_219 = tpu.memref_slice %arg5[%add3A_205, %dma_wait3A_218] : memref<128x200xi32, #tpu.memory_space<vmem>> -> memref<1x128xi32, #tpu.memory_space<vmem>>
      %dma_wait3A_220 = tpu.memref_squeeze %dma_wait3A_219 : memref<1x128xi32, #tpu.memory_space<vmem>> -> memref<128xi32, #tpu.memory_space<vmem>>
      %dma_wait3A_221 = arith.constant 0 : i32
      %dma_wait3A_222 = arith.constant 0 : i32
      %dma_wait3A_223 = tpu.memref_slice %arg3[%dma_wait3A_221, %dma_wait3A_222] : memref<100000x64xf32, #tpu.memory_space<hbm>> -> memref<100000x64xf32, #tpu.memory_space<hbm>>
      tpu.wait_indirect_dma semaphore(%arg14 : memref<!tpu.dma_semaphore, #tpu.memory_space<semaphore_mem>>) src(%dma_wait3A_223 : memref<100000x64xf32, #tpu.memory_space<hbm>>) dst(%dma_wait3A_217 : memref<128x64xf32, #tpu.memory_space<vmem>>)
      %dma_wait3A_224 = arith.constant 128 : i32
      %dma_wait3A_225 = arith.constant 0 : i32
      %dma_wait3A_226 = tpu.memref_slice %arg8[%dma_wait3A_224, %dma_wait3A_225] : memref<200x64xf32, #tpu.memory_space<vmem>> -> memref<72x64xf32, #tpu.memory_space<vmem>>
      %dma_wait3A_227 = arith.constant 128 : i32
      %dma_wait3A_228 = tpu.memref_slice %arg5[%add3A_205, %dma_wait3A_227] : memref<128x200xi32, #tpu.memory_space<vmem>> -> memref<1x72xi32, #tpu.memory_space<vmem>>
      %dma_wait3A_229 = tpu.memref_squeeze %dma_wait3A_228 : memref<1x72xi32, #tpu.memory_space<vmem>> -> memref<72xi32, #tpu.memory_space<vmem>>
      %dma_wait3A_230 = arith.constant 0 : i32
      %dma_wait3A_231 = arith.constant 0 : i32
      %dma_wait3A_232 = tpu.memref_slice %arg3[%dma_wait3A_230, %dma_wait3A_231] : memref<100000x64xf32, #tpu.memory_space<hbm>> -> memref<100000x64xf32, #tpu.memory_space<hbm>>
      tpu.wait_indirect_dma semaphore(%arg14 : memref<!tpu.dma_semaphore, #tpu.memory_space<semaphore_mem>>) src(%dma_wait3A_232 : memref<100000x64xf32, #tpu.memory_space<hbm>>) dst(%dma_wait3A_226 : memref<72x64xf32, #tpu.memory_space<vmem>>)
      %broadcast_in_dim3A_233 = arith.constant 0.000000e+00 : f32
      %broadcast_in_dim3A_234 = vector.broadcast %broadcast_in_dim3A_233 : f32 to vector<16xf32>
      %broadcast_in_dim3A_235 = arith.constant 0.000000e+00 : f32
      %broadcast_in_dim3A_236 = vector.broadcast %broadcast_in_dim3A_235 : f32 to vector<16xf32>
      %broadcast_in_dim3A_237 = arith.constant 0.000000e+00 : f32
      %broadcast_in_dim3A_238 = vector.broadcast %broadcast_in_dim3A_237 : f32 to vector<16xf32>
      %broadcast_in_dim3A_239 = arith.constant 0.000000e+00 : f32
      %broadcast_in_dim3A_240 = vector.broadcast %broadcast_in_dim3A_239 : f32 to vector<16xf32>
      %scan3A_241 = arith.constant 0 : i32
      %scan3A_242 = arith.constant 25 : i32
      %scan3A_243 = arith.addi %scan3A_241, %scan3A_242 : i32
      %scan3A_244 = arith.constant 1 : i32
      %scan3A_245:4 = scf.for %scan3A_332 = %scan3A_241 to %scan3A_243 step %scan3A_244 iter_args(%scan3A_333 = %broadcast_in_dim3A_234, %scan3A_334 = %broadcast_in_dim3A_236, %scan3A_335 = %broadcast_in_dim3A_238, %scan3A_336 = %broadcast_in_dim3A_240) -> (vector<16xf32>, vector<16xf32>, vector<16xf32>, vector<16xf32>)  : i32 {
        %mul3A_337 = arith.constant 8 : i32
        %mul3A_338 = arith.muli %scan3A_332, %mul3A_337 : i32
        %add3A_339 = arith.constant 0 : i32
        %add3A_340 = arith.addi %mul3A_338, %add3A_339 : i32
        %get3A = arith.index_cast %add3A_340 : i32 to index
        %get3A_341 = arith.constant 0 : index
        %get3A_342 = tpu.vector_load %arg8[%get3A, %get3A_341] {strides = array<i32>} : memref<200x64xf32, #tpu.memory_space<vmem>>, vector<1x16xf32>,
        %get3A_343 = vector.shape_cast %get3A_342 : vector<1x16xf32> to vector<16xf32>
        %add3A_344 = arith.addf %scan3A_333, %get3A_343 : vector<16xf32>
        %get3A_345 = arith.index_cast %add3A_340 : i32 to index
        %get3A_346 = arith.constant 16 : index
        %get3A_347 = tpu.vector_load %arg8[%get3A_345, %get3A_346] {strides = array<i32>} : memref<200x64xf32, #tpu.memory_space<vmem>>, vector<1x16xf32>,
        %get3A_348 = vector.shape_cast %get3A_347 : vector<1x16xf32> to vector<16xf32>
        %add3A_349 = arith.addf %scan3A_334, %get3A_348 : vector<16xf32>
        %get3A_350 = arith.index_cast %add3A_340 : i32 to index
        %get3A_351 = arith.constant 32 : index
        %get3A_352 = tpu.vector_load %arg8[%get3A_350, %get3A_351] {strides = array<i32>} : memref<200x64xf32, #tpu.memory_space<vmem>>, vector<1x16xf32>,
        %get3A_353 = vector.shape_cast %get3A_352 : vector<1x16xf32> to vector<16xf32>
        %add3A_354 = arith.addf %scan3A_335, %get3A_353 : vector<16xf32>
        %get3A_355 = arith.index_cast %add3A_340 : i32 to index
        %get3A_356 = arith.constant 48 : index
        %get3A_357 = tpu.vector_load %arg8[%get3A_355, %get3A_356] {strides = array<i32>} : memref<200x64xf32, #tpu.memory_space<vmem>>, vector<1x16xf32>,
        %get3A_358 = vector.shape_cast %get3A_357 : vector<1x16xf32> to vector<16xf32>
        %add3A_359 = arith.addf %scan3A_336, %get3A_358 : vector<16xf32>
        %mul3A_360 = arith.constant 8 : i32
        %mul3A_361 = arith.muli %scan3A_332, %mul3A_360 : i32
        %add3A_362 = arith.constant 1 : i32
        %add3A_363 = arith.addi %mul3A_361, %add3A_362 : i32
        %get3A_364 = arith.index_cast %add3A_363 : i32 to index
        %get3A_365 = arith.constant 0 : index
        %get3A_366 = tpu.vector_load %arg8[%get3A_364, %get3A_365] {strides = array<i32>} : memref<200x64xf32, #tpu.memory_space<vmem>>, vector<1x16xf32>,
        %get3A_367 = vector.shape_cast %get3A_366 : vector<1x16xf32> to vector<16xf32>
        %add3A_368 = arith.addf %add3A_344, %get3A_367 : vector<16xf32>
        %get3A_369 = arith.index_cast %add3A_363 : i32 to index
        %get3A_370 = arith.constant 16 : index
        %get3A_371 = tpu.vector_load %arg8[%get3A_369, %get3A_370] {strides = array<i32>} : memref<200x64xf32, #tpu.memory_space<vmem>>, vector<1x16xf32>,
        %get3A_372 = vector.shape_cast %get3A_371 : vector<1x16xf32> to vector<16xf32>
        %add3A_373 = arith.addf %add3A_349, %get3A_372 : vector<16xf32>
        %get3A_374 = arith.index_cast %add3A_363 : i32 to index
        %get3A_375 = arith.constant 32 : index
        %get3A_376 = tpu.vector_load %arg8[%get3A_374, %get3A_375] {strides = array<i32>} : memref<200x64xf32, #tpu.memory_space<vmem>>, vector<1x16xf32>,
        %get3A_377 = vector.shape_cast %get3A_376 : vector<1x16xf32> to vector<16xf32>
        %add3A_378 = arith.addf %add3A_354, %get3A_377 : vector<16xf32>
        %get3A_379 = arith.index_cast %add3A_363 : i32 to index
        %get3A_380 = arith.constant 48 : index
        %get3A_381 = tpu.vector_load %arg8[%get3A_379, %get3A_380] {strides = array<i32>} : memref<200x64xf32, #tpu.memory_space<vmem>>, vector<1x16xf32>,
        %get3A_382 = vector.shape_cast %get3A_381 : vector<1x16xf32> to vector<16xf32>
        %add3A_383 = arith.addf %add3A_359, %get3A_382 : vector<16xf32>
        %mul3A_384 = arith.constant 8 : i32
        %mul3A_385 = arith.muli %scan3A_332, %mul3A_384 : i32
        %add3A_386 = arith.constant 2 : i32
        %add3A_387 = arith.addi %mul3A_385, %add3A_386 : i32
        %get3A_388 = arith.index_cast %add3A_387 : i32 to index
        %get3A_389 = arith.constant 0 : index
        %get3A_390 = tpu.vector_load %arg8[%get3A_388, %get3A_389] {strides = array<i32>} : memref<200x64xf32, #tpu.memory_space<vmem>>, vector<1x16xf32>,
        %get3A_391 = vector.shape_cast %get3A_390 : vector<1x16xf32> to vector<16xf32>
        %add3A_392 = arith.addf %add3A_368, %get3A_391 : vector<16xf32>
        %get3A_393 = arith.index_cast %add3A_387 : i32 to index
        %get3A_394 = arith.constant 16 : index
        %get3A_395 = tpu.vector_load %arg8[%get3A_393, %get3A_394] {strides = array<i32>} : memref<200x64xf32, #tpu.memory_space<vmem>>, vector<1x16xf32>,
        %get3A_396 = vector.shape_cast %get3A_395 : vector<1x16xf32> to vector<16xf32>
        %add3A_397 = arith.addf %add3A_373, %get3A_396 : vector<16xf32>
        %get3A_398 = arith.index_cast %add3A_387 : i32 to index
        %get3A_399 = arith.constant 32 : index
        %get3A_400 = tpu.vector_load %arg8[%get3A_398, %get3A_399] {strides = array<i32>} : memref<200x64xf32, #tpu.memory_space<vmem>>, vector<1x16xf32>,
        %get3A_401 = vector.shape_cast %get3A_400 : vector<1x16xf32> to vector<16xf32>
        %add3A_402 = arith.addf %add3A_378, %get3A_401 : vector<16xf32>
        %get3A_403 = arith.index_cast %add3A_387 : i32 to index
        %get3A_404 = arith.constant 48 : index
        %get3A_405 = tpu.vector_load %arg8[%get3A_403, %get3A_404] {strides = array<i32>} : memref<200x64xf32, #tpu.memory_space<vmem>>, vector<1x16xf32>,
        %get3A_406 = vector.shape_cast %get3A_405 : vector<1x16xf32> to vector<16xf32>
        %add3A_407 = arith.addf %add3A_383, %get3A_406 : vector<16xf32>
        %mul3A_408 = arith.constant 8 : i32
        %mul3A_409 = arith.muli %scan3A_332, %mul3A_408 : i32
        %add3A_410 = arith.constant 3 : i32
        %add3A_411 = arith.addi %mul3A_409, %add3A_410 : i32
        %get3A_412 = arith.index_cast %add3A_411 : i32 to index
        %get3A_413 = arith.constant 0 : index
        %get3A_414 = tpu.vector_load %arg8[%get3A_412, %get3A_413] {strides = array<i32>} : memref<200x64xf32, #tpu.memory_space<vmem>>, vector<1x16xf32>,
        %get3A_415 = vector.shape_cast %get3A_414 : vector<1x16xf32> to vector<16xf32>
        %add3A_416 = arith.addf %add3A_392, %get3A_415 : vector<16xf32>
        %get3A_417 = arith.index_cast %add3A_411 : i32 to index
        %get3A_418 = arith.constant 16 : index
        %get3A_419 = tpu.vector_load %arg8[%get3A_417, %get3A_418] {strides = array<i32>} : memref<200x64xf32, #tpu.memory_space<vmem>>, vector<1x16xf32>,
        %get3A_420 = vector.shape_cast %get3A_419 : vector<1x16xf32> to vector<16xf32>
        %add3A_421 = arith.addf %add3A_397, %get3A_420 : vector<16xf32>
        %get3A_422 = arith.index_cast %add3A_411 : i32 to index
        %get3A_423 = arith.constant 32 : index
        %get3A_424 = tpu.vector_load %arg8[%get3A_422, %get3A_423] {strides = array<i32>} : memref<200x64xf32, #tpu.memory_space<vmem>>, vector<1x16xf32>,
        %get3A_425 = vector.shape_cast %get3A_424 : vector<1x16xf32> to vector<16xf32>
        %add3A_426 = arith.addf %add3A_402, %get3A_425 : vector<16xf32>
        %get3A_427 = arith.index_cast %add3A_411 : i32 to index
        %get3A_428 = arith.constant 48 : index
        %get3A_429 = tpu.vector_load %arg8[%get3A_427, %get3A_428] {strides = array<i32>} : memref<200x64xf32, #tpu.memory_space<vmem>>, vector<1x16xf32>,
        %get3A_430 = vector.shape_cast %get3A_429 : vector<1x16xf32> to vector<16xf32>
        %add3A_431 = arith.addf %add3A_407, %get3A_430 : vector<16xf32>
        %mul3A_432 = arith.constant 8 : i32
        %mul3A_433 = arith.muli %scan3A_332, %mul3A_432 : i32
        %add3A_434 = arith.constant 4 : i32
        %add3A_435 = arith.addi %mul3A_433, %add3A_434 : i32
        %get3A_436 = arith.index_cast %add3A_435 : i32 to index
        %get3A_437 = arith.constant 0 : index
        %get3A_438 = tpu.vector_load %arg8[%get3A_436, %get3A_437] {strides = array<i32>} : memref<200x64xf32, #tpu.memory_space<vmem>>, vector<1x16xf32>,
        %get3A_439 = vector.shape_cast %get3A_438 : vector<1x16xf32> to vector<16xf32>
        %add3A_440 = arith.addf %add3A_416, %get3A_439 : vector<16xf32>
        %get3A_441 = arith.index_cast %add3A_435 : i32 to index
        %get3A_442 = arith.constant 16 : index
        %get3A_443 = tpu.vector_load %arg8[%get3A_441, %get3A_442] {strides = array<i32>} : memref<200x64xf32, #tpu.memory_space<vmem>>, vector<1x16xf32>,
        %get3A_444 = vector.shape_cast %get3A_443 : vector<1x16xf32> to vector<16xf32>
        %add3A_445 = arith.addf %add3A_421, %get3A_444 : vector<16xf32>
        %get3A_446 = arith.index_cast %add3A_435 : i32 to index
        %get3A_447 = arith.constant 32 : index
        %get3A_448 = tpu.vector_load %arg8[%get3A_446, %get3A_447] {strides = array<i32>} : memref<200x64xf32, #tpu.memory_space<vmem>>, vector<1x16xf32>,
        %get3A_449 = vector.shape_cast %get3A_448 : vector<1x16xf32> to vector<16xf32>
        %add3A_450 = arith.addf %add3A_426, %get3A_449 : vector<16xf32>
        %get3A_451 = arith.index_cast %add3A_435 : i32 to index
        %get3A_452 = arith.constant 48 : index
        %get3A_453 = tpu.vector_load %arg8[%get3A_451, %get3A_452] {strides = array<i32>} : memref<200x64xf32, #tpu.memory_space<vmem>>, vector<1x16xf32>,
        %get3A_454 = vector.shape_cast %get3A_453 : vector<1x16xf32> to vector<16xf32>
        %add3A_455 = arith.addf %add3A_431, %get3A_454 : vector<16xf32>
        %mul3A_456 = arith.constant 8 : i32
        %mul3A_457 = arith.muli %scan3A_332, %mul3A_456 : i32
        %add3A_458 = arith.constant 5 : i32
        %add3A_459 = arith.addi %mul3A_457, %add3A_458 : i32
        %get3A_460 = arith.index_cast %add3A_459 : i32 to index
        %get3A_461 = arith.constant 0 : index
        %get3A_462 = tpu.vector_load %arg8[%get3A_460, %get3A_461] {strides = array<i32>} : memref<200x64xf32, #tpu.memory_space<vmem>>, vector<1x16xf32>,
        %get3A_463 = vector.shape_cast %get3A_462 : vector<1x16xf32> to vector<16xf32>
        %add3A_464 = arith.addf %add3A_440, %get3A_463 : vector<16xf32>
        %get3A_465 = arith.index_cast %add3A_459 : i32 to index
        %get3A_466 = arith.constant 16 : index
        %get3A_467 = tpu.vector_load %arg8[%get3A_465, %get3A_466] {strides = array<i32>} : memref<200x64xf32, #tpu.memory_space<vmem>>, vector<1x16xf32>,
        %get3A_468 = vector.shape_cast %get3A_467 : vector<1x16xf32> to vector<16xf32>
        %add3A_469 = arith.addf %add3A_445, %get3A_468 : vector<16xf32>
        %get3A_470 = arith.index_cast %add3A_459 : i32 to index
        %get3A_471 = arith.constant 32 : index
        %get3A_472 = tpu.vector_load %arg8[%get3A_470, %get3A_471] {strides = array<i32>} : memref<200x64xf32, #tpu.memory_space<vmem>>, vector<1x16xf32>,
        %get3A_473 = vector.shape_cast %get3A_472 : vector<1x16xf32> to vector<16xf32>
        %add3A_474 = arith.addf %add3A_450, %get3A_473 : vector<16xf32>
        %get3A_475 = arith.index_cast %add3A_459 : i32 to index
        %get3A_476 = arith.constant 48 : index
        %get3A_477 = tpu.vector_load %arg8[%get3A_475, %get3A_476] {strides = array<i32>} : memref<200x64xf32, #tpu.memory_space<vmem>>, vector<1x16xf32>,
        %get3A_478 = vector.shape_cast %get3A_477 : vector<1x16xf32> to vector<16xf32>
        %add3A_479 = arith.addf %add3A_455, %get3A_478 : vector<16xf32>
        %mul3A_480 = arith.constant 8 : i32
        %mul3A_481 = arith.muli %scan3A_332, %mul3A_480 : i32
        %add3A_482 = arith.constant 6 : i32
        %add3A_483 = arith.addi %mul3A_481, %add3A_482 : i32
        %get3A_484 = arith.index_cast %add3A_483 : i32 to index
        %get3A_485 = arith.constant 0 : index
        %get3A_486 = tpu.vector_load %arg8[%get3A_484, %get3A_485] {strides = array<i32>} : memref<200x64xf32, #tpu.memory_space<vmem>>, vector<1x16xf32>,
        %get3A_487 = vector.shape_cast %get3A_486 : vector<1x16xf32> to vector<16xf32>
        %add3A_488 = arith.addf %add3A_464, %get3A_487 : vector<16xf32>
        %get3A_489 = arith.index_cast %add3A_483 : i32 to index
        %get3A_490 = arith.constant 16 : index
        %get3A_491 = tpu.vector_load %arg8[%get3A_489, %get3A_490] {strides = array<i32>} : memref<200x64xf32, #tpu.memory_space<vmem>>, vector<1x16xf32>,
        %get3A_492 = vector.shape_cast %get3A_491 : vector<1x16xf32> to vector<16xf32>
        %add3A_493 = arith.addf %add3A_469, %get3A_492 : vector<16xf32>
        %get3A_494 = arith.index_cast %add3A_483 : i32 to index
        %get3A_495 = arith.constant 32 : index
        %get3A_496 = tpu.vector_load %arg8[%get3A_494, %get3A_495] {strides = array<i32>} : memref<200x64xf32, #tpu.memory_space<vmem>>, vector<1x16xf32>,
        %get3A_497 = vector.shape_cast %get3A_496 : vector<1x16xf32> to vector<16xf32>
        %add3A_498 = arith.addf %add3A_474, %get3A_497 : vector<16xf32>
        %get3A_499 = arith.index_cast %add3A_483 : i32 to index
        %get3A_500 = arith.constant 48 : index
        %get3A_501 = tpu.vector_load %arg8[%get3A_499, %get3A_500] {strides = array<i32>} : memref<200x64xf32, #tpu.memory_space<vmem>>, vector<1x16xf32>,
        %get3A_502 = vector.shape_cast %get3A_501 : vector<1x16xf32> to vector<16xf32>
        %add3A_503 = arith.addf %add3A_479, %get3A_502 : vector<16xf32>
        %mul3A_504 = arith.constant 8 : i32
        %mul3A_505 = arith.muli %scan3A_332, %mul3A_504 : i32
        %add3A_506 = arith.constant 7 : i32
        %add3A_507 = arith.addi %mul3A_505, %add3A_506 : i32
        %get3A_508 = arith.index_cast %add3A_507 : i32 to index
        %get3A_509 = arith.constant 0 : index
        %get3A_510 = tpu.vector_load %arg8[%get3A_508, %get3A_509] {strides = array<i32>} : memref<200x64xf32, #tpu.memory_space<vmem>>, vector<1x16xf32>,
        %get3A_511 = vector.shape_cast %get3A_510 : vector<1x16xf32> to vector<16xf32>
        %add3A_512 = arith.addf %add3A_488, %get3A_511 : vector<16xf32>
        %get3A_513 = arith.index_cast %add3A_507 : i32 to index
        %get3A_514 = arith.constant 16 : index
        %get3A_515 = tpu.vector_load %arg8[%get3A_513, %get3A_514] {strides = array<i32>} : memref<200x64xf32, #tpu.memory_space<vmem>>, vector<1x16xf32>,
        %get3A_516 = vector.shape_cast %get3A_515 : vector<1x16xf32> to vector<16xf32>
        %add3A_517 = arith.addf %add3A_493, %get3A_516 : vector<16xf32>
        %get3A_518 = arith.index_cast %add3A_507 : i32 to index
        %get3A_519 = arith.constant 32 : index
        %get3A_520 = tpu.vector_load %arg8[%get3A_518, %get3A_519] {strides = array<i32>} : memref<200x64xf32, #tpu.memory_space<vmem>>, vector<1x16xf32>,
        %get3A_521 = vector.shape_cast %get3A_520 : vector<1x16xf32> to vector<16xf32>
        %add3A_522 = arith.addf %add3A_498, %get3A_521 : vector<16xf32>
        %get3A_523 = arith.index_cast %add3A_507 : i32 to index
        %get3A_524 = arith.constant 48 : index
        %get3A_525 = tpu.vector_load %arg8[%get3A_523, %get3A_524] {strides = array<i32>} : memref<200x64xf32, #tpu.memory_space<vmem>>, vector<1x16xf32>,
        %get3A_526 = vector.shape_cast %get3A_525 : vector<1x16xf32> to vector<16xf32>
        %add3A_527 = arith.addf %add3A_503, %get3A_526 : vector<16xf32>
        scf.yield %add3A_512, %add3A_517, %add3A_522, %add3A_527 : vector<16xf32>, vector<16xf32>, vector<16xf32>, vector<16xf32>
      }
      %scan3A_246 = arith.constant 25 : i32
      %swap3A_247 = arith.index_cast %add3A_205 : i32 to index
      %swap3A_248 = arith.constant 0 : index
      %swap3A_249 = tpu.vector_load %arg10[%swap3A_247, %swap3A_248] {strides = array<i32>} : memref<128x64xf32, #tpu.memory_space<vmem>>, vector<1x16xf32>,
      %swap3A_250 = vector.shape_cast %swap3A_249 : vector<1x16xf32> to vector<16xf32>
      %swap3A_251 = vector.shape_cast %scan3A_245#0 : vector<16xf32> to vector<1x16xf32>
      tpu.vector_store %arg10[%swap3A_247, %swap3A_248], %swap3A_251 {strides = array<i32>} : memref<128x64xf32, #tpu.memory_space<vmem>>, vector<1x16xf32>,
      %swap3A_252 = arith.index_cast %add3A_205 : i32 to index
      %swap3A_253 = arith.constant 16 : index
      %swap3A_254 = tpu.vector_load %arg10[%swap3A_252, %swap3A_253] {strides = array<i32>} : memref<128x64xf32, #tpu.memory_space<vmem>>, vector<1x16xf32>,
      %swap3A_255 = vector.shape_cast %swap3A_254 : vector<1x16xf32> to vector<16xf32>
      %swap3A_256 = vector.shape_cast %scan3A_245#1 : vector<16xf32> to vector<1x16xf32>
      tpu.vector_store %arg10[%swap3A_252, %swap3A_253], %swap3A_256 {strides = array<i32>} : memref<128x64xf32, #tpu.memory_space<vmem>>, vector<1x16xf32>,
      %swap3A_257 = arith.index_cast %add3A_205 : i32 to index
      %swap3A_258 = arith.constant 32 : index
      %swap3A_259 = tpu.vector_load %arg10[%swap3A_257, %swap3A_258] {strides = array<i32>} : memref<128x64xf32, #tpu.memory_space<vmem>>, vector<1x16xf32>,
      %swap3A_260 = vector.shape_cast %swap3A_259 : vector<1x16xf32> to vector<16xf32>
      %swap3A_261 = vector.shape_cast %scan3A_245#2 : vector<16xf32> to vector<1x16xf32>
      tpu.vector_store %arg10[%swap3A_257, %swap3A_258], %swap3A_261 {strides = array<i32>} : memref<128x64xf32, #tpu.memory_space<vmem>>, vector<1x16xf32>,
      %swap3A_262 = arith.index_cast %add3A_205 : i32 to index
      %swap3A_263 = arith.constant 48 : index
      %swap3A_264 = tpu.vector_load %arg10[%swap3A_262, %swap3A_263] {strides = array<i32>} : memref<128x64xf32, #tpu.memory_space<vmem>>, vector<1x16xf32>,
      %swap3A_265 = vector.shape_cast %swap3A_264 : vector<1x16xf32> to vector<16xf32>
      %swap3A_266 = vector.shape_cast %scan3A_245#3 : vector<16xf32> to vector<1x16xf32>
      tpu.vector_store %arg10[%swap3A_262, %swap3A_263], %swap3A_266 {strides = array<i32>} : memref<128x64xf32, #tpu.memory_space<vmem>>, vector<1x16xf32>,
      %mul3A_267 = arith.constant 4 : i32
      %mul3A_268 = arith.muli %mul3A_267, %add3A_77 : i32
      %add3A_269 = arith.constant 3 : i32
      %add3A_270 = arith.addi %mul3A_268, %add3A_269 : i32
      %add3A_271 = arith.constant 4 : i32
      %add3A_272 = arith.addi %add3A_270, %add3A_271 : i32
      %sub3A_273 = arith.constant 1 : i32
      %sub3A_274 = arith.subi %add3A_272, %sub3A_273 : i32
      %lt3A_275 = arith.constant 128 : i32
      %lt3A_276 = arith.cmpi slt, %sub3A_274, %lt3A_275 : i32
      %convert_element_type3A_277 = arith.extui %lt3A_276 : i1 to i32
      %cond3A_278 = arith.constant 0 : i32
      %cond3A_279 = arith.cmpi ne, %convert_element_type3A_277, %cond3A_278 : i32
      scf.if %cond3A_279 {
        %dma_start3A_332 = arith.constant 0 : i32
        %dma_start3A_333 = arith.constant 0 : i32
        %dma_start3A_334 = tpu.memref_slice %arg8[%dma_start3A_332, %dma_start3A_333] : memref<200x64xf32, #tpu.memory_space<vmem>> -> memref<128x64xf32, #tpu.memory_space<vmem>>
        %dma_start3A_335 = arith.constant 0 : i32
        %dma_start3A_336 = tpu.memref_slice %arg5[%sub3A_274, %dma_start3A_335] : memref<128x200xi32, #tpu.memory_space<vmem>> -> memref<1x128xi32, #tpu.memory_space<vmem>>
        %dma_start3A_337 = tpu.memref_squeeze %dma_start3A_336 : memref<1x128xi32, #tpu.memory_space<vmem>> -> memref<128xi32, #tpu.memory_space<vmem>>
        %dma_start3A_338 = arith.constant 0 : i32
        %dma_start3A_339 = arith.constant 0 : i32
        %dma_start3A_340 = tpu.memref_slice %arg3[%dma_start3A_338, %dma_start3A_339] : memref<100000x64xf32, #tpu.memory_space<hbm>> -> memref<100000x64xf32, #tpu.memory_space<hbm>>
        tpu.enqueue_indirect_dma source(%dma_start3A_340 : memref<100000x64xf32, #tpu.memory_space<hbm>>) target(%dma_start3A_334 : memref<128x64xf32, #tpu.memory_space<vmem>>) offsets(%dma_start3A_337 : memref<128xi32, #tpu.memory_space<vmem>>) semaphore(%arg14 : memref<!tpu.dma_semaphore, #tpu.memory_space<semaphore_mem>>)
        %dma_start3A_341 = arith.constant 128 : i32
        %dma_start3A_342 = arith.constant 0 : i32
        %dma_start3A_343 = tpu.memref_slice %arg8[%dma_start3A_341, %dma_start3A_342] : memref<200x64xf32, #tpu.memory_space<vmem>> -> memref<72x64xf32, #tpu.memory_space<vmem>>
        %dma_start3A_344 = arith.constant 128 : i32
        %dma_start3A_345 = tpu.memref_slice %arg5[%sub3A_274, %dma_start3A_344] : memref<128x200xi32, #tpu.memory_space<vmem>> -> memref<1x72xi32, #tpu.memory_space<vmem>>
        %dma_start3A_346 = tpu.memref_squeeze %dma_start3A_345 : memref<1x72xi32, #tpu.memory_space<vmem>> -> memref<72xi32, #tpu.memory_space<vmem>>
        %dma_start3A_347 = arith.constant 0 : i32
        %dma_start3A_348 = arith.constant 0 : i32
        %dma_start3A_349 = tpu.memref_slice %arg3[%dma_start3A_347, %dma_start3A_348] : memref<100000x64xf32, #tpu.memory_space<hbm>> -> memref<100000x64xf32, #tpu.memory_space<hbm>>
        tpu.enqueue_indirect_dma source(%dma_start3A_349 : memref<100000x64xf32, #tpu.memory_space<hbm>>) target(%dma_start3A_343 : memref<72x64xf32, #tpu.memory_space<vmem>>) offsets(%dma_start3A_346 : memref<72xi32, #tpu.memory_space<vmem>>) semaphore(%arg14 : memref<!tpu.dma_semaphore, #tpu.memory_space<semaphore_mem>>)
      } else {
      }
      %dma_wait3A_280 = arith.constant 0 : i32
      %dma_wait3A_281 = arith.constant 0 : i32
      %dma_wait3A_282 = tpu.memref_slice %arg9[%dma_wait3A_280, %dma_wait3A_281] : memref<200x64xf32, #tpu.memory_space<vmem>> -> memref<128x64xf32, #tpu.memory_space<vmem>>
      %dma_wait3A_283 = arith.constant 0 : i32
      %dma_wait3A_284 = tpu.memref_slice %arg5[%add3A_270, %dma_wait3A_283] : memref<128x200xi32, #tpu.memory_space<vmem>> -> memref<1x128xi32, #tpu.memory_space<vmem>>
      %dma_wait3A_285 = tpu.memref_squeeze %dma_wait3A_284 : memref<1x128xi32, #tpu.memory_space<vmem>> -> memref<128xi32, #tpu.memory_space<vmem>>
      %dma_wait3A_286 = arith.constant 0 : i32
      %dma_wait3A_287 = arith.constant 0 : i32
      %dma_wait3A_288 = tpu.memref_slice %arg3[%dma_wait3A_286, %dma_wait3A_287] : memref<100000x64xf32, #tpu.memory_space<hbm>> -> memref<100000x64xf32, #tpu.memory_space<hbm>>
      tpu.wait_indirect_dma semaphore(%arg15 : memref<!tpu.dma_semaphore, #tpu.memory_space<semaphore_mem>>) src(%dma_wait3A_288 : memref<100000x64xf32, #tpu.memory_space<hbm>>) dst(%dma_wait3A_282 : memref<128x64xf32, #tpu.memory_space<vmem>>)
      %dma_wait3A_289 = arith.constant 128 : i32
      %dma_wait3A_290 = arith.constant 0 : i32
      %dma_wait3A_291 = tpu.memref_slice %arg9[%dma_wait3A_289, %dma_wait3A_290] : memref<200x64xf32, #tpu.memory_space<vmem>> -> memref<72x64xf32, #tpu.memory_space<vmem>>
      %dma_wait3A_292 = arith.constant 128 : i32
      %dma_wait3A_293 = tpu.memref_slice %arg5[%add3A_270, %dma_wait3A_292] : memref<128x200xi32, #tpu.memory_space<vmem>> -> memref<1x72xi32, #tpu.memory_space<vmem>>
      %dma_wait3A_294 = tpu.memref_squeeze %dma_wait3A_293 : memref<1x72xi32, #tpu.memory_space<vmem>> -> memref<72xi32, #tpu.memory_space<vmem>>
      %dma_wait3A_295 = arith.constant 0 : i32
      %dma_wait3A_296 = arith.constant 0 : i32
      %dma_wait3A_297 = tpu.memref_slice %arg3[%dma_wait3A_295, %dma_wait3A_296] : memref<100000x64xf32, #tpu.memory_space<hbm>> -> memref<100000x64xf32, #tpu.memory_space<hbm>>
      tpu.wait_indirect_dma semaphore(%arg15 : memref<!tpu.dma_semaphore, #tpu.memory_space<semaphore_mem>>) src(%dma_wait3A_297 : memref<100000x64xf32, #tpu.memory_space<hbm>>) dst(%dma_wait3A_291 : memref<72x64xf32, #tpu.memory_space<vmem>>)
      %broadcast_in_dim3A_298 = arith.constant 0.000000e+00 : f32
      %broadcast_in_dim3A_299 = vector.broadcast %broadcast_in_dim3A_298 : f32 to vector<16xf32>
      %broadcast_in_dim3A_300 = arith.constant 0.000000e+00 : f32
      %broadcast_in_dim3A_301 = vector.broadcast %broadcast_in_dim3A_300 : f32 to vector<16xf32>
      %broadcast_in_dim3A_302 = arith.constant 0.000000e+00 : f32
      %broadcast_in_dim3A_303 = vector.broadcast %broadcast_in_dim3A_302 : f32 to vector<16xf32>
      %broadcast_in_dim3A_304 = arith.constant 0.000000e+00 : f32
      %broadcast_in_dim3A_305 = vector.broadcast %broadcast_in_dim3A_304 : f32 to vector<16xf32>
      %scan3A_306 = arith.constant 0 : i32
      %scan3A_307 = arith.constant 25 : i32
      %scan3A_308 = arith.addi %scan3A_306, %scan3A_307 : i32
      %scan3A_309 = arith.constant 1 : i32
      %scan3A_310:4 = scf.for %scan3A_332 = %scan3A_306 to %scan3A_308 step %scan3A_309 iter_args(%scan3A_333 = %broadcast_in_dim3A_299, %scan3A_334 = %broadcast_in_dim3A_301, %scan3A_335 = %broadcast_in_dim3A_303, %scan3A_336 = %broadcast_in_dim3A_305) -> (vector<16xf32>, vector<16xf32>, vector<16xf32>, vector<16xf32>)  : i32 {
        %mul3A_337 = arith.constant 8 : i32
        %mul3A_338 = arith.muli %scan3A_332, %mul3A_337 : i32
        %add3A_339 = arith.constant 0 : i32
        %add3A_340 = arith.addi %mul3A_338, %add3A_339 : i32
        %get3A = arith.index_cast %add3A_340 : i32 to index
        %get3A_341 = arith.constant 0 : index
        %get3A_342 = tpu.vector_load %arg9[%get3A, %get3A_341] {strides = array<i32>} : memref<200x64xf32, #tpu.memory_space<vmem>>, vector<1x16xf32>,
        %get3A_343 = vector.shape_cast %get3A_342 : vector<1x16xf32> to vector<16xf32>
        %add3A_344 = arith.addf %scan3A_333, %get3A_343 : vector<16xf32>
        %get3A_345 = arith.index_cast %add3A_340 : i32 to index
        %get3A_346 = arith.constant 16 : index
        %get3A_347 = tpu.vector_load %arg9[%get3A_345, %get3A_346] {strides = array<i32>} : memref<200x64xf32, #tpu.memory_space<vmem>>, vector<1x16xf32>,
        %get3A_348 = vector.shape_cast %get3A_347 : vector<1x16xf32> to vector<16xf32>
        %add3A_349 = arith.addf %scan3A_334, %get3A_348 : vector<16xf32>
        %get3A_350 = arith.index_cast %add3A_340 : i32 to index
        %get3A_351 = arith.constant 32 : index
        %get3A_352 = tpu.vector_load %arg9[%get3A_350, %get3A_351] {strides = array<i32>} : memref<200x64xf32, #tpu.memory_space<vmem>>, vector<1x16xf32>,
        %get3A_353 = vector.shape_cast %get3A_352 : vector<1x16xf32> to vector<16xf32>
        %add3A_354 = arith.addf %scan3A_335, %get3A_353 : vector<16xf32>
        %get3A_355 = arith.index_cast %add3A_340 : i32 to index
        %get3A_356 = arith.constant 48 : index
        %get3A_357 = tpu.vector_load %arg9[%get3A_355, %get3A_356] {strides = array<i32>} : memref<200x64xf32, #tpu.memory_space<vmem>>, vector<1x16xf32>,
        %get3A_358 = vector.shape_cast %get3A_357 : vector<1x16xf32> to vector<16xf32>
        %add3A_359 = arith.addf %scan3A_336, %get3A_358 : vector<16xf32>
        %mul3A_360 = arith.constant 8 : i32
        %mul3A_361 = arith.muli %scan3A_332, %mul3A_360 : i32
        %add3A_362 = arith.constant 1 : i32
        %add3A_363 = arith.addi %mul3A_361, %add3A_362 : i32
        %get3A_364 = arith.index_cast %add3A_363 : i32 to index
        %get3A_365 = arith.constant 0 : index
        %get3A_366 = tpu.vector_load %arg9[%get3A_364, %get3A_365] {strides = array<i32>} : memref<200x64xf32, #tpu.memory_space<vmem>>, vector<1x16xf32>,
        %get3A_367 = vector.shape_cast %get3A_366 : vector<1x16xf32> to vector<16xf32>
        %add3A_368 = arith.addf %add3A_344, %get3A_367 : vector<16xf32>
        %get3A_369 = arith.index_cast %add3A_363 : i32 to index
        %get3A_370 = arith.constant 16 : index
        %get3A_371 = tpu.vector_load %arg9[%get3A_369, %get3A_370] {strides = array<i32>} : memref<200x64xf32, #tpu.memory_space<vmem>>, vector<1x16xf32>,
        %get3A_372 = vector.shape_cast %get3A_371 : vector<1x16xf32> to vector<16xf32>
        %add3A_373 = arith.addf %add3A_349, %get3A_372 : vector<16xf32>
        %get3A_374 = arith.index_cast %add3A_363 : i32 to index
        %get3A_375 = arith.constant 32 : index
        %get3A_376 = tpu.vector_load %arg9[%get3A_374, %get3A_375] {strides = array<i32>} : memref<200x64xf32, #tpu.memory_space<vmem>>, vector<1x16xf32>,
        %get3A_377 = vector.shape_cast %get3A_376 : vector<1x16xf32> to vector<16xf32>
        %add3A_378 = arith.addf %add3A_354, %get3A_377 : vector<16xf32>
        %get3A_379 = arith.index_cast %add3A_363 : i32 to index
        %get3A_380 = arith.constant 48 : index
        %get3A_381 = tpu.vector_load %arg9[%get3A_379, %get3A_380] {strides = array<i32>} : memref<200x64xf32, #tpu.memory_space<vmem>>, vector<1x16xf32>,
        %get3A_382 = vector.shape_cast %get3A_381 : vector<1x16xf32> to vector<16xf32>
        %add3A_383 = arith.addf %add3A_359, %get3A_382 : vector<16xf32>
        %mul3A_384 = arith.constant 8 : i32
        %mul3A_385 = arith.muli %scan3A_332, %mul3A_384 : i32
        %add3A_386 = arith.constant 2 : i32
        %add3A_387 = arith.addi %mul3A_385, %add3A_386 : i32
        %get3A_388 = arith.index_cast %add3A_387 : i32 to index
        %get3A_389 = arith.constant 0 : index
        %get3A_390 = tpu.vector_load %arg9[%get3A_388, %get3A_389] {strides = array<i32>} : memref<200x64xf32, #tpu.memory_space<vmem>>, vector<1x16xf32>,
        %get3A_391 = vector.shape_cast %get3A_390 : vector<1x16xf32> to vector<16xf32>
        %add3A_392 = arith.addf %add3A_368, %get3A_391 : vector<16xf32>
        %get3A_393 = arith.index_cast %add3A_387 : i32 to index
        %get3A_394 = arith.constant 16 : index
        %get3A_395 = tpu.vector_load %arg9[%get3A_393, %get3A_394] {strides = array<i32>} : memref<200x64xf32, #tpu.memory_space<vmem>>, vector<1x16xf32>,
        %get3A_396 = vector.shape_cast %get3A_395 : vector<1x16xf32> to vector<16xf32>
        %add3A_397 = arith.addf %add3A_373, %get3A_396 : vector<16xf32>
        %get3A_398 = arith.index_cast %add3A_387 : i32 to index
        %get3A_399 = arith.constant 32 : index
        %get3A_400 = tpu.vector_load %arg9[%get3A_398, %get3A_399] {strides = array<i32>} : memref<200x64xf32, #tpu.memory_space<vmem>>, vector<1x16xf32>,
        %get3A_401 = vector.shape_cast %get3A_400 : vector<1x16xf32> to vector<16xf32>
        %add3A_402 = arith.addf %add3A_378, %get3A_401 : vector<16xf32>
        %get3A_403 = arith.index_cast %add3A_387 : i32 to index
        %get3A_404 = arith.constant 48 : index
        %get3A_405 = tpu.vector_load %arg9[%get3A_403, %get3A_404] {strides = array<i32>} : memref<200x64xf32, #tpu.memory_space<vmem>>, vector<1x16xf32>,
        %get3A_406 = vector.shape_cast %get3A_405 : vector<1x16xf32> to vector<16xf32>
        %add3A_407 = arith.addf %add3A_383, %get3A_406 : vector<16xf32>
        %mul3A_408 = arith.constant 8 : i32
        %mul3A_409 = arith.muli %scan3A_332, %mul3A_408 : i32
        %add3A_410 = arith.constant 3 : i32
        %add3A_411 = arith.addi %mul3A_409, %add3A_410 : i32
        %get3A_412 = arith.index_cast %add3A_411 : i32 to index
        %get3A_413 = arith.constant 0 : index
        %get3A_414 = tpu.vector_load %arg9[%get3A_412, %get3A_413] {strides = array<i32>} : memref<200x64xf32, #tpu.memory_space<vmem>>, vector<1x16xf32>,
        %get3A_415 = vector.shape_cast %get3A_414 : vector<1x16xf32> to vector<16xf32>
        %add3A_416 = arith.addf %add3A_392, %get3A_415 : vector<16xf32>
        %get3A_417 = arith.index_cast %add3A_411 : i32 to index
        %get3A_418 = arith.constant 16 : index
        %get3A_419 = tpu.vector_load %arg9[%get3A_417, %get3A_418] {strides = array<i32>} : memref<200x64xf32, #tpu.memory_space<vmem>>, vector<1x16xf32>,
        %get3A_420 = vector.shape_cast %get3A_419 : vector<1x16xf32> to vector<16xf32>
        %add3A_421 = arith.addf %add3A_397, %get3A_420 : vector<16xf32>
        %get3A_422 = arith.index_cast %add3A_411 : i32 to index
        %get3A_423 = arith.constant 32 : index
        %get3A_424 = tpu.vector_load %arg9[%get3A_422, %get3A_423] {strides = array<i32>} : memref<200x64xf32, #tpu.memory_space<vmem>>, vector<1x16xf32>,
        %get3A_425 = vector.shape_cast %get3A_424 : vector<1x16xf32> to vector<16xf32>
        %add3A_426 = arith.addf %add3A_402, %get3A_425 : vector<16xf32>
        %get3A_427 = arith.index_cast %add3A_411 : i32 to index
        %get3A_428 = arith.constant 48 : index
        %get3A_429 = tpu.vector_load %arg9[%get3A_427, %get3A_428] {strides = array<i32>} : memref<200x64xf32, #tpu.memory_space<vmem>>, vector<1x16xf32>,
        %get3A_430 = vector.shape_cast %get3A_429 : vector<1x16xf32> to vector<16xf32>
        %add3A_431 = arith.addf %add3A_407, %get3A_430 : vector<16xf32>
        %mul3A_432 = arith.constant 8 : i32
        %mul3A_433 = arith.muli %scan3A_332, %mul3A_432 : i32
        %add3A_434 = arith.constant 4 : i32
        %add3A_435 = arith.addi %mul3A_433, %add3A_434 : i32
        %get3A_436 = arith.index_cast %add3A_435 : i32 to index
        %get3A_437 = arith.constant 0 : index
        %get3A_438 = tpu.vector_load %arg9[%get3A_436, %get3A_437] {strides = array<i32>} : memref<200x64xf32, #tpu.memory_space<vmem>>, vector<1x16xf32>,
        %get3A_439 = vector.shape_cast %get3A_438 : vector<1x16xf32> to vector<16xf32>
        %add3A_440 = arith.addf %add3A_416, %get3A_439 : vector<16xf32>
        %get3A_441 = arith.index_cast %add3A_435 : i32 to index
        %get3A_442 = arith.constant 16 : index
        %get3A_443 = tpu.vector_load %arg9[%get3A_441, %get3A_442] {strides = array<i32>} : memref<200x64xf32, #tpu.memory_space<vmem>>, vector<1x16xf32>,
        %get3A_444 = vector.shape_cast %get3A_443 : vector<1x16xf32> to vector<16xf32>
        %add3A_445 = arith.addf %add3A_421, %get3A_444 : vector<16xf32>
        %get3A_446 = arith.index_cast %add3A_435 : i32 to index
        %get3A_447 = arith.constant 32 : index
        %get3A_448 = tpu.vector_load %arg9[%get3A_446, %get3A_447] {strides = array<i32>} : memref<200x64xf32, #tpu.memory_space<vmem>>, vector<1x16xf32>,
        %get3A_449 = vector.shape_cast %get3A_448 : vector<1x16xf32> to vector<16xf32>
        %add3A_450 = arith.addf %add3A_426, %get3A_449 : vector<16xf32>
        %get3A_451 = arith.index_cast %add3A_435 : i32 to index
        %get3A_452 = arith.constant 48 : index
        %get3A_453 = tpu.vector_load %arg9[%get3A_451, %get3A_452] {strides = array<i32>} : memref<200x64xf32, #tpu.memory_space<vmem>>, vector<1x16xf32>,
        %get3A_454 = vector.shape_cast %get3A_453 : vector<1x16xf32> to vector<16xf32>
        %add3A_455 = arith.addf %add3A_431, %get3A_454 : vector<16xf32>
        %mul3A_456 = arith.constant 8 : i32
        %mul3A_457 = arith.muli %scan3A_332, %mul3A_456 : i32
        %add3A_458 = arith.constant 5 : i32
        %add3A_459 = arith.addi %mul3A_457, %add3A_458 : i32
        %get3A_460 = arith.index_cast %add3A_459 : i32 to index
        %get3A_461 = arith.constant 0 : index
        %get3A_462 = tpu.vector_load %arg9[%get3A_460, %get3A_461] {strides = array<i32>} : memref<200x64xf32, #tpu.memory_space<vmem>>, vector<1x16xf32>,
        %get3A_463 = vector.shape_cast %get3A_462 : vector<1x16xf32> to vector<16xf32>
        %add3A_464 = arith.addf %add3A_440, %get3A_463 : vector<16xf32>
        %get3A_465 = arith.index_cast %add3A_459 : i32 to index
        %get3A_466 = arith.constant 16 : index
        %get3A_467 = tpu.vector_load %arg9[%get3A_465, %get3A_466] {strides = array<i32>} : memref<200x64xf32, #tpu.memory_space<vmem>>, vector<1x16xf32>,
        %get3A_468 = vector.shape_cast %get3A_467 : vector<1x16xf32> to vector<16xf32>
        %add3A_469 = arith.addf %add3A_445, %get3A_468 : vector<16xf32>
        %get3A_470 = arith.index_cast %add3A_459 : i32 to index
        %get3A_471 = arith.constant 32 : index
        %get3A_472 = tpu.vector_load %arg9[%get3A_470, %get3A_471] {strides = array<i32>} : memref<200x64xf32, #tpu.memory_space<vmem>>, vector<1x16xf32>,
        %get3A_473 = vector.shape_cast %get3A_472 : vector<1x16xf32> to vector<16xf32>
        %add3A_474 = arith.addf %add3A_450, %get3A_473 : vector<16xf32>
        %get3A_475 = arith.index_cast %add3A_459 : i32 to index
        %get3A_476 = arith.constant 48 : index
        %get3A_477 = tpu.vector_load %arg9[%get3A_475, %get3A_476] {strides = array<i32>} : memref<200x64xf32, #tpu.memory_space<vmem>>, vector<1x16xf32>,
        %get3A_478 = vector.shape_cast %get3A_477 : vector<1x16xf32> to vector<16xf32>
        %add3A_479 = arith.addf %add3A_455, %get3A_478 : vector<16xf32>
        %mul3A_480 = arith.constant 8 : i32
        %mul3A_481 = arith.muli %scan3A_332, %mul3A_480 : i32
        %add3A_482 = arith.constant 6 : i32
        %add3A_483 = arith.addi %mul3A_481, %add3A_482 : i32
        %get3A_484 = arith.index_cast %add3A_483 : i32 to index
        %get3A_485 = arith.constant 0 : index
        %get3A_486 = tpu.vector_load %arg9[%get3A_484, %get3A_485] {strides = array<i32>} : memref<200x64xf32, #tpu.memory_space<vmem>>, vector<1x16xf32>,
        %get3A_487 = vector.shape_cast %get3A_486 : vector<1x16xf32> to vector<16xf32>
        %add3A_488 = arith.addf %add3A_464, %get3A_487 : vector<16xf32>
        %get3A_489 = arith.index_cast %add3A_483 : i32 to index
        %get3A_490 = arith.constant 16 : index
        %get3A_491 = tpu.vector_load %arg9[%get3A_489, %get3A_490] {strides = array<i32>} : memref<200x64xf32, #tpu.memory_space<vmem>>, vector<1x16xf32>,
        %get3A_492 = vector.shape_cast %get3A_491 : vector<1x16xf32> to vector<16xf32>
        %add3A_493 = arith.addf %add3A_469, %get3A_492 : vector<16xf32>
        %get3A_494 = arith.index_cast %add3A_483 : i32 to index
        %get3A_495 = arith.constant 32 : index
        %get3A_496 = tpu.vector_load %arg9[%get3A_494, %get3A_495] {strides = array<i32>} : memref<200x64xf32, #tpu.memory_space<vmem>>, vector<1x16xf32>,
        %get3A_497 = vector.shape_cast %get3A_496 : vector<1x16xf32> to vector<16xf32>
        %add3A_498 = arith.addf %add3A_474, %get3A_497 : vector<16xf32>
        %get3A_499 = arith.index_cast %add3A_483 : i32 to index
        %get3A_500 = arith.constant 48 : index
        %get3A_501 = tpu.vector_load %arg9[%get3A_499, %get3A_500] {strides = array<i32>} : memref<200x64xf32, #tpu.memory_space<vmem>>, vector<1x16xf32>,
        %get3A_502 = vector.shape_cast %get3A_501 : vector<1x16xf32> to vector<16xf32>
        %add3A_503 = arith.addf %add3A_479, %get3A_502 : vector<16xf32>
        %mul3A_504 = arith.constant 8 : i32
        %mul3A_505 = arith.muli %scan3A_332, %mul3A_504 : i32
        %add3A_506 = arith.constant 7 : i32
        %add3A_507 = arith.addi %mul3A_505, %add3A_506 : i32
        %get3A_508 = arith.index_cast %add3A_507 : i32 to index
        %get3A_509 = arith.constant 0 : index
        %get3A_510 = tpu.vector_load %arg9[%get3A_508, %get3A_509] {strides = array<i32>} : memref<200x64xf32, #tpu.memory_space<vmem>>, vector<1x16xf32>,
        %get3A_511 = vector.shape_cast %get3A_510 : vector<1x16xf32> to vector<16xf32>
        %add3A_512 = arith.addf %add3A_488, %get3A_511 : vector<16xf32>
        %get3A_513 = arith.index_cast %add3A_507 : i32 to index
        %get3A_514 = arith.constant 16 : index
        %get3A_515 = tpu.vector_load %arg9[%get3A_513, %get3A_514] {strides = array<i32>} : memref<200x64xf32, #tpu.memory_space<vmem>>, vector<1x16xf32>,
        %get3A_516 = vector.shape_cast %get3A_515 : vector<1x16xf32> to vector<16xf32>
        %add3A_517 = arith.addf %add3A_493, %get3A_516 : vector<16xf32>
        %get3A_518 = arith.index_cast %add3A_507 : i32 to index
        %get3A_519 = arith.constant 32 : index
        %get3A_520 = tpu.vector_load %arg9[%get3A_518, %get3A_519] {strides = array<i32>} : memref<200x64xf32, #tpu.memory_space<vmem>>, vector<1x16xf32>,
        %get3A_521 = vector.shape_cast %get3A_520 : vector<1x16xf32> to vector<16xf32>
        %add3A_522 = arith.addf %add3A_498, %get3A_521 : vector<16xf32>
        %get3A_523 = arith.index_cast %add3A_507 : i32 to index
        %get3A_524 = arith.constant 48 : index
        %get3A_525 = tpu.vector_load %arg9[%get3A_523, %get3A_524] {strides = array<i32>} : memref<200x64xf32, #tpu.memory_space<vmem>>, vector<1x16xf32>,
        %get3A_526 = vector.shape_cast %get3A_525 : vector<1x16xf32> to vector<16xf32>
        %add3A_527 = arith.addf %add3A_503, %get3A_526 : vector<16xf32>
        scf.yield %add3A_512, %add3A_517, %add3A_522, %add3A_527 : vector<16xf32>, vector<16xf32>, vector<16xf32>, vector<16xf32>
      }
      %scan3A_311 = arith.constant 25 : i32
      %swap3A_312 = arith.index_cast %add3A_270 : i32 to index
      %swap3A_313 = arith.constant 0 : index
      %swap3A_314 = tpu.vector_load %arg10[%swap3A_312, %swap3A_313] {strides = array<i32>} : memref<128x64xf32, #tpu.memory_space<vmem>>, vector<1x16xf32>,
      %swap3A_315 = vector.shape_cast %swap3A_314 : vector<1x16xf32> to vector<16xf32>
      %swap3A_316 = vector.shape_cast %scan3A_310#0 : vector<16xf32> to vector<1x16xf32>
      tpu.vector_store %arg10[%swap3A_312, %swap3A_313], %swap3A_316 {strides = array<i32>} : memref<128x64xf32, #tpu.memory_space<vmem>>, vector<1x16xf32>,
      %swap3A_317 = arith.index_cast %add3A_270 : i32 to index
      %swap3A_318 = arith.constant 16 : index
      %swap3A_319 = tpu.vector_load %arg10[%swap3A_317, %swap3A_318] {strides = array<i32>} : memref<128x64xf32, #tpu.memory_space<vmem>>, vector<1x16xf32>,
      %swap3A_320 = vector.shape_cast %swap3A_319 : vector<1x16xf32> to vector<16xf32>
      %swap3A_321 = vector.shape_cast %scan3A_310#1 : vector<16xf32> to vector<1x16xf32>
      tpu.vector_store %arg10[%swap3A_317, %swap3A_318], %swap3A_321 {strides = array<i32>} : memref<128x64xf32, #tpu.memory_space<vmem>>, vector<1x16xf32>,
      %swap3A_322 = arith.index_cast %add3A_270 : i32 to index
      %swap3A_323 = arith.constant 32 : index
      %swap3A_324 = tpu.vector_load %arg10[%swap3A_322, %swap3A_323] {strides = array<i32>} : memref<128x64xf32, #tpu.memory_space<vmem>>, vector<1x16xf32>,
      %swap3A_325 = vector.shape_cast %swap3A_324 : vector<1x16xf32> to vector<16xf32>
      %swap3A_326 = vector.shape_cast %scan3A_310#2 : vector<16xf32> to vector<1x16xf32>
      tpu.vector_store %arg10[%swap3A_322, %swap3A_323], %swap3A_326 {strides = array<i32>} : memref<128x64xf32, #tpu.memory_space<vmem>>, vector<1x16xf32>,
      %swap3A_327 = arith.index_cast %add3A_270 : i32 to index
      %swap3A_328 = arith.constant 48 : index
      %swap3A_329 = tpu.vector_load %arg10[%swap3A_327, %swap3A_328] {strides = array<i32>} : memref<128x64xf32, #tpu.memory_space<vmem>>, vector<1x16xf32>,
      %swap3A_330 = vector.shape_cast %swap3A_329 : vector<1x16xf32> to vector<16xf32>
      %swap3A_331 = vector.shape_cast %scan3A_310#3 : vector<16xf32> to vector<1x16xf32>
      tpu.vector_store %arg10[%swap3A_327, %swap3A_328], %swap3A_331 {strides = array<i32>} : memref<128x64xf32, #tpu.memory_space<vmem>>, vector<1x16xf32>,
    }
    %scan3A_72 = arith.constant 32 : i32
    "tpu.region"() ({
      %run_scoped3A = tpu.sem_alloc : memref<!tpu.dma_semaphore, #tpu.memory_space<semaphore_mem>>
      %dma_start3A_73 = arith.constant 0 : i32
      %dma_start3A_74 = tpu.memref_slice %arg4[%mul3A_2, %dma_start3A_73] : memref<4096x64xf32, #tpu.memory_space<hbm>> -> memref<128x64xf32, #tpu.memory_space<hbm>>
      %dma_start3A_75 = arith.constant 0 : i32
      %dma_start3A_76 = tpu.memref_slice %arg4[%mul3A_2, %dma_start3A_75] : memref<4096x64xf32, #tpu.memory_space<hbm>> -> memref<128x64xf32, #tpu.memory_space<hbm>>
      tpu.enqueue_dma source(%arg10 : memref<128x64xf32, #tpu.memory_space<vmem>>) target(%dma_start3A_76 : memref<128x64xf32, #tpu.memory_space<hbm>>) target_semaphore(%run_scoped3A : memref<!tpu.dma_semaphore, #tpu.memory_space<semaphore_mem>>)
      %dma_wait3A_77 = arith.constant 0 : i32
      %dma_wait3A_78 = tpu.memref_slice %arg4[%mul3A_2, %dma_wait3A_77] : memref<4096x64xf32, #tpu.memory_space<hbm>> -> memref<128x64xf32, #tpu.memory_space<hbm>>
      %dma_wait3A_79 = arith.constant 0 : i32
      %dma_wait3A_80 = tpu.memref_slice %arg4[%mul3A_2, %dma_wait3A_79] : memref<4096x64xf32, #tpu.memory_space<hbm>> -> memref<128x64xf32, #tpu.memory_space<hbm>>
      tpu.wait_dma2 semaphore(%run_scoped3A : memref<!tpu.dma_semaphore, #tpu.memory_space<semaphore_mem>>) src(%arg10 : memref<128x64xf32, #tpu.memory_space<vmem>>) dst(%dma_wait3A_80 : memref<128x64xf32, #tpu.memory_space<hbm>>)
      tpu.yield
    }) : () -> ()
    return
  }
}

module attributes {stable_mosaic.version = 14 : i64} {
  func.func @_mlp_body(%arg0: i32, %arg1: memref<512x64xf32, #tpu.memory_space<vmem>>, %arg2: memref<512x64xf32, #tpu.memory_space<vmem>>, %arg3: memref<512x64xf32, #tpu.memory_space<vmem>>, %arg4: memref<192x256xf32, #tpu.memory_space<vmem>>, %arg5: memref<1x256xf32, #tpu.memory_space<vmem>>, %arg6: memref<256x10xf32, #tpu.memory_space<vmem>>, %arg7: memref<1x10xf32, #tpu.memory_space<vmem>>, %arg8: memref<512x10xf32, #tpu.memory_space<vmem>>) attributes {dimension_semantics = [#tpu.dimension_semantics<arbitrary>], iteration_bounds = array<i64: 8>, scalar_prefetch = 0 : i64, scratch_operands = 0 : i64, tpu.core_type = #tpu.core_type<tc>, window_params = [{transform_indices = @transform_0, window_bounds = array<i64: 512, 64>}, {transform_indices = @transform_1, window_bounds = array<i64: 512, 64>}, {transform_indices = @transform_2, window_bounds = array<i64: 512, 64>}, {pipeline_mode = #tpu.pipeline_mode<synchronous>, transform_indices = @transform_3, window_bounds = array<i64: 192, 256>}, {pipeline_mode = #tpu.pipeline_mode<synchronous>, transform_indices = @transform_4, window_bounds = array<i64: 1, 256>}, {pipeline_mode = #tpu.pipeline_mode<synchronous>, transform_indices = @transform_5, window_bounds = array<i64: 256, 10>}, {pipeline_mode = #tpu.pipeline_mode<synchronous>, transform_indices = @transform_6, window_bounds = array<i64: 1, 10>}, {transform_indices = @transform_7, window_bounds = array<i64: 512, 10>}]} {
    %get3A = arith.constant 0 : index
    %get3A_0 = arith.constant 0 : index
    %get3A_1 = vector.load %arg1[%get3A, %get3A_0] : memref<512x64xf32, #tpu.memory_space<vmem>>, vector<512x64xf32>
    %get3A_2 = arith.constant 0 : index
    %get3A_3 = arith.constant 0 : index
    %get3A_4 = vector.load %arg2[%get3A_2, %get3A_3] : memref<512x64xf32, #tpu.memory_space<vmem>>, vector<512x64xf32>
    %get3A_5 = arith.constant 0 : index
    %get3A_6 = arith.constant 0 : index
    %get3A_7 = vector.load %arg3[%get3A_5, %get3A_6] : memref<512x64xf32, #tpu.memory_space<vmem>>, vector<512x64xf32>
    %concatenate3A = tpu.concatenate %get3A_1, %get3A_4, %get3A_7 in 1 : vector<512x64xf32>, vector<512x64xf32>, vector<512x64xf32> -> vector<512x192xf32>
    %get3A_8 = arith.constant 0 : index
    %get3A_9 = arith.constant 0 : index
    %get3A_10 = vector.load %arg4[%get3A_8, %get3A_9] : memref<192x256xf32, #tpu.memory_space<vmem>>, vector<192x256xf32>
    %dot_general3A = arith.constant dense<0.000000e+00> : vector<512x256xf32>
    %dot_general3A_11 = tpu.matmul %concatenate3A, %get3A_10, %dot_general3A {dimension_numbers = #tpu.dot_dimension_numbers<[1], [0], [0], [1], [0, 0, 1, 1], [], []>, transpose_lhs_hint = false} : vector<512x192xf32>, vector<192x256xf32>, vector<512x256xf32> -> vector<512x256xf32>
    %mul3A = arith.constant 5.000000e-03 : f32
    %mul3A_12 = vector.broadcast %mul3A : f32 to vector<512x256xf32>
    %mul3A_13 = arith.mulf %dot_general3A_11, %mul3A_12 : vector<512x256xf32>
    %get3A_14 = arith.constant 0 : index
    %get3A_15 = arith.constant 0 : index
    %get3A_16 = vector.load %arg5[%get3A_14, %get3A_15] : memref<1x256xf32, #tpu.memory_space<vmem>>, vector<1x256xf32>
    %add3A = vector.broadcast %get3A_16 : vector<1x256xf32> to vector<512x256xf32>
    %add3A_17 = arith.addf %mul3A_13, %add3A : vector<512x256xf32>
    %max3A = arith.constant 0.000000e+00 : f32
    %max3A_18 = vector.broadcast %max3A : f32 to vector<512x256xf32>
    %max3A_19 = arith.maximumf %add3A_17, %max3A_18 : vector<512x256xf32>
    %get3A_20 = arith.constant 0 : index
    %get3A_21 = arith.constant 0 : index
    %get3A_22 = vector.load %arg6[%get3A_20, %get3A_21] : memref<256x10xf32, #tpu.memory_space<vmem>>, vector<256x10xf32>
    %dot_general3A_23 = arith.constant dense<0.000000e+00> : vector<512x10xf32>
    %dot_general3A_24 = tpu.matmul %max3A_19, %get3A_22, %dot_general3A_23 {dimension_numbers = #tpu.dot_dimension_numbers<[1], [0], [0], [1], [0, 0, 1, 1], [], []>, transpose_lhs_hint = false} : vector<512x256xf32>, vector<256x10xf32>, vector<512x10xf32> -> vector<512x10xf32>
    %get3A_25 = arith.constant 0 : index
    %get3A_26 = arith.constant 0 : index
    %get3A_27 = vector.load %arg7[%get3A_25, %get3A_26] : memref<1x10xf32, #tpu.memory_space<vmem>>, vector<1x10xf32>
    %add3A_28 = vector.broadcast %get3A_27 : vector<1x10xf32> to vector<512x10xf32>
    %add3A_29 = arith.addf %dot_general3A_24, %add3A_28 : vector<512x10xf32>
    %swap3A = arith.constant 0 : index
    %swap3A_30 = arith.constant 0 : index
    %swap3A_31 = vector.load %arg8[%swap3A, %swap3A_30] : memref<512x10xf32, #tpu.memory_space<vmem>>, vector<512x10xf32>
    tpu.vector_store %arg8[%swap3A, %swap3A_30], %add3A_29 {strides = array<i32>} : memref<512x10xf32, #tpu.memory_space<vmem>>, vector<512x10xf32>,
    return
  }
  func.func @transform_0(%arg0: i32) -> (i32, i32) {
    %c0_i32 = arith.constant 0 : i32
    %c0_i32_0 = arith.constant 0 : i32
    return %arg0, %c0_i32 : i32, i32
  }
  func.func @transform_1(%arg0: i32) -> (i32, i32) {
    %c0_i32 = arith.constant 0 : i32
    %c0_i32_0 = arith.constant 0 : i32
    return %arg0, %c0_i32 : i32, i32
  }
  func.func @transform_2(%arg0: i32) -> (i32, i32) {
    %c0_i32 = arith.constant 0 : i32
    %c0_i32_0 = arith.constant 0 : i32
    return %arg0, %c0_i32 : i32, i32
  }
  func.func @transform_3(%arg0: i32) -> (i32, i32) {
    %c0_i32 = arith.constant 0 : i32
    %c0_i32_0 = arith.constant 0 : i32
    %c0_i32_1 = arith.constant 0 : i32
    return %c0_i32, %c0_i32_0 : i32, i32
  }
  func.func @transform_4(%arg0: i32) -> (i32, i32) {
    %c0_i32 = arith.constant 0 : i32
    %c0_i32_0 = arith.constant 0 : i32
    %c0_i32_1 = arith.constant 0 : i32
    return %c0_i32, %c0_i32_0 : i32, i32
  }
  func.func @transform_5(%arg0: i32) -> (i32, i32) {
    %c0_i32 = arith.constant 0 : i32
    %c0_i32_0 = arith.constant 0 : i32
    %c0_i32_1 = arith.constant 0 : i32
    return %c0_i32, %c0_i32_0 : i32, i32
  }
  func.func @transform_6(%arg0: i32) -> (i32, i32) {
    %c0_i32 = arith.constant 0 : i32
    %c0_i32_0 = arith.constant 0 : i32
    %c0_i32_1 = arith.constant 0 : i32
    return %c0_i32, %c0_i32_0 : i32, i32
  }
  func.func @transform_7(%arg0: i32) -> (i32, i32) {
    %c0_i32 = arith.constant 0 : i32
    %c0_i32_0 = arith.constant 0 : i32
    return %arg0, %c0_i32 : i32, i32
  }
}

</mosaic_0001>

<sc_bundles>
// kernel: kernel.12.cloned.1.call-start
scs
__scs_entry_jumppad:
0x0: {  	(pc) =	sbr.rel $0x88, $3  }
0x1: {  	(tag) =	ssettag $0x0;
	lr =	simm.s32 $0x1  }
0x2: {  	[smem:$0x3F97] =	sst lr;
	_ =	strace $0xD0000000  }
0x3: {  	_ = 	snop  }
0x4: {  	_ = 	snop  }
0x5: {  	_ = 	snop  }
0x6: {  	_ = 	snop  }
0x7: {  	_ = 	snop  }
__scs_overlays_trampoline_lowered:
0x8: {  	[smem:$0x3FA6] =	sst s0  }
0x9: {  	[smem:$0x3FA7] =	sst s1  }
0xa: {  	[smem:$0x3FA8] =	sst s2  }
0xb: {  	[smem:$0x3FA9] =	sst s3  }
0xc: {  	[smem:$0x3FAA] =	sst s4  }
0xd: {  	[smem:$0x3FAB] =	sst s5  }
0xe: {  	[smem:$0x3FAC] =	sst s6  }
0xf: {  	[smem:$0x3FAD] =	sst s7  }
0x10: {  	[smem:$0x3FAE] =	sst s8  }
0x11: {  	[smem:$0x3FAF] =	sst s9;
	s0 =	simm.s32 @!p0 $0x0  }
0x12: {  	s1 =	sld [smem:$0x3F95];
	s0 =	simm.s32 @p0 $0x1  }
0x13: {  	[smem:$0x3FB0] =	sst s0;
	s0 =	simm.s32 @!p1 $0x0  }
0x14: {  	s2 =	sld [smem:$0x3F94];
	s0 =	simm.s32 @p1 $0x1  }
0x15: {  	[smem:$0x3FB1] =	sst s0;
	s0 =	simm.s32 @!p2 $0x0  }
0x16: {  	s3 =	sld [smem:$0x3FDB];
	s0 =	simm.s32 @p2 $0x1  }
0x17: {  	s4 =	simm.s32 $0x1BF5;
	[smem:$0x3FB3] =	sst s0  }
0x18: {  	s0 =	sld [smem:$0x3F96];
	_ =	swait.ge [sflag:s4], $0x0  }
0x19: {  	s7 =	sld [smem:$0x3F97]  }
0x1a: {  	s8 =	sadd.s32 $0xFFFFE003, lr  }
0x1b: {  	s9 =	sadd.s32 $0xFFFFFEF7, lr;
	s5 =	simm.s32 $0xFFFFFFFF;
	p2 =	slt.u32 s8, $0xFFFFF086  }
0x1c: {  	p1 =	slt.u32 s9, $0xF7A;
	s5 =	simm.s32 @!p2 $0x0  }
0x1d: {  	s5 =	simm.s32 @p1 $0x1;
	p0 =	seq.s32 s7, s2  }
0x1e: {  	s7 =	smul.u32 @!p0 $0xF7A, s2;
	p2 =	seq.s32 @!p0 s5, $0x0  }
0x1f: {  	s9 =	smul.u32 $0xF7A, s1;
	s8 =	simm.s32 @!p0 $0x1BF5;
	p2 =	por !p2, p0  }
0x20: {  	[sflag:s8] =	ssyncset.s32 @!p0 $0xFFFFF086;
	s6 =	sadd.s32 @!p0 s3, s7;
	s7 =	simm.s32 @!p0 $0x108  }
0x21: {  	s3 =	sadd.s32 s3, s9;
	s6 =	sadd.s32 @!p0 $0x88, s6;
	s7 =	simm.s32 @p2 $0x1082  }
0x22: {  	[simem:s7], [sflag:s8] =	dma.local @!p0 [hbm:s6], $0xF7A  }
0x23: {  	s9 =	sor.u32 $0xD0000000, s2;
	s6 =	simm.s32 $0x108;
	_ =	swait.ge @!p0 [sflag:s8], $0x0  }
0x24: {  	s3 =	sadd.s32 $0x88, s3;
	s6 =	simm.s32 @!p1 $0x1082;
	[sflag:s4] =	ssyncset.s32 $0xFFFFF086  }
0x25: {  	[simem:s6], [sflag:s4] =	dma.local [hbm:s3], $0xF7A  }
0x26: {  	[smem:$0x3F97] =	sst s1;
	(tag) =	ssettag s2;
	_ =	strace s9  }
0x27: {  	s1 =	sld [smem:$0x3FA7]  }
0x28: {  	s2 =	sld [smem:$0x3FA8]  }
0x29: {  	s4 =	sld [smem:$0x3FAA]  }
0x2a: {  	p0 =	seq.s32 s5, $0x0;
	s5 =	sld [smem:$0x3FAB]  }
0x2b: {  	s6 =	sld [smem:$0x3FAC]  }
0x2c: {  	s7 =	sld [smem:$0x3FAD]  }
0x2d: {  	s3 =	simm.s32 $0x108;
	s8 =	sld [smem:$0x3FAE]  }
0x2e: {  	s3 =	simm.s32 @!p0 $0x1082;
	s9 =	sld [smem:$0x3FAF]  }
0x2f: {  	lr =	sadd.s32 s0, s3;
	s0 =	sld [smem:$0x3FA6]  }
0x30: {  	s3 =	sld [smem:$0x3FA9]  }
0x31: {  	[smem:$0x3FB2] =	sst s10  }
0x32: {  	s10 =	sld [smem:$0x3FB0];
	_ =	sdelay $0x3  }
0x33: {  	p0 =	seq.s32 s10, $0x1;
	s10 =	sld [smem:$0x3FB2];
	_ =	sdelay $0x3  }
0x34: {  	[smem:$0x3FB2] =	sst s10  }
0x35: {  	s10 =	sld [smem:$0x3FB1];
	_ =	sdelay $0x3  }
0x36: {  	p1 =	seq.s32 s10, $0x1;
	s10 =	sld [smem:$0x3FB2];
	_ =	sdelay $0x3  }
0x37: {  	[smem:$0x3FB2] =	sst s10  }
0x38: {  	s10 =	sld [smem:$0x3FB3]  }
0x39: {  	_ = 	snop;
	(pc) =	sbr.ind lr, $3  }
0x3a: {  	_ = 	snop  }
0x3b: {  	_ = 	snop  }
0x3c: {  	p2 =	seq.s32 s10, $0x1;
	s10 =	sld [smem:$0x3FB2]  }
0x3d: {  	_ =	shalt  }
0x3e: {  	_ =	shalt  }
0x3f: {  	_ =	shalt  }
0x40: {  	_ =	shalt  }
0x41: {  	_ =	shalt  }
0x42: {  	_ =	shalt  }
0x43: {  	_ =	shalt  }
0x44: {  	_ =	shalt  }
0x45: {  	_ =	shalt  }
0x46: {  	_ =	shalt  }
0x47: {  	_ =	shalt  }
0x48: {  	_ =	shalt  }
0x49: {  	_ =	shalt  }
0x4a: {  	_ =	shalt  }
0x4b: {  	_ =	shalt  }
0x4c: {  	_ =	shalt  }
0x4d: {  	_ =	shalt  }
0x4e: {  	_ =	shalt  }
0x4f: {  	_ =	shalt  }
0x50: {  	_ =	shalt  }
0x51: {  	_ =	shalt  }
0x52: {  	_ =	shalt  }
0x53: {  	_ =	shalt  }
0x54: {  	_ =	shalt  }
0x55: {  	_ =	shalt  }
0x56: {  	_ =	shalt  }
0x57: {  	_ =	shalt  }
0x58: {  	_ =	shalt  }
0x59: {  	_ =	shalt  }
0x5a: {  	_ =	shalt  }
0x5b: {  	_ =	shalt  }
0x5c: {  	_ =	shalt  }
0x5d: {  	_ =	shalt  }
0x5e: {  	_ =	shalt  }
0x5f: {  	_ =	shalt  }
0x60: {  	_ =	shalt  }
0x61: {  	_ =	shalt  }
0x62: {  	_ =	shalt  }
0x63: {  	_ =	shalt  }
0x64: {  	_ =	shalt  }
0x65: {  	_ =	shalt  }
0x66: {  	_ =	shalt  }
0x67: {  	_ =	shalt  }
0x68: {  	_ =	shalt  }
0x69: {  	_ =	shalt  }
0x6a: {  	_ =	shalt  }
0x6b: {  	_ =	shalt  }
0x6c: {  	_ =	shalt  }
0x6d: {  	_ =	shalt  }
0x6e: {  	_ =	shalt  }
0x6f: {  	_ =	shalt  }
0x70: {  	_ =	shalt  }
0x71: {  	_ =	shalt  }
0x72: {  	_ =	shalt  }
0x73: {  	_ =	shalt  }
0x74: {  	_ =	shalt  }
0x75: {  	_ =	shalt  }
0x76: {  	_ =	shalt  }
0x77: {  	_ =	shalt  }
0x78: {  	_ =	shalt  }
0x79: {  	_ =	shalt  }
0x7a: {  	_ =	shalt  }
0x7b: {  	_ =	shalt  }
0x7c: {  	_ =	shalt  }
0x7d: {  	_ =	shalt  }
0x7e: {  	_ =	shalt  }
0x7f: {  	_ =	shalt  }
0x80: {  	_ =	shalt  }
0x81: {  	_ =	shalt  }
0x82: {  	_ =	shalt  }
0x83: {  	_ =	shalt  }
0x84: {  	_ =	shalt  }
0x85: {  	_ =	shalt  }
0x86: {  	_ =	shalt  }
0x87: {  	_ =	shalt  }
.Lfunc_end0:
.L_simem_size_0:
called_computation.2_lowered:
.L_overlay_start_0:
0x88: {  	s2 =	sld [smem:$0x3FD9]  }
0x89: {  	s3 =	sld [smem:$0x3FFE];
	_ =	sdelay $0x1  }
0x8a: {  	s1 =	srdreg.scid  }
0x8b: {  	s0 =	sand.u32 $0x1, s1  }
0x8c: {  	s16 =	sshll.u32 s0, $0xA;
	s2 =	sadd.s32 s3, s2  }
0x8d: {  	s2 =	sadd.s32 s2, s16  }
0x8e: {  	[smem:$0x3FBE] =	sst s2  }
0x8f: {  	_ = 	snop  }
0x90: {  	(tm) =	ssettm $0x1  }
0x91: {  	s17 =	sld [smem:$0x3FFB];
	_ =	sdelay $0x3  }
0x92: {  	_ =	strace s17  }
0x93: {  	s2 =	sld [smem:$0x3FFC];
	_ =	sdelay $0x3  }
0x94: {  	_ =	strace s2  }
0x95: {  	s2 =	sld [smem:$0x3FFD];
	_ =	sdelay $0x3  }
0x96: {  	_ =	strace s2  }
0x97: {  	_ =	strace $0x8FFFFFFF  }
0x98: {  	s18 =	sld [smem:$0x3FDB];
	_ =	sdelay $0x1  }
0x99: {  	s19 =	simm.s32 $_scs_section_size  }
0x9a: {  	s4 =	simm.s32 $_size__tile_overlayer_lowered;
	s5 =	simm.s32 $_tile_overlayer_lowered  }
0x9b: {  	s22 =	simm.s32 $0x1BFF;
	s21 =	sshll.u32 s5, $0x1;
	s2 =	sadd.s32 s19, s18  }
0x9c: {  	s6 =	simm.s32 $0x0;
	s20 =	sshll.u32 s4, $0x1;
	s4 =	sadd.s32 s21, s2  }
0x9d: {  	[timem:s6], [sflag:s22] =	dma.local [hbm:s4], s20  }
0x9e: {  	_ =	swait.ge [sflag:s22], s20  }
0x9f: {  	s3 =	ssub.s32 $0x0, s20;
	[sflag:s22] =	ssyncset.done $0x0  }
0xa0: {  	[sflag:s22] =	ssyncadd.s32 s3;
	_ =	sdelay $0x1  }
0xa1: {  	s23 =	simm.s32 $0x1B8B  }
0xa2: {  	_ =	swait.ge [sflag:s23], $0x1  }
0xa3: {  	[sflag:s23] =	ssyncset.done $0x0  }
0xa4: {  	s25 =	simm.s32 $0x1B8E;
	s24 =	sld [smem:$0x3FFE];
	[sflag:s23] =	ssyncadd.s32 $0xFFFFFFFF  }
0xa5: {  	s26 =	simm.s32 $execute0_lowered;
	[smem:$0x3FD2] =	sst s25  }
0xa6: {  	s4 =	sshll.u32 s26, $0x1;
	_ =	strace $0x80000046;
	[dreg:$0x1] =	wrdreg $0xFFFFFFFF  }
0xa7: {  	s28 =	simm.s32 $_size_execute0_lowered;
	s2 =	sadd.s32 s2, s4;
	[dreg:$0x0] =	wrdreg $0x0  }
0xa8: {  	s4 =	sshll.u32 s28, $0x1;
	[dreg:$0x2] =	wrdreg s2  }
0xa9: {  	[dreg:$0x3] =	wrdreg s4  }
0xaa: {  	[dreg:$0x4] =	wrdreg $0xC0  }
0xab: {  	_ =	task [dreg:s6], $0x5FFFF  }
0xac: {  	[dreg:$0x1] =	wrdreg $0xFFFFFFFF  }
0xad: {  	[dreg:$0x0] =	wrdreg $0x60  }
0xae: {  	[dreg:$0x2] =	wrdreg s24  }
0xaf: {  	[dreg:$0x3] =	wrdreg $0xB  }
0xb0: {  	_ =	task.clear_ibuf [dreg:s6], $0x4FFFF;
	_ =	strace $0x90000046  }
0xb1: {  	s29 =	simm.s32 $0xB;
	_ =	strace $0x80000048  }
0xb2: {  	_ =	swait.ge [sflag:s29], $0x1  }
0xb3: {  	[sflag:s29] =	ssyncadd.s32 $0xFFFFFFFF  }
0xb4: {  	_ =	strace $0x90000048  }
0xb5: {  	_ =	sfence  }
0xb6: {  	s30 =	sld [smem:$0x0];
	_ =	sdelay $0x2  }
0xb7: {  	s31 =	sshll.u32 s1, $0xD;
	s1 =	sshrl.u32 s1, $0x2  }
0xb8: {  	s3 =	sand.u32 $0x4000, s31;
	s1 =	sadd.s32 s1, s30  }
0xb9: {  	s0 =	sor.u32 s3, s0;
	s1 =	sshll.u32 s1, $0x11  }
0xba: {  	s0 =	sor.u32 s1, s0  }
0xbb: {  	s0 =	sadd.s32 $0x8F2B, s0  }
0xbc: {  	[sflag:s0] =	ssyncadd.remote.s32 $0x1  }
0xbd: {  	_ =	sfence.sel $0xFFFF  }
0xbe: {  	[dreg:$0x0] =	wrdreg $0xFFFFFFFF;
	(pc) =	sbr.abs _section_cstart, $3  }
0xbf: {  	[dreg:$0x1] =	wrdreg $0xFFFFFFFF  }
0xc0: {  	_ =	task.clear_ibuf [dreg:s6], $0x2FFFF;
	_ =	strace $0x9FFFFFFF  }
0xc1: {  	(tm) =	ssettm $0x7FFFFFFF  }
tec
execute0_lowered:
.L_overlay_start_1:
0x0: {  	(tag) =	ssettag $0x1  }
0x1: {  	s0 =	srdreg.scid  }
0x2: {  	s1 =	stileid.u32;
	s4 =	rddreg [dreg:$0x0];
	s7 =	simm.s32 $0x1  }
0x3: {  	s8 =	simm.s32 $0x80;
	s10 =	simm.s32 $0x48;
	s13 =	simm.s32 $0x9600  }
0x4: {  	s14 =	simm.s32 $0x148;
	s15 =	simm.s32 $0xB600;
	s16 =	simm.s32 $0x190  }
0x5: {  	s17 =	simm.s32 $0xC800;
	s18 =	simm.s32 $0x210;
	s19 =	simm.s32 $0xE800  }
0x6: {  	s20 =	simm.s32 $0xFA00;
	s21 =	simm.s32 $0x11A00;
	s22 =	simm.s32 $0x2  }
0x7: {  	s23 =	simm.s32 $0x3;
	s24 =	simm.s32 $0x4;
	s25 =	simm.s32 $0x5  }
0x8: {  	s26 =	simm.s32 $0x12C00;
	s28 =	simm.s32 $0x6;
	s0 =	sand.u32 $0x1, s0  }
0x9: {  	s29 =	simm.s32 $0x0;
	s1 =	sshll.u32 s1, $0x8;
	s2 =	sshll.u32 s0, $0x7  }
0xa: {  	s0 =	ssub.s32 $0x2, s0;
	s1 =	sor.u32 s2, s1;
	s2 =	simm.s32 $0x0  }
0xb: {  	s6 =	sshrl.u32 s0, $0x1;
	s3 =	smul.u32 $0x19, s1;
	[smem:$0x7FF] =	sst s2  }
0xc: {  	s1 =	sshll.u32 s1, $0x3;
	s0 =	ssub.s32 s0, s6;
	_ =	strace $0x80000047  }
0xd: {  	s1 =	sadd.s32 s1, s4;
	s6 =	smax.u32 s0, $0x1;
	s5 =	sadd.s32 s3, s4  }
0xe: {  	s3 =	sadd.s32 $0xF43E00, s4;
	s4 =	sadd.s32 $0x1A00, s5;
	s5 =	sadd.s32 $0x1AA00, s1  }
.LBB2_1:
0xf: {  	[tilespmem:s2], [sflag:$0x1] =	stream.linear.gather [hbm4b:s4+s2], $0x6400, $0x38;
	[tilespmem:$0x14C00] =	vst v63  }
0x10: {  	_ =	swait.ge [sflag:s7], $0x6400  }
0x11: {  	[sflag:s7] =	ssyncset.done $0x0  }
0x12: {  	s0 =	simm.s32 $0x6400;
	[sflag:s7] =	ssyncadd.s32 $0xFFFF9C00  }
0x13: {  	[tilespmem:s0], [sflag:$0x2] =	stream.indirect.gather [hbm4b:s3+s8], $0x40, s2, s8, $0xb8;
	[tilespmem:$0x14C00] =	vst v63  }
0x14: {  	s12 =	simm.s32 $0x8400  }
0x15: {  	[tilespmem:s12], [sflag:$0x2] =	stream.indirect.gather [hbm4b:s3+s10], $0x40, s8, s10, $0xb8;
	[tilespmem:$0x14C00] =	vst v63  }
0x16: {  	s31 =	simm.s32 $0xC8  }
0x17: {  	[tilespmem:s13], [sflag:$0x3] =	stream.indirect.gather [hbm4b:s3+s8], $0x40, s31, s8, $0xb8;
	[tilespmem:$0x14C00] =	vst v63  }
0x18: {  	_ = 	snop  }
0x19: {  	[tilespmem:s15], [sflag:$0x3] =	stream.indirect.gather [hbm4b:s3+s10], $0x40, s14, s10, $0xb8;
	[tilespmem:$0x14C00] =	vst v63  }
0x1a: {  	_ = 	snop  }
0x1b: {  	[tilespmem:s17], [sflag:$0x4] =	stream.indirect.gather [hbm4b:s3+s8], $0x40, s16, s8, $0xb8;
	[tilespmem:$0x14C00] =	vst v63  }
0x1c: {  	s30 =	simm.s32 $0x0  }
0x1d: {  	[tilespmem:s19], [sflag:$0x4] =	stream.indirect.gather [hbm4b:s3+s10], $0x40, s18, s10, $0xb8;
	[tilespmem:$0x14C00] =	vst v63  }
.LBB2_2:
0x1e: {  	s31 =	sshllo.u32 s30, $0x2  }
0x1f: {  	s0 =	smul.u32 $0x320, s31;
	_ =	sdelay $0x1  }
0x20: {  	s0 =	sshra.s32 s0, $0x2  }
0x21: {  	[tilespmem:s20], [sflag:$0x5] =	stream.indirect.gather [hbm4b:s3+s8], $0x40, s0, s8, $0xb8;
	[tilespmem:$0x14C00] =	vst v63  }
0x22: {  	s0 =	sadd.s32 $0x80, s0  }
0x23: {  	[tilespmem:s21], [sflag:$0x5] =	stream.indirect.gather [hbm4b:s3+s10], $0x40, s0, s10, $0xb8;
	[tilespmem:$0x14C00] =	vst v63  }
0x24: {  	_ =	swait.ge [sflag:s22], $0x2000  }
0x25: {  	[sflag:s22] =	ssyncset.done $0x0  }
0x26: {  	[sflag:s22] =	ssyncadd.s32 $0xFFFFE000  }
0x27: {  	_ =	swait.ge [sflag:s22], $0x1200  }
0x28: {  	[sflag:s22] =	ssyncset.done $0x0  }
0x29: {  	s0 =	simm.s32 $0x0;
	[sflag:s22] =	ssyncadd.s32 $0xFFFFEE00  }
0x2a: {  	v0 =	vld [tilespmem:s0+$0x65C0]  }
0x2b: {  	v1 =	vld [tilespmem:s0+$0x65D0]  }
0x2c: {  	v2 =	vld [tilespmem:s0+$0x6580]  }
0x2d: {  	v3 =	vld [tilespmem:s0+$0x6590]  }
0x2e: {  	v4 =	vld [tilespmem:s0+$0x6540]  }
0x2f: {  	v5 =	vld [tilespmem:s0+$0x6550]  }
0x30: {  	v6 =	vld [tilespmem:s0+$0x6500]  }
0x31: {  	v7 =	vld [tilespmem:s0+$0x6510]  }
0x32: {  	v9 =	vld [tilespmem:s0+$0x64C0]  }
0x33: {  	v8 =	vld [tilespmem:s0+$0x64D0]  }
0x34: {  	v11 =	vld [tilespmem:s0+$0x6480]  }
0x35: {  	v10 =	vld [tilespmem:s0+$0x6490]  }
0x36: {  	v17 =	vld [tilespmem:s0+$0x6440]  }
0x37: {  	v16 =	vld [tilespmem:s0+$0x6450]  }
0x38: {  	v19 =	vld [tilespmem:s0+$0x6400]  }
0x39: {  	v12 =	vimm.f32 $0.0e+00;
	v20 =	vld [tilespmem:s0+$0x6410]  }
0x3a: {  	s1 =	simm.s32 $0x800;
	v15 =	vimm.f32 $0.0e+00;
	v14 =	vimm.f32 $0.0e+00;
	v13 =	vimm.f32 $0.0e+00;
	v18 =	vld [tilespmem:s0+$0x6420]  }
.LBB2_3:
0x3b: {  	p0 =	sne.s32 s1, $0xC000;
	v21 =	vld [tilespmem:s0+$0x6430]  }
0x3c: {  	v22 =	vld [tilespmem:s0+$0x6460]  }
0x3d: {  	v23 =	vld [tilespmem:s0+$0x6470]  }
0x3e: {  	v24 =	vld [tilespmem:s0+$0x64A0]  }
0x3f: {  	v12 =	vadd.f32 v19, v12;
	v15 =	vadd.f32 v20, v15;
	v19 =	vld [tilespmem:s0+$0x64B0]  }
0x40: {  	v14 =	vadd.f32 v18, v14;
	v13 =	vadd.f32 v21, v13;
	v18 =	vld [tilespmem:s0+$0x64E0]  }
0x41: {  	v12 =	vadd.f32 v17, v12;
	v15 =	vadd.f32 v16, v15;
	v16 =	vld [tilespmem:s0+$0x64F0]  }
0x42: {  	v14 =	vadd.f32 v22, v14;
	v13 =	vadd.f32 v23, v13;
	v17 =	vld [tilespmem:s0+$0x6520]  }
0x43: {  	v11 =	vadd.f32 v11, v12;
	v10 =	vadd.f32 v10, v15;
	v12 =	vld [tilespmem:s0+$0x6530]  }
0x44: {  	v14 =	vadd.f32 v24, v14;
	v13 =	vadd.f32 v19, v13;
	v15 =	vld [tilespmem:s0+$0x6560]  }
0x45: {  	v9 =	vadd.f32 v9, v11;
	v8 =	vadd.f32 v8, v10;
	v10 =	vld [tilespmem:s0+$0x6570]  }
0x46: {  	v11 =	vadd.f32 v18, v14;
	v13 =	vadd.f32 v16, v13;
	v14 =	vld [tilespmem:s0+$0x65A0]  }
0x47: {  	v6 =	vadd.f32 v6, v9;
	v7 =	vadd.f32 v7, v8;
	v8 =	vld [tilespmem:s0+$0x65B0]  }
0x48: {  	v9 =	vadd.f32 v17, v11;
	v11 =	vadd.f32 v12, v13;
	v13 =	vld [tilespmem:s0+$0x65E0]  }
0x49: {  	v4 =	vadd.f32 v4, v6;
	v5 =	vadd.f32 v5, v7;
	v6 =	vld [tilespmem:s0+$0x65F0];
	s0 =	sshra.s32 s1, $0x2  }
0x4a: {  	v9 =	vadd.f32 v15, v9;
	v7 =	vld [tilespmem:s0+$0x65C0];
	v10 =	vadd.f32 v10, v11  }
0x4b: {  	v4 =	vadd.f32 v2, v4;
	v5 =	vadd.f32 v3, v5;
	v11 =	vld [tilespmem:s0+$0x65D0]  }
0x4c: {  	v9 =	vadd.f32 v14, v9;
	v2 =	vld [tilespmem:s0+$0x6580];
	v8 =	vadd.f32 v8, v10  }
0x4d: {  	v12 =	vadd.f32 v0, v4;
	v15 =	vadd.f32 v1, v5;
	v3 =	vld [tilespmem:s0+$0x6590]  }
0x4e: {  	v14 =	vadd.f32 v13, v9;
	v4 =	vld [tilespmem:s0+$0x6540];
	v13 =	vadd.f32 v6, v8  }
0x4f: {  	v5 =	vld [tilespmem:s0+$0x6550];
	v0 =	vmov v7  }
0x50: {  	v6 =	vld [tilespmem:s0+$0x6500];
	v1 =	vmov v11  }
0x51: {  	v7 =	vld [tilespmem:s0+$0x6510]  }
0x52: {  	v9 =	vld [tilespmem:s0+$0x64C0]  }
0x53: {  	v8 =	vld [tilespmem:s0+$0x64D0]  }
0x54: {  	v11 =	vld [tilespmem:s0+$0x6480]  }
0x55: {  	v10 =	vld [tilespmem:s0+$0x6490]  }
.Ltmp0:
0x56: {  	v17 =	vld [tilespmem:s0+$0x6440];
	(pc) =	sbr.rel @p0 .LBB2_3-.Ltmp0, $4  }
0x57: {  	v16 =	vld [tilespmem:s0+$0x6450]  }
0x58: {  	v19 =	vld [tilespmem:s0+$0x6400]  }
0x59: {  	v20 =	vld [tilespmem:s0+$0x6410]  }
0x5a: {  	s1 =	sadd.s32 $0x800, s1;
	v18 =	vld [tilespmem:s0+$0x6420]  }
0x5b: {  	v21 =	vld [tilespmem:s0+$0x6430]  }
0x5c: {  	v22 =	vld [tilespmem:s0+$0x6460]  }
0x5d: {  	v23 =	vld [tilespmem:s0+$0x6470];
	v12 =	vadd.f32 v19, v12  }
0x5e: {  	v19 =	vld [tilespmem:s0+$0x64A0];
	v15 =	vadd.f32 v20, v15  }
0x5f: {  	v20 =	vld [tilespmem:s0+$0x64B0];
	v14 =	vadd.f32 v18, v14;
	v12 =	vadd.f32 v17, v12  }
0x60: {  	v17 =	vld [tilespmem:s0+$0x64E0];
	v13 =	vadd.f32 v21, v13;
	v15 =	vadd.f32 v16, v15  }
0x61: {  	v16 =	vld [tilespmem:s0+$0x64F0];
	v14 =	vadd.f32 v22, v14;
	v11 =	vadd.f32 v11, v12  }
0x62: {  	v12 =	vadd.f32 v23, v13;
	v13 =	vld [tilespmem:s0+$0x6520];
	v10 =	vadd.f32 v10, v15  }
0x63: {  	v15 =	vld [tilespmem:s0+$0x6530];
	v14 =	vadd.f32 v19, v14;
	v9 =	vadd.f32 v9, v11  }
0x64: {  	v11 =	vadd.f32 v20, v12;
	v12 =	vld [tilespmem:s0+$0x6560];
	v8 =	vadd.f32 v8, v10  }
0x65: {  	v10 =	vld [tilespmem:s0+$0x6570];
	v14 =	vadd.f32 v17, v14;
	v6 =	vadd.f32 v6, v9  }
0x66: {  	v9 =	vadd.f32 v16, v11;
	v11 =	vld [tilespmem:s0+$0x65A0];
	v7 =	vadd.f32 v7, v8  }
0x67: {  	v8 =	vld [tilespmem:s0+$0x65B0];
	v13 =	vadd.f32 v13, v14;
	v4 =	vadd.f32 v4, v6  }
0x68: {  	v6 =	vadd.f32 v15, v9;
	v9 =	vld [tilespmem:s0+$0x65E0];
	v5 =	vadd.f32 v5, v7  }
0x69: {  	v7 =	vld [tilespmem:s0+$0x65F0];
	v12 =	vadd.f32 v12, v13;
	v2 =	vadd.f32 v2, v4  }
0x6a: {  	v4 =	vadd.f32 v10, v6;
	v3 =	vadd.f32 v3, v5  }
0x6b: {  	s12 =	sshll.u32 s30, $0x8;
	v5 =	vadd.f32 v11, v12;
	v0 =	vadd.f32 v0, v2  }
0x6c: {  	p0 =	seq.s32 s30, $0x1F;
	s1 =	sand.u32 $0x3FFFFF00, s12;
	v2 =	vadd.f32 v8, v4;
	v1 =	vadd.f32 v1, v3  }
0x6d: {  	s0 =	smul.u32 @!p0 $0xC80, s30;
	v3 =	vadd.f32 v9, v5;
	[tilespmem:s1+$0x12C00] =	vst v0  }
0x6e: {  	v0 =	vadd.f32 v7, v2;
	[tilespmem:s1+$0x12C10] =	vst v1  }
0x6f: {  	s0 =	sshra.s32 @!p0 s0, $0x2;
	[tilespmem:s1+$0x12C20] =	vst v3  }
0x70: {  	s11 =	simm.s32 @!p0 $0x80;
	s12 =	simm.s32 @!p0 $0x6400;
	s9 =	sadd.s32 @!p0 $0x320, s0;
	[tilespmem:s1+$0x12C30] =	vst v0  }
0x71: {  	[tilespmem:s12], [sflag:$0x2] =	stream.indirect.gather @!p0 [hbm4b:s3+s11], $0x40, s9, s11, $0xb8;
	[tilespmem:$0x14C00] =	vst v63  }
0x72: {  	s9 =	sadd.s32 @!p0 $0x3A0, s0;
	s11 =	simm.s32 @!p0 $0x48;
	s12 =	simm.s32 @!p0 $0x8400  }
0x73: {  	[tilespmem:s12], [sflag:$0x2] =	stream.indirect.gather @!p0 [hbm4b:s3+s11], $0x40, s9, s11, $0xb8;
	[tilespmem:$0x14C00] =	vst v63  }
0x74: {  	_ =	swait.ge [sflag:s23], $0x2000  }
0x75: {  	[sflag:s23] =	ssyncset.done $0x0  }
0x76: {  	[sflag:s23] =	ssyncadd.s32 $0xFFFFE000  }
0x77: {  	_ =	swait.ge [sflag:s23], $0x1200  }
0x78: {  	[sflag:s23] =	ssyncset.done $0x0  }
0x79: {  	s9 =	simm.s32 $0x0;
	[sflag:s23] =	ssyncadd.s32 $0xFFFFEE00  }
0x7a: {  	v0 =	vld [tilespmem:s9+$0x97C0]  }
0x7b: {  	v1 =	vld [tilespmem:s9+$0x97D0]  }
0x7c: {  	v2 =	vld [tilespmem:s9+$0x9780]  }
0x7d: {  	v3 =	vld [tilespmem:s9+$0x9790]  }
0x7e: {  	v4 =	vld [tilespmem:s9+$0x9740]  }
0x7f: {  	v5 =	vld [tilespmem:s9+$0x9750]  }
0x80: {  	v6 =	vld [tilespmem:s9+$0x9700]  }
0x81: {  	v7 =	vld [tilespmem:s9+$0x9710]  }
0x82: {  	v9 =	vld [tilespmem:s9+$0x96C0]  }
0x83: {  	v8 =	vld [tilespmem:s9+$0x96D0]  }
0x84: {  	v11 =	vld [tilespmem:s9+$0x9680]  }
0x85: {  	v10 =	vld [tilespmem:s9+$0x9690]  }
0x86: {  	v17 =	vld [tilespmem:s9+$0x9640]  }
0x87: {  	v16 =	vld [tilespmem:s9+$0x9650]  }
0x88: {  	v19 =	vld [tilespmem:s9+$0x9600]  }
0x89: {  	v14 =	vimm.f32 $0.0e+00;
	v20 =	vld [tilespmem:s9+$0x9610]  }
0x8a: {  	v15 =	vimm.f32 $0.0e+00;
	v13 =	vimm.f32 $0.0e+00;
	v12 =	vimm.f32 $0.0e+00;
	s11 =	simm.s32 $0x800;
	v18 =	vld [tilespmem:s9+$0x9620]  }
.LBB2_5:
0x8b: {  	p1 =	sne.s32 s11, $0xC000;
	v21 =	vld [tilespmem:s9+$0x9630]  }
0x8c: {  	v22 =	vld [tilespmem:s9+$0x9660]  }
0x8d: {  	v23 =	vld [tilespmem:s9+$0x9670]  }
0x8e: {  	v24 =	vld [tilespmem:s9+$0x96A0]  }
0x8f: {  	v12 =	vadd.f32 v19, v12;
	v15 =	vadd.f32 v20, v15;
	v19 =	vld [tilespmem:s9+$0x96B0]  }
0x90: {  	v14 =	vadd.f32 v18, v14;
	v13 =	vadd.f32 v21, v13;
	v18 =	vld [tilespmem:s9+$0x96E0]  }
0x91: {  	v12 =	vadd.f32 v17, v12;
	v15 =	vadd.f32 v16, v15;
	v16 =	vld [tilespmem:s9+$0x96F0]  }
0x92: {  	v14 =	vadd.f32 v22, v14;
	v13 =	vadd.f32 v23, v13;
	v17 =	vld [tilespmem:s9+$0x9720]  }
0x93: {  	v11 =	vadd.f32 v11, v12;
	v10 =	vadd.f32 v10, v15;
	v12 =	vld [tilespmem:s9+$0x9730]  }
0x94: {  	v14 =	vadd.f32 v24, v14;
	v13 =	vadd.f32 v19, v13;
	v15 =	vld [tilespmem:s9+$0x9760]  }
0x95: {  	v9 =	vadd.f32 v9, v11;
	v8 =	vadd.f32 v8, v10;
	v10 =	vld [tilespmem:s9+$0x9770]  }
0x96: {  	v11 =	vadd.f32 v18, v14;
	v13 =	vadd.f32 v16, v13;
	v14 =	vld [tilespmem:s9+$0x97A0]  }
0x97: {  	v6 =	vadd.f32 v6, v9;
	v7 =	vadd.f32 v7, v8;
	v8 =	vld [tilespmem:s9+$0x97B0]  }
0x98: {  	v9 =	vadd.f32 v17, v11;
	v11 =	vadd.f32 v12, v13;
	v13 =	vld [tilespmem:s9+$0x97E0]  }
0x99: {  	v4 =	vadd.f32 v4, v6;
	v5 =	vadd.f32 v5, v7;
	v6 =	vld [tilespmem:s9+$0x97F0];
	s9 =	sshra.s32 s11, $0x2  }
0x9a: {  	v9 =	vadd.f32 v15, v9;
	v7 =	vld [tilespmem:s9+$0x97C0];
	v10 =	vadd.f32 v10, v11  }
0x9b: {  	v4 =	vadd.f32 v2, v4;
	v5 =	vadd.f32 v3, v5;
	v11 =	vld [tilespmem:s9+$0x97D0]  }
0x9c: {  	v9 =	vadd.f32 v14, v9;
	v2 =	vld [tilespmem:s9+$0x9780];
	v8 =	vadd.f32 v8, v10  }
0x9d: {  	v12 =	vadd.f32 v0, v4;
	v15 =	vadd.f32 v1, v5;
	v3 =	vld [tilespmem:s9+$0x9790]  }
0x9e: {  	v14 =	vadd.f32 v13, v9;
	v4 =	vld [tilespmem:s9+$0x9740];
	v13 =	vadd.f32 v6, v8  }
0x9f: {  	v5 =	vld [tilespmem:s9+$0x9750];
	v0 =	vmov v7  }
0xa0: {  	v6 =	vld [tilespmem:s9+$0x9700];
	v1 =	vmov v11  }
0xa1: {  	v7 =	vld [tilespmem:s9+$0x9710]  }
0xa2: {  	v9 =	vld [tilespmem:s9+$0x96C0]  }
0xa3: {  	v8 =	vld [tilespmem:s9+$0x96D0]  }
0xa4: {  	v11 =	vld [tilespmem:s9+$0x9680]  }
0xa5: {  	v10 =	vld [tilespmem:s9+$0x9690]  }
.Ltmp1:
0xa6: {  	v17 =	vld [tilespmem:s9+$0x9640];
	(pc) =	sbr.rel @p1 .LBB2_5-.Ltmp1, $4  }
0xa7: {  	v16 =	vld [tilespmem:s9+$0x9650]  }
0xa8: {  	v19 =	vld [tilespmem:s9+$0x9600]  }
0xa9: {  	v20 =	vld [tilespmem:s9+$0x9610]  }
0xaa: {  	s11 =	sadd.s32 $0x800, s11;
	v18 =	vld [tilespmem:s9+$0x9620]  }
0xab: {  	v21 =	vld [tilespmem:s9+$0x9630]  }
0xac: {  	v22 =	vld [tilespmem:s9+$0x9660]  }
0xad: {  	v23 =	vld [tilespmem:s9+$0x9670];
	v12 =	vadd.f32 v19, v12  }
0xae: {  	v19 =	vld [tilespmem:s9+$0x96A0];
	v15 =	vadd.f32 v20, v15  }
0xaf: {  	v20 =	vld [tilespmem:s9+$0x96B0];
	v14 =	vadd.f32 v18, v14;
	v12 =	vadd.f32 v17, v12  }
0xb0: {  	v17 =	vld [tilespmem:s9+$0x96E0];
	v13 =	vadd.f32 v21, v13;
	v15 =	vadd.f32 v16, v15  }
0xb1: {  	v16 =	vld [tilespmem:s9+$0x96F0];
	v14 =	vadd.f32 v22, v14;
	v11 =	vadd.f32 v11, v12  }
0xb2: {  	v12 =	vadd.f32 v23, v13;
	v13 =	vld [tilespmem:s9+$0x9720];
	v10 =	vadd.f32 v10, v15  }
0xb3: {  	v15 =	vld [tilespmem:s9+$0x9730];
	v14 =	vadd.f32 v19, v14;
	v9 =	vadd.f32 v9, v11  }
0xb4: {  	v11 =	vadd.f32 v20, v12;
	v12 =	vld [tilespmem:s9+$0x9760];
	v8 =	vadd.f32 v8, v10  }
0xb5: {  	v10 =	vld [tilespmem:s9+$0x9770];
	v14 =	vadd.f32 v17, v14;
	v6 =	vadd.f32 v6, v9  }
0xb6: {  	v9 =	vadd.f32 v16, v11;
	v11 =	vld [tilespmem:s9+$0x97A0];
	v7 =	vadd.f32 v7, v8  }
0xb7: {  	v8 =	vld [tilespmem:s9+$0x97B0];
	v13 =	vadd.f32 v13, v14;
	v4 =	vadd.f32 v4, v6  }
0xb8: {  	v6 =	vadd.f32 v15, v9;
	v9 =	vld [tilespmem:s9+$0x97E0];
	v5 =	vadd.f32 v5, v7  }
0xb9: {  	v7 =	vld [tilespmem:s9+$0x97F0];
	v12 =	vadd.f32 v12, v13;
	v2 =	vadd.f32 v2, v4  }
0xba: {  	v4 =	vadd.f32 v10, v6;
	v3 =	vadd.f32 v3, v5  }
0xbb: {  	v5 =	vadd.f32 v11, v12;
	v0 =	vadd.f32 v0, v2  }
0xbc: {  	v2 =	vadd.f32 v8, v4;
	v1 =	vadd.f32 v1, v3  }
0xbd: {  	v3 =	vadd.f32 v9, v5;
	[tilespmem:s1+$0x12C40] =	vst v0  }
0xbe: {  	v0 =	vadd.f32 v7, v2;
	[tilespmem:s1+$0x12C50] =	vst v1  }
0xbf: {  	[tilespmem:s1+$0x12C60] =	vst v3  }
0xc0: {  	s11 =	simm.s32 @!p0 $0x80;
	s12 =	simm.s32 @!p0 $0x9600;
	s9 =	sadd.s32 @!p0 $0x3E8, s0;
	[tilespmem:s1+$0x12C70] =	vst v0  }
0xc1: {  	[tilespmem:s12], [sflag:$0x3] =	stream.indirect.gather @!p0 [hbm4b:s3+s11], $0x40, s9, s11, $0xb8;
	[tilespmem:$0x14C00] =	vst v63  }
0xc2: {  	s9 =	sadd.s32 @!p0 $0x468, s0;
	s11 =	simm.s32 @!p0 $0x48;
	s12 =	simm.s32 @!p0 $0xB600  }
0xc3: {  	[tilespmem:s12], [sflag:$0x3] =	stream.indirect.gather @!p0 [hbm4b:s3+s11], $0x40, s9, s11, $0xb8;
	[tilespmem:$0x14C00] =	vst v63  }
0xc4: {  	_ =	swait.ge [sflag:s24], $0x2000  }
0xc5: {  	[sflag:s24] =	ssyncset.done $0x0  }
0xc6: {  	[sflag:s24] =	ssyncadd.s32 $0xFFFFE000  }
0xc7: {  	_ =	swait.ge [sflag:s24], $0x1200  }
0xc8: {  	[sflag:s24] =	ssyncset.done $0x0  }
0xc9: {  	s9 =	simm.s32 $0x0;
	[sflag:s24] =	ssyncadd.s32 $0xFFFFEE00  }
0xca: {  	v0 =	vld [tilespmem:s9+$0xC9C0]  }
0xcb: {  	v1 =	vld [tilespmem:s9+$0xC9D0]  }
0xcc: {  	v2 =	vld [tilespmem:s9+$0xC980]  }
0xcd: {  	v3 =	vld [tilespmem:s9+$0xC990]  }
0xce: {  	v4 =	vld [tilespmem:s9+$0xC940]  }
0xcf: {  	v5 =	vld [tilespmem:s9+$0xC950]  }
0xd0: {  	v6 =	vld [tilespmem:s9+$0xC900]  }
0xd1: {  	v7 =	vld [tilespmem:s9+$0xC910]  }
0xd2: {  	v9 =	vld [tilespmem:s9+$0xC8C0]  }
0xd3: {  	v8 =	vld [tilespmem:s9+$0xC8D0]  }
0xd4: {  	v11 =	vld [tilespmem:s9+$0xC880]  }
0xd5: {  	v10 =	vld [tilespmem:s9+$0xC890]  }
0xd6: {  	v17 =	vld [tilespmem:s9+$0xC840]  }
0xd7: {  	v16 =	vld [tilespmem:s9+$0xC850]  }
0xd8: {  	v19 =	vld [tilespmem:s9+$0xC800]  }
0xd9: {  	v14 =	vimm.f32 $0.0e+00;
	v20 =	vld [tilespmem:s9+$0xC810]  }
0xda: {  	v15 =	vimm.f32 $0.0e+00;
	v13 =	vimm.f32 $0.0e+00;
	v12 =	vimm.f32 $0.0e+00;
	s11 =	simm.s32 $0x800;
	v18 =	vld [tilespmem:s9+$0xC820]  }
.LBB2_7:
0xdb: {  	p1 =	sne.s32 s11, $0xC000;
	v21 =	vld [tilespmem:s9+$0xC830]  }
0xdc: {  	v22 =	vld [tilespmem:s9+$0xC860]  }
0xdd: {  	v23 =	vld [tilespmem:s9+$0xC870]  }
0xde: {  	v24 =	vld [tilespmem:s9+$0xC8A0]  }
0xdf: {  	v12 =	vadd.f32 v19, v12;
	v15 =	vadd.f32 v20, v15;
	v19 =	vld [tilespmem:s9+$0xC8B0]  }
0xe0: {  	v14 =	vadd.f32 v18, v14;
	v13 =	vadd.f32 v21, v13;
	v18 =	vld [tilespmem:s9+$0xC8E0]  }
0xe1: {  	v12 =	vadd.f32 v17, v12;
	v15 =	vadd.f32 v16, v15;
	v16 =	vld [tilespmem:s9+$0xC8F0]  }
0xe2: {  	v14 =	vadd.f32 v22, v14;
	v13 =	vadd.f32 v23, v13;
	v17 =	vld [tilespmem:s9+$0xC920]  }
0xe3: {  	v11 =	vadd.f32 v11, v12;
	v10 =	vadd.f32 v10, v15;
	v12 =	vld [tilespmem:s9+$0xC930]  }
0xe4: {  	v14 =	vadd.f32 v24, v14;
	v13 =	vadd.f32 v19, v13;
	v15 =	vld [tilespmem:s9+$0xC960]  }
0xe5: {  	v9 =	vadd.f32 v9, v11;
	v8 =	vadd.f32 v8, v10;
	v10 =	vld [tilespmem:s9+$0xC970]  }
0xe6: {  	v11 =	vadd.f32 v18, v14;
	v13 =	vadd.f32 v16, v13;
	v14 =	vld [tilespmem:s9+$0xC9A0]  }
0xe7: {  	v6 =	vadd.f32 v6, v9;
	v7 =	vadd.f32 v7, v8;
	v8 =	vld [tilespmem:s9+$0xC9B0]  }
0xe8: {  	v9 =	vadd.f32 v17, v11;
	v11 =	vadd.f32 v12, v13;
	v13 =	vld [tilespmem:s9+$0xC9E0]  }
0xe9: {  	v4 =	vadd.f32 v4, v6;
	v5 =	vadd.f32 v5, v7;
	v6 =	vld [tilespmem:s9+$0xC9F0];
	s9 =	sshra.s32 s11, $0x2  }
0xea: {  	v9 =	vadd.f32 v15, v9;
	v7 =	vld [tilespmem:s9+$0xC9C0];
	v10 =	vadd.f32 v10, v11  }
0xeb: {  	v4 =	vadd.f32 v2, v4;
	v5 =	vadd.f32 v3, v5;
	v11 =	vld [tilespmem:s9+$0xC9D0]  }
0xec: {  	v9 =	vadd.f32 v14, v9;
	v2 =	vld [tilespmem:s9+$0xC980];
	v8 =	vadd.f32 v8, v10  }
0xed: {  	v12 =	vadd.f32 v0, v4;
	v15 =	vadd.f32 v1, v5;
	v3 =	vld [tilespmem:s9+$0xC990]  }
0xee: {  	v14 =	vadd.f32 v13, v9;
	v4 =	vld [tilespmem:s9+$0xC940];
	v13 =	vadd.f32 v6, v8  }
0xef: {  	v5 =	vld [tilespmem:s9+$0xC950];
	v0 =	vmov v7  }
0xf0: {  	v6 =	vld [tilespmem:s9+$0xC900];
	v1 =	vmov v11  }
0xf1: {  	v7 =	vld [tilespmem:s9+$0xC910]  }
0xf2: {  	v9 =	vld [tilespmem:s9+$0xC8C0]  }
0xf3: {  	v8 =	vld [tilespmem:s9+$0xC8D0]  }
0xf4: {  	v11 =	vld [tilespmem:s9+$0xC880]  }
0xf5: {  	v10 =	vld [tilespmem:s9+$0xC890]  }
.Ltmp2:
0xf6: {  	v17 =	vld [tilespmem:s9+$0xC840];
	(pc) =	sbr.rel @p1 .LBB2_7-.Ltmp2, $4  }
0xf7: {  	v16 =	vld [tilespmem:s9+$0xC850]  }
0xf8: {  	v19 =	vld [tilespmem:s9+$0xC800]  }
0xf9: {  	v20 =	vld [tilespmem:s9+$0xC810]  }
0xfa: {  	s11 =	sadd.s32 $0x800, s11;
	v18 =	vld [tilespmem:s9+$0xC820]  }
0xfb: {  	v21 =	vld [tilespmem:s9+$0xC830]  }
0xfc: {  	v22 =	vld [tilespmem:s9+$0xC860]  }
0xfd: {  	v23 =	vld [tilespmem:s9+$0xC870];
	v12 =	vadd.f32 v19, v12  }
0xfe: {  	v19 =	vld [tilespmem:s9+$0xC8A0];
	v15 =	vadd.f32 v20, v15  }
0xff: {  	v20 =	vld [tilespmem:s9+$0xC8B0];
	v14 =	vadd.f32 v18, v14;
	v12 =	vadd.f32 v17, v12  }
0x100: {  	v17 =	vld [tilespmem:s9+$0xC8E0];
	v13 =	vadd.f32 v21, v13;
	v15 =	vadd.f32 v16, v15  }
0x101: {  	v16 =	vld [tilespmem:s9+$0xC8F0];
	v14 =	vadd.f32 v22, v14;
	v11 =	vadd.f32 v11, v12  }
0x102: {  	v12 =	vadd.f32 v23, v13;
	v13 =	vld [tilespmem:s9+$0xC920];
	v10 =	vadd.f32 v10, v15  }
0x103: {  	v15 =	vld [tilespmem:s9+$0xC930];
	v14 =	vadd.f32 v19, v14;
	v9 =	vadd.f32 v9, v11  }
0x104: {  	v11 =	vadd.f32 v20, v12;
	v12 =	vld [tilespmem:s9+$0xC960];
	v8 =	vadd.f32 v8, v10  }
0x105: {  	v10 =	vld [tilespmem:s9+$0xC970];
	v14 =	vadd.f32 v17, v14;
	v6 =	vadd.f32 v6, v9  }
0x106: {  	v9 =	vadd.f32 v16, v11;
	v11 =	vld [tilespmem:s9+$0xC9A0];
	v7 =	vadd.f32 v7, v8  }
0x107: {  	v8 =	vld [tilespmem:s9+$0xC9B0];
	v13 =	vadd.f32 v13, v14;
	v4 =	vadd.f32 v4, v6  }
0x108: {  	v6 =	vadd.f32 v15, v9;
	v9 =	vld [tilespmem:s9+$0xC9E0];
	v5 =	vadd.f32 v5, v7  }
0x109: {  	v7 =	vld [tilespmem:s9+$0xC9F0];
	v12 =	vadd.f32 v12, v13;
	v2 =	vadd.f32 v2, v4  }
0x10a: {  	v4 =	vadd.f32 v10, v6;
	v3 =	vadd.f32 v3, v5  }
0x10b: {  	v5 =	vadd.f32 v11, v12;
	v0 =	vadd.f32 v0, v2  }
0x10c: {  	v2 =	vadd.f32 v8, v4;
	v1 =	vadd.f32 v1, v3  }
0x10d: {  	v3 =	vadd.f32 v9, v5;
	[tilespmem:s1+$0x12C80] =	vst v0  }
0x10e: {  	v0 =	vadd.f32 v7, v2;
	[tilespmem:s1+$0x12C90] =	vst v1  }
0x10f: {  	[tilespmem:s1+$0x12CA0] =	vst v3  }
0x110: {  	s11 =	simm.s32 @!p0 $0xC800;
	s9 =	simm.s32 @!p0 $0x80;
	[tilespmem:s1+$0x12CB0] =	vst v0;
	s1 =	sadd.s32 @!p0 $0x4B0, s0  }
0x111: {  	[tilespmem:s11], [sflag:$0x4] =	stream.indirect.gather @!p0 [hbm4b:s3+s9], $0x40, s1, s9, $0xb8;
	[tilespmem:$0x14C00] =	vst v63  }
0x112: {  	s0 =	sadd.s32 @!p0 $0x530, s0;
	s1 =	simm.s32 @!p0 $0x48;
	s9 =	simm.s32 @!p0 $0xE800  }
0x113: {  	[tilespmem:s9], [sflag:$0x4] =	stream.indirect.gather @!p0 [hbm4b:s3+s1], $0x40, s0, s1, $0xb8;
	[tilespmem:$0x14C00] =	vst v63  }
0x114: {  	_ =	swait.ge [sflag:s25], $0x2000  }
0x115: {  	[sflag:s25] =	ssyncset.done $0x0  }
0x116: {  	[sflag:s25] =	ssyncadd.s32 $0xFFFFE000  }
0x117: {  	_ =	swait.ge [sflag:s25], $0x1200  }
0x118: {  	[sflag:s25] =	ssyncset.done $0x0  }
0x119: {  	s0 =	simm.s32 $0x0;
	[sflag:s25] =	ssyncadd.s32 $0xFFFFEE00  }
0x11a: {  	v0 =	vld [tilespmem:s0+$0xFBC0]  }
0x11b: {  	v1 =	vld [tilespmem:s0+$0xFBD0]  }
0x11c: {  	v2 =	vld [tilespmem:s0+$0xFB80]  }
0x11d: {  	v3 =	vld [tilespmem:s0+$0xFB90]  }
0x11e: {  	v4 =	vld [tilespmem:s0+$0xFB40]  }
0x11f: {  	v5 =	vld [tilespmem:s0+$0xFB50]  }
0x120: {  	v6 =	vld [tilespmem:s0+$0xFB00]  }
0x121: {  	v7 =	vld [tilespmem:s0+$0xFB10]  }
0x122: {  	v9 =	vld [tilespmem:s0+$0xFAC0]  }
0x123: {  	v8 =	vld [tilespmem:s0+$0xFAD0]  }
0x124: {  	v11 =	vld [tilespmem:s0+$0xFA80]  }
0x125: {  	v10 =	vld [tilespmem:s0+$0xFA90]  }
0x126: {  	v17 =	vld [tilespmem:s0+$0xFA40]  }
0x127: {  	v16 =	vld [tilespmem:s0+$0xFA50]  }
0x128: {  	v19 =	vld [tilespmem:s0+$0xFA00]  }
0x129: {  	v14 =	vimm.f32 $0.0e+00;
	v20 =	vld [tilespmem:s0+$0xFA10]  }
0x12a: {  	v15 =	vimm.f32 $0.0e+00;
	v13 =	vimm.f32 $0.0e+00;
	v12 =	vimm.f32 $0.0e+00;
	s1 =	simm.s32 $0x800;
	v18 =	vld [tilespmem:s0+$0xFA20]  }
.LBB2_9:
0x12b: {  	p0 =	sne.s32 s1, $0xC000;
	v21 =	vld [tilespmem:s0+$0xFA30]  }
0x12c: {  	v22 =	vld [tilespmem:s0+$0xFA60]  }
0x12d: {  	v23 =	vld [tilespmem:s0+$0xFA70]  }
0x12e: {  	v24 =	vld [tilespmem:s0+$0xFAA0]  }
0x12f: {  	v12 =	vadd.f32 v19, v12;
	v15 =	vadd.f32 v20, v15;
	v19 =	vld [tilespmem:s0+$0xFAB0]  }
0x130: {  	v14 =	vadd.f32 v18, v14;
	v13 =	vadd.f32 v21, v13;
	v18 =	vld [tilespmem:s0+$0xFAE0]  }
0x131: {  	v12 =	vadd.f32 v17, v12;
	v15 =	vadd.f32 v16, v15;
	v16 =	vld [tilespmem:s0+$0xFAF0]  }
0x132: {  	v14 =	vadd.f32 v22, v14;
	v13 =	vadd.f32 v23, v13;
	v17 =	vld [tilespmem:s0+$0xFB20]  }
0x133: {  	v11 =	vadd.f32 v11, v12;
	v10 =	vadd.f32 v10, v15;
	v12 =	vld [tilespmem:s0+$0xFB30]  }
0x134: {  	v14 =	vadd.f32 v24, v14;
	v13 =	vadd.f32 v19, v13;
	v15 =	vld [tilespmem:s0+$0xFB60]  }
0x135: {  	v9 =	vadd.f32 v9, v11;
	v8 =	vadd.f32 v8, v10;
	v10 =	vld [tilespmem:s0+$0xFB70]  }
0x136: {  	v11 =	vadd.f32 v18, v14;
	v13 =	vadd.f32 v16, v13;
	v14 =	vld [tilespmem:s0+$0xFBA0]  }
0x137: {  	v6 =	vadd.f32 v6, v9;
	v7 =	vadd.f32 v7, v8;
	v8 =	vld [tilespmem:s0+$0xFBB0]  }
0x138: {  	v9 =	vadd.f32 v17, v11;
	v11 =	vadd.f32 v12, v13;
	v13 =	vld [tilespmem:s0+$0xFBE0]  }
0x139: {  	v4 =	vadd.f32 v4, v6;
	v5 =	vadd.f32 v5, v7;
	v6 =	vld [tilespmem:s0+$0xFBF0];
	s0 =	sshra.s32 s1, $0x2  }
0x13a: {  	v9 =	vadd.f32 v15, v9;
	v7 =	vld [tilespmem:s0+$0xFBC0];
	v10 =	vadd.f32 v10, v11  }
0x13b: {  	v4 =	vadd.f32 v2, v4;
	v5 =	vadd.f32 v3, v5;
	v11 =	vld [tilespmem:s0+$0xFBD0]  }
0x13c: {  	v9 =	vadd.f32 v14, v9;
	v2 =	vld [tilespmem:s0+$0xFB80];
	v8 =	vadd.f32 v8, v10  }
0x13d: {  	v12 =	vadd.f32 v0, v4;
	v15 =	vadd.f32 v1, v5;
	v3 =	vld [tilespmem:s0+$0xFB90]  }
0x13e: {  	v14 =	vadd.f32 v13, v9;
	v4 =	vld [tilespmem:s0+$0xFB40];
	v13 =	vadd.f32 v6, v8  }
0x13f: {  	v5 =	vld [tilespmem:s0+$0xFB50];
	v0 =	vmov v7  }
0x140: {  	v6 =	vld [tilespmem:s0+$0xFB00];
	v1 =	vmov v11  }
0x141: {  	v7 =	vld [tilespmem:s0+$0xFB10]  }
0x142: {  	v9 =	vld [tilespmem:s0+$0xFAC0]  }
0x143: {  	v8 =	vld [tilespmem:s0+$0xFAD0]  }
0x144: {  	v11 =	vld [tilespmem:s0+$0xFA80]  }
0x145: {  	v10 =	vld [tilespmem:s0+$0xFA90]  }
.Ltmp3:
0x146: {  	v17 =	vld [tilespmem:s0+$0xFA40];
	(pc) =	sbr.rel @p0 .LBB2_9-.Ltmp3, $4  }
0x147: {  	v16 =	vld [tilespmem:s0+$0xFA50]  }
0x148: {  	v19 =	vld [tilespmem:s0+$0xFA00]  }
0x149: {  	v20 =	vld [tilespmem:s0+$0xFA10]  }
0x14a: {  	s1 =	sadd.s32 $0x800, s1;
	v18 =	vld [tilespmem:s0+$0xFA20]  }
0x14b: {  	v21 =	vld [tilespmem:s0+$0xFA30]  }
0x14c: {  	v22 =	vld [tilespmem:s0+$0xFA60]  }
0x14d: {  	v23 =	vld [tilespmem:s0+$0xFA70];
	v12 =	vadd.f32 v19, v12  }
0x14e: {  	v43 =	vld [tilespmem:s0+$0xFAA0];
	v15 =	vadd.f32 v20, v15  }
0x14f: {  	v44 =	vld [tilespmem:s0+$0xFAB0];
	v14 =	vadd.f32 v18, v14;
	v12 =	vadd.f32 v17, v12  }
0x150: {  	v45 =	vld [tilespmem:s0+$0xFAE0];
	v13 =	vadd.f32 v21, v13;
	v15 =	vadd.f32 v16, v15  }
0x151: {  	v46 =	vld [tilespmem:s0+$0xFAF0];
	v14 =	vadd.f32 v22, v14;
	v11 =	vadd.f32 v11, v12  }
0x152: {  	v48 =	vld [tilespmem:s0+$0xFB20];
	v47 =	vadd.f32 v23, v13;
	v10 =	vadd.f32 v10, v15  }
0x153: {  	v49 =	vld [tilespmem:s0+$0xFB30];
	v14 =	vadd.f32 v43, v14;
	v9 =	vadd.f32 v9, v11  }
0x154: {  	v51 =	vld [tilespmem:s0+$0xFB60];
	v50 =	vadd.f32 v44, v47;
	v8 =	vadd.f32 v8, v10  }
0x155: {  	v52 =	vld [tilespmem:s0+$0xFB70];
	v14 =	vadd.f32 v45, v14;
	v6 =	vadd.f32 v6, v9  }
0x156: {  	v54 =	vld [tilespmem:s0+$0xFBA0];
	v53 =	vadd.f32 v46, v50;
	v7 =	vadd.f32 v7, v8  }
0x157: {  	v55 =	vld [tilespmem:s0+$0xFBB0];
	v13 =	vadd.f32 v48, v14;
	v4 =	vadd.f32 v4, v6  }
0x158: {  	v57 =	vld [tilespmem:s0+$0xFBE0];
	v56 =	vadd.f32 v49, v53;
	v5 =	vadd.f32 v5, v7  }
0x159: {  	v58 =	vld [tilespmem:s0+$0xFBF0];
	v12 =	vadd.f32 v51, v13;
	v2 =	vadd.f32 v2, v4  }
0x15a: {  	s30 =	sadd.s32 $0x1, s30;
	v59 =	vadd.f32 v52, v56;
	v3 =	vadd.f32 v3, v5  }
0x15b: {  	s31 =	sshll.u32 s31, $0x6;
	p0 =	sne.s32 s30, $0x20;
	v60 =	vadd.f32 v54, v12;
	v0 =	vadd.f32 v0, v2  }
.Ltmp4:
0x15c: {  	s0 =	sand.u32 $0x3FFFFFC0, s31;
	v61 =	vadd.f32 v55, v59;
	v1 =	vadd.f32 v1, v3;
	(pc) =	sbr.rel @p0 .LBB2_2-.Ltmp4, $4  }
0x15d: {  	v62 =	vadd.f32 v57, v60;
	[tilespmem:s0+$0x12C00] =	vst v0  }
0x15e: {  	v63 =	vadd.f32 v58, v61;
	[tilespmem:s0+$0x12C10] =	vst v1  }
0x15f: {  	[tilespmem:s0+$0x12C20] =	vst v62  }
0x160: {  	[tilespmem:s0+$0x12C30] =	vst v63  }
0x161: {  	s29 =	sadd.s32 $0x1, s29  }
0x162: {  	p0 =	sne.s32 s29, s6  }
.Ltmp5:
0x163: {  	_ = 	snop;
	(pc) =	sbr.rel @p0 .LBB2_1-.Ltmp5, $4  }
0x164: {  	[hbm4b:s5+s2] =	stream.linear.scatter [tilespmem:s26], [sflag:$0x6], $0x2000, $0x38;
	[tilespmem:$0x14C00] =	vst v63  }
0x165: {  	_ =	swait.ge [sflag:s28], $0x2000  }
0x166: {  	[sflag:s28] =	ssyncset.done $0x0  }
0x167: {  	[sflag:s28] =	ssyncadd.s32 $0xFFFFE000  }
0x168: {  	_ =	sfence.sel $0x180000  }
0x169: {  	[bflag:$0x0] =	sbarrier.arrive $0xFFFF  }
0x16a: {  	_ =	strace $0x90000047  }
0x16b: {  	s0 =	stileid.u32;
	[bflag:$0x2] =	sbarrier.arrive $0xFFFF  }
0x16c: {  	p0 =	sne.s32 s0, $0x0;
	s0 =	rddreg [dreg:$0x1]  }
0x16d: {  	s0 =	sadd.s32 @!p0 $0x100000, s0  }
0x16e: {  	[sflag:s0] =	ssyncadd.tile.s32 @!p0 $0x1;
	_ =	shalt  }
.Lfunc_end2:
_tile_overlayer_lowered:
.L_overlay_start_2:
0x16f: {  	(tag) =	ssettag $0x2  }
0x170: {  	s0 =	rddreg [dreg:$0x0];
	s2 =	stileid.u32  }
0x171: {  	s1 =	rddreg [dreg:$0x1];
	p0 =	sne.s32 s2, $0x0  }
0x172: {  	s3 =	rddreg [dreg:$0x2];
	[bflag:$0x3] =	sbarrier.arrive $0xFFFF;
	s2 =	simm.s32 @!p0 $0x1C06  }
0x173: {  	[timem:s3], [sflag:s2] =	dma.local @!p0 [hbm:s0], s1  }
0x174: {  	s0 =	simm.s32 @!p0 $0x6  }
0x175: {  	_ =	swait.ge @!p0 [sflag:s0], s1  }
0x176: {  	s1 =	ssub.s32 @!p0 $0x0, s1;
	[sflag:s0] =	ssyncset.done @!p0 $0x0  }
0x177: {  	[sflag:s0] =	ssyncadd.s32 @!p0 s1  }
0x178: {  	[bflag:$0x3] =	sbarrier.arrive $0xFFFF  }
0x179: {  	_ =	shalt  }

// kernel: kernel.6.cloned.1.call-start
scs
__scs_entry_jumppad:
0x0: {  	(pc) =	sbr.rel $0x88, $3  }
0x1: {  	(tag) =	ssettag $0x0;
	lr =	simm.s32 $0x1  }
0x2: {  	[smem:$0x3F97] =	sst lr;
	_ =	strace $0xD0000000  }
0x3: {  	_ = 	snop  }
0x4: {  	_ = 	snop  }
0x5: {  	_ = 	snop  }
0x6: {  	_ = 	snop  }
0x7: {  	_ = 	snop  }
__scs_overlays_trampoline_lowered:
0x8: {  	[smem:$0x3FA6] =	sst s0  }
0x9: {  	[smem:$0x3FA7] =	sst s1  }
0xa: {  	[smem:$0x3FA8] =	sst s2  }
0xb: {  	[smem:$0x3FA9] =	sst s3  }
0xc: {  	[smem:$0x3FAA] =	sst s4  }
0xd: {  	[smem:$0x3FAB] =	sst s5  }
0xe: {  	[smem:$0x3FAC] =	sst s6  }
0xf: {  	[smem:$0x3FAD] =	sst s7  }
0x10: {  	[smem:$0x3FAE] =	sst s8  }
0x11: {  	[smem:$0x3FAF] =	sst s9;
	s0 =	simm.s32 @!p0 $0x0  }
0x12: {  	s1 =	sld [smem:$0x3F95];
	s0 =	simm.s32 @p0 $0x1  }
0x13: {  	[smem:$0x3FB0] =	sst s0;
	s0 =	simm.s32 @!p1 $0x0  }
0x14: {  	s2 =	sld [smem:$0x3F94];
	s0 =	simm.s32 @p1 $0x1  }
0x15: {  	[smem:$0x3FB1] =	sst s0;
	s0 =	simm.s32 @!p2 $0x0  }
0x16: {  	s3 =	sld [smem:$0x3FDB];
	s0 =	simm.s32 @p2 $0x1  }
0x17: {  	s4 =	simm.s32 $0x1BF5;
	[smem:$0x3FB3] =	sst s0  }
0x18: {  	s0 =	sld [smem:$0x3F96];
	_ =	swait.ge [sflag:s4], $0x0  }
0x19: {  	s7 =	sld [smem:$0x3F97]  }
0x1a: {  	s8 =	sadd.s32 $0xFFFFE003, lr  }
0x1b: {  	s9 =	sadd.s32 $0xFFFFFEF7, lr;
	s5 =	simm.s32 $0xFFFFFFFF;
	p2 =	slt.u32 s8, $0xFFFFF086  }
0x1c: {  	p1 =	slt.u32 s9, $0xF7A;
	s5 =	simm.s32 @!p2 $0x0  }
0x1d: {  	s5 =	simm.s32 @p1 $0x1;
	p0 =	seq.s32 s7, s2  }
0x1e: {  	s7 =	smul.u32 @!p0 $0xF7A, s2;
	p2 =	seq.s32 @!p0 s5, $0x0  }
0x1f: {  	s9 =	smul.u32 $0xF7A, s1;
	s8 =	simm.s32 @!p0 $0x1BF5;
	p2 =	por !p2, p0  }
0x20: {  	[sflag:s8] =	ssyncset.s32 @!p0 $0xFFFFF086;
	s6 =	sadd.s32 @!p0 s3, s7;
	s7 =	simm.s32 @!p0 $0x108  }
0x21: {  	s3 =	sadd.s32 s3, s9;
	s6 =	sadd.s32 @!p0 $0x88, s6;
	s7 =	simm.s32 @p2 $0x1082  }
0x22: {  	[simem:s7], [sflag:s8] =	dma.local @!p0 [hbm:s6], $0xF7A  }
0x23: {  	s9 =	sor.u32 $0xD0000000, s2;
	s6 =	simm.s32 $0x108;
	_ =	swait.ge @!p0 [sflag:s8], $0x0  }
0x24: {  	s3 =	sadd.s32 $0x88, s3;
	s6 =	simm.s32 @!p1 $0x1082;
	[sflag:s4] =	ssyncset.s32 $0xFFFFF086  }
0x25: {  	[simem:s6], [sflag:s4] =	dma.local [hbm:s3], $0xF7A  }
0x26: {  	[smem:$0x3F97] =	sst s1;
	(tag) =	ssettag s2;
	_ =	strace s9  }
0x27: {  	s1 =	sld [smem:$0x3FA7]  }
0x28: {  	s2 =	sld [smem:$0x3FA8]  }
0x29: {  	s4 =	sld [smem:$0x3FAA]  }
0x2a: {  	p0 =	seq.s32 s5, $0x0;
	s5 =	sld [smem:$0x3FAB]  }
0x2b: {  	s6 =	sld [smem:$0x3FAC]  }
0x2c: {  	s7 =	sld [smem:$0x3FAD]  }
0x2d: {  	s3 =	simm.s32 $0x108;
	s8 =	sld [smem:$0x3FAE]  }
0x2e: {  	s3 =	simm.s32 @!p0 $0x1082;
	s9 =	sld [smem:$0x3FAF]  }
0x2f: {  	lr =	sadd.s32 s0, s3;
	s0 =	sld [smem:$0x3FA6]  }
0x30: {  	s3 =	sld [smem:$0x3FA9]  }
0x31: {  	[smem:$0x3FB2] =	sst s10  }
0x32: {  	s10 =	sld [smem:$0x3FB0];
	_ =	sdelay $0x3  }
0x33: {  	p0 =	seq.s32 s10, $0x1;
	s10 =	sld [smem:$0x3FB2];
	_ =	sdelay $0x3  }
0x34: {  	[smem:$0x3FB2] =	sst s10  }
0x35: {  	s10 =	sld [smem:$0x3FB1];
	_ =	sdelay $0x3  }
0x36: {  	p1 =	seq.s32 s10, $0x1;
	s10 =	sld [smem:$0x3FB2];
	_ =	sdelay $0x3  }
0x37: {  	[smem:$0x3FB2] =	sst s10  }
0x38: {  	s10 =	sld [smem:$0x3FB3]  }
0x39: {  	_ = 	snop;
	(pc) =	sbr.ind lr, $3  }
0x3a: {  	_ = 	snop  }
0x3b: {  	_ = 	snop  }
0x3c: {  	p2 =	seq.s32 s10, $0x1;
	s10 =	sld [smem:$0x3FB2]  }
0x3d: {  	_ =	shalt  }
0x3e: {  	_ =	shalt  }
0x3f: {  	_ =	shalt  }
0x40: {  	_ =	shalt  }
0x41: {  	_ =	shalt  }
0x42: {  	_ =	shalt  }
0x43: {  	_ =	shalt  }
0x44: {  	_ =	shalt  }
0x45: {  	_ =	shalt  }
0x46: {  	_ =	shalt  }
0x47: {  	_ =	shalt  }
0x48: {  	_ =	shalt  }
0x49: {  	_ =	shalt  }
0x4a: {  	_ =	shalt  }
0x4b: {  	_ =	shalt  }
0x4c: {  	_ =	shalt  }
0x4d: {  	_ =	shalt  }
0x4e: {  	_ =	shalt  }
0x4f: {  	_ =	shalt  }
0x50: {  	_ =	shalt  }
0x51: {  	_ =	shalt  }
0x52: {  	_ =	shalt  }
0x53: {  	_ =	shalt  }
0x54: {  	_ =	shalt  }
0x55: {  	_ =	shalt  }
0x56: {  	_ =	shalt  }
0x57: {  	_ =	shalt  }
0x58: {  	_ =	shalt  }
0x59: {  	_ =	shalt  }
0x5a: {  	_ =	shalt  }
0x5b: {  	_ =	shalt  }
0x5c: {  	_ =	shalt  }
0x5d: {  	_ =	shalt  }
0x5e: {  	_ =	shalt  }
0x5f: {  	_ =	shalt  }
0x60: {  	_ =	shalt  }
0x61: {  	_ =	shalt  }
0x62: {  	_ =	shalt  }
0x63: {  	_ =	shalt  }
0x64: {  	_ =	shalt  }
0x65: {  	_ =	shalt  }
0x66: {  	_ =	shalt  }
0x67: {  	_ =	shalt  }
0x68: {  	_ =	shalt  }
0x69: {  	_ =	shalt  }
0x6a: {  	_ =	shalt  }
0x6b: {  	_ =	shalt  }
0x6c: {  	_ =	shalt  }
0x6d: {  	_ =	shalt  }
0x6e: {  	_ =	shalt  }
0x6f: {  	_ =	shalt  }
0x70: {  	_ =	shalt  }
0x71: {  	_ =	shalt  }
0x72: {  	_ =	shalt  }
0x73: {  	_ =	shalt  }
0x74: {  	_ =	shalt  }
0x75: {  	_ =	shalt  }
0x76: {  	_ =	shalt  }
0x77: {  	_ =	shalt  }
0x78: {  	_ =	shalt  }
0x79: {  	_ =	shalt  }
0x7a: {  	_ =	shalt  }
0x7b: {  	_ =	shalt  }
0x7c: {  	_ =	shalt  }
0x7d: {  	_ =	shalt  }
0x7e: {  	_ =	shalt  }
0x7f: {  	_ =	shalt  }
0x80: {  	_ =	shalt  }
0x81: {  	_ =	shalt  }
0x82: {  	_ =	shalt  }
0x83: {  	_ =	shalt  }
0x84: {  	_ =	shalt  }
0x85: {  	_ =	shalt  }
0x86: {  	_ =	shalt  }
0x87: {  	_ =	shalt  }
.Lfunc_end0:
.L_simem_size_0:
called_computation_lowered:
.L_overlay_start_0:
0x88: {  	s2 =	sld [smem:$0x3FD9]  }
0x89: {  	s3 =	sld [smem:$0x3FFE];
	_ =	sdelay $0x1  }
0x8a: {  	s1 =	srdreg.scid  }
0x8b: {  	s0 =	sand.u32 $0x1, s1  }
0x8c: {  	s17 =	sshll.u32 s0, $0xA;
	s2 =	sadd.s32 s3, s2  }
0x8d: {  	s2 =	sadd.s32 s2, s17  }
0x8e: {  	[smem:$0x3FBE] =	sst s2  }
0x8f: {  	_ = 	snop  }
0x90: {  	(tm) =	ssettm $0x1  }
0x91: {  	s18 =	sld [smem:$0x3FFB];
	_ =	sdelay $0x3  }
0x92: {  	_ =	strace s18  }
0x93: {  	s2 =	sld [smem:$0x3FFC];
	_ =	sdelay $0x3  }
0x94: {  	_ =	strace s2  }
0x95: {  	s2 =	sld [smem:$0x3FFD];
	_ =	sdelay $0x3  }
0x96: {  	_ =	strace s2  }
0x97: {  	_ =	strace $0x8FFFFFFF  }
0x98: {  	s19 =	sld [smem:$0x3FDB];
	_ =	sdelay $0x1  }
0x99: {  	s20 =	simm.s32 $_scs_section_size  }
0x9a: {  	s4 =	simm.s32 $_size__tile_overlayer_lowered;
	s5 =	simm.s32 $_tile_overlayer_lowered  }
0x9b: {  	s6 =	simm.s32 $0x1BFF;
	s21 =	sshll.u32 s5, $0x1;
	s3 =	sadd.s32 s20, s19  }
0x9c: {  	s22 =	simm.s32 $0x0;
	s4 =	sshll.u32 s4, $0x1;
	s5 =	sadd.s32 s21, s3  }
0x9d: {  	[timem:s22], [sflag:s6] =	dma.local [hbm:s5], s4  }
0x9e: {  	_ =	swait.ge [sflag:s6], s4  }
0x9f: {  	s4 =	ssub.s32 $0x0, s4;
	[sflag:s6] =	ssyncset.done $0x0  }
0xa0: {  	[sflag:s6] =	ssyncadd.s32 s4;
	_ =	sdelay $0x1  }
0xa1: {  	s23 =	simm.s32 $0x1B8B  }
0xa2: {  	_ =	swait.ge [sflag:s23], $0x1  }
0xa3: {  	[sflag:s23] =	ssyncset.done $0x0  }
0xa4: {  	[sflag:s23] =	ssyncadd.s32 $0xFFFFFFFF  }
0xa5: {  	s4 =	sld [smem:$0x0]  }
0xa6: {  	s5 =	sand.u32 $0xFFFFFFFE, s1  }
0xa7: {  	p0 =	sne.s32 s1, s5  }
0xa8: {  	s5 =	sshll.u32 @p0 s5, $0xE  }
0xa9: {  	s5 =	sadd.s32 @p0 $0x11B8D, s5;
	s6 =	sshll.u32 @p0 s4, $0x11  }
0xaa: {  	s5 =	sor.u32 @p0 s6, s5  }
0xab: {  	[sflag:s5] =	ssyncadd.remote.s32 @p0 $0x1;
	_ =	sdelay $0x1  }
0xac: {  	s5 =	simm.s32 @p0 $0x1B8D  }
0xad: {  	_ =	swait.eq @p0 [sflag:s5], $0x1  }
0xae: {  	[sflag:s5] =	ssyncadd.s32 @p0 $0xFFFFFFFF  }
0xaf: {  	s6 =	sshll.u32 @!p0 s1, $0xE  }
0xb0: {  	s6 =	sor.u32 @!p0 $0x4000, s6;
	s5 =	simm.s32 @!p0 $0x1B8D  }
0xb1: {  	s4 =	sshll.u32 @!p0 s4, $0x11;
	s6 =	sadd.s32 @!p0 $0x11B8D, s6;
	_ =	swait.eq @!p0 [sflag:s5], $0x1  }
0xb2: {  	s4 =	sor.u32 @!p0 s4, s6;
	[sflag:s5] =	ssyncadd.s32 @!p0 $0xFFFFFFFF  }
0xb3: {  	s25 =	simm.s32 $0x1B8E;
	s24 =	sld [smem:$0x3FFE];
	[sflag:s4] =	ssyncadd.remote.s32 @!p0 $0x1  }
0xb4: {  	s26 =	simm.s32 $execute0_lowered;
	[smem:$0x3FD2] =	sst s25  }
0xb5: {  	s5 =	sshll.u32 s26, $0x1;
	_ =	strace $0x8000004C;
	[dreg:$0x1] =	wrdreg $0xFFFFFFFF  }
0xb6: {  	s28 =	simm.s32 $_size_execute0_lowered;
	s3 =	sadd.s32 s3, s5;
	[dreg:$0x0] =	wrdreg $0x0  }
0xb7: {  	s5 =	sshll.u32 s28, $0x1;
	[dreg:$0x2] =	wrdreg s3  }
0xb8: {  	[dreg:$0x3] =	wrdreg s5  }
0xb9: {  	[dreg:$0x4] =	wrdreg $0xC0  }
0xba: {  	_ =	task [dreg:s22], $0x5FFFF  }
0xbb: {  	[dreg:$0x1] =	wrdreg $0xFFFFFFFF  }
0xbc: {  	[dreg:$0x0] =	wrdreg $0x60  }
0xbd: {  	[dreg:$0x2] =	wrdreg s24  }
0xbe: {  	[dreg:$0x3] =	wrdreg $0x9  }
0xbf: {  	_ =	task.clear_ibuf [dreg:s22], $0x4FFFF;
	_ =	strace $0x9000004C  }
0xc0: {  	s29 =	simm.s32 $0x9;
	_ =	strace $0x8000004E  }
0xc1: {  	_ =	swait.ge [sflag:s29], $0x1  }
0xc2: {  	[sflag:s29] =	ssyncadd.s32 $0xFFFFFFFF  }
0xc3: {  	_ =	strace $0x9000004E  }
0xc4: {  	_ =	sfence  }
0xc5: {  	s30 =	sld [smem:$0x0];
	_ =	sdelay $0x2  }
0xc6: {  	s31 =	sshll.u32 s1, $0xD;
	s1 =	sshrl.u32 s1, $0x2  }
0xc7: {  	s4 =	sand.u32 $0x4000, s31;
	s1 =	sadd.s32 s1, s30  }
0xc8: {  	s0 =	sor.u32 s4, s0;
	s1 =	sshll.u32 s1, $0x11  }
0xc9: {  	s0 =	sor.u32 s1, s0  }
0xca: {  	s0 =	sadd.s32 $0x8F2B, s0  }
0xcb: {  	[sflag:s0] =	ssyncadd.remote.s32 $0x1  }
0xcc: {  	_ =	sfence.sel $0xFFFF  }
0xcd: {  	[dreg:$0x0] =	wrdreg $0xFFFFFFFF;
	(pc) =	sbr.abs _section_cstart, $3  }
0xce: {  	[dreg:$0x1] =	wrdreg $0xFFFFFFFF  }
0xcf: {  	_ =	task.clear_ibuf [dreg:s22], $0x2FFFF;
	_ =	strace $0x9FFFFFFF  }
0xd0: {  	(tm) =	ssettm $0x7FFFFFFF  }
0xd1: {  	_ =	shalt  }
tec
execute0_lowered:
.L_overlay_start_1:
0x0: {  	(tag) =	ssettag $0x1  }
0x1: {  	s0 =	srdreg.scid  }
0x2: {  	s1 =	stileid.u32;
	s4 =	rddreg [dreg:$0x0];
	s7 =	simm.s32 $0x1  }
0x3: {  	s8 =	simm.s32 $0x80;
	s10 =	simm.s32 $0x48;
	s13 =	simm.s32 $0x9600  }
0x4: {  	s14 =	simm.s32 $0x148;
	s15 =	simm.s32 $0xB600;
	s16 =	simm.s32 $0x190  }
0x5: {  	s17 =	simm.s32 $0xC800;
	s18 =	simm.s32 $0x210;
	s19 =	simm.s32 $0xE800  }
0x6: {  	s20 =	simm.s32 $0xFA00;
	s21 =	simm.s32 $0x11A00;
	s22 =	simm.s32 $0x2  }
0x7: {  	s23 =	simm.s32 $0x3;
	s24 =	simm.s32 $0x4;
	s25 =	simm.s32 $0x5  }
0x8: {  	s26 =	simm.s32 $0x12C00;
	s28 =	simm.s32 $0x6;
	s0 =	sand.u32 $0x1, s0  }
0x9: {  	s29 =	simm.s32 $0x0;
	s1 =	sshll.u32 s1, $0x8;
	s2 =	sshll.u32 s0, $0x7  }
0xa: {  	s0 =	ssub.s32 $0x2, s0;
	s1 =	sor.u32 s2, s1;
	s2 =	simm.s32 $0x0  }
0xb: {  	s6 =	sshrl.u32 s0, $0x1;
	s3 =	smul.u32 $0x19, s1;
	[smem:$0x7FF] =	sst s2  }
0xc: {  	s1 =	sshll.u32 s1, $0x3;
	s0 =	ssub.s32 s0, s6;
	_ =	strace $0x8000004D  }
0xd: {  	s1 =	sadd.s32 s1, s4;
	s5 =	sadd.s32 s3, s4;
	s3 =	sadd.s32 $0x96B600, s4  }
0xe: {  	s6 =	smax.u32 s0, $0x1;
	s4 =	sadd.s32 $0x7E4C00, s5;
	s5 =	sadd.s32 $0x7FDC00, s1  }
.LBB2_1:
0xf: {  	[tilespmem:s2], [sflag:$0x1] =	stream.linear.gather [hbm4b:s4+s2], $0x6400, $0x38;
	[tilespmem:$0x14C00] =	vst v63  }
0x10: {  	_ =	swait.ge [sflag:s7], $0x6400  }
0x11: {  	[sflag:s7] =	ssyncset.done $0x0  }
0x12: {  	s0 =	simm.s32 $0x6400;
	[sflag:s7] =	ssyncadd.s32 $0xFFFF9C00  }
0x13: {  	[tilespmem:s0], [sflag:$0x2] =	stream.indirect.gather [hbm4b:s3+s8], $0x40, s2, s8, $0xb8;
	[tilespmem:$0x14C00] =	vst v63  }
0x14: {  	s12 =	simm.s32 $0x8400  }
0x15: {  	[tilespmem:s12], [sflag:$0x2] =	stream.indirect.gather [hbm4b:s3+s10], $0x40, s8, s10, $0xb8;
	[tilespmem:$0x14C00] =	vst v63  }
0x16: {  	s31 =	simm.s32 $0xC8  }
0x17: {  	[tilespmem:s13], [sflag:$0x3] =	stream.indirect.gather [hbm4b:s3+s8], $0x40, s31, s8, $0xb8;
	[tilespmem:$0x14C00] =	vst v63  }
0x18: {  	_ = 	snop  }
0x19: {  	[tilespmem:s15], [sflag:$0x3] =	stream.indirect.gather [hbm4b:s3+s10], $0x40, s14, s10, $0xb8;
	[tilespmem:$0x14C00] =	vst v63  }
0x1a: {  	_ = 	snop  }
0x1b: {  	[tilespmem:s17], [sflag:$0x4] =	stream.indirect.gather [hbm4b:s3+s8], $0x40, s16, s8, $0xb8;
	[tilespmem:$0x14C00] =	vst v63  }
0x1c: {  	s30 =	simm.s32 $0x0  }
0x1d: {  	[tilespmem:s19], [sflag:$0x4] =	stream.indirect.gather [hbm4b:s3+s10], $0x40, s18, s10, $0xb8;
	[tilespmem:$0x14C00] =	vst v63  }
.LBB2_2:
0x1e: {  	s31 =	sshllo.u32 s30, $0x2  }
0x1f: {  	s0 =	smul.u32 $0x320, s31;
	_ =	sdelay $0x1  }
0x20: {  	s0 =	sshra.s32 s0, $0x2  }
0x21: {  	[tilespmem:s20], [sflag:$0x5] =	stream.indirect.gather [hbm4b:s3+s8], $0x40, s0, s8, $0xb8;
	[tilespmem:$0x14C00] =	vst v63  }
0x22: {  	s0 =	sadd.s32 $0x80, s0  }
0x23: {  	[tilespmem:s21], [sflag:$0x5] =	stream.indirect.gather [hbm4b:s3+s10], $0x40, s0, s10, $0xb8;
	[tilespmem:$0x14C00] =	vst v63  }
0x24: {  	_ =	swait.ge [sflag:s22], $0x2000  }
0x25: {  	[sflag:s22] =	ssyncset.done $0x0  }
0x26: {  	[sflag:s22] =	ssyncadd.s32 $0xFFFFE000  }
0x27: {  	_ =	swait.ge [sflag:s22], $0x1200  }
0x28: {  	[sflag:s22] =	ssyncset.done $0x0  }
0x29: {  	s0 =	simm.s32 $0x0;
	[sflag:s22] =	ssyncadd.s32 $0xFFFFEE00  }
0x2a: {  	v0 =	vld [tilespmem:s0+$0x65C0]  }
0x2b: {  	v1 =	vld [tilespmem:s0+$0x65D0]  }
0x2c: {  	v2 =	vld [tilespmem:s0+$0x6580]  }
0x2d: {  	v3 =	vld [tilespmem:s0+$0x6590]  }
0x2e: {  	v4 =	vld [tilespmem:s0+$0x6540]  }
0x2f: {  	v5 =	vld [tilespmem:s0+$0x6550]  }
0x30: {  	v6 =	vld [tilespmem:s0+$0x6500]  }
0x31: {  	v7 =	vld [tilespmem:s0+$0x6510]  }
0x32: {  	v9 =	vld [tilespmem:s0+$0x64C0]  }
0x33: {  	v8 =	vld [tilespmem:s0+$0x64D0]  }
0x34: {  	v11 =	vld [tilespmem:s0+$0x6480]  }
0x35: {  	v10 =	vld [tilespmem:s0+$0x6490]  }
0x36: {  	v17 =	vld [tilespmem:s0+$0x6440]  }
0x37: {  	v16 =	vld [tilespmem:s0+$0x6450]  }
0x38: {  	v19 =	vld [tilespmem:s0+$0x6400]  }
0x39: {  	v12 =	vimm.f32 $0.0e+00;
	v20 =	vld [tilespmem:s0+$0x6410]  }
0x3a: {  	s1 =	simm.s32 $0x800;
	v15 =	vimm.f32 $0.0e+00;
	v14 =	vimm.f32 $0.0e+00;
	v13 =	vimm.f32 $0.0e+00;
	v18 =	vld [tilespmem:s0+$0x6420]  }
.LBB2_3:
0x3b: {  	p0 =	sne.s32 s1, $0xC000;
	v21 =	vld [tilespmem:s0+$0x6430]  }
0x3c: {  	v22 =	vld [tilespmem:s0+$0x6460]  }
0x3d: {  	v23 =	vld [tilespmem:s0+$0x6470]  }
0x3e: {  	v24 =	vld [tilespmem:s0+$0x64A0]  }
0x3f: {  	v12 =	vadd.f32 v19, v12;
	v15 =	vadd.f32 v20, v15;
	v19 =	vld [tilespmem:s0+$0x64B0]  }
0x40: {  	v14 =	vadd.f32 v18, v14;
	v13 =	vadd.f32 v21, v13;
	v18 =	vld [tilespmem:s0+$0x64E0]  }
0x41: {  	v12 =	vadd.f32 v17, v12;
	v15 =	vadd.f32 v16, v15;
	v16 =	vld [tilespmem:s0+$0x64F0]  }
0x42: {  	v14 =	vadd.f32 v22, v14;
	v13 =	vadd.f32 v23, v13;
	v17 =	vld [tilespmem:s0+$0x6520]  }
0x43: {  	v11 =	vadd.f32 v11, v12;
	v10 =	vadd.f32 v10, v15;
	v12 =	vld [tilespmem:s0+$0x6530]  }
0x44: {  	v14 =	vadd.f32 v24, v14;
	v13 =	vadd.f32 v19, v13;
	v15 =	vld [tilespmem:s0+$0x6560]  }
0x45: {  	v9 =	vadd.f32 v9, v11;
	v8 =	vadd.f32 v8, v10;
	v10 =	vld [tilespmem:s0+$0x6570]  }
0x46: {  	v11 =	vadd.f32 v18, v14;
	v13 =	vadd.f32 v16, v13;
	v14 =	vld [tilespmem:s0+$0x65A0]  }
0x47: {  	v6 =	vadd.f32 v6, v9;
	v7 =	vadd.f32 v7, v8;
	v8 =	vld [tilespmem:s0+$0x65B0]  }
0x48: {  	v9 =	vadd.f32 v17, v11;
	v11 =	vadd.f32 v12, v13;
	v13 =	vld [tilespmem:s0+$0x65E0]  }
0x49: {  	v4 =	vadd.f32 v4, v6;
	v5 =	vadd.f32 v5, v7;
	v6 =	vld [tilespmem:s0+$0x65F0];
	s0 =	sshra.s32 s1, $0x2  }
0x4a: {  	v9 =	vadd.f32 v15, v9;
	v7 =	vld [tilespmem:s0+$0x65C0];
	v10 =	vadd.f32 v10, v11  }
0x4b: {  	v4 =	vadd.f32 v2, v4;
	v5 =	vadd.f32 v3, v5;
	v11 =	vld [tilespmem:s0+$0x65D0]  }
0x4c: {  	v9 =	vadd.f32 v14, v9;
	v2 =	vld [tilespmem:s0+$0x6580];
	v8 =	vadd.f32 v8, v10  }
0x4d: {  	v12 =	vadd.f32 v0, v4;
	v15 =	vadd.f32 v1, v5;
	v3 =	vld [tilespmem:s0+$0x6590]  }
0x4e: {  	v14 =	vadd.f32 v13, v9;
	v4 =	vld [tilespmem:s0+$0x6540];
	v13 =	vadd.f32 v6, v8  }
0x4f: {  	v5 =	vld [tilespmem:s0+$0x6550];
	v0 =	vmov v7  }
0x50: {  	v6 =	vld [tilespmem:s0+$0x6500];
	v1 =	vmov v11  }
0x51: {  	v7 =	vld [tilespmem:s0+$0x6510]  }
0x52: {  	v9 =	vld [tilespmem:s0+$0x64C0]  }
0x53: {  	v8 =	vld [tilespmem:s0+$0x64D0]  }
0x54: {  	v11 =	vld [tilespmem:s0+$0x6480]  }
0x55: {  	v10 =	vld [tilespmem:s0+$0x6490]  }
.Ltmp0:
0x56: {  	v17 =	vld [tilespmem:s0+$0x6440];
	(pc) =	sbr.rel @p0 .LBB2_3-.Ltmp0, $4  }
0x57: {  	v16 =	vld [tilespmem:s0+$0x6450]  }
0x58: {  	v19 =	vld [tilespmem:s0+$0x6400]  }
0x59: {  	v20 =	vld [tilespmem:s0+$0x6410]  }
0x5a: {  	s1 =	sadd.s32 $0x800, s1;
	v18 =	vld [tilespmem:s0+$0x6420]  }
0x5b: {  	v21 =	vld [tilespmem:s0+$0x6430]  }
0x5c: {  	v22 =	vld [tilespmem:s0+$0x6460]  }
0x5d: {  	v23 =	vld [tilespmem:s0+$0x6470];
	v12 =	vadd.f32 v19, v12  }
0x5e: {  	v19 =	vld [tilespmem:s0+$0x64A0];
	v15 =	vadd.f32 v20, v15  }
0x5f: {  	v20 =	vld [tilespmem:s0+$0x64B0];
	v14 =	vadd.f32 v18, v14;
	v12 =	vadd.f32 v17, v12  }
0x60: {  	v17 =	vld [tilespmem:s0+$0x64E0];
	v13 =	vadd.f32 v21, v13;
	v15 =	vadd.f32 v16, v15  }
0x61: {  	v16 =	vld [tilespmem:s0+$0x64F0];
	v14 =	vadd.f32 v22, v14;
	v11 =	vadd.f32 v11, v12  }
0x62: {  	v12 =	vadd.f32 v23, v13;
	v13 =	vld [tilespmem:s0+$0x6520];
	v10 =	vadd.f32 v10, v15  }
0x63: {  	v15 =	vld [tilespmem:s0+$0x6530];
	v14 =	vadd.f32 v19, v14;
	v9 =	vadd.f32 v9, v11  }
0x64: {  	v11 =	vadd.f32 v20, v12;
	v12 =	vld [tilespmem:s0+$0x6560];
	v8 =	vadd.f32 v8, v10  }
0x65: {  	v10 =	vld [tilespmem:s0+$0x6570];
	v14 =	vadd.f32 v17, v14;
	v6 =	vadd.f32 v6, v9  }
0x66: {  	v9 =	vadd.f32 v16, v11;
	v11 =	vld [tilespmem:s0+$0x65A0];
	v7 =	vadd.f32 v7, v8  }
0x67: {  	v8 =	vld [tilespmem:s0+$0x65B0];
	v13 =	vadd.f32 v13, v14;
	v4 =	vadd.f32 v4, v6  }
0x68: {  	v6 =	vadd.f32 v15, v9;
	v9 =	vld [tilespmem:s0+$0x65E0];
	v5 =	vadd.f32 v5, v7  }
0x69: {  	v7 =	vld [tilespmem:s0+$0x65F0];
	v12 =	vadd.f32 v12, v13;
	v2 =	vadd.f32 v2, v4  }
0x6a: {  	v4 =	vadd.f32 v10, v6;
	v3 =	vadd.f32 v3, v5  }
0x6b: {  	s12 =	sshll.u32 s30, $0x8;
	v5 =	vadd.f32 v11, v12;
	v0 =	vadd.f32 v0, v2  }
0x6c: {  	p0 =	seq.s32 s30, $0x1F;
	s1 =	sand.u32 $0x3FFFFF00, s12;
	v2 =	vadd.f32 v8, v4;
	v1 =	vadd.f32 v1, v3  }
0x6d: {  	s0 =	smul.u32 @!p0 $0xC80, s30;
	v3 =	vadd.f32 v9, v5;
	[tilespmem:s1+$0x12C00] =	vst v0  }
0x6e: {  	v0 =	vadd.f32 v7, v2;
	[tilespmem:s1+$0x12C10] =	vst v1  }
0x6f: {  	s0 =	sshra.s32 @!p0 s0, $0x2;
	[tilespmem:s1+$0x12C20] =	vst v3  }
0x70: {  	s11 =	simm.s32 @!p0 $0x80;
	s12 =	simm.s32 @!p0 $0x6400;
	s9 =	sadd.s32 @!p0 $0x320, s0;
	[tilespmem:s1+$0x12C30] =	vst v0  }
0x71: {  	[tilespmem:s12], [sflag:$0x2] =	stream.indirect.gather @!p0 [hbm4b:s3+s11], $0x40, s9, s11, $0xb8;
	[tilespmem:$0x14C00] =	vst v63  }
0x72: {  	s9 =	sadd.s32 @!p0 $0x3A0, s0;
	s11 =	simm.s32 @!p0 $0x48;
	s12 =	simm.s32 @!p0 $0x8400  }
0x73: {  	[tilespmem:s12], [sflag:$0x2] =	stream.indirect.gather @!p0 [hbm4b:s3+s11], $0x40, s9, s11, $0xb8;
	[tilespmem:$0x14C00] =	vst v63  }
0x74: {  	_ =	swait.ge [sflag:s23], $0x2000  }
0x75: {  	[sflag:s23] =	ssyncset.done $0x0  }
0x76: {  	[sflag:s23] =	ssyncadd.s32 $0xFFFFE000  }
0x77: {  	_ =	swait.ge [sflag:s23], $0x1200  }
0x78: {  	[sflag:s23] =	ssyncset.done $0x0  }
0x79: {  	s9 =	simm.s32 $0x0;
	[sflag:s23] =	ssyncadd.s32 $0xFFFFEE00  }
0x7a: {  	v0 =	vld [tilespmem:s9+$0x97C0]  }
0x7b: {  	v1 =	vld [tilespmem:s9+$0x97D0]  }
0x7c: {  	v2 =	vld [tilespmem:s9+$0x9780]  }
0x7d: {  	v3 =	vld [tilespmem:s9+$0x9790]  }
0x7e: {  	v4 =	vld [tilespmem:s9+$0x9740]  }
0x7f: {  	v5 =	vld [tilespmem:s9+$0x9750]  }
0x80: {  	v6 =	vld [tilespmem:s9+$0x9700]  }
0x81: {  	v7 =	vld [tilespmem:s9+$0x9710]  }
0x82: {  	v9 =	vld [tilespmem:s9+$0x96C0]  }
0x83: {  	v8 =	vld [tilespmem:s9+$0x96D0]  }
0x84: {  	v11 =	vld [tilespmem:s9+$0x9680]  }
0x85: {  	v10 =	vld [tilespmem:s9+$0x9690]  }
0x86: {  	v17 =	vld [tilespmem:s9+$0x9640]  }
0x87: {  	v16 =	vld [tilespmem:s9+$0x9650]  }
0x88: {  	v19 =	vld [tilespmem:s9+$0x9600]  }
0x89: {  	v14 =	vimm.f32 $0.0e+00;
	v20 =	vld [tilespmem:s9+$0x9610]  }
0x8a: {  	v15 =	vimm.f32 $0.0e+00;
	v13 =	vimm.f32 $0.0e+00;
	v12 =	vimm.f32 $0.0e+00;
	s11 =	simm.s32 $0x800;
	v18 =	vld [tilespmem:s9+$0x9620]  }
.LBB2_5:
0x8b: {  	p1 =	sne.s32 s11, $0xC000;
	v21 =	vld [tilespmem:s9+$0x9630]  }
0x8c: {  	v22 =	vld [tilespmem:s9+$0x9660]  }
0x8d: {  	v23 =	vld [tilespmem:s9+$0x9670]  }
0x8e: {  	v24 =	vld [tilespmem:s9+$0x96A0]  }
0x8f: {  	v12 =	vadd.f32 v19, v12;
	v15 =	vadd.f32 v20, v15;
	v19 =	vld [tilespmem:s9+$0x96B0]  }
0x90: {  	v14 =	vadd.f32 v18, v14;
	v13 =	vadd.f32 v21, v13;
	v18 =	vld [tilespmem:s9+$0x96E0]  }
0x91: {  	v12 =	vadd.f32 v17, v12;
	v15 =	vadd.f32 v16, v15;
	v16 =	vld [tilespmem:s9+$0x96F0]  }
0x92: {  	v14 =	vadd.f32 v22, v14;
	v13 =	vadd.f32 v23, v13;
	v17 =	vld [tilespmem:s9+$0x9720]  }
0x93: {  	v11 =	vadd.f32 v11, v12;
	v10 =	vadd.f32 v10, v15;
	v12 =	vld [tilespmem:s9+$0x9730]  }
0x94: {  	v14 =	vadd.f32 v24, v14;
	v13 =	vadd.f32 v19, v13;
	v15 =	vld [tilespmem:s9+$0x9760]  }
0x95: {  	v9 =	vadd.f32 v9, v11;
	v8 =	vadd.f32 v8, v10;
	v10 =	vld [tilespmem:s9+$0x9770]  }
0x96: {  	v11 =	vadd.f32 v18, v14;
	v13 =	vadd.f32 v16, v13;
	v14 =	vld [tilespmem:s9+$0x97A0]  }
0x97: {  	v6 =	vadd.f32 v6, v9;
	v7 =	vadd.f32 v7, v8;
	v8 =	vld [tilespmem:s9+$0x97B0]  }
0x98: {  	v9 =	vadd.f32 v17, v11;
	v11 =	vadd.f32 v12, v13;
	v13 =	vld [tilespmem:s9+$0x97E0]  }
0x99: {  	v4 =	vadd.f32 v4, v6;
	v5 =	vadd.f32 v5, v7;
	v6 =	vld [tilespmem:s9+$0x97F0];
	s9 =	sshra.s32 s11, $0x2  }
0x9a: {  	v9 =	vadd.f32 v15, v9;
	v7 =	vld [tilespmem:s9+$0x97C0];
	v10 =	vadd.f32 v10, v11  }
0x9b: {  	v4 =	vadd.f32 v2, v4;
	v5 =	vadd.f32 v3, v5;
	v11 =	vld [tilespmem:s9+$0x97D0]  }
0x9c: {  	v9 =	vadd.f32 v14, v9;
	v2 =	vld [tilespmem:s9+$0x9780];
	v8 =	vadd.f32 v8, v10  }
0x9d: {  	v12 =	vadd.f32 v0, v4;
	v15 =	vadd.f32 v1, v5;
	v3 =	vld [tilespmem:s9+$0x9790]  }
0x9e: {  	v14 =	vadd.f32 v13, v9;
	v4 =	vld [tilespmem:s9+$0x9740];
	v13 =	vadd.f32 v6, v8  }
0x9f: {  	v5 =	vld [tilespmem:s9+$0x9750];
	v0 =	vmov v7  }
0xa0: {  	v6 =	vld [tilespmem:s9+$0x9700];
	v1 =	vmov v11  }
0xa1: {  	v7 =	vld [tilespmem:s9+$0x9710]  }
0xa2: {  	v9 =	vld [tilespmem:s9+$0x96C0]  }
0xa3: {  	v8 =	vld [tilespmem:s9+$0x96D0]  }
0xa4: {  	v11 =	vld [tilespmem:s9+$0x9680]  }
0xa5: {  	v10 =	vld [tilespmem:s9+$0x9690]  }
.Ltmp1:
0xa6: {  	v17 =	vld [tilespmem:s9+$0x9640];
	(pc) =	sbr.rel @p1 .LBB2_5-.Ltmp1, $4  }
0xa7: {  	v16 =	vld [tilespmem:s9+$0x9650]  }
0xa8: {  	v19 =	vld [tilespmem:s9+$0x9600]  }
0xa9: {  	v20 =	vld [tilespmem:s9+$0x9610]  }
0xaa: {  	s11 =	sadd.s32 $0x800, s11;
	v18 =	vld [tilespmem:s9+$0x9620]  }
0xab: {  	v21 =	vld [tilespmem:s9+$0x9630]  }
0xac: {  	v22 =	vld [tilespmem:s9+$0x9660]  }
0xad: {  	v23 =	vld [tilespmem:s9+$0x9670];
	v12 =	vadd.f32 v19, v12  }
0xae: {  	v19 =	vld [tilespmem:s9+$0x96A0];
	v15 =	vadd.f32 v20, v15  }
0xaf: {  	v20 =	vld [tilespmem:s9+$0x96B0];
	v14 =	vadd.f32 v18, v14;
	v12 =	vadd.f32 v17, v12  }
0xb0: {  	v17 =	vld [tilespmem:s9+$0x96E0];
	v13 =	vadd.f32 v21, v13;
	v15 =	vadd.f32 v16, v15  }
0xb1: {  	v16 =	vld [tilespmem:s9+$0x96F0];
	v14 =	vadd.f32 v22, v14;
	v11 =	vadd.f32 v11, v12  }
0xb2: {  	v12 =	vadd.f32 v23, v13;
	v13 =	vld [tilespmem:s9+$0x9720];
	v10 =	vadd.f32 v10, v15  }
0xb3: {  	v15 =	vld [tilespmem:s9+$0x9730];
	v14 =	vadd.f32 v19, v14;
	v9 =	vadd.f32 v9, v11  }
0xb4: {  	v11 =	vadd.f32 v20, v12;
	v12 =	vld [tilespmem:s9+$0x9760];
	v8 =	vadd.f32 v8, v10  }
0xb5: {  	v10 =	vld [tilespmem:s9+$0x9770];
	v14 =	vadd.f32 v17, v14;
	v6 =	vadd.f32 v6, v9  }
0xb6: {  	v9 =	vadd.f32 v16, v11;
	v11 =	vld [tilespmem:s9+$0x97A0];
	v7 =	vadd.f32 v7, v8  }
0xb7: {  	v8 =	vld [tilespmem:s9+$0x97B0];
	v13 =	vadd.f32 v13, v14;
	v4 =	vadd.f32 v4, v6  }
0xb8: {  	v6 =	vadd.f32 v15, v9;
	v9 =	vld [tilespmem:s9+$0x97E0];
	v5 =	vadd.f32 v5, v7  }
0xb9: {  	v7 =	vld [tilespmem:s9+$0x97F0];
	v12 =	vadd.f32 v12, v13;
	v2 =	vadd.f32 v2, v4  }
0xba: {  	v4 =	vadd.f32 v10, v6;
	v3 =	vadd.f32 v3, v5  }
0xbb: {  	v5 =	vadd.f32 v11, v12;
	v0 =	vadd.f32 v0, v2  }
0xbc: {  	v2 =	vadd.f32 v8, v4;
	v1 =	vadd.f32 v1, v3  }
0xbd: {  	v3 =	vadd.f32 v9, v5;
	[tilespmem:s1+$0x12C40] =	vst v0  }
0xbe: {  	v0 =	vadd.f32 v7, v2;
	[tilespmem:s1+$0x12C50] =	vst v1  }
0xbf: {  	[tilespmem:s1+$0x12C60] =	vst v3  }
0xc0: {  	s11 =	simm.s32 @!p0 $0x80;
	s12 =	simm.s32 @!p0 $0x9600;
	s9 =	sadd.s32 @!p0 $0x3E8, s0;
	[tilespmem:s1+$0x12C70] =	vst v0  }
0xc1: {  	[tilespmem:s12], [sflag:$0x3] =	stream.indirect.gather @!p0 [hbm4b:s3+s11], $0x40, s9, s11, $0xb8;
	[tilespmem:$0x14C00] =	vst v63  }
0xc2: {  	s9 =	sadd.s32 @!p0 $0x468, s0;
	s11 =	simm.s32 @!p0 $0x48;
	s12 =	simm.s32 @!p0 $0xB600  }
0xc3: {  	[tilespmem:s12], [sflag:$0x3] =	stream.indirect.gather @!p0 [hbm4b:s3+s11], $0x40, s9, s11, $0xb8;
	[tilespmem:$0x14C00] =	vst v63  }
0xc4: {  	_ =	swait.ge [sflag:s24], $0x2000  }
0xc5: {  	[sflag:s24] =	ssyncset.done $0x0  }
0xc6: {  	[sflag:s24] =	ssyncadd.s32 $0xFFFFE000  }
0xc7: {  	_ =	swait.ge [sflag:s24], $0x1200  }
0xc8: {  	[sflag:s24] =	ssyncset.done $0x0  }
0xc9: {  	s9 =	simm.s32 $0x0;
	[sflag:s24] =	ssyncadd.s32 $0xFFFFEE00  }
0xca: {  	v0 =	vld [tilespmem:s9+$0xC9C0]  }
0xcb: {  	v1 =	vld [tilespmem:s9+$0xC9D0]  }
0xcc: {  	v2 =	vld [tilespmem:s9+$0xC980]  }
0xcd: {  	v3 =	vld [tilespmem:s9+$0xC990]  }
0xce: {  	v4 =	vld [tilespmem:s9+$0xC940]  }
0xcf: {  	v5 =	vld [tilespmem:s9+$0xC950]  }
0xd0: {  	v6 =	vld [tilespmem:s9+$0xC900]  }
0xd1: {  	v7 =	vld [tilespmem:s9+$0xC910]  }
0xd2: {  	v9 =	vld [tilespmem:s9+$0xC8C0]  }
0xd3: {  	v8 =	vld [tilespmem:s9+$0xC8D0]  }
0xd4: {  	v11 =	vld [tilespmem:s9+$0xC880]  }
0xd5: {  	v10 =	vld [tilespmem:s9+$0xC890]  }
0xd6: {  	v17 =	vld [tilespmem:s9+$0xC840]  }
0xd7: {  	v16 =	vld [tilespmem:s9+$0xC850]  }
0xd8: {  	v19 =	vld [tilespmem:s9+$0xC800]  }
0xd9: {  	v14 =	vimm.f32 $0.0e+00;
	v20 =	vld [tilespmem:s9+$0xC810]  }
0xda: {  	v15 =	vimm.f32 $0.0e+00;
	v13 =	vimm.f32 $0.0e+00;
	v12 =	vimm.f32 $0.0e+00;
	s11 =	simm.s32 $0x800;
	v18 =	vld [tilespmem:s9+$0xC820]  }
.LBB2_7:
0xdb: {  	p1 =	sne.s32 s11, $0xC000;
	v21 =	vld [tilespmem:s9+$0xC830]  }
0xdc: {  	v22 =	vld [tilespmem:s9+$0xC860]  }
0xdd: {  	v23 =	vld [tilespmem:s9+$0xC870]  }
0xde: {  	v24 =	vld [tilespmem:s9+$0xC8A0]  }
0xdf: {  	v12 =	vadd.f32 v19, v12;
	v15 =	vadd.f32 v20, v15;
	v19 =	vld [tilespmem:s9+$0xC8B0]  }
0xe0: {  	v14 =	vadd.f32 v18, v14;
	v13 =	vadd.f32 v21, v13;
	v18 =	vld [tilespmem:s9+$0xC8E0]  }
0xe1: {  	v12 =	vadd.f32 v17, v12;
	v15 =	vadd.f32 v16, v15;
	v16 =	vld [tilespmem:s9+$0xC8F0]  }
0xe2: {  	v14 =	vadd.f32 v22, v14;
	v13 =	vadd.f32 v23, v13;
	v17 =	vld [tilespmem:s9+$0xC920]  }
0xe3: {  	v11 =	vadd.f32 v11, v12;
	v10 =	vadd.f32 v10, v15;
	v12 =	vld [tilespmem:s9+$0xC930]  }
0xe4: {  	v14 =	vadd.f32 v24, v14;
	v13 =	vadd.f32 v19, v13;
	v15 =	vld [tilespmem:s9+$0xC960]  }
0xe5: {  	v9 =	vadd.f32 v9, v11;
	v8 =	vadd.f32 v8, v10;
	v10 =	vld [tilespmem:s9+$0xC970]  }
0xe6: {  	v11 =	vadd.f32 v18, v14;
	v13 =	vadd.f32 v16, v13;
	v14 =	vld [tilespmem:s9+$0xC9A0]  }
0xe7: {  	v6 =	vadd.f32 v6, v9;
	v7 =	vadd.f32 v7, v8;
	v8 =	vld [tilespmem:s9+$0xC9B0]  }
0xe8: {  	v9 =	vadd.f32 v17, v11;
	v11 =	vadd.f32 v12, v13;
	v13 =	vld [tilespmem:s9+$0xC9E0]  }
0xe9: {  	v4 =	vadd.f32 v4, v6;
	v5 =	vadd.f32 v5, v7;
	v6 =	vld [tilespmem:s9+$0xC9F0];
	s9 =	sshra.s32 s11, $0x2  }
0xea: {  	v9 =	vadd.f32 v15, v9;
	v7 =	vld [tilespmem:s9+$0xC9C0];
	v10 =	vadd.f32 v10, v11  }
0xeb: {  	v4 =	vadd.f32 v2, v4;
	v5 =	vadd.f32 v3, v5;
	v11 =	vld [tilespmem:s9+$0xC9D0]  }
0xec: {  	v9 =	vadd.f32 v14, v9;
	v2 =	vld [tilespmem:s9+$0xC980];
	v8 =	vadd.f32 v8, v10  }
0xed: {  	v12 =	vadd.f32 v0, v4;
	v15 =	vadd.f32 v1, v5;
	v3 =	vld [tilespmem:s9+$0xC990]  }
0xee: {  	v14 =	vadd.f32 v13, v9;
	v4 =	vld [tilespmem:s9+$0xC940];
	v13 =	vadd.f32 v6, v8  }
0xef: {  	v5 =	vld [tilespmem:s9+$0xC950];
	v0 =	vmov v7  }
0xf0: {  	v6 =	vld [tilespmem:s9+$0xC900];
	v1 =	vmov v11  }
0xf1: {  	v7 =	vld [tilespmem:s9+$0xC910]  }
0xf2: {  	v9 =	vld [tilespmem:s9+$0xC8C0]  }
0xf3: {  	v8 =	vld [tilespmem:s9+$0xC8D0]  }
0xf4: {  	v11 =	vld [tilespmem:s9+$0xC880]  }
0xf5: {  	v10 =	vld [tilespmem:s9+$0xC890]  }
.Ltmp2:
0xf6: {  	v17 =	vld [tilespmem:s9+$0xC840];
	(pc) =	sbr.rel @p1 .LBB2_7-.Ltmp2, $4  }
0xf7: {  	v16 =	vld [tilespmem:s9+$0xC850]  }
0xf8: {  	v19 =	vld [tilespmem:s9+$0xC800]  }
0xf9: {  	v20 =	vld [tilespmem:s9+$0xC810]  }
0xfa: {  	s11 =	sadd.s32 $0x800, s11;
	v18 =	vld [tilespmem:s9+$0xC820]  }
0xfb: {  	v21 =	vld [tilespmem:s9+$0xC830]  }
0xfc: {  	v22 =	vld [tilespmem:s9+$0xC860]  }
0xfd: {  	v23 =	vld [tilespmem:s9+$0xC870];
	v12 =	vadd.f32 v19, v12  }
0xfe: {  	v19 =	vld [tilespmem:s9+$0xC8A0];
	v15 =	vadd.f32 v20, v15  }
0xff: {  	v20 =	vld [tilespmem:s9+$0xC8B0];
	v14 =	vadd.f32 v18, v14;
	v12 =	vadd.f32 v17, v12  }
0x100: {  	v17 =	vld [tilespmem:s9+$0xC8E0];
	v13 =	vadd.f32 v21, v13;
	v15 =	vadd.f32 v16, v15  }
0x101: {  	v16 =	vld [tilespmem:s9+$0xC8F0];
	v14 =	vadd.f32 v22, v14;
	v11 =	vadd.f32 v11, v12  }
0x102: {  	v12 =	vadd.f32 v23, v13;
	v13 =	vld [tilespmem:s9+$0xC920];
	v10 =	vadd.f32 v10, v15  }
0x103: {  	v15 =	vld [tilespmem:s9+$0xC930];
	v14 =	vadd.f32 v19, v14;
	v9 =	vadd.f32 v9, v11  }
0x104: {  	v11 =	vadd.f32 v20, v12;
	v12 =	vld [tilespmem:s9+$0xC960];
	v8 =	vadd.f32 v8, v10  }
0x105: {  	v10 =	vld [tilespmem:s9+$0xC970];
	v14 =	vadd.f32 v17, v14;
	v6 =	vadd.f32 v6, v9  }
0x106: {  	v9 =	vadd.f32 v16, v11;
	v11 =	vld [tilespmem:s9+$0xC9A0];
	v7 =	vadd.f32 v7, v8  }
0x107: {  	v8 =	vld [tilespmem:s9+$0xC9B0];
	v13 =	vadd.f32 v13, v14;
	v4 =	vadd.f32 v4, v6  }
0x108: {  	v6 =	vadd.f32 v15, v9;
	v9 =	vld [tilespmem:s9+$0xC9E0];
	v5 =	vadd.f32 v5, v7  }
0x109: {  	v7 =	vld [tilespmem:s9+$0xC9F0];
	v12 =	vadd.f32 v12, v13;
	v2 =	vadd.f32 v2, v4  }
0x10a: {  	v4 =	vadd.f32 v10, v6;
	v3 =	vadd.f32 v3, v5  }
0x10b: {  	v5 =	vadd.f32 v11, v12;
	v0 =	vadd.f32 v0, v2  }
0x10c: {  	v2 =	vadd.f32 v8, v4;
	v1 =	vadd.f32 v1, v3  }
0x10d: {  	v3 =	vadd.f32 v9, v5;
	[tilespmem:s1+$0x12C80] =	vst v0  }
0x10e: {  	v0 =	vadd.f32 v7, v2;
	[tilespmem:s1+$0x12C90] =	vst v1  }
0x10f: {  	[tilespmem:s1+$0x12CA0] =	vst v3  }
0x110: {  	s11 =	simm.s32 @!p0 $0xC800;
	s9 =	simm.s32 @!p0 $0x80;
	[tilespmem:s1+$0x12CB0] =	vst v0;
	s1 =	sadd.s32 @!p0 $0x4B0, s0  }
0x111: {  	[tilespmem:s11], [sflag:$0x4] =	stream.indirect.gather @!p0 [hbm4b:s3+s9], $0x40, s1, s9, $0xb8;
	[tilespmem:$0x14C00] =	vst v63  }
0x112: {  	s0 =	sadd.s32 @!p0 $0x530, s0;
	s1 =	simm.s32 @!p0 $0x48;
	s9 =	simm.s32 @!p0 $0xE800  }
0x113: {  	[tilespmem:s9], [sflag:$0x4] =	stream.indirect.gather @!p0 [hbm4b:s3+s1], $0x40, s0, s1, $0xb8;
	[tilespmem:$0x14C00] =	vst v63  }
0x114: {  	_ =	swait.ge [sflag:s25], $0x2000  }
0x115: {  	[sflag:s25] =	ssyncset.done $0x0  }
0x116: {  	[sflag:s25] =	ssyncadd.s32 $0xFFFFE000  }
0x117: {  	_ =	swait.ge [sflag:s25], $0x1200  }
0x118: {  	[sflag:s25] =	ssyncset.done $0x0  }
0x119: {  	s0 =	simm.s32 $0x0;
	[sflag:s25] =	ssyncadd.s32 $0xFFFFEE00  }
0x11a: {  	v0 =	vld [tilespmem:s0+$0xFBC0]  }
0x11b: {  	v1 =	vld [tilespmem:s0+$0xFBD0]  }
0x11c: {  	v2 =	vld [tilespmem:s0+$0xFB80]  }
0x11d: {  	v3 =	vld [tilespmem:s0+$0xFB90]  }
0x11e: {  	v4 =	vld [tilespmem:s0+$0xFB40]  }
0x11f: {  	v5 =	vld [tilespmem:s0+$0xFB50]  }
0x120: {  	v6 =	vld [tilespmem:s0+$0xFB00]  }
0x121: {  	v7 =	vld [tilespmem:s0+$0xFB10]  }
0x122: {  	v9 =	vld [tilespmem:s0+$0xFAC0]  }
0x123: {  	v8 =	vld [tilespmem:s0+$0xFAD0]  }
0x124: {  	v11 =	vld [tilespmem:s0+$0xFA80]  }
0x125: {  	v10 =	vld [tilespmem:s0+$0xFA90]  }
0x126: {  	v17 =	vld [tilespmem:s0+$0xFA40]  }
0x127: {  	v16 =	vld [tilespmem:s0+$0xFA50]  }
0x128: {  	v19 =	vld [tilespmem:s0+$0xFA00]  }
0x129: {  	v14 =	vimm.f32 $0.0e+00;
	v20 =	vld [tilespmem:s0+$0xFA10]  }
0x12a: {  	v15 =	vimm.f32 $0.0e+00;
	v13 =	vimm.f32 $0.0e+00;
	v12 =	vimm.f32 $0.0e+00;
	s1 =	simm.s32 $0x800;
	v18 =	vld [tilespmem:s0+$0xFA20]  }
.LBB2_9:
0x12b: {  	p0 =	sne.s32 s1, $0xC000;
	v21 =	vld [tilespmem:s0+$0xFA30]  }
0x12c: {  	v22 =	vld [tilespmem:s0+$0xFA60]  }
0x12d: {  	v23 =	vld [tilespmem:s0+$0xFA70]  }
0x12e: {  	v24 =	vld [tilespmem:s0+$0xFAA0]  }
0x12f: {  	v12 =	vadd.f32 v19, v12;
	v15 =	vadd.f32 v20, v15;
	v19 =	vld [tilespmem:s0+$0xFAB0]  }
0x130: {  	v14 =	vadd.f32 v18, v14;
	v13 =	vadd.f32 v21, v13;
	v18 =	vld [tilespmem:s0+$0xFAE0]  }
0x131: {  	v12 =	vadd.f32 v17, v12;
	v15 =	vadd.f32 v16, v15;
	v16 =	vld [tilespmem:s0+$0xFAF0]  }
0x132: {  	v14 =	vadd.f32 v22, v14;
	v13 =	vadd.f32 v23, v13;
	v17 =	vld [tilespmem:s0+$0xFB20]  }
0x133: {  	v11 =	vadd.f32 v11, v12;
	v10 =	vadd.f32 v10, v15;
	v12 =	vld [tilespmem:s0+$0xFB30]  }
0x134: {  	v14 =	vadd.f32 v24, v14;
	v13 =	vadd.f32 v19, v13;
	v15 =	vld [tilespmem:s0+$0xFB60]  }
0x135: {  	v9 =	vadd.f32 v9, v11;
	v8 =	vadd.f32 v8, v10;
	v10 =	vld [tilespmem:s0+$0xFB70]  }
0x136: {  	v11 =	vadd.f32 v18, v14;
	v13 =	vadd.f32 v16, v13;
	v14 =	vld [tilespmem:s0+$0xFBA0]  }
0x137: {  	v6 =	vadd.f32 v6, v9;
	v7 =	vadd.f32 v7, v8;
	v8 =	vld [tilespmem:s0+$0xFBB0]  }
0x138: {  	v9 =	vadd.f32 v17, v11;
	v11 =	vadd.f32 v12, v13;
	v13 =	vld [tilespmem:s0+$0xFBE0]  }
0x139: {  	v4 =	vadd.f32 v4, v6;
	v5 =	vadd.f32 v5, v7;
	v6 =	vld [tilespmem:s0+$0xFBF0];
	s0 =	sshra.s32 s1, $0x2  }
0x13a: {  	v9 =	vadd.f32 v15, v9;
	v7 =	vld [tilespmem:s0+$0xFBC0];
	v10 =	vadd.f32 v10, v11  }
0x13b: {  	v4 =	vadd.f32 v2, v4;
	v5 =	vadd.f32 v3, v5;
	v11 =	vld [tilespmem:s0+$0xFBD0]  }
0x13c: {  	v9 =	vadd.f32 v14, v9;
	v2 =	vld [tilespmem:s0+$0xFB80];
	v8 =	vadd.f32 v8, v10  }
0x13d: {  	v12 =	vadd.f32 v0, v4;
	v15 =	vadd.f32 v1, v5;
	v3 =	vld [tilespmem:s0+$0xFB90]  }
0x13e: {  	v14 =	vadd.f32 v13, v9;
	v4 =	vld [tilespmem:s0+$0xFB40];
	v13 =	vadd.f32 v6, v8  }
0x13f: {  	v5 =	vld [tilespmem:s0+$0xFB50];
	v0 =	vmov v7  }
0x140: {  	v6 =	vld [tilespmem:s0+$0xFB00];
	v1 =	vmov v11  }
0x141: {  	v7 =	vld [tilespmem:s0+$0xFB10]  }
0x142: {  	v9 =	vld [tilespmem:s0+$0xFAC0]  }
0x143: {  	v8 =	vld [tilespmem:s0+$0xFAD0]  }
0x144: {  	v11 =	vld [tilespmem:s0+$0xFA80]  }
0x145: {  	v10 =	vld [tilespmem:s0+$0xFA90]  }
.Ltmp3:
0x146: {  	v17 =	vld [tilespmem:s0+$0xFA40];
	(pc) =	sbr.rel @p0 .LBB2_9-.Ltmp3, $4  }
0x147: {  	v16 =	vld [tilespmem:s0+$0xFA50]  }
0x148: {  	v19 =	vld [tilespmem:s0+$0xFA00]  }
0x149: {  	v20 =	vld [tilespmem:s0+$0xFA10]  }
0x14a: {  	s1 =	sadd.s32 $0x800, s1;
	v18 =	vld [tilespmem:s0+$0xFA20]  }
0x14b: {  	v21 =	vld [tilespmem:s0+$0xFA30]  }
0x14c: {  	v22 =	vld [tilespmem:s0+$0xFA60]  }
0x14d: {  	v23 =	vld [tilespmem:s0+$0xFA70];
	v12 =	vadd.f32 v19, v12  }
0x14e: {  	v43 =	vld [tilespmem:s0+$0xFAA0];
	v15 =	vadd.f32 v20, v15  }
0x14f: {  	v44 =	vld [tilespmem:s0+$0xFAB0];
	v14 =	vadd.f32 v18, v14;
	v12 =	vadd.f32 v17, v12  }
0x150: {  	v45 =	vld [tilespmem:s0+$0xFAE0];
	v13 =	vadd.f32 v21, v13;
	v15 =	vadd.f32 v16, v15  }
0x151: {  	v46 =	vld [tilespmem:s0+$0xFAF0];
	v14 =	vadd.f32 v22, v14;
	v11 =	vadd.f32 v11, v12  }
0x152: {  	v48 =	vld [tilespmem:s0+$0xFB20];
	v47 =	vadd.f32 v23, v13;
	v10 =	vadd.f32 v10, v15  }
0x153: {  	v49 =	vld [tilespmem:s0+$0xFB30];
	v14 =	vadd.f32 v43, v14;
	v9 =	vadd.f32 v9, v11  }
0x154: {  	v51 =	vld [tilespmem:s0+$0xFB60];
	v50 =	vadd.f32 v44, v47;
	v8 =	vadd.f32 v8, v10  }
0x155: {  	v52 =	vld [tilespmem:s0+$0xFB70];
	v14 =	vadd.f32 v45, v14;
	v6 =	vadd.f32 v6, v9  }
0x156: {  	v54 =	vld [tilespmem:s0+$0xFBA0];
	v53 =	vadd.f32 v46, v50;
	v7 =	vadd.f32 v7, v8  }
0x157: {  	v55 =	vld [tilespmem:s0+$0xFBB0];
	v13 =	vadd.f32 v48, v14;
	v4 =	vadd.f32 v4, v6  }
0x158: {  	v57 =	vld [tilespmem:s0+$0xFBE0];
	v56 =	vadd.f32 v49, v53;
	v5 =	vadd.f32 v5, v7  }
0x159: {  	v58 =	vld [tilespmem:s0+$0xFBF0];
	v12 =	vadd.f32 v51, v13;
	v2 =	vadd.f32 v2, v4  }
0x15a: {  	s30 =	sadd.s32 $0x1, s30;
	v59 =	vadd.f32 v52, v56;
	v3 =	vadd.f32 v3, v5  }
0x15b: {  	s31 =	sshll.u32 s31, $0x6;
	p0 =	sne.s32 s30, $0x20;
	v60 =	vadd.f32 v54, v12;
	v0 =	vadd.f32 v0, v2  }
.Ltmp4:
0x15c: {  	s0 =	sand.u32 $0x3FFFFFC0, s31;
	v61 =	vadd.f32 v55, v59;
	v1 =	vadd.f32 v1, v3;
	(pc) =	sbr.rel @p0 .LBB2_2-.Ltmp4, $4  }
0x15d: {  	v62 =	vadd.f32 v57, v60;
	[tilespmem:s0+$0x12C00] =	vst v0  }
0x15e: {  	v63 =	vadd.f32 v58, v61;
	[tilespmem:s0+$0x12C10] =	vst v1  }
0x15f: {  	[tilespmem:s0+$0x12C20] =	vst v62  }
0x160: {  	[tilespmem:s0+$0x12C30] =	vst v63  }
0x161: {  	s29 =	sadd.s32 $0x1, s29  }
0x162: {  	p0 =	sne.s32 s29, s6  }
.Ltmp5:
0x163: {  	_ = 	snop;
	(pc) =	sbr.rel @p0 .LBB2_1-.Ltmp5, $4  }
0x164: {  	[hbm4b:s5+s2] =	stream.linear.scatter [tilespmem:s26], [sflag:$0x6], $0x2000, $0x38;
	[tilespmem:$0x14C00] =	vst v63  }
0x165: {  	_ =	swait.ge [sflag:s28], $0x2000  }
0x166: {  	[sflag:s28] =	ssyncset.done $0x0  }
0x167: {  	[sflag:s28] =	ssyncadd.s32 $0xFFFFE000  }
0x168: {  	_ =	sfence.sel $0x180000  }
0x169: {  	[bflag:$0x0] =	sbarrier.arrive $0xFFFF  }
0x16a: {  	_ =	strace $0x9000004D  }
0x16b: {  	s0 =	stileid.u32;
	[bflag:$0x2] =	sbarrier.arrive $0xFFFF  }
0x16c: {  	p0 =	sne.s32 s0, $0x0;
	s0 =	rddreg [dreg:$0x1]  }
0x16d: {  	s0 =	sadd.s32 @!p0 $0x100000, s0  }
0x16e: {  	[sflag:s0] =	ssyncadd.tile.s32 @!p0 $0x1;
	_ =	shalt  }
.Lfunc_end2:
_tile_overlayer_lowered:
.L_overlay_start_2:
0x16f: {  	(tag) =	ssettag $0x2  }
0x170: {  	s0 =	rddreg [dreg:$0x0];
	s2 =	stileid.u32  }
0x171: {  	s1 =	rddreg [dreg:$0x1];
	p0 =	sne.s32 s2, $0x0  }
0x172: {  	s3 =	rddreg [dreg:$0x2];
	[bflag:$0x3] =	sbarrier.arrive $0xFFFF;
	s2 =	simm.s32 @!p0 $0x1C06  }
0x173: {  	[timem:s3], [sflag:s2] =	dma.local @!p0 [hbm:s0], s1  }
0x174: {  	s0 =	simm.s32 @!p0 $0x6  }
0x175: {  	_ =	swait.ge @!p0 [sflag:s0], s1  }
0x176: {  	s1 =	ssub.s32 @!p0 $0x0, s1;
	[sflag:s0] =	ssyncset.done @!p0 $0x0  }
0x177: {  	[sflag:s0] =	ssyncadd.s32 @!p0 s1  }
0x178: {  	[bflag:$0x3] =	sbarrier.arrive $0xFFFF  }
0x179: {  	_ =	shalt  }

// kernel: kernel.9.cloned.1.call-start
scs
__scs_entry_jumppad:
0x0: {  	(pc) =	sbr.rel $0x88, $3  }
0x1: {  	(tag) =	ssettag $0x0;
	lr =	simm.s32 $0x1  }
0x2: {  	[smem:$0x3F97] =	sst lr;
	_ =	strace $0xD0000000  }
0x3: {  	_ = 	snop  }
0x4: {  	_ = 	snop  }
0x5: {  	_ = 	snop  }
0x6: {  	_ = 	snop  }
0x7: {  	_ = 	snop  }
__scs_overlays_trampoline_lowered:
0x8: {  	[smem:$0x3FA6] =	sst s0  }
0x9: {  	[smem:$0x3FA7] =	sst s1  }
0xa: {  	[smem:$0x3FA8] =	sst s2  }
0xb: {  	[smem:$0x3FA9] =	sst s3  }
0xc: {  	[smem:$0x3FAA] =	sst s4  }
0xd: {  	[smem:$0x3FAB] =	sst s5  }
0xe: {  	[smem:$0x3FAC] =	sst s6  }
0xf: {  	[smem:$0x3FAD] =	sst s7  }
0x10: {  	[smem:$0x3FAE] =	sst s8  }
0x11: {  	[smem:$0x3FAF] =	sst s9;
	s0 =	simm.s32 @!p0 $0x0  }
0x12: {  	s1 =	sld [smem:$0x3F95];
	s0 =	simm.s32 @p0 $0x1  }
0x13: {  	[smem:$0x3FB0] =	sst s0;
	s0 =	simm.s32 @!p1 $0x0  }
0x14: {  	s2 =	sld [smem:$0x3F94];
	s0 =	simm.s32 @p1 $0x1  }
0x15: {  	[smem:$0x3FB1] =	sst s0;
	s0 =	simm.s32 @!p2 $0x0  }
0x16: {  	s3 =	sld [smem:$0x3FDB];
	s0 =	simm.s32 @p2 $0x1  }
0x17: {  	s4 =	simm.s32 $0x1BF5;
	[smem:$0x3FB3] =	sst s0  }
0x18: {  	s0 =	sld [smem:$0x3F96];
	_ =	swait.ge [sflag:s4], $0x0  }
0x19: {  	s7 =	sld [smem:$0x3F97]  }
0x1a: {  	s8 =	sadd.s32 $0xFFFFE003, lr  }
0x1b: {  	s9 =	sadd.s32 $0xFFFFFEF7, lr;
	s5 =	simm.s32 $0xFFFFFFFF;
	p2 =	slt.u32 s8, $0xFFFFF086  }
0x1c: {  	p1 =	slt.u32 s9, $0xF7A;
	s5 =	simm.s32 @!p2 $0x0  }
0x1d: {  	s5 =	simm.s32 @p1 $0x1;
	p0 =	seq.s32 s7, s2  }
0x1e: {  	s7 =	smul.u32 @!p0 $0xF7A, s2;
	p2 =	seq.s32 @!p0 s5, $0x0  }
0x1f: {  	s9 =	smul.u32 $0xF7A, s1;
	s8 =	simm.s32 @!p0 $0x1BF5;
	p2 =	por !p2, p0  }
0x20: {  	[sflag:s8] =	ssyncset.s32 @!p0 $0xFFFFF086;
	s6 =	sadd.s32 @!p0 s3, s7;
	s7 =	simm.s32 @!p0 $0x108  }
0x21: {  	s3 =	sadd.s32 s3, s9;
	s6 =	sadd.s32 @!p0 $0x88, s6;
	s7 =	simm.s32 @p2 $0x1082  }
0x22: {  	[simem:s7], [sflag:s8] =	dma.local @!p0 [hbm:s6], $0xF7A  }
0x23: {  	s9 =	sor.u32 $0xD0000000, s2;
	s6 =	simm.s32 $0x108;
	_ =	swait.ge @!p0 [sflag:s8], $0x0  }
0x24: {  	s3 =	sadd.s32 $0x88, s3;
	s6 =	simm.s32 @!p1 $0x1082;
	[sflag:s4] =	ssyncset.s32 $0xFFFFF086  }
0x25: {  	[simem:s6], [sflag:s4] =	dma.local [hbm:s3], $0xF7A  }
0x26: {  	[smem:$0x3F97] =	sst s1;
	(tag) =	ssettag s2;
	_ =	strace s9  }
0x27: {  	s1 =	sld [smem:$0x3FA7]  }
0x28: {  	s2 =	sld [smem:$0x3FA8]  }
0x29: {  	s4 =	sld [smem:$0x3FAA]  }
0x2a: {  	p0 =	seq.s32 s5, $0x0;
	s5 =	sld [smem:$0x3FAB]  }
0x2b: {  	s6 =	sld [smem:$0x3FAC]  }
0x2c: {  	s7 =	sld [smem:$0x3FAD]  }
0x2d: {  	s3 =	simm.s32 $0x108;
	s8 =	sld [smem:$0x3FAE]  }
0x2e: {  	s3 =	simm.s32 @!p0 $0x1082;
	s9 =	sld [smem:$0x3FAF]  }
0x2f: {  	lr =	sadd.s32 s0, s3;
	s0 =	sld [smem:$0x3FA6]  }
0x30: {  	s3 =	sld [smem:$0x3FA9]  }
0x31: {  	[smem:$0x3FB2] =	sst s10  }
0x32: {  	s10 =	sld [smem:$0x3FB0];
	_ =	sdelay $0x3  }
0x33: {  	p0 =	seq.s32 s10, $0x1;
	s10 =	sld [smem:$0x3FB2];
	_ =	sdelay $0x3  }
0x34: {  	[smem:$0x3FB2] =	sst s10  }
0x35: {  	s10 =	sld [smem:$0x3FB1];
	_ =	sdelay $0x3  }
0x36: {  	p1 =	seq.s32 s10, $0x1;
	s10 =	sld [smem:$0x3FB2];
	_ =	sdelay $0x3  }
0x37: {  	[smem:$0x3FB2] =	sst s10  }
0x38: {  	s10 =	sld [smem:$0x3FB3]  }
0x39: {  	_ = 	snop;
	(pc) =	sbr.ind lr, $3  }
0x3a: {  	_ = 	snop  }
0x3b: {  	_ = 	snop  }
0x3c: {  	p2 =	seq.s32 s10, $0x1;
	s10 =	sld [smem:$0x3FB2]  }
0x3d: {  	_ =	shalt  }
0x3e: {  	_ =	shalt  }
0x3f: {  	_ =	shalt  }
0x40: {  	_ =	shalt  }
0x41: {  	_ =	shalt  }
0x42: {  	_ =	shalt  }
0x43: {  	_ =	shalt  }
0x44: {  	_ =	shalt  }
0x45: {  	_ =	shalt  }
0x46: {  	_ =	shalt  }
0x47: {  	_ =	shalt  }
0x48: {  	_ =	shalt  }
0x49: {  	_ =	shalt  }
0x4a: {  	_ =	shalt  }
0x4b: {  	_ =	shalt  }
0x4c: {  	_ =	shalt  }
0x4d: {  	_ =	shalt  }
0x4e: {  	_ =	shalt  }
0x4f: {  	_ =	shalt  }
0x50: {  	_ =	shalt  }
0x51: {  	_ =	shalt  }
0x52: {  	_ =	shalt  }
0x53: {  	_ =	shalt  }
0x54: {  	_ =	shalt  }
0x55: {  	_ =	shalt  }
0x56: {  	_ =	shalt  }
0x57: {  	_ =	shalt  }
0x58: {  	_ =	shalt  }
0x59: {  	_ =	shalt  }
0x5a: {  	_ =	shalt  }
0x5b: {  	_ =	shalt  }
0x5c: {  	_ =	shalt  }
0x5d: {  	_ =	shalt  }
0x5e: {  	_ =	shalt  }
0x5f: {  	_ =	shalt  }
0x60: {  	_ =	shalt  }
0x61: {  	_ =	shalt  }
0x62: {  	_ =	shalt  }
0x63: {  	_ =	shalt  }
0x64: {  	_ =	shalt  }
0x65: {  	_ =	shalt  }
0x66: {  	_ =	shalt  }
0x67: {  	_ =	shalt  }
0x68: {  	_ =	shalt  }
0x69: {  	_ =	shalt  }
0x6a: {  	_ =	shalt  }
0x6b: {  	_ =	shalt  }
0x6c: {  	_ =	shalt  }
0x6d: {  	_ =	shalt  }
0x6e: {  	_ =	shalt  }
0x6f: {  	_ =	shalt  }
0x70: {  	_ =	shalt  }
0x71: {  	_ =	shalt  }
0x72: {  	_ =	shalt  }
0x73: {  	_ =	shalt  }
0x74: {  	_ =	shalt  }
0x75: {  	_ =	shalt  }
0x76: {  	_ =	shalt  }
0x77: {  	_ =	shalt  }
0x78: {  	_ =	shalt  }
0x79: {  	_ =	shalt  }
0x7a: {  	_ =	shalt  }
0x7b: {  	_ =	shalt  }
0x7c: {  	_ =	shalt  }
0x7d: {  	_ =	shalt  }
0x7e: {  	_ =	shalt  }
0x7f: {  	_ =	shalt  }
0x80: {  	_ =	shalt  }
0x81: {  	_ =	shalt  }
0x82: {  	_ =	shalt  }
0x83: {  	_ =	shalt  }
0x84: {  	_ =	shalt  }
0x85: {  	_ =	shalt  }
0x86: {  	_ =	shalt  }
0x87: {  	_ =	shalt  }
.Lfunc_end0:
.L_simem_size_0:
called_computation.1_lowered:
.L_overlay_start_0:
0x88: {  	s2 =	sld [smem:$0x3FD9]  }
0x89: {  	s3 =	sld [smem:$0x3FFE];
	_ =	sdelay $0x1  }
0x8a: {  	s1 =	srdreg.scid  }
0x8b: {  	s0 =	sand.u32 $0x1, s1  }
0x8c: {  	s17 =	sshll.u32 s0, $0xA;
	s2 =	sadd.s32 s3, s2  }
0x8d: {  	s2 =	sadd.s32 s2, s17  }
0x8e: {  	[smem:$0x3FBE] =	sst s2  }
0x8f: {  	_ = 	snop  }
0x90: {  	(tm) =	ssettm $0x1  }
0x91: {  	s18 =	sld [smem:$0x3FFB];
	_ =	sdelay $0x3  }
0x92: {  	_ =	strace s18  }
0x93: {  	s2 =	sld [smem:$0x3FFC];
	_ =	sdelay $0x3  }
0x94: {  	_ =	strace s2  }
0x95: {  	s2 =	sld [smem:$0x3FFD];
	_ =	sdelay $0x3  }
0x96: {  	_ =	strace s2  }
0x97: {  	_ =	strace $0x8FFFFFFF  }
0x98: {  	s19 =	sld [smem:$0x3FDB];
	_ =	sdelay $0x1  }
0x99: {  	s20 =	simm.s32 $_scs_section_size  }
0x9a: {  	s4 =	simm.s32 $_size__tile_overlayer_lowered;
	s5 =	simm.s32 $_tile_overlayer_lowered  }
0x9b: {  	s6 =	simm.s32 $0x1BFF;
	s21 =	sshll.u32 s5, $0x1;
	s3 =	sadd.s32 s20, s19  }
0x9c: {  	s22 =	simm.s32 $0x0;
	s4 =	sshll.u32 s4, $0x1;
	s5 =	sadd.s32 s21, s3  }
0x9d: {  	[timem:s22], [sflag:s6] =	dma.local [hbm:s5], s4  }
0x9e: {  	_ =	swait.ge [sflag:s6], s4  }
0x9f: {  	s4 =	ssub.s32 $0x0, s4;
	[sflag:s6] =	ssyncset.done $0x0  }
0xa0: {  	[sflag:s6] =	ssyncadd.s32 s4;
	_ =	sdelay $0x1  }
0xa1: {  	s23 =	simm.s32 $0x1B8B  }
0xa2: {  	_ =	swait.ge [sflag:s23], $0x1  }
0xa3: {  	[sflag:s23] =	ssyncset.done $0x0  }
0xa4: {  	[sflag:s23] =	ssyncadd.s32 $0xFFFFFFFF  }
0xa5: {  	s4 =	sld [smem:$0x0]  }
0xa6: {  	s5 =	sand.u32 $0xFFFFFFFE, s1  }
0xa7: {  	p0 =	sne.s32 s1, s5  }
0xa8: {  	s5 =	sshll.u32 @p0 s5, $0xE  }
0xa9: {  	s5 =	sadd.s32 @p0 $0x11B8D, s5;
	s6 =	sshll.u32 @p0 s4, $0x11  }
0xaa: {  	s5 =	sor.u32 @p0 s6, s5  }
0xab: {  	[sflag:s5] =	ssyncadd.remote.s32 @p0 $0x1;
	_ =	sdelay $0x1  }
0xac: {  	s5 =	simm.s32 @p0 $0x1B8D  }
0xad: {  	_ =	swait.eq @p0 [sflag:s5], $0x1  }
0xae: {  	[sflag:s5] =	ssyncadd.s32 @p0 $0xFFFFFFFF  }
0xaf: {  	s6 =	sshll.u32 @!p0 s1, $0xE  }
0xb0: {  	s6 =	sor.u32 @!p0 $0x4000, s6;
	s5 =	simm.s32 @!p0 $0x1B8D  }
0xb1: {  	s4 =	sshll.u32 @!p0 s4, $0x11;
	s6 =	sadd.s32 @!p0 $0x11B8D, s6;
	_ =	swait.eq @!p0 [sflag:s5], $0x1  }
0xb2: {  	s4 =	sor.u32 @!p0 s4, s6;
	[sflag:s5] =	ssyncadd.s32 @!p0 $0xFFFFFFFF  }
0xb3: {  	s25 =	simm.s32 $0x1B8E;
	s24 =	sld [smem:$0x3FFE];
	[sflag:s4] =	ssyncadd.remote.s32 @!p0 $0x1  }
0xb4: {  	s26 =	simm.s32 $execute0_lowered;
	[smem:$0x3FD2] =	sst s25  }
0xb5: {  	s5 =	sshll.u32 s26, $0x1;
	_ =	strace $0x80000049;
	[dreg:$0x1] =	wrdreg $0xFFFFFFFF  }
0xb6: {  	s28 =	simm.s32 $_size_execute0_lowered;
	s3 =	sadd.s32 s3, s5;
	[dreg:$0x0] =	wrdreg $0x0  }
0xb7: {  	s5 =	sshll.u32 s28, $0x1;
	[dreg:$0x2] =	wrdreg s3  }
0xb8: {  	[dreg:$0x3] =	wrdreg s5  }
0xb9: {  	[dreg:$0x4] =	wrdreg $0xC0  }
0xba: {  	_ =	task [dreg:s22], $0x5FFFF  }
0xbb: {  	[dreg:$0x1] =	wrdreg $0xFFFFFFFF  }
0xbc: {  	[dreg:$0x0] =	wrdreg $0x60  }
0xbd: {  	[dreg:$0x2] =	wrdreg s24  }
0xbe: {  	[dreg:$0x3] =	wrdreg $0xA  }
0xbf: {  	_ =	task.clear_ibuf [dreg:s22], $0x4FFFF;
	_ =	strace $0x90000049  }
0xc0: {  	s29 =	simm.s32 $0xA;
	_ =	strace $0x8000004B  }
0xc1: {  	_ =	swait.ge [sflag:s29], $0x1  }
0xc2: {  	[sflag:s29] =	ssyncadd.s32 $0xFFFFFFFF  }
0xc3: {  	_ =	strace $0x9000004B  }
0xc4: {  	_ =	sfence  }
0xc5: {  	s30 =	sld [smem:$0x0];
	_ =	sdelay $0x2  }
0xc6: {  	s31 =	sshll.u32 s1, $0xD;
	s1 =	sshrl.u32 s1, $0x2  }
0xc7: {  	s4 =	sand.u32 $0x4000, s31;
	s1 =	sadd.s32 s1, s30  }
0xc8: {  	s0 =	sor.u32 s4, s0;
	s1 =	sshll.u32 s1, $0x11  }
0xc9: {  	s0 =	sor.u32 s1, s0  }
0xca: {  	s0 =	sadd.s32 $0x8F2B, s0  }
0xcb: {  	[sflag:s0] =	ssyncadd.remote.s32 $0x1  }
0xcc: {  	_ =	sfence.sel $0xFFFF  }
0xcd: {  	[dreg:$0x0] =	wrdreg $0xFFFFFFFF;
	(pc) =	sbr.abs _section_cstart, $3  }
0xce: {  	[dreg:$0x1] =	wrdreg $0xFFFFFFFF  }
0xcf: {  	_ =	task.clear_ibuf [dreg:s22], $0x2FFFF;
	_ =	strace $0x9FFFFFFF  }
0xd0: {  	(tm) =	ssettm $0x7FFFFFFF  }
0xd1: {  	_ =	shalt  }
tec
execute0_lowered:
.L_overlay_start_1:
0x0: {  	(tag) =	ssettag $0x1  }
0x1: {  	s0 =	srdreg.scid  }
0x2: {  	s1 =	stileid.u32;
	s4 =	rddreg [dreg:$0x0];
	s7 =	simm.s32 $0x1  }
0x3: {  	s8 =	simm.s32 $0x80;
	s10 =	simm.s32 $0x48;
	s13 =	simm.s32 $0x9600  }
0x4: {  	s14 =	simm.s32 $0x148;
	s15 =	simm.s32 $0xB600;
	s16 =	simm.s32 $0x190  }
0x5: {  	s17 =	simm.s32 $0xC800;
	s18 =	simm.s32 $0x210;
	s19 =	simm.s32 $0xE800  }
0x6: {  	s20 =	simm.s32 $0xFA00;
	s21 =	simm.s32 $0x11A00;
	s22 =	simm.s32 $0x2  }
0x7: {  	s23 =	simm.s32 $0x3;
	s24 =	simm.s32 $0x4;
	s25 =	simm.s32 $0x5  }
0x8: {  	s26 =	simm.s32 $0x12C00;
	s28 =	simm.s32 $0x6;
	s0 =	sand.u32 $0x1, s0  }
0x9: {  	s29 =	simm.s32 $0x0;
	s1 =	sshll.u32 s1, $0x8;
	s2 =	sshll.u32 s0, $0x7  }
0xa: {  	s0 =	ssub.s32 $0x2, s0;
	s1 =	sor.u32 s2, s1;
	s2 =	simm.s32 $0x0  }
0xb: {  	s6 =	sshrl.u32 s0, $0x1;
	s3 =	smul.u32 $0x19, s1;
	[smem:$0x7FF] =	sst s2  }
0xc: {  	s1 =	sshll.u32 s1, $0x3;
	s0 =	ssub.s32 s0, s6;
	_ =	strace $0x8000004A  }
0xd: {  	s1 =	sadd.s32 s1, s4;
	s5 =	sadd.s32 s3, s4;
	s3 =	sadd.s32 $0x22A00, s4  }
0xe: {  	s6 =	smax.u32 s0, $0x1;
	s4 =	sadd.s32 $0x7C3C00, s5;
	s5 =	sadd.s32 $0x7DCC00, s1  }
.LBB2_1:
0xf: {  	[tilespmem:s2], [sflag:$0x1] =	stream.linear.gather [hbm4b:s4+s2], $0x6400, $0x38;
	[tilespmem:$0x14C00] =	vst v63  }
0x10: {  	_ =	swait.ge [sflag:s7], $0x6400  }
0x11: {  	[sflag:s7] =	ssyncset.done $0x0  }
0x12: {  	s0 =	simm.s32 $0x6400;
	[sflag:s7] =	ssyncadd.s32 $0xFFFF9C00  }
0x13: {  	[tilespmem:s0], [sflag:$0x2] =	stream.indirect.gather [hbm4b:s3+s8], $0x40, s2, s8, $0xb8;
	[tilespmem:$0x14C00] =	vst v63  }
0x14: {  	s12 =	simm.s32 $0x8400  }
0x15: {  	[tilespmem:s12], [sflag:$0x2] =	stream.indirect.gather [hbm4b:s3+s10], $0x40, s8, s10, $0xb8;
	[tilespmem:$0x14C00] =	vst v63  }
0x16: {  	s31 =	simm.s32 $0xC8  }
0x17: {  	[tilespmem:s13], [sflag:$0x3] =	stream.indirect.gather [hbm4b:s3+s8], $0x40, s31, s8, $0xb8;
	[tilespmem:$0x14C00] =	vst v63  }
0x18: {  	_ = 	snop  }
0x19: {  	[tilespmem:s15], [sflag:$0x3] =	stream.indirect.gather [hbm4b:s3+s10], $0x40, s14, s10, $0xb8;
	[tilespmem:$0x14C00] =	vst v63  }
0x1a: {  	_ = 	snop  }
0x1b: {  	[tilespmem:s17], [sflag:$0x4] =	stream.indirect.gather [hbm4b:s3+s8], $0x40, s16, s8, $0xb8;
	[tilespmem:$0x14C00] =	vst v63  }
0x1c: {  	s30 =	simm.s32 $0x0  }
0x1d: {  	[tilespmem:s19], [sflag:$0x4] =	stream.indirect.gather [hbm4b:s3+s10], $0x40, s18, s10, $0xb8;
	[tilespmem:$0x14C00] =	vst v63  }
.LBB2_2:
0x1e: {  	s31 =	sshllo.u32 s30, $0x2  }
0x1f: {  	s0 =	smul.u32 $0x320, s31;
	_ =	sdelay $0x1  }
0x20: {  	s0 =	sshra.s32 s0, $0x2  }
0x21: {  	[tilespmem:s20], [sflag:$0x5] =	stream.indirect.gather [hbm4b:s3+s8], $0x40, s0, s8, $0xb8;
	[tilespmem:$0x14C00] =	vst v63  }
0x22: {  	s0 =	sadd.s32 $0x80, s0  }
0x23: {  	[tilespmem:s21], [sflag:$0x5] =	stream.indirect.gather [hbm4b:s3+s10], $0x40, s0, s10, $0xb8;
	[tilespmem:$0x14C00] =	vst v63  }
0x24: {  	_ =	swait.ge [sflag:s22], $0x2000  }
0x25: {  	[sflag:s22] =	ssyncset.done $0x0  }
0x26: {  	[sflag:s22] =	ssyncadd.s32 $0xFFFFE000  }
0x27: {  	_ =	swait.ge [sflag:s22], $0x1200  }
0x28: {  	[sflag:s22] =	ssyncset.done $0x0  }
0x29: {  	s0 =	simm.s32 $0x0;
	[sflag:s22] =	ssyncadd.s32 $0xFFFFEE00  }
0x2a: {  	v0 =	vld [tilespmem:s0+$0x65C0]  }
0x2b: {  	v1 =	vld [tilespmem:s0+$0x65D0]  }
0x2c: {  	v2 =	vld [tilespmem:s0+$0x6580]  }
0x2d: {  	v3 =	vld [tilespmem:s0+$0x6590]  }
0x2e: {  	v4 =	vld [tilespmem:s0+$0x6540]  }
0x2f: {  	v5 =	vld [tilespmem:s0+$0x6550]  }
0x30: {  	v6 =	vld [tilespmem:s0+$0x6500]  }
0x31: {  	v7 =	vld [tilespmem:s0+$0x6510]  }
0x32: {  	v9 =	vld [tilespmem:s0+$0x64C0]  }
0x33: {  	v8 =	vld [tilespmem:s0+$0x64D0]  }
0x34: {  	v11 =	vld [tilespmem:s0+$0x6480]  }
0x35: {  	v10 =	vld [tilespmem:s0+$0x6490]  }
0x36: {  	v17 =	vld [tilespmem:s0+$0x6440]  }
0x37: {  	v16 =	vld [tilespmem:s0+$0x6450]  }
0x38: {  	v19 =	vld [tilespmem:s0+$0x6400]  }
0x39: {  	v12 =	vimm.f32 $0.0e+00;
	v20 =	vld [tilespmem:s0+$0x6410]  }
0x3a: {  	s1 =	simm.s32 $0x800;
	v15 =	vimm.f32 $0.0e+00;
	v14 =	vimm.f32 $0.0e+00;
	v13 =	vimm.f32 $0.0e+00;
	v18 =	vld [tilespmem:s0+$0x6420]  }
.LBB2_3:
0x3b: {  	p0 =	sne.s32 s1, $0xC000;
	v21 =	vld [tilespmem:s0+$0x6430]  }
0x3c: {  	v22 =	vld [tilespmem:s0+$0x6460]  }
0x3d: {  	v23 =	vld [tilespmem:s0+$0x6470]  }
0x3e: {  	v24 =	vld [tilespmem:s0+$0x64A0]  }
0x3f: {  	v12 =	vadd.f32 v19, v12;
	v15 =	vadd.f32 v20, v15;
	v19 =	vld [tilespmem:s0+$0x64B0]  }
0x40: {  	v14 =	vadd.f32 v18, v14;
	v13 =	vadd.f32 v21, v13;
	v18 =	vld [tilespmem:s0+$0x64E0]  }
0x41: {  	v12 =	vadd.f32 v17, v12;
	v15 =	vadd.f32 v16, v15;
	v16 =	vld [tilespmem:s0+$0x64F0]  }
0x42: {  	v14 =	vadd.f32 v22, v14;
	v13 =	vadd.f32 v23, v13;
	v17 =	vld [tilespmem:s0+$0x6520]  }
0x43: {  	v11 =	vadd.f32 v11, v12;
	v10 =	vadd.f32 v10, v15;
	v12 =	vld [tilespmem:s0+$0x6530]  }
0x44: {  	v14 =	vadd.f32 v24, v14;
	v13 =	vadd.f32 v19, v13;
	v15 =	vld [tilespmem:s0+$0x6560]  }
0x45: {  	v9 =	vadd.f32 v9, v11;
	v8 =	vadd.f32 v8, v10;
	v10 =	vld [tilespmem:s0+$0x6570]  }
0x46: {  	v11 =	vadd.f32 v18, v14;
	v13 =	vadd.f32 v16, v13;
	v14 =	vld [tilespmem:s0+$0x65A0]  }
0x47: {  	v6 =	vadd.f32 v6, v9;
	v7 =	vadd.f32 v7, v8;
	v8 =	vld [tilespmem:s0+$0x65B0]  }
0x48: {  	v9 =	vadd.f32 v17, v11;
	v11 =	vadd.f32 v12, v13;
	v13 =	vld [tilespmem:s0+$0x65E0]  }
0x49: {  	v4 =	vadd.f32 v4, v6;
	v5 =	vadd.f32 v5, v7;
	v6 =	vld [tilespmem:s0+$0x65F0];
	s0 =	sshra.s32 s1, $0x2  }
0x4a: {  	v9 =	vadd.f32 v15, v9;
	v7 =	vld [tilespmem:s0+$0x65C0];
	v10 =	vadd.f32 v10, v11  }
0x4b: {  	v4 =	vadd.f32 v2, v4;
	v5 =	vadd.f32 v3, v5;
	v11 =	vld [tilespmem:s0+$0x65D0]  }
0x4c: {  	v9 =	vadd.f32 v14, v9;
	v2 =	vld [tilespmem:s0+$0x6580];
	v8 =	vadd.f32 v8, v10  }
0x4d: {  	v12 =	vadd.f32 v0, v4;
	v15 =	vadd.f32 v1, v5;
	v3 =	vld [tilespmem:s0+$0x6590]  }
0x4e: {  	v14 =	vadd.f32 v13, v9;
	v4 =	vld [tilespmem:s0+$0x6540];
	v13 =	vadd.f32 v6, v8  }
0x4f: {  	v5 =	vld [tilespmem:s0+$0x6550];
	v0 =	vmov v7  }
0x50: {  	v6 =	vld [tilespmem:s0+$0x6500];
	v1 =	vmov v11  }
0x51: {  	v7 =	vld [tilespmem:s0+$0x6510]  }
0x52: {  	v9 =	vld [tilespmem:s0+$0x64C0]  }
0x53: {  	v8 =	vld [tilespmem:s0+$0x64D0]  }
0x54: {  	v11 =	vld [tilespmem:s0+$0x6480]  }
0x55: {  	v10 =	vld [tilespmem:s0+$0x6490]  }
.Ltmp0:
0x56: {  	v17 =	vld [tilespmem:s0+$0x6440];
	(pc) =	sbr.rel @p0 .LBB2_3-.Ltmp0, $4  }
0x57: {  	v16 =	vld [tilespmem:s0+$0x6450]  }
0x58: {  	v19 =	vld [tilespmem:s0+$0x6400]  }
0x59: {  	v20 =	vld [tilespmem:s0+$0x6410]  }
0x5a: {  	s1 =	sadd.s32 $0x800, s1;
	v18 =	vld [tilespmem:s0+$0x6420]  }
0x5b: {  	v21 =	vld [tilespmem:s0+$0x6430]  }
0x5c: {  	v22 =	vld [tilespmem:s0+$0x6460]  }
0x5d: {  	v23 =	vld [tilespmem:s0+$0x6470];
	v12 =	vadd.f32 v19, v12  }
0x5e: {  	v19 =	vld [tilespmem:s0+$0x64A0];
	v15 =	vadd.f32 v20, v15  }
0x5f: {  	v20 =	vld [tilespmem:s0+$0x64B0];
	v14 =	vadd.f32 v18, v14;
	v12 =	vadd.f32 v17, v12  }
0x60: {  	v17 =	vld [tilespmem:s0+$0x64E0];
	v13 =	vadd.f32 v21, v13;
	v15 =	vadd.f32 v16, v15  }
0x61: {  	v16 =	vld [tilespmem:s0+$0x64F0];
	v14 =	vadd.f32 v22, v14;
	v11 =	vadd.f32 v11, v12  }
0x62: {  	v12 =	vadd.f32 v23, v13;
	v13 =	vld [tilespmem:s0+$0x6520];
	v10 =	vadd.f32 v10, v15  }
0x63: {  	v15 =	vld [tilespmem:s0+$0x6530];
	v14 =	vadd.f32 v19, v14;
	v9 =	vadd.f32 v9, v11  }
0x64: {  	v11 =	vadd.f32 v20, v12;
	v12 =	vld [tilespmem:s0+$0x6560];
	v8 =	vadd.f32 v8, v10  }
0x65: {  	v10 =	vld [tilespmem:s0+$0x6570];
	v14 =	vadd.f32 v17, v14;
	v6 =	vadd.f32 v6, v9  }
0x66: {  	v9 =	vadd.f32 v16, v11;
	v11 =	vld [tilespmem:s0+$0x65A0];
	v7 =	vadd.f32 v7, v8  }
0x67: {  	v8 =	vld [tilespmem:s0+$0x65B0];
	v13 =	vadd.f32 v13, v14;
	v4 =	vadd.f32 v4, v6  }
0x68: {  	v6 =	vadd.f32 v15, v9;
	v9 =	vld [tilespmem:s0+$0x65E0];
	v5 =	vadd.f32 v5, v7  }
0x69: {  	v7 =	vld [tilespmem:s0+$0x65F0];
	v12 =	vadd.f32 v12, v13;
	v2 =	vadd.f32 v2, v4  }
0x6a: {  	v4 =	vadd.f32 v10, v6;
	v3 =	vadd.f32 v3, v5  }
0x6b: {  	s12 =	sshll.u32 s30, $0x8;
	v5 =	vadd.f32 v11, v12;
	v0 =	vadd.f32 v0, v2  }
0x6c: {  	p0 =	seq.s32 s30, $0x1F;
	s1 =	sand.u32 $0x3FFFFF00, s12;
	v2 =	vadd.f32 v8, v4;
	v1 =	vadd.f32 v1, v3  }
0x6d: {  	s0 =	smul.u32 @!p0 $0xC80, s30;
	v3 =	vadd.f32 v9, v5;
	[tilespmem:s1+$0x12C00] =	vst v0  }
0x6e: {  	v0 =	vadd.f32 v7, v2;
	[tilespmem:s1+$0x12C10] =	vst v1  }
0x6f: {  	s0 =	sshra.s32 @!p0 s0, $0x2;
	[tilespmem:s1+$0x12C20] =	vst v3  }
0x70: {  	s11 =	simm.s32 @!p0 $0x80;
	s12 =	simm.s32 @!p0 $0x6400;
	s9 =	sadd.s32 @!p0 $0x320, s0;
	[tilespmem:s1+$0x12C30] =	vst v0  }
0x71: {  	[tilespmem:s12], [sflag:$0x2] =	stream.indirect.gather @!p0 [hbm4b:s3+s11], $0x40, s9, s11, $0xb8;
	[tilespmem:$0x14C00] =	vst v63  }
0x72: {  	s9 =	sadd.s32 @!p0 $0x3A0, s0;
	s11 =	simm.s32 @!p0 $0x48;
	s12 =	simm.s32 @!p0 $0x8400  }
0x73: {  	[tilespmem:s12], [sflag:$0x2] =	stream.indirect.gather @!p0 [hbm4b:s3+s11], $0x40, s9, s11, $0xb8;
	[tilespmem:$0x14C00] =	vst v63  }
0x74: {  	_ =	swait.ge [sflag:s23], $0x2000  }
0x75: {  	[sflag:s23] =	ssyncset.done $0x0  }
0x76: {  	[sflag:s23] =	ssyncadd.s32 $0xFFFFE000  }
0x77: {  	_ =	swait.ge [sflag:s23], $0x1200  }
0x78: {  	[sflag:s23] =	ssyncset.done $0x0  }
0x79: {  	s9 =	simm.s32 $0x0;
	[sflag:s23] =	ssyncadd.s32 $0xFFFFEE00  }
0x7a: {  	v0 =	vld [tilespmem:s9+$0x97C0]  }
0x7b: {  	v1 =	vld [tilespmem:s9+$0x97D0]  }
0x7c: {  	v2 =	vld [tilespmem:s9+$0x9780]  }
0x7d: {  	v3 =	vld [tilespmem:s9+$0x9790]  }
0x7e: {  	v4 =	vld [tilespmem:s9+$0x9740]  }
0x7f: {  	v5 =	vld [tilespmem:s9+$0x9750]  }
0x80: {  	v6 =	vld [tilespmem:s9+$0x9700]  }
0x81: {  	v7 =	vld [tilespmem:s9+$0x9710]  }
0x82: {  	v9 =	vld [tilespmem:s9+$0x96C0]  }
0x83: {  	v8 =	vld [tilespmem:s9+$0x96D0]  }
0x84: {  	v11 =	vld [tilespmem:s9+$0x9680]  }
0x85: {  	v10 =	vld [tilespmem:s9+$0x9690]  }
0x86: {  	v17 =	vld [tilespmem:s9+$0x9640]  }
0x87: {  	v16 =	vld [tilespmem:s9+$0x9650]  }
0x88: {  	v19 =	vld [tilespmem:s9+$0x9600]  }
0x89: {  	v14 =	vimm.f32 $0.0e+00;
	v20 =	vld [tilespmem:s9+$0x9610]  }
0x8a: {  	v15 =	vimm.f32 $0.0e+00;
	v13 =	vimm.f32 $0.0e+00;
	v12 =	vimm.f32 $0.0e+00;
	s11 =	simm.s32 $0x800;
	v18 =	vld [tilespmem:s9+$0x9620]  }
.LBB2_5:
0x8b: {  	p1 =	sne.s32 s11, $0xC000;
	v21 =	vld [tilespmem:s9+$0x9630]  }
0x8c: {  	v22 =	vld [tilespmem:s9+$0x9660]  }
0x8d: {  	v23 =	vld [tilespmem:s9+$0x9670]  }
0x8e: {  	v24 =	vld [tilespmem:s9+$0x96A0]  }
0x8f: {  	v12 =	vadd.f32 v19, v12;
	v15 =	vadd.f32 v20, v15;
	v19 =	vld [tilespmem:s9+$0x96B0]  }
0x90: {  	v14 =	vadd.f32 v18, v14;
	v13 =	vadd.f32 v21, v13;
	v18 =	vld [tilespmem:s9+$0x96E0]  }
0x91: {  	v12 =	vadd.f32 v17, v12;
	v15 =	vadd.f32 v16, v15;
	v16 =	vld [tilespmem:s9+$0x96F0]  }
0x92: {  	v14 =	vadd.f32 v22, v14;
	v13 =	vadd.f32 v23, v13;
	v17 =	vld [tilespmem:s9+$0x9720]  }
0x93: {  	v11 =	vadd.f32 v11, v12;
	v10 =	vadd.f32 v10, v15;
	v12 =	vld [tilespmem:s9+$0x9730]  }
0x94: {  	v14 =	vadd.f32 v24, v14;
	v13 =	vadd.f32 v19, v13;
	v15 =	vld [tilespmem:s9+$0x9760]  }
0x95: {  	v9 =	vadd.f32 v9, v11;
	v8 =	vadd.f32 v8, v10;
	v10 =	vld [tilespmem:s9+$0x9770]  }
0x96: {  	v11 =	vadd.f32 v18, v14;
	v13 =	vadd.f32 v16, v13;
	v14 =	vld [tilespmem:s9+$0x97A0]  }
0x97: {  	v6 =	vadd.f32 v6, v9;
	v7 =	vadd.f32 v7, v8;
	v8 =	vld [tilespmem:s9+$0x97B0]  }
0x98: {  	v9 =	vadd.f32 v17, v11;
	v11 =	vadd.f32 v12, v13;
	v13 =	vld [tilespmem:s9+$0x97E0]  }
0x99: {  	v4 =	vadd.f32 v4, v6;
	v5 =	vadd.f32 v5, v7;
	v6 =	vld [tilespmem:s9+$0x97F0];
	s9 =	sshra.s32 s11, $0x2  }
0x9a: {  	v9 =	vadd.f32 v15, v9;
	v7 =	vld [tilespmem:s9+$0x97C0];
	v10 =	vadd.f32 v10, v11  }
0x9b: {  	v4 =	vadd.f32 v2, v4;
	v5 =	vadd.f32 v3, v5;
	v11 =	vld [tilespmem:s9+$0x97D0]  }
0x9c: {  	v9 =	vadd.f32 v14, v9;
	v2 =	vld [tilespmem:s9+$0x9780];
	v8 =	vadd.f32 v8, v10  }
0x9d: {  	v12 =	vadd.f32 v0, v4;
	v15 =	vadd.f32 v1, v5;
	v3 =	vld [tilespmem:s9+$0x9790]  }
0x9e: {  	v14 =	vadd.f32 v13, v9;
	v4 =	vld [tilespmem:s9+$0x9740];
	v13 =	vadd.f32 v6, v8  }
0x9f: {  	v5 =	vld [tilespmem:s9+$0x9750];
	v0 =	vmov v7  }
0xa0: {  	v6 =	vld [tilespmem:s9+$0x9700];
	v1 =	vmov v11  }
0xa1: {  	v7 =	vld [tilespmem:s9+$0x9710]  }
0xa2: {  	v9 =	vld [tilespmem:s9+$0x96C0]  }
0xa3: {  	v8 =	vld [tilespmem:s9+$0x96D0]  }
0xa4: {  	v11 =	vld [tilespmem:s9+$0x9680]  }
0xa5: {  	v10 =	vld [tilespmem:s9+$0x9690]  }
.Ltmp1:
0xa6: {  	v17 =	vld [tilespmem:s9+$0x9640];
	(pc) =	sbr.rel @p1 .LBB2_5-.Ltmp1, $4  }
0xa7: {  	v16 =	vld [tilespmem:s9+$0x9650]  }
0xa8: {  	v19 =	vld [tilespmem:s9+$0x9600]  }
0xa9: {  	v20 =	vld [tilespmem:s9+$0x9610]  }
0xaa: {  	s11 =	sadd.s32 $0x800, s11;
	v18 =	vld [tilespmem:s9+$0x9620]  }
0xab: {  	v21 =	vld [tilespmem:s9+$0x9630]  }
0xac: {  	v22 =	vld [tilespmem:s9+$0x9660]  }
0xad: {  	v23 =	vld [tilespmem:s9+$0x9670];
	v12 =	vadd.f32 v19, v12  }
0xae: {  	v19 =	vld [tilespmem:s9+$0x96A0];
	v15 =	vadd.f32 v20, v15  }
0xaf: {  	v20 =	vld [tilespmem:s9+$0x96B0];
	v14 =	vadd.f32 v18, v14;
	v12 =	vadd.f32 v17, v12  }
0xb0: {  	v17 =	vld [tilespmem:s9+$0x96E0];
	v13 =	vadd.f32 v21, v13;
	v15 =	vadd.f32 v16, v15  }
0xb1: {  	v16 =	vld [tilespmem:s9+$0x96F0];
	v14 =	vadd.f32 v22, v14;
	v11 =	vadd.f32 v11, v12  }
0xb2: {  	v12 =	vadd.f32 v23, v13;
	v13 =	vld [tilespmem:s9+$0x9720];
	v10 =	vadd.f32 v10, v15  }
0xb3: {  	v15 =	vld [tilespmem:s9+$0x9730];
	v14 =	vadd.f32 v19, v14;
	v9 =	vadd.f32 v9, v11  }
0xb4: {  	v11 =	vadd.f32 v20, v12;
	v12 =	vld [tilespmem:s9+$0x9760];
	v8 =	vadd.f32 v8, v10  }
0xb5: {  	v10 =	vld [tilespmem:s9+$0x9770];
	v14 =	vadd.f32 v17, v14;
	v6 =	vadd.f32 v6, v9  }
0xb6: {  	v9 =	vadd.f32 v16, v11;
	v11 =	vld [tilespmem:s9+$0x97A0];
	v7 =	vadd.f32 v7, v8  }
0xb7: {  	v8 =	vld [tilespmem:s9+$0x97B0];
	v13 =	vadd.f32 v13, v14;
	v4 =	vadd.f32 v4, v6  }
0xb8: {  	v6 =	vadd.f32 v15, v9;
	v9 =	vld [tilespmem:s9+$0x97E0];
	v5 =	vadd.f32 v5, v7  }
0xb9: {  	v7 =	vld [tilespmem:s9+$0x97F0];
	v12 =	vadd.f32 v12, v13;
	v2 =	vadd.f32 v2, v4  }
0xba: {  	v4 =	vadd.f32 v10, v6;
	v3 =	vadd.f32 v3, v5  }
0xbb: {  	v5 =	vadd.f32 v11, v12;
	v0 =	vadd.f32 v0, v2  }
0xbc: {  	v2 =	vadd.f32 v8, v4;
	v1 =	vadd.f32 v1, v3  }
0xbd: {  	v3 =	vadd.f32 v9, v5;
	[tilespmem:s1+$0x12C40] =	vst v0  }
0xbe: {  	v0 =	vadd.f32 v7, v2;
	[tilespmem:s1+$0x12C50] =	vst v1  }
0xbf: {  	[tilespmem:s1+$0x12C60] =	vst v3  }
0xc0: {  	s11 =	simm.s32 @!p0 $0x80;
	s12 =	simm.s32 @!p0 $0x9600;
	s9 =	sadd.s32 @!p0 $0x3E8, s0;
	[tilespmem:s1+$0x12C70] =	vst v0  }
0xc1: {  	[tilespmem:s12], [sflag:$0x3] =	stream.indirect.gather @!p0 [hbm4b:s3+s11], $0x40, s9, s11, $0xb8;
	[tilespmem:$0x14C00] =	vst v63  }
0xc2: {  	s9 =	sadd.s32 @!p0 $0x468, s0;
	s11 =	simm.s32 @!p0 $0x48;
	s12 =	simm.s32 @!p0 $0xB600  }
0xc3: {  	[tilespmem:s12], [sflag:$0x3] =	stream.indirect.gather @!p0 [hbm4b:s3+s11], $0x40, s9, s11, $0xb8;
	[tilespmem:$0x14C00] =	vst v63  }
0xc4: {  	_ =	swait.ge [sflag:s24], $0x2000  }
0xc5: {  	[sflag:s24] =	ssyncset.done $0x0  }
0xc6: {  	[sflag:s24] =	ssyncadd.s32 $0xFFFFE000  }
0xc7: {  	_ =	swait.ge [sflag:s24], $0x1200  }
0xc8: {  	[sflag:s24] =	ssyncset.done $0x0  }
0xc9: {  	s9 =	simm.s32 $0x0;
	[sflag:s24] =	ssyncadd.s32 $0xFFFFEE00  }
0xca: {  	v0 =	vld [tilespmem:s9+$0xC9C0]  }
0xcb: {  	v1 =	vld [tilespmem:s9+$0xC9D0]  }
0xcc: {  	v2 =	vld [tilespmem:s9+$0xC980]  }
0xcd: {  	v3 =	vld [tilespmem:s9+$0xC990]  }
0xce: {  	v4 =	vld [tilespmem:s9+$0xC940]  }
0xcf: {  	v5 =	vld [tilespmem:s9+$0xC950]  }
0xd0: {  	v6 =	vld [tilespmem:s9+$0xC900]  }
0xd1: {  	v7 =	vld [tilespmem:s9+$0xC910]  }
0xd2: {  	v9 =	vld [tilespmem:s9+$0xC8C0]  }
0xd3: {  	v8 =	vld [tilespmem:s9+$0xC8D0]  }
0xd4: {  	v11 =	vld [tilespmem:s9+$0xC880]  }
0xd5: {  	v10 =	vld [tilespmem:s9+$0xC890]  }
0xd6: {  	v17 =	vld [tilespmem:s9+$0xC840]  }
0xd7: {  	v16 =	vld [tilespmem:s9+$0xC850]  }
0xd8: {  	v19 =	vld [tilespmem:s9+$0xC800]  }
0xd9: {  	v14 =	vimm.f32 $0.0e+00;
	v20 =	vld [tilespmem:s9+$0xC810]  }
0xda: {  	v15 =	vimm.f32 $0.0e+00;
	v13 =	vimm.f32 $0.0e+00;
	v12 =	vimm.f32 $0.0e+00;
	s11 =	simm.s32 $0x800;
	v18 =	vld [tilespmem:s9+$0xC820]  }
.LBB2_7:
0xdb: {  	p1 =	sne.s32 s11, $0xC000;
	v21 =	vld [tilespmem:s9+$0xC830]  }
0xdc: {  	v22 =	vld [tilespmem:s9+$0xC860]  }
0xdd: {  	v23 =	vld [tilespmem:s9+$0xC870]  }
0xde: {  	v24 =	vld [tilespmem:s9+$0xC8A0]  }
0xdf: {  	v12 =	vadd.f32 v19, v12;
	v15 =	vadd.f32 v20, v15;
	v19 =	vld [tilespmem:s9+$0xC8B0]  }
0xe0: {  	v14 =	vadd.f32 v18, v14;
	v13 =	vadd.f32 v21, v13;
	v18 =	vld [tilespmem:s9+$0xC8E0]  }
0xe1: {  	v12 =	vadd.f32 v17, v12;
	v15 =	vadd.f32 v16, v15;
	v16 =	vld [tilespmem:s9+$0xC8F0]  }
0xe2: {  	v14 =	vadd.f32 v22, v14;
	v13 =	vadd.f32 v23, v13;
	v17 =	vld [tilespmem:s9+$0xC920]  }
0xe3: {  	v11 =	vadd.f32 v11, v12;
	v10 =	vadd.f32 v10, v15;
	v12 =	vld [tilespmem:s9+$0xC930]  }
0xe4: {  	v14 =	vadd.f32 v24, v14;
	v13 =	vadd.f32 v19, v13;
	v15 =	vld [tilespmem:s9+$0xC960]  }
0xe5: {  	v9 =	vadd.f32 v9, v11;
	v8 =	vadd.f32 v8, v10;
	v10 =	vld [tilespmem:s9+$0xC970]  }
0xe6: {  	v11 =	vadd.f32 v18, v14;
	v13 =	vadd.f32 v16, v13;
	v14 =	vld [tilespmem:s9+$0xC9A0]  }
0xe7: {  	v6 =	vadd.f32 v6, v9;
	v7 =	vadd.f32 v7, v8;
	v8 =	vld [tilespmem:s9+$0xC9B0]  }
0xe8: {  	v9 =	vadd.f32 v17, v11;
	v11 =	vadd.f32 v12, v13;
	v13 =	vld [tilespmem:s9+$0xC9E0]  }
0xe9: {  	v4 =	vadd.f32 v4, v6;
	v5 =	vadd.f32 v5, v7;
	v6 =	vld [tilespmem:s9+$0xC9F0];
	s9 =	sshra.s32 s11, $0x2  }
0xea: {  	v9 =	vadd.f32 v15, v9;
	v7 =	vld [tilespmem:s9+$0xC9C0];
	v10 =	vadd.f32 v10, v11  }
0xeb: {  	v4 =	vadd.f32 v2, v4;
	v5 =	vadd.f32 v3, v5;
	v11 =	vld [tilespmem:s9+$0xC9D0]  }
0xec: {  	v9 =	vadd.f32 v14, v9;
	v2 =	vld [tilespmem:s9+$0xC980];
	v8 =	vadd.f32 v8, v10  }
0xed: {  	v12 =	vadd.f32 v0, v4;
	v15 =	vadd.f32 v1, v5;
	v3 =	vld [tilespmem:s9+$0xC990]  }
0xee: {  	v14 =	vadd.f32 v13, v9;
	v4 =	vld [tilespmem:s9+$0xC940];
	v13 =	vadd.f32 v6, v8  }
0xef: {  	v5 =	vld [tilespmem:s9+$0xC950];
	v0 =	vmov v7  }
0xf0: {  	v6 =	vld [tilespmem:s9+$0xC900];
	v1 =	vmov v11  }
0xf1: {  	v7 =	vld [tilespmem:s9+$0xC910]  }
0xf2: {  	v9 =	vld [tilespmem:s9+$0xC8C0]  }
0xf3: {  	v8 =	vld [tilespmem:s9+$0xC8D0]  }
0xf4: {  	v11 =	vld [tilespmem:s9+$0xC880]  }
0xf5: {  	v10 =	vld [tilespmem:s9+$0xC890]  }
.Ltmp2:
0xf6: {  	v17 =	vld [tilespmem:s9+$0xC840];
	(pc) =	sbr.rel @p1 .LBB2_7-.Ltmp2, $4  }
0xf7: {  	v16 =	vld [tilespmem:s9+$0xC850]  }
0xf8: {  	v19 =	vld [tilespmem:s9+$0xC800]  }
0xf9: {  	v20 =	vld [tilespmem:s9+$0xC810]  }
0xfa: {  	s11 =	sadd.s32 $0x800, s11;
	v18 =	vld [tilespmem:s9+$0xC820]  }
0xfb: {  	v21 =	vld [tilespmem:s9+$0xC830]  }
0xfc: {  	v22 =	vld [tilespmem:s9+$0xC860]  }
0xfd: {  	v23 =	vld [tilespmem:s9+$0xC870];
	v12 =	vadd.f32 v19, v12  }
0xfe: {  	v19 =	vld [tilespmem:s9+$0xC8A0];
	v15 =	vadd.f32 v20, v15  }
0xff: {  	v20 =	vld [tilespmem:s9+$0xC8B0];
	v14 =	vadd.f32 v18, v14;
	v12 =	vadd.f32 v17, v12  }
0x100: {  	v17 =	vld [tilespmem:s9+$0xC8E0];
	v13 =	vadd.f32 v21, v13;
	v15 =	vadd.f32 v16, v15  }
0x101: {  	v16 =	vld [tilespmem:s9+$0xC8F0];
	v14 =	vadd.f32 v22, v14;
	v11 =	vadd.f32 v11, v12  }
0x102: {  	v12 =	vadd.f32 v23, v13;
	v13 =	vld [tilespmem:s9+$0xC920];
	v10 =	vadd.f32 v10, v15  }
0x103: {  	v15 =	vld [tilespmem:s9+$0xC930];
	v14 =	vadd.f32 v19, v14;
	v9 =	vadd.f32 v9, v11  }
0x104: {  	v11 =	vadd.f32 v20, v12;
	v12 =	vld [tilespmem:s9+$0xC960];
	v8 =	vadd.f32 v8, v10  }
0x105: {  	v10 =	vld [tilespmem:s9+$0xC970];
	v14 =	vadd.f32 v17, v14;
	v6 =	vadd.f32 v6, v9  }
0x106: {  	v9 =	vadd.f32 v16, v11;
	v11 =	vld [tilespmem:s9+$0xC9A0];
	v7 =	vadd.f32 v7, v8  }
0x107: {  	v8 =	vld [tilespmem:s9+$0xC9B0];
	v13 =	vadd.f32 v13, v14;
	v4 =	vadd.f32 v4, v6  }
0x108: {  	v6 =	vadd.f32 v15, v9;
	v9 =	vld [tilespmem:s9+$0xC9E0];
	v5 =	vadd.f32 v5, v7  }
0x109: {  	v7 =	vld [tilespmem:s9+$0xC9F0];
	v12 =	vadd.f32 v12, v13;
	v2 =	vadd.f32 v2, v4  }
0x10a: {  	v4 =	vadd.f32 v10, v6;
	v3 =	vadd.f32 v3, v5  }
0x10b: {  	v5 =	vadd.f32 v11, v12;
	v0 =	vadd.f32 v0, v2  }
0x10c: {  	v2 =	vadd.f32 v8, v4;
	v1 =	vadd.f32 v1, v3  }
0x10d: {  	v3 =	vadd.f32 v9, v5;
	[tilespmem:s1+$0x12C80] =	vst v0  }
0x10e: {  	v0 =	vadd.f32 v7, v2;
	[tilespmem:s1+$0x12C90] =	vst v1  }
0x10f: {  	[tilespmem:s1+$0x12CA0] =	vst v3  }
0x110: {  	s11 =	simm.s32 @!p0 $0xC800;
	s9 =	simm.s32 @!p0 $0x80;
	[tilespmem:s1+$0x12CB0] =	vst v0;
	s1 =	sadd.s32 @!p0 $0x4B0, s0  }
0x111: {  	[tilespmem:s11], [sflag:$0x4] =	stream.indirect.gather @!p0 [hbm4b:s3+s9], $0x40, s1, s9, $0xb8;
	[tilespmem:$0x14C00] =	vst v63  }
0x112: {  	s0 =	sadd.s32 @!p0 $0x530, s0;
	s1 =	simm.s32 @!p0 $0x48;
	s9 =	simm.s32 @!p0 $0xE800  }
0x113: {  	[tilespmem:s9], [sflag:$0x4] =	stream.indirect.gather @!p0 [hbm4b:s3+s1], $0x40, s0, s1, $0xb8;
	[tilespmem:$0x14C00] =	vst v63  }
0x114: {  	_ =	swait.ge [sflag:s25], $0x2000  }
0x115: {  	[sflag:s25] =	ssyncset.done $0x0  }
0x116: {  	[sflag:s25] =	ssyncadd.s32 $0xFFFFE000  }
0x117: {  	_ =	swait.ge [sflag:s25], $0x1200  }
0x118: {  	[sflag:s25] =	ssyncset.done $0x0  }
0x119: {  	s0 =	simm.s32 $0x0;
	[sflag:s25] =	ssyncadd.s32 $0xFFFFEE00  }
0x11a: {  	v0 =	vld [tilespmem:s0+$0xFBC0]  }
0x11b: {  	v1 =	vld [tilespmem:s0+$0xFBD0]  }
0x11c: {  	v2 =	vld [tilespmem:s0+$0xFB80]  }
0x11d: {  	v3 =	vld [tilespmem:s0+$0xFB90]  }
0x11e: {  	v4 =	vld [tilespmem:s0+$0xFB40]  }
0x11f: {  	v5 =	vld [tilespmem:s0+$0xFB50]  }
0x120: {  	v6 =	vld [tilespmem:s0+$0xFB00]  }
0x121: {  	v7 =	vld [tilespmem:s0+$0xFB10]  }
0x122: {  	v9 =	vld [tilespmem:s0+$0xFAC0]  }
0x123: {  	v8 =	vld [tilespmem:s0+$0xFAD0]  }
0x124: {  	v11 =	vld [tilespmem:s0+$0xFA80]  }
0x125: {  	v10 =	vld [tilespmem:s0+$0xFA90]  }
0x126: {  	v17 =	vld [tilespmem:s0+$0xFA40]  }
0x127: {  	v16 =	vld [tilespmem:s0+$0xFA50]  }
0x128: {  	v19 =	vld [tilespmem:s0+$0xFA00]  }
0x129: {  	v14 =	vimm.f32 $0.0e+00;
	v20 =	vld [tilespmem:s0+$0xFA10]  }
0x12a: {  	v15 =	vimm.f32 $0.0e+00;
	v13 =	vimm.f32 $0.0e+00;
	v12 =	vimm.f32 $0.0e+00;
	s1 =	simm.s32 $0x800;
	v18 =	vld [tilespmem:s0+$0xFA20]  }
.LBB2_9:
0x12b: {  	p0 =	sne.s32 s1, $0xC000;
	v21 =	vld [tilespmem:s0+$0xFA30]  }
0x12c: {  	v22 =	vld [tilespmem:s0+$0xFA60]  }
0x12d: {  	v23 =	vld [tilespmem:s0+$0xFA70]  }
0x12e: {  	v24 =	vld [tilespmem:s0+$0xFAA0]  }
0x12f: {  	v12 =	vadd.f32 v19, v12;
	v15 =	vadd.f32 v20, v15;
	v19 =	vld [tilespmem:s0+$0xFAB0]  }
0x130: {  	v14 =	vadd.f32 v18, v14;
	v13 =	vadd.f32 v21, v13;
	v18 =	vld [tilespmem:s0+$0xFAE0]  }
0x131: {  	v12 =	vadd.f32 v17, v12;
	v15 =	vadd.f32 v16, v15;
	v16 =	vld [tilespmem:s0+$0xFAF0]  }
0x132: {  	v14 =	vadd.f32 v22, v14;
	v13 =	vadd.f32 v23, v13;
	v17 =	vld [tilespmem:s0+$0xFB20]  }
0x133: {  	v11 =	vadd.f32 v11, v12;
	v10 =	vadd.f32 v10, v15;
	v12 =	vld [tilespmem:s0+$0xFB30]  }
0x134: {  	v14 =	vadd.f32 v24, v14;
	v13 =	vadd.f32 v19, v13;
	v15 =	vld [tilespmem:s0+$0xFB60]  }
0x135: {  	v9 =	vadd.f32 v9, v11;
	v8 =	vadd.f32 v8, v10;
	v10 =	vld [tilespmem:s0+$0xFB70]  }
0x136: {  	v11 =	vadd.f32 v18, v14;
	v13 =	vadd.f32 v16, v13;
	v14 =	vld [tilespmem:s0+$0xFBA0]  }
0x137: {  	v6 =	vadd.f32 v6, v9;
	v7 =	vadd.f32 v7, v8;
	v8 =	vld [tilespmem:s0+$0xFBB0]  }
0x138: {  	v9 =	vadd.f32 v17, v11;
	v11 =	vadd.f32 v12, v13;
	v13 =	vld [tilespmem:s0+$0xFBE0]  }
0x139: {  	v4 =	vadd.f32 v4, v6;
	v5 =	vadd.f32 v5, v7;
	v6 =	vld [tilespmem:s0+$0xFBF0];
	s0 =	sshra.s32 s1, $0x2  }
0x13a: {  	v9 =	vadd.f32 v15, v9;
	v7 =	vld [tilespmem:s0+$0xFBC0];
	v10 =	vadd.f32 v10, v11  }
0x13b: {  	v4 =	vadd.f32 v2, v4;
	v5 =	vadd.f32 v3, v5;
	v11 =	vld [tilespmem:s0+$0xFBD0]  }
0x13c: {  	v9 =	vadd.f32 v14, v9;
	v2 =	vld [tilespmem:s0+$0xFB80];
	v8 =	vadd.f32 v8, v10  }
0x13d: {  	v12 =	vadd.f32 v0, v4;
	v15 =	vadd.f32 v1, v5;
	v3 =	vld [tilespmem:s0+$0xFB90]  }
0x13e: {  	v14 =	vadd.f32 v13, v9;
	v4 =	vld [tilespmem:s0+$0xFB40];
	v13 =	vadd.f32 v6, v8  }
0x13f: {  	v5 =	vld [tilespmem:s0+$0xFB50];
	v0 =	vmov v7  }
0x140: {  	v6 =	vld [tilespmem:s0+$0xFB00];
	v1 =	vmov v11  }
0x141: {  	v7 =	vld [tilespmem:s0+$0xFB10]  }
0x142: {  	v9 =	vld [tilespmem:s0+$0xFAC0]  }
0x143: {  	v8 =	vld [tilespmem:s0+$0xFAD0]  }
0x144: {  	v11 =	vld [tilespmem:s0+$0xFA80]  }
0x145: {  	v10 =	vld [tilespmem:s0+$0xFA90]  }
.Ltmp3:
0x146: {  	v17 =	vld [tilespmem:s0+$0xFA40];
	(pc) =	sbr.rel @p0 .LBB2_9-.Ltmp3, $4  }
0x147: {  	v16 =	vld [tilespmem:s0+$0xFA50]  }
0x148: {  	v19 =	vld [tilespmem:s0+$0xFA00]  }
0x149: {  	v20 =	vld [tilespmem:s0+$0xFA10]  }
0x14a: {  	s1 =	sadd.s32 $0x800, s1;
	v18 =	vld [tilespmem:s0+$0xFA20]  }
0x14b: {  	v21 =	vld [tilespmem:s0+$0xFA30]  }
0x14c: {  	v22 =	vld [tilespmem:s0+$0xFA60]  }
0x14d: {  	v23 =	vld [tilespmem:s0+$0xFA70];
	v12 =	vadd.f32 v19, v12  }
0x14e: {  	v43 =	vld [tilespmem:s0+$0xFAA0];
	v15 =	vadd.f32 v20, v15  }
0x14f: {  	v44 =	vld [tilespmem:s0+$0xFAB0];
	v14 =	vadd.f32 v18, v14;
	v12 =	vadd.f32 v17, v12  }
0x150: {  	v45 =	vld [tilespmem:s0+$0xFAE0];
	v13 =	vadd.f32 v21, v13;
	v15 =	vadd.f32 v16, v15  }
0x151: {  	v46 =	vld [tilespmem:s0+$0xFAF0];
	v14 =	vadd.f32 v22, v14;
	v11 =	vadd.f32 v11, v12  }
0x152: {  	v48 =	vld [tilespmem:s0+$0xFB20];
	v47 =	vadd.f32 v23, v13;
	v10 =	vadd.f32 v10, v15  }
0x153: {  	v49 =	vld [tilespmem:s0+$0xFB30];
	v14 =	vadd.f32 v43, v14;
	v9 =	vadd.f32 v9, v11  }
0x154: {  	v51 =	vld [tilespmem:s0+$0xFB60];
	v50 =	vadd.f32 v44, v47;
	v8 =	vadd.f32 v8, v10  }
0x155: {  	v52 =	vld [tilespmem:s0+$0xFB70];
	v14 =	vadd.f32 v45, v14;
	v6 =	vadd.f32 v6, v9  }
0x156: {  	v54 =	vld [tilespmem:s0+$0xFBA0];
	v53 =	vadd.f32 v46, v50;
	v7 =	vadd.f32 v7, v8  }
0x157: {  	v55 =	vld [tilespmem:s0+$0xFBB0];
	v13 =	vadd.f32 v48, v14;
	v4 =	vadd.f32 v4, v6  }
0x158: {  	v57 =	vld [tilespmem:s0+$0xFBE0];
	v56 =	vadd.f32 v49, v53;
	v5 =	vadd.f32 v5, v7  }
0x159: {  	v58 =	vld [tilespmem:s0+$0xFBF0];
	v12 =	vadd.f32 v51, v13;
	v2 =	vadd.f32 v2, v4  }
0x15a: {  	s30 =	sadd.s32 $0x1, s30;
	v59 =	vadd.f32 v52, v56;
	v3 =	vadd.f32 v3, v5  }
0x15b: {  	s31 =	sshll.u32 s31, $0x6;
	p0 =	sne.s32 s30, $0x20;
	v60 =	vadd.f32 v54, v12;
	v0 =	vadd.f32 v0, v2  }
.Ltmp4:
0x15c: {  	s0 =	sand.u32 $0x3FFFFFC0, s31;
	v61 =	vadd.f32 v55, v59;
	v1 =	vadd.f32 v1, v3;
	(pc) =	sbr.rel @p0 .LBB2_2-.Ltmp4, $4  }
0x15d: {  	v62 =	vadd.f32 v57, v60;
	[tilespmem:s0+$0x12C00] =	vst v0  }
0x15e: {  	v63 =	vadd.f32 v58, v61;
	[tilespmem:s0+$0x12C10] =	vst v1  }
0x15f: {  	[tilespmem:s0+$0x12C20] =	vst v62  }
0x160: {  	[tilespmem:s0+$0x12C30] =	vst v63  }
0x161: {  	s29 =	sadd.s32 $0x1, s29  }
0x162: {  	p0 =	sne.s32 s29, s6  }
.Ltmp5:
0x163: {  	_ = 	snop;
	(pc) =	sbr.rel @p0 .LBB2_1-.Ltmp5, $4  }
0x164: {  	[hbm4b:s5+s2] =	stream.linear.scatter [tilespmem:s26], [sflag:$0x6], $0x2000, $0x38;
	[tilespmem:$0x14C00] =	vst v63  }
0x165: {  	_ =	swait.ge [sflag:s28], $0x2000  }
0x166: {  	[sflag:s28] =	ssyncset.done $0x0  }
0x167: {  	[sflag:s28] =	ssyncadd.s32 $0xFFFFE000  }
0x168: {  	_ =	sfence.sel $0x180000  }
0x169: {  	[bflag:$0x0] =	sbarrier.arrive $0xFFFF  }
0x16a: {  	_ =	strace $0x9000004A  }
0x16b: {  	s0 =	stileid.u32;
	[bflag:$0x2] =	sbarrier.arrive $0xFFFF  }
0x16c: {  	p0 =	sne.s32 s0, $0x0;
	s0 =	rddreg [dreg:$0x1]  }
0x16d: {  	s0 =	sadd.s32 @!p0 $0x100000, s0  }
0x16e: {  	[sflag:s0] =	ssyncadd.tile.s32 @!p0 $0x1;
	_ =	shalt  }
.Lfunc_end2:
_tile_overlayer_lowered:
.L_overlay_start_2:
0x16f: {  	(tag) =	ssettag $0x2  }
0x170: {  	s0 =	rddreg [dreg:$0x0];
	s2 =	stileid.u32  }
0x171: {  	s1 =	rddreg [dreg:$0x1];
	p0 =	sne.s32 s2, $0x0  }
0x172: {  	s3 =	rddreg [dreg:$0x2];
	[bflag:$0x3] =	sbarrier.arrive $0xFFFF;
	s2 =	simm.s32 @!p0 $0x1C06  }
0x173: {  	[timem:s3], [sflag:s2] =	dma.local @!p0 [hbm:s0], s1  }
0x174: {  	s0 =	simm.s32 @!p0 $0x6  }
0x175: {  	_ =	swait.ge @!p0 [sflag:s0], s1  }
0x176: {  	s1 =	ssub.s32 @!p0 $0x0, s1;
	[sflag:s0] =	ssyncset.done @!p0 $0x0  }
0x177: {  	[sflag:s0] =	ssyncadd.s32 @!p0 s1  }
0x178: {  	[bflag:$0x3] =	sbarrier.arrive $0xFFFF  }
0x179: {  	_ =	shalt  }

</sc_bundles>
